<compile_context>
chip_gen: v7x
topology: tpu7x:2x2x1
jax: 0.10.2.dev20260603
libtpu: 0.0.44.dev20260713+nightly
codegen_flags: <defaults>
</compile_context>

<pallas_src>
import functools

import jax
import jax.numpy as jnp
from jax import lax
from jax.experimental import pallas as pl
from jax.experimental.pallas import tpu as pltpu
from jax.experimental.pallas import tpu_sc as plsc

N = 10000
E = 160000
D = 256
H = 8
DH = 32
HALF = D // 2

NC = 2
NS = 16
NW = NC * NS

C = 128
NCHUNK = E // C
SC1_CHUNK_IT = (NCHUNK + NW - 1) // NW
ROWS_PER_TILE = N // NS
ZCOPY = 125

_INV_SQRT_DH = 1.0 / (DH ** 0.5)


def _lane_gather(vec, idx):
    return lax.gather(
        vec, idx[:, None],
        lax.GatherDimensionNumbers(offset_dims=(), collapsed_slice_dims=(0,),
                                   start_index_map=(0,)),
        (1,), mode=lax.GatherScatterMode.PROMISE_IN_BOUNDS)



def _sc_escore_body(src_hbm, dst_hbm, kh_hbm, qh_hbm, ee_hbm, out_hbm,
                    srcv0, dstv0, kb0, qb0, eb0,
                    srcv1, dstv1, kb1, qb1, eb1, sb,
                    sk0, sq0, se0, sk1, sq1, se1):
    wid = lax.axis_index("s") * NC + lax.axis_index("c")
    slots = [
        (srcv0, dstv0, kb0, qb0, eb0, sk0, sq0, se0),
        (srcv1, dstv1, kb1, qb1, eb1, sk1, sq1, se1),
    ]

    lane = lax.iota(jnp.int32, 16)
    onehot = [(lane == h).astype(jnp.float32) for h in range(H)]
    mask8 = (lane < H).astype(jnp.float32)

    def issue(j, sl):
        srcv, dstv, kb, qb, eb, sk, sq, se = slots[sl]
        cidx = wid + j * NW

        @pl.when(cidx < NCHUNK)
        def _():
            base = cidx * C
            pltpu.sync_copy(src_hbm.at[pl.ds(base, C)], srcv)
            pltpu.sync_copy(dst_hbm.at[pl.ds(base, C)], dstv)
            pltpu.async_copy(kh_hbm.at[srcv], kb, sk)
            pltpu.async_copy(qh_hbm.at[dstv], qb, sq)
            pltpu.async_copy(ee_hbm.at[pl.ds(base, C)], eb, se)

    def compute(j, sl):
        srcv, dstv, kb, qb, eb, sk, sq, se = slots[sl]
        cidx = wid + j * NW

        @pl.when(cidx < NCHUNK)
        def _():
            pltpu.make_async_copy(kh_hbm.at[srcv], kb, sk).wait()
            pltpu.make_async_copy(qh_hbm.at[dstv], qb, sq).wait()
            pltpu.make_async_copy(ee_hbm.at[pl.ds(cidx * C, C)], eb, se).wait()

            def edge_fn(e, c2):
                svec = jnp.zeros((16,), jnp.float32)
                for h in range(H):
                    p = (kb[e, pl.ds(h * 32, 32)] * qb[e, pl.ds(h * 32, 32)]
                         * eb[e, pl.ds(h * 32, 32)])
                    lo, hi = plsc.unpack(p, format=plsc.PackFormat.INTERLEAVED)
                    a = lo + hi
                    a = a + _lane_gather(a, lane ^ 8)
                    a = a + _lane_gather(a, lane ^ 4)
                    a = a + _lane_gather(a, lane ^ 2)
                    a = a + _lane_gather(a, lane ^ 1)
                    svec = svec + a * onehot[h]
                svec = jnp.exp(jnp.clip(svec * _INV_SQRT_DH, -5.0, 5.0)) * mask8
                sb[e, :] = svec
                return c2

            lax.fori_loop(0, C, edge_fn, 0)
            pltpu.sync_copy(sb, out_hbm.at[pl.ds(cidx * C, C)])

    issue(0, 0)

    def pair_fn(jj, carry):
        j0 = 2 * jj
        issue(j0 + 1, 1)
        compute(j0, 0)
        issue(j0 + 2, 0)
        compute(j0 + 1, 1)
        return carry

    lax.fori_loop(0, (SC1_CHUNK_IT + 1) // 2, pair_fn, 0)


def _sc_escore(src, dst, kh, qh, ee):
    mesh = plsc.VectorSubcoreMesh(core_axis_name="c", subcore_axis_name="s")
    f = functools.partial(
        pl.kernel, mesh=mesh,
        compiler_params=pltpu.CompilerParams(use_tc_tiling_on_sc=False, needs_layout_passes=False),
        out_type=jax.ShapeDtypeStruct((E, 16), jnp.float32),
        scratch_types=[
            pltpu.VMEM((C,), jnp.int32),
            pltpu.VMEM((C,), jnp.int32),
            pltpu.VMEM((C, D), jnp.bfloat16),
            pltpu.VMEM((C, D), jnp.bfloat16),
            pltpu.VMEM((C, D), jnp.bfloat16),
            pltpu.VMEM((C,), jnp.int32),
            pltpu.VMEM((C,), jnp.int32),
            pltpu.VMEM((C, D), jnp.bfloat16),
            pltpu.VMEM((C, D), jnp.bfloat16),
            pltpu.VMEM((C, D), jnp.bfloat16),
            pltpu.VMEM((C, 16), jnp.float32),
            pltpu.SemaphoreType.DMA,
            pltpu.SemaphoreType.DMA,
            pltpu.SemaphoreType.DMA,
            pltpu.SemaphoreType.DMA,
            pltpu.SemaphoreType.DMA,
            pltpu.SemaphoreType.DMA,
        ],
    )(_sc_escore_body)
    return f(src, dst, kh, qh, ee)



CE = 64
NCHE = E // CE
CPS = NCHE // NC
AW = D + 32


def _sc_eaggr_body(src_hbm, dst_hbm, sc_hbm, vh_hbm,
                   outa_hbm, outb_hbm,
                   srcv0, dstv0, sbuf0, vbuf0,
                   srcv1, dstv1, sbuf1, vbuf1,
                   wbuf0, dsts0, wbuf1, dsts1,
                   ctab,
                   sg0, sg1, sw0, sw1):
    cid = lax.axis_index("c")
    sid = lax.axis_index("s")
    gslots = [(srcv0, dstv0, sbuf0, vbuf0, sg0), (srcv1, dstv1, sbuf1, vbuf1, sg1)]
    sslots = [(wbuf0, dsts0, sw0), (wbuf1, dsts1, sw1)]

    zvb = jnp.zeros((32,), jnp.bfloat16)

    def zero_bufs(r, carry):
        for q in range(AW // 32):
            wbuf0[r, pl.ds(q * 32, 32)] = zvb
        return carry

    lax.fori_loop(0, CE, zero_bufs, 0)

    r0 = sid * ROWS_PER_TILE
    for b in range(ROWS_PER_TILE // CE):
        pltpu.sync_copy(wbuf0, ctab.at[pl.ds(r0 + b * CE, CE)])
    pltpu.sync_copy(wbuf0, ctab.at[pl.ds(r0 + ROWS_PER_TILE - CE, CE)])
    plsc.subcore_barrier()

    def issue(j, sl):
        srcv, dstv, sbuf, vbuf, sg = gslots[sl]
        loc = sid + j * NS

        @pl.when(loc < CPS)
        def _():
            base = (cid * CPS + loc) * CE
            pltpu.sync_copy(src_hbm.at[pl.ds(base, CE)], srcv)
            pltpu.sync_copy(dst_hbm.at[pl.ds(base, CE)], dstv)
            pltpu.sync_copy(sc_hbm.at[pl.ds(base, CE)], sbuf)
            pltpu.async_copy(vh_hbm.at[srcv], vbuf, sg)

    def compute(j, sl):
        srcv, dstv, sbuf, vbuf, sg = gslots[sl]
        wbuf, dsts, sw = sslots[sl]
        loc = sid + j * NS

        @pl.when(loc < CPS)
        def _():
            pltpu.make_async_copy(vh_hbm.at[srcv], vbuf, sg).wait()

            def edge_fn(e, c2):
                srow = sbuf[e, :]
                for k in range(H):
                    s = _lane_gather(srow, jnp.full((16,), k, jnp.int32))
                    sbf = plsc.pack(s, s, format=plsc.PackFormat.INTERLEAVED)
                    wbuf[e, pl.ds(k * 32, 32)] = vbuf[e, pl.ds(k * 32, 32)] * sbf
                wbuf[e, pl.ds(D, 32)] = plsc.pack(
                    srow, srow, format=plsc.PackFormat.INTERLEAVED)
                return c2

            lax.fori_loop(0, CE, edge_fn, 0)

            for q in range(CE // 16):
                dsts[pl.ds(q * 16, 16)] = dstv[pl.ds(q * 16, 16)]

            pltpu.async_copy(wbuf, ctab.at[dsts], sw, add=True)

    def wait_scatter(j, sl):
        wbuf, dsts, sw = sslots[sl]
        loc = sid + j * NS

        @pl.when((j >= 0) & (loc < CPS))
        def _():
            pltpu.make_async_copy(wbuf, ctab.at[dsts], sw).wait()

    issue(0, 0)
    issue(1, 1)

    def ring_fn(q, carry):
        for r in range(2):
            j = 2 * q + r
            wait_scatter(j - 2, r)
            compute(j, r)
            issue(j + 2, r)
        return carry

    lax.fori_loop(0, 41, ring_fn, 0)
    plsc.subcore_barrier()

    for b in range(ROWS_PER_TILE // ZCOPY):
        rb = r0 + b * ZCOPY

        @pl.when(cid == 0)
        def _(rb=rb):
            pltpu.sync_copy(ctab.at[pl.ds(rb, ZCOPY)], outa_hbm.at[pl.ds(rb, ZCOPY)])

        @pl.when(cid == 1)
        def _(rb=rb):
            pltpu.sync_copy(ctab.at[pl.ds(rb, ZCOPY)], outb_hbm.at[pl.ds(rb, ZCOPY)])


def _sc_eaggr(src, dst, scores, vh):
    mesh = plsc.VectorSubcoreMesh(core_axis_name="c", subcore_axis_name="s")
    f = functools.partial(
        pl.kernel, mesh=mesh,
        compiler_params=pltpu.CompilerParams(use_tc_tiling_on_sc=False, needs_layout_passes=False),
        out_type=[
            jax.ShapeDtypeStruct((N, AW), jnp.bfloat16),
            jax.ShapeDtypeStruct((N, AW), jnp.bfloat16),
        ],
        scratch_types=(
            [pltpu.VMEM((CE,), jnp.int32),
             pltpu.VMEM((CE,), jnp.int32),
             pltpu.VMEM((CE, 16), jnp.float32),
             pltpu.VMEM((CE, D), jnp.bfloat16)] * 2
            + [pltpu.VMEM((CE, AW), jnp.bfloat16),
               pltpu.VMEM((CE,), jnp.int32)] * 2
            + [pltpu.VMEM_SHARED((N, AW), jnp.bfloat16)]
            + [pltpu.SemaphoreType.DMA] * 4
        ),
    )(_sc_eaggr_body)
    return f(src, dst, scores, vh)



BN_H = 1000
BN_E = 2000
GN = N // BN_H
GE = E // BN_E


def _tc_proj_h_body(h_ref, wq_ref, wk_ref, wv_ref, qh_ref, kh_ref, vh_ref):
    x = h_ref[...]
    q = jnp.dot(x, wq_ref[...], preferred_element_type=jnp.float32)
    k = jnp.dot(x, wk_ref[...], preferred_element_type=jnp.float32)
    qh_ref[...] = q.astype(jnp.bfloat16)
    kh_ref[...] = k.astype(jnp.bfloat16)
    v = jnp.dot(x, wv_ref[...], preferred_element_type=jnp.float32)
    vh_ref[...] = v.astype(jnp.bfloat16)


def _tc_proj_h(h, wqT, wkT, wvT):
    w_spec = pl.BlockSpec((D, D), lambda i: (0, 0))
    bh = 2000
    return pl.pallas_call(
        _tc_proj_h_body,
        grid=(N // bh,),
        in_specs=[pl.BlockSpec((bh, D), lambda i: (i, 0)), w_spec, w_spec, w_spec],
        out_specs=[
            pl.BlockSpec((bh, D), lambda i: (i, 0)),
            pl.BlockSpec((bh, D), lambda i: (i, 0)),
            pl.BlockSpec((bh, D), lambda i: (i, 0)),
        ],
        out_shape=[
            jax.ShapeDtypeStruct((N, D), jnp.bfloat16),
            jax.ShapeDtypeStruct((N, D), jnp.bfloat16),
            jax.ShapeDtypeStruct((N, D), jnp.bfloat16),
        ],
    )(h, wqT, wkT, wvT)


def _tc_proj_e_body(e_ref, we_ref, ee_ref, ps_ref, pq_ref):
    x = e_ref[...]
    ev = jnp.dot(x, we_ref[...], preferred_element_type=jnp.float32)
    eb = ev.astype(jnp.bfloat16)
    ee_ref[...] = eb
    t = x + eb.astype(jnp.float32)
    ps_ref[...] = jnp.sum(t, axis=0, keepdims=True)[None]
    pq_ref[...] = jnp.sum(t * t, axis=0, keepdims=True)[None]


def _tc_proj_e(e, weT):
    return pl.pallas_call(
        _tc_proj_e_body,
        grid=(GE,),
        in_specs=[pl.BlockSpec((BN_E, D), lambda i: (i, 0)),
                  pl.BlockSpec((D, D), lambda i: (0, 0))],
        out_specs=[
            pl.BlockSpec((BN_E, D), lambda i: (i, 0)),
            pl.BlockSpec((1, 1, D), lambda i: (i, 0, 0)),
            pl.BlockSpec((1, 1, D), lambda i: (i, 0, 0)),
        ],
        out_shape=[
            jax.ShapeDtypeStruct((E, D), jnp.bfloat16),
            jax.ShapeDtypeStruct((GE, 1, D), jnp.float32),
            jax.ShapeDtypeStruct((GE, 1, D), jnp.float32),
        ],
    )(e, weT)


def _tc_attn_out_body(a_ref, b_ref, h_ref, wo_ref, bo_ref, r_ref,
                      h2_ref, ps_ref, pq_ref):
    acc = a_ref[...].astype(jnp.float32) + b_ref[...].astype(jnp.float32)
    zrep = jnp.dot(acc, r_ref[...], preferred_element_type=jnp.float32) + 1e-6
    hat = acc[:, :D] / zrep
    out = jnp.dot(hat, wo_ref[...], preferred_element_type=jnp.float32)
    out = out + bo_ref[...] + h_ref[...]
    h2_ref[...] = out
    ps_ref[...] = jnp.sum(out, axis=0, keepdims=True)[None]
    pq_ref[...] = jnp.sum(out * out, axis=0, keepdims=True)[None]


def _tc_attn_out(wva, wvb, h, woT, bo2, rmat):
    return pl.pallas_call(
        _tc_attn_out_body,
        grid=(GN,),
        in_specs=[
            pl.BlockSpec((BN_H, AW), lambda i: (i, 0)),
            pl.BlockSpec((BN_H, AW), lambda i: (i, 0)),
            pl.BlockSpec((BN_H, D), lambda i: (i, 0)),
            pl.BlockSpec((D, D), lambda i: (0, 0)),
            pl.BlockSpec((1, D), lambda i: (0, 0)),
            pl.BlockSpec((AW, D), lambda i: (0, 0)),
        ],
        out_specs=[
            pl.BlockSpec((BN_H, D), lambda i: (i, 0)),
            pl.BlockSpec((1, 1, D), lambda i: (i, 0, 0)),
            pl.BlockSpec((1, 1, D), lambda i: (i, 0, 0)),
        ],
        out_shape=[
            jax.ShapeDtypeStruct((N, D), jnp.float32),
            jax.ShapeDtypeStruct((GN, 1, D), jnp.float32),
            jax.ShapeDtypeStruct((GN, 1, D), jnp.float32),
        ],
    )(wva, wvb, h, woT, bo2, rmat)


def _tc_ffn_body(h2_ref, sc_ref, sh_ref, w1_ref, b1_ref, w2_ref, b2_ref,
                 h3_ref, ps_ref, pq_ref):
    x = h2_ref[...] * sc_ref[...] + sh_ref[...]
    f = jnp.dot(x, w1_ref[...], preferred_element_type=jnp.float32) + b1_ref[...]
    f = jnp.maximum(f, 0.0)
    g = jnp.dot(f, w2_ref[...], preferred_element_type=jnp.float32) + b2_ref[...]
    y = x + g
    h3_ref[...] = y
    ps_ref[...] = jnp.sum(y, axis=0, keepdims=True)[None]
    pq_ref[...] = jnp.sum(y * y, axis=0, keepdims=True)[None]


def _tc_ffn(h2raw, sc1, sh1, w1T, b1r, w2T, b2r):
    return pl.pallas_call(
        _tc_ffn_body,
        grid=(GN,),
        in_specs=[
            pl.BlockSpec((BN_H, D), lambda i: (i, 0)),
            pl.BlockSpec((1, D), lambda i: (0, 0)),
            pl.BlockSpec((1, D), lambda i: (0, 0)),
            pl.BlockSpec((D, 2 * D), lambda i: (0, 0)),
            pl.BlockSpec((1, 2 * D), lambda i: (0, 0)),
            pl.BlockSpec((2 * D, D), lambda i: (0, 0)),
            pl.BlockSpec((1, D), lambda i: (0, 0)),
        ],
        out_specs=[
            pl.BlockSpec((BN_H, D), lambda i: (i, 0)),
            pl.BlockSpec((1, 1, D), lambda i: (i, 0, 0)),
            pl.BlockSpec((1, 1, D), lambda i: (i, 0, 0)),
        ],
        out_shape=[
            jax.ShapeDtypeStruct((N, D), jnp.float32),
            jax.ShapeDtypeStruct((GN, 1, D), jnp.float32),
            jax.ShapeDtypeStruct((GN, 1, D), jnp.float32),
        ],
    )(h2raw, sc1, sh1, w1T, b1r, w2T, b2r)


def _tc_norm_body(x_ref, sc_ref, sh_ref, o_ref):
    o_ref[...] = x_ref[...] * sc_ref[...] + sh_ref[...]


def _tc_norm(x, scale, shift, rows, blk):
    return pl.pallas_call(
        _tc_norm_body,
        grid=(rows // blk,),
        in_specs=[
            pl.BlockSpec((blk, D), lambda i: (i, 0)),
            pl.BlockSpec((1, D), lambda i: (0, 0)),
            pl.BlockSpec((1, D), lambda i: (0, 0)),
        ],
        out_specs=pl.BlockSpec((blk, D), lambda i: (i, 0)),
        out_shape=jax.ShapeDtypeStruct((rows, D), jnp.float32),
    )(x, scale, shift)


def _tc_addnorm_body(x_ref, y_ref, sc_ref, sh_ref, o_ref):
    o_ref[...] = ((x_ref[...] + y_ref[...].astype(jnp.float32))
                  * sc_ref[...] + sh_ref[...])


def _tc_addnorm(x, y, scale, shift, rows, blk):
    return pl.pallas_call(
        _tc_addnorm_body,
        grid=(rows // blk,),
        in_specs=[
            pl.BlockSpec((blk, D), lambda i: (i, 0)),
            pl.BlockSpec((blk, D), lambda i: (i, 0)),
            pl.BlockSpec((1, D), lambda i: (0, 0)),
            pl.BlockSpec((1, D), lambda i: (0, 0)),
        ],
        out_specs=pl.BlockSpec((blk, D), lambda i: (i, 0)),
        out_shape=jax.ShapeDtypeStruct((rows, D), jnp.float32),
    )(x, y, scale, shift)


def _bn_scale_shift(ps, pq, count, g, b):
    mu = jnp.sum(ps, axis=(0, 1)) / count
    var = jnp.sum(pq, axis=(0, 1)) / count - mu * mu
    scale = g / jnp.sqrt(var + 1e-5)
    shift = b - mu * scale
    return scale[None, :], shift[None, :]


def kernel(h, e, edge_index, Wq, Wk, Wv, We, Wo, bo, W1, b1, W2, b2,
           bn1h_g, bn1h_b, bn1e_g, bn1e_b, bn2h_g, bn2h_b):
    src = edge_index[0]
    dst = edge_index[1]

    hrep = jnp.repeat(jnp.eye(H, dtype=jnp.float32), DH, axis=1)
    rmat = jnp.zeros((AW, D), jnp.float32).at[D + 2 * jnp.arange(H)].set(hrep)

    qh, kh, vh = _tc_proj_h(h, Wq.T, Wk.T, Wv.T)
    ee, pse, pqe = _tc_proj_e(e, We.T)

    scores = _sc_escore(src, dst, kh, qh, ee)
    wva, wvb = _sc_eaggr(src, dst, scores, vh)

    h2raw, ps1, pq1 = _tc_attn_out(wva, wvb, h, Wo.T, bo[None, :], rmat)
    sc1, sh1 = _bn_scale_shift(ps1, pq1, N, bn1h_g, bn1h_b)

    h3raw, ps2, pq2 = _tc_ffn(h2raw, sc1, sh1, W1.T, b1[None, :], W2.T, b2[None, :])
    sc2, sh2 = _bn_scale_shift(ps2, pq2, N, bn2h_g, bn2h_b)
    h3 = _tc_norm(h3raw, sc2, sh2, N, BN_H)

    sce, she = _bn_scale_shift(pse, pqe, E, bn1e_g, bn1e_b)
    e2 = _tc_addnorm(e, ee, sce, she, E, BN_E)

    return (h3, e2)

# --- scband reference (transcript-rebuilt; emitter-appended) ---
"""Pipeline reference for scband-sanlayer-89129161327109 (READ-ONLY COPY).

The authoritative reference and input builder live on the scoring server;
editing this copy changes nothing except your own understanding.
"""

import jax, jax.numpy as jnp
import numpy as np

N = 10000
E = 160000
D = 256
H = 8
DH = D // H


def setup_inputs(seed: int = 0) -> dict:
    key = jax.random.key(seed)
    ks = jax.random.split(key, 12)
    h = jax.random.normal(ks[0], (N, D), dtype=jnp.float32)
    e = jax.random.normal(ks[1], (E, D), dtype=jnp.float32)
    edge_index = jax.random.randint(ks[2], (2, E), 0, N, dtype=jnp.int32)
    s = 0.05
    Wq = s * jax.random.normal(ks[3], (D, D), dtype=jnp.float32)
    Wk = s * jax.random.normal(ks[4], (D, D), dtype=jnp.float32)
    Wv = s * jax.random.normal(ks[5], (D, D), dtype=jnp.float32)
    We = s * jax.random.normal(ks[6], (D, D), dtype=jnp.float32)
    Wo = s * jax.random.normal(ks[7], (D, D), dtype=jnp.float32)
    bo = jnp.zeros((D,), dtype=jnp.float32)
    W1 = s * jax.random.normal(ks[8], (2 * D, D), dtype=jnp.float32)
    b1 = jnp.zeros((2 * D,), dtype=jnp.float32)
    W2 = s * jax.random.normal(ks[9], (D, 2 * D), dtype=jnp.float32)
    b2 = jnp.zeros((D,), dtype=jnp.float32)
    bn1h_g = jnp.ones((D,), dtype=jnp.float32)
    bn1h_b = jnp.zeros((D,), dtype=jnp.float32)
    bn1e_g = jnp.ones((D,), dtype=jnp.float32)
    bn1e_b = jnp.zeros((D,), dtype=jnp.float32)
    bn2h_g = jnp.ones((D,), dtype=jnp.float32)
    bn2h_b = jnp.zeros((D,), dtype=jnp.float32)
    return {"h": h, "e": e, "edge_index": edge_index, "Wq": Wq, "Wk": Wk, "Wv": Wv,
            "We": We, "Wo": Wo, "bo": bo, "W1": W1, "b1": b1, "W2": W2, "b2": b2,
            "bn1h_g": bn1h_g, "bn1h_b": bn1h_b, "bn1e_g": bn1e_g, "bn1e_b": bn1e_b,
            "bn2h_g": bn2h_g, "bn2h_b": bn2h_b}


def _batchnorm(x, g, b):
    mu = jnp.mean(x, axis=0)
    var = jnp.mean((x - mu) ** 2, axis=0)
    return (x - mu) / jnp.sqrt(var + 1e-5) * g + b


def reference(h, e, edge_index, Wq, Wk, Wv, We, Wo, bo, W1, b1, W2, b2,
              bn1h_g, bn1h_b, bn1e_g, bn1e_b, bn2h_g, bn2h_b):
    n = h.shape[0]
    src = edge_index[0]
    dst = edge_index[1]
    Qh = (h @ Wq.T).reshape(n, H, DH)
    Kh = (h @ Wk.T).reshape(n, H, DH)
    Vh = (h @ Wv.T).reshape(n, H, DH)
    Ee = (e @ We.T).reshape(-1, H, DH)
    # src_dot_dst then scaling then imp_exp_attn then exp
    score = Kh[src] * Qh[dst]
    score = score / jnp.sqrt(jnp.float32(DH))
    score = score * Ee
    score_soft = jnp.exp(jnp.clip(jnp.sum(score, axis=-1, keepdims=True), -5.0, 5.0))
    wV = jax.ops.segment_sum(Vh[src] * score_soft, dst, num_segments=n)
    z = jax.ops.segment_sum(score_soft, dst, num_segments=n)
    h_attn = wV / (z + 1e-6)
    h2 = h_attn.reshape(n, D)
    e2 = Ee.reshape(-1, D)
    h2 = h2 @ Wo.T + bo
    h2 = h + h2
    e2 = e + e2
    h2 = _batchnorm(h2, bn1h_g, bn1h_b)
    e2 = _batchnorm(e2, bn1e_g, bn1e_b)
    h_in2 = h2
    ff = jax.nn.relu(h2 @ W1.T + b1)
    ff = ff @ W2.T + b2
    h3 = h_in2 + ff
    h3 = _batchnorm(h3, bn2h_g, bn2h_b)
    return (h3, e2)

if __name__ == "__main__":
    import jax
    _d = setup_inputs()
    print(jax.jit(kernel)(*tuple(_d.values())))

</pallas_src>

<mosaic_0001>
#map = affine_map<(d0, d1) -> (0)>
#map1 = affine_map<(d0, d1) -> (0, 0)>
module attributes {stable_mosaic.version = 14 : i64} {
  func.func @_sc_escore_body(%arg0: i32, %arg1: i32, %arg2: memref<160000xi32, #tpu.memory_space<hbm>>, %arg3: memref<160000xi32, #tpu.memory_space<hbm>>, %arg4: memref<10000x256xbf16, #tpu.memory_space<hbm>>, %arg5: memref<10000x256xbf16, #tpu.memory_space<hbm>>, %arg6: memref<160000x256xbf16, #tpu.memory_space<hbm>>, %arg7: memref<160000x16xf32, #tpu.memory_space<hbm>>, %arg8: memref<128xi32, #tpu.memory_space<vmem>>, %arg9: memref<128xi32, #tpu.memory_space<vmem>>, %arg10: memref<128x256xbf16, #tpu.memory_space<vmem>>, %arg11: memref<128x256xbf16, #tpu.memory_space<vmem>>, %arg12: memref<128x256xbf16, #tpu.memory_space<vmem>>, %arg13: memref<128xi32, #tpu.memory_space<vmem>>, %arg14: memref<128xi32, #tpu.memory_space<vmem>>, %arg15: memref<128x256xbf16, #tpu.memory_space<vmem>>, %arg16: memref<128x256xbf16, #tpu.memory_space<vmem>>, %arg17: memref<128x256xbf16, #tpu.memory_space<vmem>>, %arg18: memref<128x16xf32, #tpu.memory_space<vmem>>, %arg19: memref<!tpu.dma_semaphore, #tpu.memory_space<semaphore_mem>>, %arg20: memref<!tpu.dma_semaphore, #tpu.memory_space<semaphore_mem>>, %arg21: memref<!tpu.dma_semaphore, #tpu.memory_space<semaphore_mem>>, %arg22: memref<!tpu.dma_semaphore, #tpu.memory_space<semaphore_mem>>, %arg23: memref<!tpu.dma_semaphore, #tpu.memory_space<semaphore_mem>>, %arg24: memref<!tpu.dma_semaphore, #tpu.memory_space<semaphore_mem>>) attributes {dimension_semantics = [#tpu.dimension_semantics<core_parallel>, #tpu.dimension_semantics<subcore_parallel>], iteration_bounds = array<i64: 2, 16>, scalar_prefetch = 0 : i64, scratch_operands = 17 : i64, tpu.core_type = #tpu.core_type<sc_vector_subcore>, window_params = [{transform_indices = #map}, {transform_indices = #map}, {transform_indices = #map1}, {transform_indices = #map1}, {transform_indices = #map1}, {transform_indices = #map1}]} {
    %mul3A = arith.constant 2 : i32
    %mul3A_0 = arith.muli %arg1, %mul3A : i32
    %add3A = arith.addi %mul3A_0, %arg0 : i32
    %iota3A = tpu.iota {dimensions = array<i32: 0>} : vector<16xi32>
    %eq3A = arith.constant 0 : i32
    %eq3A_1 = vector.broadcast %eq3A : i32 to vector<16xi32>
    %eq3A_2 = arith.cmpi eq, %iota3A, %eq3A_1 : vector<16xi32>
    %convert_element_type3A = arith.extui %eq3A_2 : vector<16xi1> to vector<16xi32>
    %convert_element_type3A_3 = arith.sitofp %convert_element_type3A : vector<16xi32> to vector<16xf32>
    %eq3A_4 = arith.constant 1 : i32
    %eq3A_5 = vector.broadcast %eq3A_4 : i32 to vector<16xi32>
    %eq3A_6 = arith.cmpi eq, %iota3A, %eq3A_5 : vector<16xi32>
    %convert_element_type3A_7 = arith.extui %eq3A_6 : vector<16xi1> to vector<16xi32>
    %convert_element_type3A_8 = arith.sitofp %convert_element_type3A_7 : vector<16xi32> to vector<16xf32>
    %eq3A_9 = arith.constant 2 : i32
    %eq3A_10 = vector.broadcast %eq3A_9 : i32 to vector<16xi32>
    %eq3A_11 = arith.cmpi eq, %iota3A, %eq3A_10 : vector<16xi32>
    %convert_element_type3A_12 = arith.extui %eq3A_11 : vector<16xi1> to vector<16xi32>
    %convert_element_type3A_13 = arith.sitofp %convert_element_type3A_12 : vector<16xi32> to vector<16xf32>
    %eq3A_14 = arith.constant 3 : i32
    %eq3A_15 = vector.broadcast %eq3A_14 : i32 to vector<16xi32>
    %eq3A_16 = arith.cmpi eq, %iota3A, %eq3A_15 : vector<16xi32>
    %convert_element_type3A_17 = arith.extui %eq3A_16 : vector<16xi1> to vector<16xi32>
    %convert_element_type3A_18 = arith.sitofp %convert_element_type3A_17 : vector<16xi32> to vector<16xf32>
    %eq3A_19 = arith.constant 4 : i32
    %eq3A_20 = vector.broadcast %eq3A_19 : i32 to vector<16xi32>
    %eq3A_21 = arith.cmpi eq, %iota3A, %eq3A_20 : vector<16xi32>
    %convert_element_type3A_22 = arith.extui %eq3A_21 : vector<16xi1> to vector<16xi32>
    %convert_element_type3A_23 = arith.sitofp %convert_element_type3A_22 : vector<16xi32> to vector<16xf32>
    %eq3A_24 = arith.constant 5 : i32
    %eq3A_25 = vector.broadcast %eq3A_24 : i32 to vector<16xi32>
    %eq3A_26 = arith.cmpi eq, %iota3A, %eq3A_25 : vector<16xi32>
    %convert_element_type3A_27 = arith.extui %eq3A_26 : vector<16xi1> to vector<16xi32>
    %convert_element_type3A_28 = arith.sitofp %convert_element_type3A_27 : vector<16xi32> to vector<16xf32>
    %eq3A_29 = arith.constant 6 : i32
    %eq3A_30 = vector.broadcast %eq3A_29 : i32 to vector<16xi32>
    %eq3A_31 = arith.cmpi eq, %iota3A, %eq3A_30 : vector<16xi32>
    %convert_element_type3A_32 = arith.extui %eq3A_31 : vector<16xi1> to vector<16xi32>
    %convert_element_type3A_33 = arith.sitofp %convert_element_type3A_32 : vector<16xi32> to vector<16xf32>
    %eq3A_34 = arith.constant 7 : i32
    %eq3A_35 = vector.broadcast %eq3A_34 : i32 to vector<16xi32>
    %eq3A_36 = arith.cmpi eq, %iota3A, %eq3A_35 : vector<16xi32>
    %convert_element_type3A_37 = arith.extui %eq3A_36 : vector<16xi1> to vector<16xi32>
    %convert_element_type3A_38 = arith.sitofp %convert_element_type3A_37 : vector<16xi32> to vector<16xf32>
    %lt3A = arith.constant 8 : i32
    %lt3A_39 = vector.broadcast %lt3A : i32 to vector<16xi32>
    %lt3A_40 = arith.cmpi slt, %iota3A, %lt3A_39 : vector<16xi32>
    %convert_element_type3A_41 = arith.extui %lt3A_40 : vector<16xi1> to vector<16xi32>
    %convert_element_type3A_42 = arith.sitofp %convert_element_type3A_41 : vector<16xi32> to vector<16xf32>
    %add3A_43 = arith.constant 0 : i32
    %add3A_44 = arith.addi %add3A, %add3A_43 : i32
    %lt3A_45 = arith.constant 1250 : i32
    %lt3A_46 = arith.cmpi slt, %add3A_44, %lt3A_45 : i32
    %convert_element_type3A_47 = arith.extui %lt3A_46 : i1 to i32
    %cond3A = arith.constant 0 : i32
    %cond3A_48 = arith.cmpi ne, %convert_element_type3A_47, %cond3A : i32
    scf.if %cond3A_48 {
      %mul3A_54 = arith.constant 128 : i32
      %mul3A_55 = arith.muli %add3A_44, %mul3A_54 : i32
      "tpu.region"() ({
        %run_scoped3A = tpu.sem_alloc : memref<!tpu.dma_semaphore, #tpu.memory_space<semaphore_mem>>
        %dma_start3A_65 = tpu.memref_slice %arg2[%mul3A_55] : memref<160000xi32, #tpu.memory_space<hbm>> -> memref<128xi32, #tpu.memory_space<hbm>>
        %dma_start3A_66 = tpu.memref_slice %arg2[%mul3A_55] : memref<160000xi32, #tpu.memory_space<hbm>> -> memref<128xi32, #tpu.memory_space<hbm>>
        tpu.enqueue_dma source(%dma_start3A_66 : memref<128xi32, #tpu.memory_space<hbm>>) target(%arg8 : memref<128xi32, #tpu.memory_space<vmem>>) target_semaphore(%run_scoped3A : memref<!tpu.dma_semaphore, #tpu.memory_space<semaphore_mem>>)
        %dma_wait3A = tpu.memref_slice %arg2[%mul3A_55] : memref<160000xi32, #tpu.memory_space<hbm>> -> memref<128xi32, #tpu.memory_space<hbm>>
        %dma_wait3A_67 = tpu.memref_slice %arg2[%mul3A_55] : memref<160000xi32, #tpu.memory_space<hbm>> -> memref<128xi32, #tpu.memory_space<hbm>>
        tpu.wait_dma2 semaphore(%run_scoped3A : memref<!tpu.dma_semaphore, #tpu.memory_space<semaphore_mem>>) src(%dma_wait3A_67 : memref<128xi32, #tpu.memory_space<hbm>>) dst(%arg8 : memref<128xi32, #tpu.memory_space<vmem>>)
        tpu.yield
      }) : () -> ()
      "tpu.region"() ({
        %run_scoped3A = tpu.sem_alloc : memref<!tpu.dma_semaphore, #tpu.memory_space<semaphore_mem>>
        %dma_start3A_65 = tpu.memref_slice %arg3[%mul3A_55] : memref<160000xi32, #tpu.memory_space<hbm>> -> memref<128xi32, #tpu.memory_space<hbm>>
        %dma_start3A_66 = tpu.memref_slice %arg3[%mul3A_55] : memref<160000xi32, #tpu.memory_space<hbm>> -> memref<128xi32, #tpu.memory_space<hbm>>
        tpu.enqueue_dma source(%dma_start3A_66 : memref<128xi32, #tpu.memory_space<hbm>>) target(%arg9 : memref<128xi32, #tpu.memory_space<vmem>>) target_semaphore(%run_scoped3A : memref<!tpu.dma_semaphore, #tpu.memory_space<semaphore_mem>>)
        %dma_wait3A = tpu.memref_slice %arg3[%mul3A_55] : memref<160000xi32, #tpu.memory_space<hbm>> -> memref<128xi32, #tpu.memory_space<hbm>>
        %dma_wait3A_67 = tpu.memref_slice %arg3[%mul3A_55] : memref<160000xi32, #tpu.memory_space<hbm>> -> memref<128xi32, #tpu.memory_space<hbm>>
        tpu.wait_dma2 semaphore(%run_scoped3A : memref<!tpu.dma_semaphore, #tpu.memory_space<semaphore_mem>>) src(%dma_wait3A_67 : memref<128xi32, #tpu.memory_space<hbm>>) dst(%arg9 : memref<128xi32, #tpu.memory_space<vmem>>)
        tpu.yield
      }) : () -> ()
      %dma_start3A = arith.constant 0 : i32
      %dma_start3A_56 = arith.constant 0 : i32
      %dma_start3A_57 = tpu.memref_slice %arg4[%dma_start3A, %dma_start3A_56] : memref<10000x256xbf16, #tpu.memory_space<hbm>> -> memref<10000x256xbf16, #tpu.memory_space<hbm>>
      tpu.enqueue_indirect_dma source(%dma_start3A_57 : memref<10000x256xbf16, #tpu.memory_space<hbm>>) target(%arg10 : memref<128x256xbf16, #tpu.memory_space<vmem>>) offsets(%arg8 : memref<128xi32, #tpu.memory_space<vmem>>) semaphore(%arg19 : memref<!tpu.dma_semaphore, #tpu.memory_space<semaphore_mem>>)
      %dma_start3A_58 = arith.constant 0 : i32
      %dma_start3A_59 = arith.constant 0 : i32
      %dma_start3A_60 = tpu.memref_slice %arg5[%dma_start3A_58, %dma_start3A_59] : memref<10000x256xbf16, #tpu.memory_space<hbm>> -> memref<10000x256xbf16, #tpu.memory_space<hbm>>
      tpu.enqueue_indirect_dma source(%dma_start3A_60 : memref<10000x256xbf16, #tpu.memory_space<hbm>>) target(%arg11 : memref<128x256xbf16, #tpu.memory_space<vmem>>) offsets(%arg9 : memref<128xi32, #tpu.memory_space<vmem>>) semaphore(%arg20 : memref<!tpu.dma_semaphore, #tpu.memory_space<semaphore_mem>>)
      %dma_start3A_61 = arith.constant 0 : i32
      %dma_start3A_62 = tpu.memref_slice %arg6[%mul3A_55, %dma_start3A_61] : memref<160000x256xbf16, #tpu.memory_space<hbm>> -> memref<128x256xbf16, #tpu.memory_space<hbm>>
      %dma_start3A_63 = arith.constant 0 : i32
      %dma_start3A_64 = tpu.memref_slice %arg6[%mul3A_55, %dma_start3A_63] : memref<160000x256xbf16, #tpu.memory_space<hbm>> -> memref<128x256xbf16, #tpu.memory_space<hbm>>
      tpu.enqueue_dma source(%dma_start3A_64 : memref<128x256xbf16, #tpu.memory_space<hbm>>) target(%arg12 : memref<128x256xbf16, #tpu.memory_space<vmem>>) target_semaphore(%arg21 : memref<!tpu.dma_semaphore, #tpu.memory_space<semaphore_mem>>)
    } else {
    }
    %scan3A = arith.constant 0 : i32
    %scan3A_49 = arith.constant 0 : i32
    %scan3A_50 = arith.constant 20 : i32
    %scan3A_51 = arith.addi %scan3A_49, %scan3A_50 : i32
    %scan3A_52 = arith.constant 1 : i32
    scf.for %scan3A_54 = %scan3A_49 to %scan3A_51 step %scan3A_52  : i32 {
      %mul3A_55 = arith.constant 2 : i32
      %mul3A_56 = arith.muli %mul3A_55, %scan3A_54 : i32
      %add3A_57 = arith.constant 1 : i32
      %add3A_58 = arith.addi %mul3A_56, %add3A_57 : i32
      %mul3A_59 = arith.constant 32 : i32
      %mul3A_60 = arith.muli %add3A_58, %mul3A_59 : i32
      %add3A_61 = arith.addi %add3A, %mul3A_60 : i32
      %lt3A_62 = arith.constant 1250 : i32
      %lt3A_63 = arith.cmpi slt, %add3A_61, %lt3A_62 : i32
      %convert_element_type3A_64 = arith.extui %lt3A_63 : i1 to i32
      %cond3A_65 = arith.constant 0 : i32
      %cond3A_66 = arith.cmpi ne, %convert_element_type3A_64, %cond3A_65 : i32
      scf.if %cond3A_66 {
        %mul3A_95 = arith.constant 128 : i32
        %mul3A_96 = arith.muli %add3A_61, %mul3A_95 : i32
        "tpu.region"() ({
          %run_scoped3A = tpu.sem_alloc : memref<!tpu.dma_semaphore, #tpu.memory_space<semaphore_mem>>
          %dma_start3A_106 = tpu.memref_slice %arg2[%mul3A_96] : memref<160000xi32, #tpu.memory_space<hbm>> -> memref<128xi32, #tpu.memory_space<hbm>>
          %dma_start3A_107 = tpu.memref_slice %arg2[%mul3A_96] : memref<160000xi32, #tpu.memory_space<hbm>> -> memref<128xi32, #tpu.memory_space<hbm>>
          tpu.enqueue_dma source(%dma_start3A_107 : memref<128xi32, #tpu.memory_space<hbm>>) target(%arg13 : memref<128xi32, #tpu.memory_space<vmem>>) target_semaphore(%run_scoped3A : memref<!tpu.dma_semaphore, #tpu.memory_space<semaphore_mem>>)
          %dma_wait3A = tpu.memref_slice %arg2[%mul3A_96] : memref<160000xi32, #tpu.memory_space<hbm>> -> memref<128xi32, #tpu.memory_space<hbm>>
          %dma_wait3A_108 = tpu.memref_slice %arg2[%mul3A_96] : memref<160000xi32, #tpu.memory_space<hbm>> -> memref<128xi32, #tpu.memory_space<hbm>>
          tpu.wait_dma2 semaphore(%run_scoped3A : memref<!tpu.dma_semaphore, #tpu.memory_space<semaphore_mem>>) src(%dma_wait3A_108 : memref<128xi32, #tpu.memory_space<hbm>>) dst(%arg13 : memref<128xi32, #tpu.memory_space<vmem>>)
          tpu.yield
        }) : () -> ()
        "tpu.region"() ({
          %run_scoped3A = tpu.sem_alloc : memref<!tpu.dma_semaphore, #tpu.memory_space<semaphore_mem>>
          %dma_start3A_106 = tpu.memref_slice %arg3[%mul3A_96] : memref<160000xi32, #tpu.memory_space<hbm>> -> memref<128xi32, #tpu.memory_space<hbm>>
          %dma_start3A_107 = tpu.memref_slice %arg3[%mul3A_96] : memref<160000xi32, #tpu.memory_space<hbm>> -> memref<128xi32, #tpu.memory_space<hbm>>
          tpu.enqueue_dma source(%dma_start3A_107 : memref<128xi32, #tpu.memory_space<hbm>>) target(%arg14 : memref<128xi32, #tpu.memory_space<vmem>>) target_semaphore(%run_scoped3A : memref<!tpu.dma_semaphore, #tpu.memory_space<semaphore_mem>>)
          %dma_wait3A = tpu.memref_slice %arg3[%mul3A_96] : memref<160000xi32, #tpu.memory_space<hbm>> -> memref<128xi32, #tpu.memory_space<hbm>>
          %dma_wait3A_108 = tpu.memref_slice %arg3[%mul3A_96] : memref<160000xi32, #tpu.memory_space<hbm>> -> memref<128xi32, #tpu.memory_space<hbm>>
          tpu.wait_dma2 semaphore(%run_scoped3A : memref<!tpu.dma_semaphore, #tpu.memory_space<semaphore_mem>>) src(%dma_wait3A_108 : memref<128xi32, #tpu.memory_space<hbm>>) dst(%arg14 : memref<128xi32, #tpu.memory_space<vmem>>)
          tpu.yield
        }) : () -> ()
        %dma_start3A = arith.constant 0 : i32
        %dma_start3A_97 = arith.constant 0 : i32
        %dma_start3A_98 = tpu.memref_slice %arg4[%dma_start3A, %dma_start3A_97] : memref<10000x256xbf16, #tpu.memory_space<hbm>> -> memref<10000x256xbf16, #tpu.memory_space<hbm>>
        tpu.enqueue_indirect_dma source(%dma_start3A_98 : memref<10000x256xbf16, #tpu.memory_space<hbm>>) target(%arg15 : memref<128x256xbf16, #tpu.memory_space<vmem>>) offsets(%arg13 : memref<128xi32, #tpu.memory_space<vmem>>) semaphore(%arg22 : memref<!tpu.dma_semaphore, #tpu.memory_space<semaphore_mem>>)
        %dma_start3A_99 = arith.constant 0 : i32
        %dma_start3A_100 = arith.constant 0 : i32
        %dma_start3A_101 = tpu.memref_slice %arg5[%dma_start3A_99, %dma_start3A_100] : memref<10000x256xbf16, #tpu.memory_space<hbm>> -> memref<10000x256xbf16, #tpu.memory_space<hbm>>
        tpu.enqueue_indirect_dma source(%dma_start3A_101 : memref<10000x256xbf16, #tpu.memory_space<hbm>>) target(%arg16 : memref<128x256xbf16, #tpu.memory_space<vmem>>) offsets(%arg14 : memref<128xi32, #tpu.memory_space<vmem>>) semaphore(%arg23 : memref<!tpu.dma_semaphore, #tpu.memory_space<semaphore_mem>>)
        %dma_start3A_102 = arith.constant 0 : i32
        %dma_start3A_103 = tpu.memref_slice %arg6[%mul3A_96, %dma_start3A_102] : memref<160000x256xbf16, #tpu.memory_space<hbm>> -> memref<128x256xbf16, #tpu.memory_space<hbm>>
        %dma_start3A_104 = arith.constant 0 : i32
        %dma_start3A_105 = tpu.memref_slice %arg6[%mul3A_96, %dma_start3A_104] : memref<160000x256xbf16, #tpu.memory_space<hbm>> -> memref<128x256xbf16, #tpu.memory_space<hbm>>
        tpu.enqueue_dma source(%dma_start3A_105 : memref<128x256xbf16, #tpu.memory_space<hbm>>) target(%arg17 : memref<128x256xbf16, #tpu.memory_space<vmem>>) target_semaphore(%arg24 : memref<!tpu.dma_semaphore, #tpu.memory_space<semaphore_mem>>)
      } else {
      }
      %mul3A_67 = arith.constant 32 : i32
      %mul3A_68 = arith.muli %mul3A_56, %mul3A_67 : i32
      %add3A_69 = arith.addi %add3A, %mul3A_68 : i32
      %lt3A_70 = arith.constant 1250 : i32
      %lt3A_71 = arith.cmpi slt, %add3A_69, %lt3A_70 : i32
      %convert_element_type3A_72 = arith.extui %lt3A_71 : i1 to i32
      %cond3A_73 = arith.constant 0 : i32
      %cond3A_74 = arith.cmpi ne, %convert_element_type3A_72, %cond3A_73 : i32
      scf.if %cond3A_74 {
        %dma_wait3A = arith.constant 0 : i32
        %dma_wait3A_95 = arith.constant 0 : i32
        %dma_wait3A_96 = tpu.memref_slice %arg4[%dma_wait3A, %dma_wait3A_95] : memref<10000x256xbf16, #tpu.memory_space<hbm>> -> memref<10000x256xbf16, #tpu.memory_space<hbm>>
        tpu.wait_indirect_dma semaphore(%arg19 : memref<!tpu.dma_semaphore, #tpu.memory_space<semaphore_mem>>) src(%dma_wait3A_96 : memref<10000x256xbf16, #tpu.memory_space<hbm>>) dst(%arg10 : memref<128x256xbf16, #tpu.memory_space<vmem>>)
        %dma_wait3A_97 = arith.constant 0 : i32
        %dma_wait3A_98 = arith.constant 0 : i32
        %dma_wait3A_99 = tpu.memref_slice %arg5[%dma_wait3A_97, %dma_wait3A_98] : memref<10000x256xbf16, #tpu.memory_space<hbm>> -> memref<10000x256xbf16, #tpu.memory_space<hbm>>
        tpu.wait_indirect_dma semaphore(%arg20 : memref<!tpu.dma_semaphore, #tpu.memory_space<semaphore_mem>>) src(%dma_wait3A_99 : memref<10000x256xbf16, #tpu.memory_space<hbm>>) dst(%arg11 : memref<128x256xbf16, #tpu.memory_space<vmem>>)
        %mul3A_100 = arith.constant 128 : i32
        %mul3A_101 = arith.muli %add3A_69, %mul3A_100 : i32
        %dma_wait3A_102 = arith.constant 0 : i32
        %dma_wait3A_103 = tpu.memref_slice %arg6[%mul3A_101, %dma_wait3A_102] : memref<160000x256xbf16, #tpu.memory_space<hbm>> -> memref<128x256xbf16, #tpu.memory_space<hbm>>
        %dma_wait3A_104 = arith.constant 0 : i32
        %dma_wait3A_105 = tpu.memref_slice %arg6[%mul3A_101, %dma_wait3A_104] : memref<160000x256xbf16, #tpu.memory_space<hbm>> -> memref<128x256xbf16, #tpu.memory_space<hbm>>
        tpu.wait_dma2 semaphore(%arg21 : memref<!tpu.dma_semaphore, #tpu.memory_space<semaphore_mem>>) src(%dma_wait3A_105 : memref<128x256xbf16, #tpu.memory_space<hbm>>) dst(%arg12 : memref<128x256xbf16, #tpu.memory_space<vmem>>)
        %scan3A_106 = arith.constant 0 : i32
        %scan3A_107 = arith.constant 0 : i32
        %scan3A_108 = arith.constant 128 : i32
        %scan3A_109 = arith.addi %scan3A_107, %scan3A_108 : i32
        %scan3A_110 = arith.constant 1 : i32
        scf.for %scan3A_114 = %scan3A_107 to %scan3A_109 step %scan3A_110  : i32 {
          %broadcast_in_dim3A = arith.constant 0.000000e+00 : f32
          %broadcast_in_dim3A_115 = vector.broadcast %broadcast_in_dim3A : f32 to vector<16xf32>
          %get3A = arith.index_cast %scan3A_114 : i32 to index
          %get3A_116 = arith.constant 0 : index
          %get3A_117 = tpu.vector_load %arg10[%get3A, %get3A_116] {strides = array<i32>} : memref<128x256xbf16, #tpu.memory_space<vmem>>, vector<32xbf16>,
          %get3A_118 = arith.index_cast %scan3A_114 : i32 to index
          %get3A_119 = arith.constant 0 : index
          %get3A_120 = tpu.vector_load %arg11[%get3A_118, %get3A_119] {strides = array<i32>} : memref<128x256xbf16, #tpu.memory_space<vmem>>, vector<32xbf16>,
          %mul3A_121 = arith.mulf %get3A_117, %get3A_120 : vector<32xbf16>
          %get3A_122 = arith.index_cast %scan3A_114 : i32 to index
          %get3A_123 = arith.constant 0 : index
          %get3A_124 = tpu.vector_load %arg12[%get3A_122, %get3A_123] {strides = array<i32>} : memref<128x256xbf16, #tpu.memory_space<vmem>>, vector<32xbf16>,
          %mul3A_125 = arith.mulf %mul3A_121, %get3A_124 : vector<32xbf16>
          %unpack3A = tpu.unpack_subelements %mul3A_125, 0 {pack_format = #tpu.pack_format<interleaved>} : vector<32xbf16> -> vector<16xf32>
          %unpack3A_126 = tpu.unpack_subelements %mul3A_125, 1 {pack_format = #tpu.pack_format<interleaved>} : vector<32xbf16> -> vector<16xf32>
          %add3A_127 = arith.addf %unpack3A, %unpack3A_126 : vector<16xf32>
          %xor3A = arith.constant 8 : i32
          %xor3A_128 = vector.broadcast %xor3A : i32 to vector<16xi32>
          %xor3A_129 = arith.xori %iota3A, %xor3A_128 : vector<16xi32>
          %broadcast_in_dim3A_130 = vector.shape_cast %xor3A_129 : vector<16xi32> to vector<16x1xi32>
          %gather3A = vector.shape_cast %broadcast_in_dim3A_130 : vector<16x1xi32> to vector<16xi32>
          %gather3A_131 = tpu.dynamic_gather %add3A_127[%gather3A] in [0] : vector<16xf32>, vector<16xi32> -> vector<16xf32>
          %add3A_132 = arith.addf %add3A_127, %gather3A_131 : vector<16xf32>
          %xor3A_133 = arith.constant 4 : i32
          %xor3A_134 = vector.broadcast %xor3A_133 : i32 to vector<16xi32>
          %xor3A_135 = arith.xori %iota3A, %xor3A_134 : vector<16xi32>
          %broadcast_in_dim3A_136 = vector.shape_cast %xor3A_135 : vector<16xi32> to vector<16x1xi32>
          %gather3A_137 = vector.shape_cast %broadcast_in_dim3A_136 : vector<16x1xi32> to vector<16xi32>
          %gather3A_138 = tpu.dynamic_gather %add3A_132[%gather3A_137] in [0] : vector<16xf32>, vector<16xi32> -> vector<16xf32>
          %add3A_139 = arith.addf %add3A_132, %gather3A_138 : vector<16xf32>
          %xor3A_140 = arith.constant 2 : i32
          %xor3A_141 = vector.broadcast %xor3A_140 : i32 to vector<16xi32>
          %xor3A_142 = arith.xori %iota3A, %xor3A_141 : vector<16xi32>
          %broadcast_in_dim3A_143 = vector.shape_cast %xor3A_142 : vector<16xi32> to vector<16x1xi32>
          %gather3A_144 = vector.shape_cast %broadcast_in_dim3A_143 : vector<16x1xi32> to vector<16xi32>
          %gather3A_145 = tpu.dynamic_gather %add3A_139[%gather3A_144] in [0] : vector<16xf32>, vector<16xi32> -> vector<16xf32>
          %add3A_146 = arith.addf %add3A_139, %gather3A_145 : vector<16xf32>
          %xor3A_147 = arith.constant 1 : i32
          %xor3A_148 = vector.broadcast %xor3A_147 : i32 to vector<16xi32>
          %xor3A_149 = arith.xori %iota3A, %xor3A_148 : vector<16xi32>
          %broadcast_in_dim3A_150 = vector.shape_cast %xor3A_149 : vector<16xi32> to vector<16x1xi32>
          %gather3A_151 = vector.shape_cast %broadcast_in_dim3A_150 : vector<16x1xi32> to vector<16xi32>
          %gather3A_152 = tpu.dynamic_gather %add3A_146[%gather3A_151] in [0] : vector<16xf32>, vector<16xi32> -> vector<16xf32>
          %add3A_153 = arith.addf %add3A_146, %gather3A_152 : vector<16xf32>
          %mul3A_154 = arith.mulf %add3A_153, %convert_element_type3A_3 : vector<16xf32>
          %add3A_155 = arith.addf %broadcast_in_dim3A_115, %mul3A_154 : vector<16xf32>
          %get3A_156 = arith.index_cast %scan3A_114 : i32 to index
          %get3A_157 = arith.constant 32 : index
          %get3A_158 = tpu.vector_load %arg10[%get3A_156, %get3A_157] {strides = array<i32>} : memref<128x256xbf16, #tpu.memory_space<vmem>>, vector<32xbf16>,
          %get3A_159 = arith.index_cast %scan3A_114 : i32 to index
          %get3A_160 = arith.constant 32 : index
          %get3A_161 = tpu.vector_load %arg11[%get3A_159, %get3A_160] {strides = array<i32>} : memref<128x256xbf16, #tpu.memory_space<vmem>>, vector<32xbf16>,
          %mul3A_162 = arith.mulf %get3A_158, %get3A_161 : vector<32xbf16>
          %get3A_163 = arith.index_cast %scan3A_114 : i32 to index
          %get3A_164 = arith.constant 32 : index
          %get3A_165 = tpu.vector_load %arg12[%get3A_163, %get3A_164] {strides = array<i32>} : memref<128x256xbf16, #tpu.memory_space<vmem>>, vector<32xbf16>,
          %mul3A_166 = arith.mulf %mul3A_162, %get3A_165 : vector<32xbf16>
          %unpack3A_167 = tpu.unpack_subelements %mul3A_166, 0 {pack_format = #tpu.pack_format<interleaved>} : vector<32xbf16> -> vector<16xf32>
          %unpack3A_168 = tpu.unpack_subelements %mul3A_166, 1 {pack_format = #tpu.pack_format<interleaved>} : vector<32xbf16> -> vector<16xf32>
          %add3A_169 = arith.addf %unpack3A_167, %unpack3A_168 : vector<16xf32>
          %xor3A_170 = arith.constant 8 : i32
          %xor3A_171 = vector.broadcast %xor3A_170 : i32 to vector<16xi32>
          %xor3A_172 = arith.xori %iota3A, %xor3A_171 : vector<16xi32>
          %broadcast_in_dim3A_173 = vector.shape_cast %xor3A_172 : vector<16xi32> to vector<16x1xi32>
          %gather3A_174 = vector.shape_cast %broadcast_in_dim3A_173 : vector<16x1xi32> to vector<16xi32>
          %gather3A_175 = tpu.dynamic_gather %add3A_169[%gather3A_174] in [0] : vector<16xf32>, vector<16xi32> -> vector<16xf32>
          %add3A_176 = arith.addf %add3A_169, %gather3A_175 : vector<16xf32>
          %xor3A_177 = arith.constant 4 : i32
          %xor3A_178 = vector.broadcast %xor3A_177 : i32 to vector<16xi32>
          %xor3A_179 = arith.xori %iota3A, %xor3A_178 : vector<16xi32>
          %broadcast_in_dim3A_180 = vector.shape_cast %xor3A_179 : vector<16xi32> to vector<16x1xi32>
          %gather3A_181 = vector.shape_cast %broadcast_in_dim3A_180 : vector<16x1xi32> to vector<16xi32>
          %gather3A_182 = tpu.dynamic_gather %add3A_176[%gather3A_181] in [0] : vector<16xf32>, vector<16xi32> -> vector<16xf32>
          %add3A_183 = arith.addf %add3A_176, %gather3A_182 : vector<16xf32>
          %xor3A_184 = arith.constant 2 : i32
          %xor3A_185 = vector.broadcast %xor3A_184 : i32 to vector<16xi32>
          %xor3A_186 = arith.xori %iota3A, %xor3A_185 : vector<16xi32>
          %broadcast_in_dim3A_187 = vector.shape_cast %xor3A_186 : vector<16xi32> to vector<16x1xi32>
          %gather3A_188 = vector.shape_cast %broadcast_in_dim3A_187 : vector<16x1xi32> to vector<16xi32>
          %gather3A_189 = tpu.dynamic_gather %add3A_183[%gather3A_188] in [0] : vector<16xf32>, vector<16xi32> -> vector<16xf32>
          %add3A_190 = arith.addf %add3A_183, %gather3A_189 : vector<16xf32>
          %xor3A_191 = arith.constant 1 : i32
          %xor3A_192 = vector.broadcast %xor3A_191 : i32 to vector<16xi32>
          %xor3A_193 = arith.xori %iota3A, %xor3A_192 : vector<16xi32>
          %broadcast_in_dim3A_194 = vector.shape_cast %xor3A_193 : vector<16xi32> to vector<16x1xi32>
          %gather3A_195 = vector.shape_cast %broadcast_in_dim3A_194 : vector<16x1xi32> to vector<16xi32>
          %gather3A_196 = tpu.dynamic_gather %add3A_190[%gather3A_195] in [0] : vector<16xf32>, vector<16xi32> -> vector<16xf32>
          %add3A_197 = arith.addf %add3A_190, %gather3A_196 : vector<16xf32>
          %mul3A_198 = arith.mulf %add3A_197, %convert_element_type3A_8 : vector<16xf32>
          %add3A_199 = arith.addf %add3A_155, %mul3A_198 : vector<16xf32>
          %get3A_200 = arith.index_cast %scan3A_114 : i32 to index
          %get3A_201 = arith.constant 64 : index
          %get3A_202 = tpu.vector_load %arg10[%get3A_200, %get3A_201] {strides = array<i32>} : memref<128x256xbf16, #tpu.memory_space<vmem>>, vector<32xbf16>,
          %get3A_203 = arith.index_cast %scan3A_114 : i32 to index
          %get3A_204 = arith.constant 64 : index
          %get3A_205 = tpu.vector_load %arg11[%get3A_203, %get3A_204] {strides = array<i32>} : memref<128x256xbf16, #tpu.memory_space<vmem>>, vector<32xbf16>,
          %mul3A_206 = arith.mulf %get3A_202, %get3A_205 : vector<32xbf16>
          %get3A_207 = arith.index_cast %scan3A_114 : i32 to index
          %get3A_208 = arith.constant 64 : index
          %get3A_209 = tpu.vector_load %arg12[%get3A_207, %get3A_208] {strides = array<i32>} : memref<128x256xbf16, #tpu.memory_space<vmem>>, vector<32xbf16>,
          %mul3A_210 = arith.mulf %mul3A_206, %get3A_209 : vector<32xbf16>
          %unpack3A_211 = tpu.unpack_subelements %mul3A_210, 0 {pack_format = #tpu.pack_format<interleaved>} : vector<32xbf16> -> vector<16xf32>
          %unpack3A_212 = tpu.unpack_subelements %mul3A_210, 1 {pack_format = #tpu.pack_format<interleaved>} : vector<32xbf16> -> vector<16xf32>
          %add3A_213 = arith.addf %unpack3A_211, %unpack3A_212 : vector<16xf32>
          %xor3A_214 = arith.constant 8 : i32
          %xor3A_215 = vector.broadcast %xor3A_214 : i32 to vector<16xi32>
          %xor3A_216 = arith.xori %iota3A, %xor3A_215 : vector<16xi32>
          %broadcast_in_dim3A_217 = vector.shape_cast %xor3A_216 : vector<16xi32> to vector<16x1xi32>
          %gather3A_218 = vector.shape_cast %broadcast_in_dim3A_217 : vector<16x1xi32> to vector<16xi32>
          %gather3A_219 = tpu.dynamic_gather %add3A_213[%gather3A_218] in [0] : vector<16xf32>, vector<16xi32> -> vector<16xf32>
          %add3A_220 = arith.addf %add3A_213, %gather3A_219 : vector<16xf32>
          %xor3A_221 = arith.constant 4 : i32
          %xor3A_222 = vector.broadcast %xor3A_221 : i32 to vector<16xi32>
          %xor3A_223 = arith.xori %iota3A, %xor3A_222 : vector<16xi32>
          %broadcast_in_dim3A_224 = vector.shape_cast %xor3A_223 : vector<16xi32> to vector<16x1xi32>
          %gather3A_225 = vector.shape_cast %broadcast_in_dim3A_224 : vector<16x1xi32> to vector<16xi32>
          %gather3A_226 = tpu.dynamic_gather %add3A_220[%gather3A_225] in [0] : vector<16xf32>, vector<16xi32> -> vector<16xf32>
          %add3A_227 = arith.addf %add3A_220, %gather3A_226 : vector<16xf32>
          %xor3A_228 = arith.constant 2 : i32
          %xor3A_229 = vector.broadcast %xor3A_228 : i32 to vector<16xi32>
          %xor3A_230 = arith.xori %iota3A, %xor3A_229 : vector<16xi32>
          %broadcast_in_dim3A_231 = vector.shape_cast %xor3A_230 : vector<16xi32> to vector<16x1xi32>
          %gather3A_232 = vector.shape_cast %broadcast_in_dim3A_231 : vector<16x1xi32> to vector<16xi32>
          %gather3A_233 = tpu.dynamic_gather %add3A_227[%gather3A_232] in [0] : vector<16xf32>, vector<16xi32> -> vector<16xf32>
          %add3A_234 = arith.addf %add3A_227, %gather3A_233 : vector<16xf32>
          %xor3A_235 = arith.constant 1 : i32
          %xor3A_236 = vector.broadcast %xor3A_235 : i32 to vector<16xi32>
          %xor3A_237 = arith.xori %iota3A, %xor3A_236 : vector<16xi32>
          %broadcast_in_dim3A_238 = vector.shape_cast %xor3A_237 : vector<16xi32> to vector<16x1xi32>
          %gather3A_239 = vector.shape_cast %broadcast_in_dim3A_238 : vector<16x1xi32> to vector<16xi32>
          %gather3A_240 = tpu.dynamic_gather %add3A_234[%gather3A_239] in [0] : vector<16xf32>, vector<16xi32> -> vector<16xf32>
          %add3A_241 = arith.addf %add3A_234, %gather3A_240 : vector<16xf32>
          %mul3A_242 = arith.mulf %add3A_241, %convert_element_type3A_13 : vector<16xf32>
          %add3A_243 = arith.addf %add3A_199, %mul3A_242 : vector<16xf32>
          %get3A_244 = arith.index_cast %scan3A_114 : i32 to index
          %get3A_245 = arith.constant 96 : index
          %get3A_246 = tpu.vector_load %arg10[%get3A_244, %get3A_245] {strides = array<i32>} : memref<128x256xbf16, #tpu.memory_space<vmem>>, vector<32xbf16>,
          %get3A_247 = arith.index_cast %scan3A_114 : i32 to index
          %get3A_248 = arith.constant 96 : index
          %get3A_249 = tpu.vector_load %arg11[%get3A_247, %get3A_248] {strides = array<i32>} : memref<128x256xbf16, #tpu.memory_space<vmem>>, vector<32xbf16>,
          %mul3A_250 = arith.mulf %get3A_246, %get3A_249 : vector<32xbf16>
          %get3A_251 = arith.index_cast %scan3A_114 : i32 to index
          %get3A_252 = arith.constant 96 : index
          %get3A_253 = tpu.vector_load %arg12[%get3A_251, %get3A_252] {strides = array<i32>} : memref<128x256xbf16, #tpu.memory_space<vmem>>, vector<32xbf16>,
          %mul3A_254 = arith.mulf %mul3A_250, %get3A_253 : vector<32xbf16>
          %unpack3A_255 = tpu.unpack_subelements %mul3A_254, 0 {pack_format = #tpu.pack_format<interleaved>} : vector<32xbf16> -> vector<16xf32>
          %unpack3A_256 = tpu.unpack_subelements %mul3A_254, 1 {pack_format = #tpu.pack_format<interleaved>} : vector<32xbf16> -> vector<16xf32>
          %add3A_257 = arith.addf %unpack3A_255, %unpack3A_256 : vector<16xf32>
          %xor3A_258 = arith.constant 8 : i32
          %xor3A_259 = vector.broadcast %xor3A_258 : i32 to vector<16xi32>
          %xor3A_260 = arith.xori %iota3A, %xor3A_259 : vector<16xi32>
          %broadcast_in_dim3A_261 = vector.shape_cast %xor3A_260 : vector<16xi32> to vector<16x1xi32>
          %gather3A_262 = vector.shape_cast %broadcast_in_dim3A_261 : vector<16x1xi32> to vector<16xi32>
          %gather3A_263 = tpu.dynamic_gather %add3A_257[%gather3A_262] in [0] : vector<16xf32>, vector<16xi32> -> vector<16xf32>
          %add3A_264 = arith.addf %add3A_257, %gather3A_263 : vector<16xf32>
          %xor3A_265 = arith.constant 4 : i32
          %xor3A_266 = vector.broadcast %xor3A_265 : i32 to vector<16xi32>
          %xor3A_267 = arith.xori %iota3A, %xor3A_266 : vector<16xi32>
          %broadcast_in_dim3A_268 = vector.shape_cast %xor3A_267 : vector<16xi32> to vector<16x1xi32>
          %gather3A_269 = vector.shape_cast %broadcast_in_dim3A_268 : vector<16x1xi32> to vector<16xi32>
          %gather3A_270 = tpu.dynamic_gather %add3A_264[%gather3A_269] in [0] : vector<16xf32>, vector<16xi32> -> vector<16xf32>
          %add3A_271 = arith.addf %add3A_264, %gather3A_270 : vector<16xf32>
          %xor3A_272 = arith.constant 2 : i32
          %xor3A_273 = vector.broadcast %xor3A_272 : i32 to vector<16xi32>
          %xor3A_274 = arith.xori %iota3A, %xor3A_273 : vector<16xi32>
          %broadcast_in_dim3A_275 = vector.shape_cast %xor3A_274 : vector<16xi32> to vector<16x1xi32>
          %gather3A_276 = vector.shape_cast %broadcast_in_dim3A_275 : vector<16x1xi32> to vector<16xi32>
          %gather3A_277 = tpu.dynamic_gather %add3A_271[%gather3A_276] in [0] : vector<16xf32>, vector<16xi32> -> vector<16xf32>
          %add3A_278 = arith.addf %add3A_271, %gather3A_277 : vector<16xf32>
          %xor3A_279 = arith.constant 1 : i32
          %xor3A_280 = vector.broadcast %xor3A_279 : i32 to vector<16xi32>
          %xor3A_281 = arith.xori %iota3A, %xor3A_280 : vector<16xi32>
          %broadcast_in_dim3A_282 = vector.shape_cast %xor3A_281 : vector<16xi32> to vector<16x1xi32>
          %gather3A_283 = vector.shape_cast %broadcast_in_dim3A_282 : vector<16x1xi32> to vector<16xi32>
          %gather3A_284 = tpu.dynamic_gather %add3A_278[%gather3A_283] in [0] : vector<16xf32>, vector<16xi32> -> vector<16xf32>
          %add3A_285 = arith.addf %add3A_278, %gather3A_284 : vector<16xf32>
          %mul3A_286 = arith.mulf %add3A_285, %convert_element_type3A_18 : vector<16xf32>
          %add3A_287 = arith.addf %add3A_243, %mul3A_286 : vector<16xf32>
          %get3A_288 = arith.index_cast %scan3A_114 : i32 to index
          %get3A_289 = arith.constant 128 : index
          %get3A_290 = tpu.vector_load %arg10[%get3A_288, %get3A_289] {strides = array<i32>} : memref<128x256xbf16, #tpu.memory_space<vmem>>, vector<32xbf16>,
          %get3A_291 = arith.index_cast %scan3A_114 : i32 to index
          %get3A_292 = arith.constant 128 : index
          %get3A_293 = tpu.vector_load %arg11[%get3A_291, %get3A_292] {strides = array<i32>} : memref<128x256xbf16, #tpu.memory_space<vmem>>, vector<32xbf16>,
          %mul3A_294 = arith.mulf %get3A_290, %get3A_293 : vector<32xbf16>
          %get3A_295 = arith.index_cast %scan3A_114 : i32 to index
          %get3A_296 = arith.constant 128 : index
          %get3A_297 = tpu.vector_load %arg12[%get3A_295, %get3A_296] {strides = array<i32>} : memref<128x256xbf16, #tpu.memory_space<vmem>>, vector<32xbf16>,
          %mul3A_298 = arith.mulf %mul3A_294, %get3A_297 : vector<32xbf16>
          %unpack3A_299 = tpu.unpack_subelements %mul3A_298, 0 {pack_format = #tpu.pack_format<interleaved>} : vector<32xbf16> -> vector<16xf32>
          %unpack3A_300 = tpu.unpack_subelements %mul3A_298, 1 {pack_format = #tpu.pack_format<interleaved>} : vector<32xbf16> -> vector<16xf32>
          %add3A_301 = arith.addf %unpack3A_299, %unpack3A_300 : vector<16xf32>
          %xor3A_302 = arith.constant 8 : i32
          %xor3A_303 = vector.broadcast %xor3A_302 : i32 to vector<16xi32>
          %xor3A_304 = arith.xori %iota3A, %xor3A_303 : vector<16xi32>
          %broadcast_in_dim3A_305 = vector.shape_cast %xor3A_304 : vector<16xi32> to vector<16x1xi32>
          %gather3A_306 = vector.shape_cast %broadcast_in_dim3A_305 : vector<16x1xi32> to vector<16xi32>
          %gather3A_307 = tpu.dynamic_gather %add3A_301[%gather3A_306] in [0] : vector<16xf32>, vector<16xi32> -> vector<16xf32>
          %add3A_308 = arith.addf %add3A_301, %gather3A_307 : vector<16xf32>
          %xor3A_309 = arith.constant 4 : i32
          %xor3A_310 = vector.broadcast %xor3A_309 : i32 to vector<16xi32>
          %xor3A_311 = arith.xori %iota3A, %xor3A_310 : vector<16xi32>
          %broadcast_in_dim3A_312 = vector.shape_cast %xor3A_311 : vector<16xi32> to vector<16x1xi32>
          %gather3A_313 = vector.shape_cast %broadcast_in_dim3A_312 : vector<16x1xi32> to vector<16xi32>
          %gather3A_314 = tpu.dynamic_gather %add3A_308[%gather3A_313] in [0] : vector<16xf32>, vector<16xi32> -> vector<16xf32>
          %add3A_315 = arith.addf %add3A_308, %gather3A_314 : vector<16xf32>
          %xor3A_316 = arith.constant 2 : i32
          %xor3A_317 = vector.broadcast %xor3A_316 : i32 to vector<16xi32>
          %xor3A_318 = arith.xori %iota3A, %xor3A_317 : vector<16xi32>
          %broadcast_in_dim3A_319 = vector.shape_cast %xor3A_318 : vector<16xi32> to vector<16x1xi32>
          %gather3A_320 = vector.shape_cast %broadcast_in_dim3A_319 : vector<16x1xi32> to vector<16xi32>
          %gather3A_321 = tpu.dynamic_gather %add3A_315[%gather3A_320] in [0] : vector<16xf32>, vector<16xi32> -> vector<16xf32>
          %add3A_322 = arith.addf %add3A_315, %gather3A_321 : vector<16xf32>
          %xor3A_323 = arith.constant 1 : i32
          %xor3A_324 = vector.broadcast %xor3A_323 : i32 to vector<16xi32>
          %xor3A_325 = arith.xori %iota3A, %xor3A_324 : vector<16xi32>
          %broadcast_in_dim3A_326 = vector.shape_cast %xor3A_325 : vector<16xi32> to vector<16x1xi32>
          %gather3A_327 = vector.shape_cast %broadcast_in_dim3A_326 : vector<16x1xi32> to vector<16xi32>
          %gather3A_328 = tpu.dynamic_gather %add3A_322[%gather3A_327] in [0] : vector<16xf32>, vector<16xi32> -> vector<16xf32>
          %add3A_329 = arith.addf %add3A_322, %gather3A_328 : vector<16xf32>
          %mul3A_330 = arith.mulf %add3A_329, %convert_element_type3A_23 : vector<16xf32>
          %add3A_331 = arith.addf %add3A_287, %mul3A_330 : vector<16xf32>
          %get3A_332 = arith.index_cast %scan3A_114 : i32 to index
          %get3A_333 = arith.constant 160 : index
          %get3A_334 = tpu.vector_load %arg10[%get3A_332, %get3A_333] {strides = array<i32>} : memref<128x256xbf16, #tpu.memory_space<vmem>>, vector<32xbf16>,
          %get3A_335 = arith.index_cast %scan3A_114 : i32 to index
          %get3A_336 = arith.constant 160 : index
          %get3A_337 = tpu.vector_load %arg11[%get3A_335, %get3A_336] {strides = array<i32>} : memref<128x256xbf16, #tpu.memory_space<vmem>>, vector<32xbf16>,
          %mul3A_338 = arith.mulf %get3A_334, %get3A_337 : vector<32xbf16>
          %get3A_339 = arith.index_cast %scan3A_114 : i32 to index
          %get3A_340 = arith.constant 160 : index
          %get3A_341 = tpu.vector_load %arg12[%get3A_339, %get3A_340] {strides = array<i32>} : memref<128x256xbf16, #tpu.memory_space<vmem>>, vector<32xbf16>,
          %mul3A_342 = arith.mulf %mul3A_338, %get3A_341 : vector<32xbf16>
          %unpack3A_343 = tpu.unpack_subelements %mul3A_342, 0 {pack_format = #tpu.pack_format<interleaved>} : vector<32xbf16> -> vector<16xf32>
          %unpack3A_344 = tpu.unpack_subelements %mul3A_342, 1 {pack_format = #tpu.pack_format<interleaved>} : vector<32xbf16> -> vector<16xf32>
          %add3A_345 = arith.addf %unpack3A_343, %unpack3A_344 : vector<16xf32>
          %xor3A_346 = arith.constant 8 : i32
          %xor3A_347 = vector.broadcast %xor3A_346 : i32 to vector<16xi32>
          %xor3A_348 = arith.xori %iota3A, %xor3A_347 : vector<16xi32>
          %broadcast_in_dim3A_349 = vector.shape_cast %xor3A_348 : vector<16xi32> to vector<16x1xi32>
          %gather3A_350 = vector.shape_cast %broadcast_in_dim3A_349 : vector<16x1xi32> to vector<16xi32>
          %gather3A_351 = tpu.dynamic_gather %add3A_345[%gather3A_350] in [0] : vector<16xf32>, vector<16xi32> -> vector<16xf32>
          %add3A_352 = arith.addf %add3A_345, %gather3A_351 : vector<16xf32>
          %xor3A_353 = arith.constant 4 : i32
          %xor3A_354 = vector.broadcast %xor3A_353 : i32 to vector<16xi32>
          %xor3A_355 = arith.xori %iota3A, %xor3A_354 : vector<16xi32>
          %broadcast_in_dim3A_356 = vector.shape_cast %xor3A_355 : vector<16xi32> to vector<16x1xi32>
          %gather3A_357 = vector.shape_cast %broadcast_in_dim3A_356 : vector<16x1xi32> to vector<16xi32>
          %gather3A_358 = tpu.dynamic_gather %add3A_352[%gather3A_357] in [0] : vector<16xf32>, vector<16xi32> -> vector<16xf32>
          %add3A_359 = arith.addf %add3A_352, %gather3A_358 : vector<16xf32>
          %xor3A_360 = arith.constant 2 : i32
          %xor3A_361 = vector.broadcast %xor3A_360 : i32 to vector<16xi32>
          %xor3A_362 = arith.xori %iota3A, %xor3A_361 : vector<16xi32>
          %broadcast_in_dim3A_363 = vector.shape_cast %xor3A_362 : vector<16xi32> to vector<16x1xi32>
          %gather3A_364 = vector.shape_cast %broadcast_in_dim3A_363 : vector<16x1xi32> to vector<16xi32>
          %gather3A_365 = tpu.dynamic_gather %add3A_359[%gather3A_364] in [0] : vector<16xf32>, vector<16xi32> -> vector<16xf32>
          %add3A_366 = arith.addf %add3A_359, %gather3A_365 : vector<16xf32>
          %xor3A_367 = arith.constant 1 : i32
          %xor3A_368 = vector.broadcast %xor3A_367 : i32 to vector<16xi32>
          %xor3A_369 = arith.xori %iota3A, %xor3A_368 : vector<16xi32>
          %broadcast_in_dim3A_370 = vector.shape_cast %xor3A_369 : vector<16xi32> to vector<16x1xi32>
          %gather3A_371 = vector.shape_cast %broadcast_in_dim3A_370 : vector<16x1xi32> to vector<16xi32>
          %gather3A_372 = tpu.dynamic_gather %add3A_366[%gather3A_371] in [0] : vector<16xf32>, vector<16xi32> -> vector<16xf32>
          %add3A_373 = arith.addf %add3A_366, %gather3A_372 : vector<16xf32>
          %mul3A_374 = arith.mulf %add3A_373, %convert_element_type3A_28 : vector<16xf32>
          %add3A_375 = arith.addf %add3A_331, %mul3A_374 : vector<16xf32>
          %get3A_376 = arith.index_cast %scan3A_114 : i32 to index
          %get3A_377 = arith.constant 192 : index
          %get3A_378 = tpu.vector_load %arg10[%get3A_376, %get3A_377] {strides = array<i32>} : memref<128x256xbf16, #tpu.memory_space<vmem>>, vector<32xbf16>,
          %get3A_379 = arith.index_cast %scan3A_114 : i32 to index
          %get3A_380 = arith.constant 192 : index
          %get3A_381 = tpu.vector_load %arg11[%get3A_379, %get3A_380] {strides = array<i32>} : memref<128x256xbf16, #tpu.memory_space<vmem>>, vector<32xbf16>,
          %mul3A_382 = arith.mulf %get3A_378, %get3A_381 : vector<32xbf16>
          %get3A_383 = arith.index_cast %scan3A_114 : i32 to index
          %get3A_384 = arith.constant 192 : index
          %get3A_385 = tpu.vector_load %arg12[%get3A_383, %get3A_384] {strides = array<i32>} : memref<128x256xbf16, #tpu.memory_space<vmem>>, vector<32xbf16>,
          %mul3A_386 = arith.mulf %mul3A_382, %get3A_385 : vector<32xbf16>
          %unpack3A_387 = tpu.unpack_subelements %mul3A_386, 0 {pack_format = #tpu.pack_format<interleaved>} : vector<32xbf16> -> vector<16xf32>
          %unpack3A_388 = tpu.unpack_subelements %mul3A_386, 1 {pack_format = #tpu.pack_format<interleaved>} : vector<32xbf16> -> vector<16xf32>
          %add3A_389 = arith.addf %unpack3A_387, %unpack3A_388 : vector<16xf32>
          %xor3A_390 = arith.constant 8 : i32
          %xor3A_391 = vector.broadcast %xor3A_390 : i32 to vector<16xi32>
          %xor3A_392 = arith.xori %iota3A, %xor3A_391 : vector<16xi32>
          %broadcast_in_dim3A_393 = vector.shape_cast %xor3A_392 : vector<16xi32> to vector<16x1xi32>
          %gather3A_394 = vector.shape_cast %broadcast_in_dim3A_393 : vector<16x1xi32> to vector<16xi32>
          %gather3A_395 = tpu.dynamic_gather %add3A_389[%gather3A_394] in [0] : vector<16xf32>, vector<16xi32> -> vector<16xf32>
          %add3A_396 = arith.addf %add3A_389, %gather3A_395 : vector<16xf32>
          %xor3A_397 = arith.constant 4 : i32
          %xor3A_398 = vector.broadcast %xor3A_397 : i32 to vector<16xi32>
          %xor3A_399 = arith.xori %iota3A, %xor3A_398 : vector<16xi32>
          %broadcast_in_dim3A_400 = vector.shape_cast %xor3A_399 : vector<16xi32> to vector<16x1xi32>
          %gather3A_401 = vector.shape_cast %broadcast_in_dim3A_400 : vector<16x1xi32> to vector<16xi32>
          %gather3A_402 = tpu.dynamic_gather %add3A_396[%gather3A_401] in [0] : vector<16xf32>, vector<16xi32> -> vector<16xf32>
          %add3A_403 = arith.addf %add3A_396, %gather3A_402 : vector<16xf32>
          %xor3A_404 = arith.constant 2 : i32
          %xor3A_405 = vector.broadcast %xor3A_404 : i32 to vector<16xi32>
          %xor3A_406 = arith.xori %iota3A, %xor3A_405 : vector<16xi32>
          %broadcast_in_dim3A_407 = vector.shape_cast %xor3A_406 : vector<16xi32> to vector<16x1xi32>
          %gather3A_408 = vector.shape_cast %broadcast_in_dim3A_407 : vector<16x1xi32> to vector<16xi32>
          %gather3A_409 = tpu.dynamic_gather %add3A_403[%gather3A_408] in [0] : vector<16xf32>, vector<16xi32> -> vector<16xf32>
          %add3A_410 = arith.addf %add3A_403, %gather3A_409 : vector<16xf32>
          %xor3A_411 = arith.constant 1 : i32
          %xor3A_412 = vector.broadcast %xor3A_411 : i32 to vector<16xi32>
          %xor3A_413 = arith.xori %iota3A, %xor3A_412 : vector<16xi32>
          %broadcast_in_dim3A_414 = vector.shape_cast %xor3A_413 : vector<16xi32> to vector<16x1xi32>
          %gather3A_415 = vector.shape_cast %broadcast_in_dim3A_414 : vector<16x1xi32> to vector<16xi32>
          %gather3A_416 = tpu.dynamic_gather %add3A_410[%gather3A_415] in [0] : vector<16xf32>, vector<16xi32> -> vector<16xf32>
          %add3A_417 = arith.addf %add3A_410, %gather3A_416 : vector<16xf32>
          %mul3A_418 = arith.mulf %add3A_417, %convert_element_type3A_33 : vector<16xf32>
          %add3A_419 = arith.addf %add3A_375, %mul3A_418 : vector<16xf32>
          %get3A_420 = arith.index_cast %scan3A_114 : i32 to index
          %get3A_421 = arith.constant 224 : index
          %get3A_422 = tpu.vector_load %arg10[%get3A_420, %get3A_421] {strides = array<i32>} : memref<128x256xbf16, #tpu.memory_space<vmem>>, vector<32xbf16>,
          %get3A_423 = arith.index_cast %scan3A_114 : i32 to index
          %get3A_424 = arith.constant 224 : index
          %get3A_425 = tpu.vector_load %arg11[%get3A_423, %get3A_424] {strides = array<i32>} : memref<128x256xbf16, #tpu.memory_space<vmem>>, vector<32xbf16>,
          %mul3A_426 = arith.mulf %get3A_422, %get3A_425 : vector<32xbf16>
          %get3A_427 = arith.index_cast %scan3A_114 : i32 to index
          %get3A_428 = arith.constant 224 : index
          %get3A_429 = tpu.vector_load %arg12[%get3A_427, %get3A_428] {strides = array<i32>} : memref<128x256xbf16, #tpu.memory_space<vmem>>, vector<32xbf16>,
          %mul3A_430 = arith.mulf %mul3A_426, %get3A_429 : vector<32xbf16>
          %unpack3A_431 = tpu.unpack_subelements %mul3A_430, 0 {pack_format = #tpu.pack_format<interleaved>} : vector<32xbf16> -> vector<16xf32>
          %unpack3A_432 = tpu.unpack_subelements %mul3A_430, 1 {pack_format = #tpu.pack_format<interleaved>} : vector<32xbf16> -> vector<16xf32>
          %add3A_433 = arith.addf %unpack3A_431, %unpack3A_432 : vector<16xf32>
          %xor3A_434 = arith.constant 8 : i32
          %xor3A_435 = vector.broadcast %xor3A_434 : i32 to vector<16xi32>
          %xor3A_436 = arith.xori %iota3A, %xor3A_435 : vector<16xi32>
          %broadcast_in_dim3A_437 = vector.shape_cast %xor3A_436 : vector<16xi32> to vector<16x1xi32>
          %gather3A_438 = vector.shape_cast %broadcast_in_dim3A_437 : vector<16x1xi32> to vector<16xi32>
          %gather3A_439 = tpu.dynamic_gather %add3A_433[%gather3A_438] in [0] : vector<16xf32>, vector<16xi32> -> vector<16xf32>
          %add3A_440 = arith.addf %add3A_433, %gather3A_439 : vector<16xf32>
          %xor3A_441 = arith.constant 4 : i32
          %xor3A_442 = vector.broadcast %xor3A_441 : i32 to vector<16xi32>
          %xor3A_443 = arith.xori %iota3A, %xor3A_442 : vector<16xi32>
          %broadcast_in_dim3A_444 = vector.shape_cast %xor3A_443 : vector<16xi32> to vector<16x1xi32>
          %gather3A_445 = vector.shape_cast %broadcast_in_dim3A_444 : vector<16x1xi32> to vector<16xi32>
          %gather3A_446 = tpu.dynamic_gather %add3A_440[%gather3A_445] in [0] : vector<16xf32>, vector<16xi32> -> vector<16xf32>
          %add3A_447 = arith.addf %add3A_440, %gather3A_446 : vector<16xf32>
          %xor3A_448 = arith.constant 2 : i32
          %xor3A_449 = vector.broadcast %xor3A_448 : i32 to vector<16xi32>
          %xor3A_450 = arith.xori %iota3A, %xor3A_449 : vector<16xi32>
          %broadcast_in_dim3A_451 = vector.shape_cast %xor3A_450 : vector<16xi32> to vector<16x1xi32>
          %gather3A_452 = vector.shape_cast %broadcast_in_dim3A_451 : vector<16x1xi32> to vector<16xi32>
          %gather3A_453 = tpu.dynamic_gather %add3A_447[%gather3A_452] in [0] : vector<16xf32>, vector<16xi32> -> vector<16xf32>
          %add3A_454 = arith.addf %add3A_447, %gather3A_453 : vector<16xf32>
          %xor3A_455 = arith.constant 1 : i32
          %xor3A_456 = vector.broadcast %xor3A_455 : i32 to vector<16xi32>
          %xor3A_457 = arith.xori %iota3A, %xor3A_456 : vector<16xi32>
          %broadcast_in_dim3A_458 = vector.shape_cast %xor3A_457 : vector<16xi32> to vector<16x1xi32>
          %gather3A_459 = vector.shape_cast %broadcast_in_dim3A_458 : vector<16x1xi32> to vector<16xi32>
          %gather3A_460 = tpu.dynamic_gather %add3A_454[%gather3A_459] in [0] : vector<16xf32>, vector<16xi32> -> vector<16xf32>
          %add3A_461 = arith.addf %add3A_454, %gather3A_460 : vector<16xf32>
          %mul3A_462 = arith.mulf %add3A_461, %convert_element_type3A_38 : vector<16xf32>
          %add3A_463 = arith.addf %add3A_419, %mul3A_462 : vector<16xf32>
          %mul3A_464 = arith.constant 0.176776692 : f32
          %mul3A_465 = vector.broadcast %mul3A_464 : f32 to vector<16xf32>
          %mul3A_466 = arith.mulf %add3A_463, %mul3A_465 : vector<16xf32>
          %jit3A = arith.constant -5.000000e+00 : f32
          %jit3A_467 = arith.constant 5.000000e+00 : f32
          %max3A = vector.broadcast %jit3A : f32 to vector<16xf32>
          %max3A_468 = arith.maximumf %max3A, %mul3A_466 : vector<16xf32>
          %min3A = vector.broadcast %jit3A_467 : f32 to vector<16xf32>
          %min3A_469 = arith.minimumf %min3A, %max3A_468 : vector<16xf32>
          %exp3A = math.exp %min3A_469 : vector<16xf32>
          %mul3A_470 = arith.mulf %exp3A, %convert_element_type3A_42 : vector<16xf32>
          %swap3A = arith.index_cast %scan3A_114 : i32 to index
          %swap3A_471 = arith.constant 0 : index
          %swap3A_472 = tpu.vector_load %arg18[%swap3A, %swap3A_471] {strides = array<i32>} : memref<128x16xf32, #tpu.memory_space<vmem>>, vector<16xf32>,
          tpu.vector_store %arg18[%swap3A, %swap3A_471], %mul3A_470 {strides = array<i32>} : memref<128x16xf32, #tpu.memory_space<vmem>>, vector<16xf32>,
        }
        %scan3A_111 = arith.constant 128 : i32
        %mul3A_112 = arith.constant 128 : i32
        %mul3A_113 = arith.muli %add3A_69, %mul3A_112 : i32
        "tpu.region"() ({
          %run_scoped3A = tpu.sem_alloc : memref<!tpu.dma_semaphore, #tpu.memory_space<semaphore_mem>>
          %dma_start3A = arith.constant 0 : i32
          %dma_start3A_114 = tpu.memref_slice %arg7[%mul3A_113, %dma_start3A] : memref<160000x16xf32, #tpu.memory_space<hbm>> -> memref<128x16xf32, #tpu.memory_space<hbm>>
          %dma_start3A_115 = arith.constant 0 : i32
          %dma_start3A_116 = tpu.memref_slice %arg7[%mul3A_113, %dma_start3A_115] : memref<160000x16xf32, #tpu.memory_space<hbm>> -> memref<128x16xf32, #tpu.memory_space<hbm>>
          tpu.enqueue_dma source(%arg18 : memref<128x16xf32, #tpu.memory_space<vmem>>) target(%dma_start3A_116 : memref<128x16xf32, #tpu.memory_space<hbm>>) target_semaphore(%run_scoped3A : memref<!tpu.dma_semaphore, #tpu.memory_space<semaphore_mem>>)
          %dma_wait3A_117 = arith.constant 0 : i32
          %dma_wait3A_118 = tpu.memref_slice %arg7[%mul3A_113, %dma_wait3A_117] : memref<160000x16xf32, #tpu.memory_space<hbm>> -> memref<128x16xf32, #tpu.memory_space<hbm>>
          %dma_wait3A_119 = arith.constant 0 : i32
          %dma_wait3A_120 = tpu.memref_slice %arg7[%mul3A_113, %dma_wait3A_119] : memref<160000x16xf32, #tpu.memory_space<hbm>> -> memref<128x16xf32, #tpu.memory_space<hbm>>
          tpu.wait_dma2 semaphore(%run_scoped3A : memref<!tpu.dma_semaphore, #tpu.memory_space<semaphore_mem>>) src(%arg18 : memref<128x16xf32, #tpu.memory_space<vmem>>) dst(%dma_wait3A_120 : memref<128x16xf32, #tpu.memory_space<hbm>>)
          tpu.yield
        }) : () -> ()
      } else {
      }
      %add3A_75 = arith.constant 2 : i32
      %add3A_76 = arith.addi %mul3A_56, %add3A_75 : i32
      %mul3A_77 = arith.constant 32 : i32
      %mul3A_78 = arith.muli %add3A_76, %mul3A_77 : i32
      %add3A_79 = arith.addi %add3A, %mul3A_78 : i32
      %lt3A_80 = arith.constant 1250 : i32
      %lt3A_81 = arith.cmpi slt, %add3A_79, %lt3A_80 : i32
      %convert_element_type3A_82 = arith.extui %lt3A_81 : i1 to i32
      %cond3A_83 = arith.constant 0 : i32
      %cond3A_84 = arith.cmpi ne, %convert_element_type3A_82, %cond3A_83 : i32
      scf.if %cond3A_84 {
        %mul3A_95 = arith.constant 128 : i32
        %mul3A_96 = arith.muli %add3A_79, %mul3A_95 : i32
        "tpu.region"() ({
          %run_scoped3A = tpu.sem_alloc : memref<!tpu.dma_semaphore, #tpu.memory_space<semaphore_mem>>
          %dma_start3A_106 = tpu.memref_slice %arg2[%mul3A_96] : memref<160000xi32, #tpu.memory_space<hbm>> -> memref<128xi32, #tpu.memory_space<hbm>>
          %dma_start3A_107 = tpu.memref_slice %arg2[%mul3A_96] : memref<160000xi32, #tpu.memory_space<hbm>> -> memref<128xi32, #tpu.memory_space<hbm>>
          tpu.enqueue_dma source(%dma_start3A_107 : memref<128xi32, #tpu.memory_space<hbm>>) target(%arg8 : memref<128xi32, #tpu.memory_space<vmem>>) target_semaphore(%run_scoped3A : memref<!tpu.dma_semaphore, #tpu.memory_space<semaphore_mem>>)
          %dma_wait3A = tpu.memref_slice %arg2[%mul3A_96] : memref<160000xi32, #tpu.memory_space<hbm>> -> memref<128xi32, #tpu.memory_space<hbm>>
          %dma_wait3A_108 = tpu.memref_slice %arg2[%mul3A_96] : memref<160000xi32, #tpu.memory_space<hbm>> -> memref<128xi32, #tpu.memory_space<hbm>>
          tpu.wait_dma2 semaphore(%run_scoped3A : memref<!tpu.dma_semaphore, #tpu.memory_space<semaphore_mem>>) src(%dma_wait3A_108 : memref<128xi32, #tpu.memory_space<hbm>>) dst(%arg8 : memref<128xi32, #tpu.memory_space<vmem>>)
          tpu.yield
        }) : () -> ()
        "tpu.region"() ({
          %run_scoped3A = tpu.sem_alloc : memref<!tpu.dma_semaphore, #tpu.memory_space<semaphore_mem>>
          %dma_start3A_106 = tpu.memref_slice %arg3[%mul3A_96] : memref<160000xi32, #tpu.memory_space<hbm>> -> memref<128xi32, #tpu.memory_space<hbm>>
          %dma_start3A_107 = tpu.memref_slice %arg3[%mul3A_96] : memref<160000xi32, #tpu.memory_space<hbm>> -> memref<128xi32, #tpu.memory_space<hbm>>
          tpu.enqueue_dma source(%dma_start3A_107 : memref<128xi32, #tpu.memory_space<hbm>>) target(%arg9 : memref<128xi32, #tpu.memory_space<vmem>>) target_semaphore(%run_scoped3A : memref<!tpu.dma_semaphore, #tpu.memory_space<semaphore_mem>>)
          %dma_wait3A = tpu.memref_slice %arg3[%mul3A_96] : memref<160000xi32, #tpu.memory_space<hbm>> -> memref<128xi32, #tpu.memory_space<hbm>>
          %dma_wait3A_108 = tpu.memref_slice %arg3[%mul3A_96] : memref<160000xi32, #tpu.memory_space<hbm>> -> memref<128xi32, #tpu.memory_space<hbm>>
          tpu.wait_dma2 semaphore(%run_scoped3A : memref<!tpu.dma_semaphore, #tpu.memory_space<semaphore_mem>>) src(%dma_wait3A_108 : memref<128xi32, #tpu.memory_space<hbm>>) dst(%arg9 : memref<128xi32, #tpu.memory_space<vmem>>)
          tpu.yield
        }) : () -> ()
        %dma_start3A = arith.constant 0 : i32
        %dma_start3A_97 = arith.constant 0 : i32
        %dma_start3A_98 = tpu.memref_slice %arg4[%dma_start3A, %dma_start3A_97] : memref<10000x256xbf16, #tpu.memory_space<hbm>> -> memref<10000x256xbf16, #tpu.memory_space<hbm>>
        tpu.enqueue_indirect_dma source(%dma_start3A_98 : memref<10000x256xbf16, #tpu.memory_space<hbm>>) target(%arg10 : memref<128x256xbf16, #tpu.memory_space<vmem>>) offsets(%arg8 : memref<128xi32, #tpu.memory_space<vmem>>) semaphore(%arg19 : memref<!tpu.dma_semaphore, #tpu.memory_space<semaphore_mem>>)
        %dma_start3A_99 = arith.constant 0 : i32
        %dma_start3A_100 = arith.constant 0 : i32
        %dma_start3A_101 = tpu.memref_slice %arg5[%dma_start3A_99, %dma_start3A_100] : memref<10000x256xbf16, #tpu.memory_space<hbm>> -> memref<10000x256xbf16, #tpu.memory_space<hbm>>
        tpu.enqueue_indirect_dma source(%dma_start3A_101 : memref<10000x256xbf16, #tpu.memory_space<hbm>>) target(%arg11 : memref<128x256xbf16, #tpu.memory_space<vmem>>) offsets(%arg9 : memref<128xi32, #tpu.memory_space<vmem>>) semaphore(%arg20 : memref<!tpu.dma_semaphore, #tpu.memory_space<semaphore_mem>>)
        %dma_start3A_102 = arith.constant 0 : i32
        %dma_start3A_103 = tpu.memref_slice %arg6[%mul3A_96, %dma_start3A_102] : memref<160000x256xbf16, #tpu.memory_space<hbm>> -> memref<128x256xbf16, #tpu.memory_space<hbm>>
        %dma_start3A_104 = arith.constant 0 : i32
        %dma_start3A_105 = tpu.memref_slice %arg6[%mul3A_96, %dma_start3A_104] : memref<160000x256xbf16, #tpu.memory_space<hbm>> -> memref<128x256xbf16, #tpu.memory_space<hbm>>
        tpu.enqueue_dma source(%dma_start3A_105 : memref<128x256xbf16, #tpu.memory_space<hbm>>) target(%arg12 : memref<128x256xbf16, #tpu.memory_space<vmem>>) target_semaphore(%arg21 : memref<!tpu.dma_semaphore, #tpu.memory_space<semaphore_mem>>)
      } else {
      }
      %add3A_85 = arith.constant 1 : i32
      %add3A_86 = arith.addi %mul3A_56, %add3A_85 : i32
      %mul3A_87 = arith.constant 32 : i32
      %mul3A_88 = arith.muli %add3A_86, %mul3A_87 : i32
      %add3A_89 = arith.addi %add3A, %mul3A_88 : i32
      %lt3A_90 = arith.constant 1250 : i32
      %lt3A_91 = arith.cmpi slt, %add3A_89, %lt3A_90 : i32
      %convert_element_type3A_92 = arith.extui %lt3A_91 : i1 to i32
      %cond3A_93 = arith.constant 0 : i32
      %cond3A_94 = arith.cmpi ne, %convert_element_type3A_92, %cond3A_93 : i32
      scf.if %cond3A_94 {
        %dma_wait3A = arith.constant 0 : i32
        %dma_wait3A_95 = arith.constant 0 : i32
        %dma_wait3A_96 = tpu.memref_slice %arg4[%dma_wait3A, %dma_wait3A_95] : memref<10000x256xbf16, #tpu.memory_space<hbm>> -> memref<10000x256xbf16, #tpu.memory_space<hbm>>
        tpu.wait_indirect_dma semaphore(%arg22 : memref<!tpu.dma_semaphore, #tpu.memory_space<semaphore_mem>>) src(%dma_wait3A_96 : memref<10000x256xbf16, #tpu.memory_space<hbm>>) dst(%arg15 : memref<128x256xbf16, #tpu.memory_space<vmem>>)
        %dma_wait3A_97 = arith.constant 0 : i32
        %dma_wait3A_98 = arith.constant 0 : i32
        %dma_wait3A_99 = tpu.memref_slice %arg5[%dma_wait3A_97, %dma_wait3A_98] : memref<10000x256xbf16, #tpu.memory_space<hbm>> -> memref<10000x256xbf16, #tpu.memory_space<hbm>>
        tpu.wait_indirect_dma semaphore(%arg23 : memref<!tpu.dma_semaphore, #tpu.memory_space<semaphore_mem>>) src(%dma_wait3A_99 : memref<10000x256xbf16, #tpu.memory_space<hbm>>) dst(%arg16 : memref<128x256xbf16, #tpu.memory_space<vmem>>)
        %mul3A_100 = arith.constant 128 : i32
        %mul3A_101 = arith.muli %add3A_89, %mul3A_100 : i32
        %dma_wait3A_102 = arith.constant 0 : i32
        %dma_wait3A_103 = tpu.memref_slice %arg6[%mul3A_101, %dma_wait3A_102] : memref<160000x256xbf16, #tpu.memory_space<hbm>> -> memref<128x256xbf16, #tpu.memory_space<hbm>>
        %dma_wait3A_104 = arith.constant 0 : i32
        %dma_wait3A_105 = tpu.memref_slice %arg6[%mul3A_101, %dma_wait3A_104] : memref<160000x256xbf16, #tpu.memory_space<hbm>> -> memref<128x256xbf16, #tpu.memory_space<hbm>>
        tpu.wait_dma2 semaphore(%arg24 : memref<!tpu.dma_semaphore, #tpu.memory_space<semaphore_mem>>) src(%dma_wait3A_105 : memref<128x256xbf16, #tpu.memory_space<hbm>>) dst(%arg17 : memref<128x256xbf16, #tpu.memory_space<vmem>>)
        %scan3A_106 = arith.constant 0 : i32
        %scan3A_107 = arith.constant 0 : i32
        %scan3A_108 = arith.constant 128 : i32
        %scan3A_109 = arith.addi %scan3A_107, %scan3A_108 : i32
        %scan3A_110 = arith.constant 1 : i32
        scf.for %scan3A_114 = %scan3A_107 to %scan3A_109 step %scan3A_110  : i32 {
          %broadcast_in_dim3A = arith.constant 0.000000e+00 : f32
          %broadcast_in_dim3A_115 = vector.broadcast %broadcast_in_dim3A : f32 to vector<16xf32>
          %get3A = arith.index_cast %scan3A_114 : i32 to index
          %get3A_116 = arith.constant 0 : index
          %get3A_117 = tpu.vector_load %arg15[%get3A, %get3A_116] {strides = array<i32>} : memref<128x256xbf16, #tpu.memory_space<vmem>>, vector<32xbf16>,
          %get3A_118 = arith.index_cast %scan3A_114 : i32 to index
          %get3A_119 = arith.constant 0 : index
          %get3A_120 = tpu.vector_load %arg16[%get3A_118, %get3A_119] {strides = array<i32>} : memref<128x256xbf16, #tpu.memory_space<vmem>>, vector<32xbf16>,
          %mul3A_121 = arith.mulf %get3A_117, %get3A_120 : vector<32xbf16>
          %get3A_122 = arith.index_cast %scan3A_114 : i32 to index
          %get3A_123 = arith.constant 0 : index
          %get3A_124 = tpu.vector_load %arg17[%get3A_122, %get3A_123] {strides = array<i32>} : memref<128x256xbf16, #tpu.memory_space<vmem>>, vector<32xbf16>,
          %mul3A_125 = arith.mulf %mul3A_121, %get3A_124 : vector<32xbf16>
          %unpack3A = tpu.unpack_subelements %mul3A_125, 0 {pack_format = #tpu.pack_format<interleaved>} : vector<32xbf16> -> vector<16xf32>
          %unpack3A_126 = tpu.unpack_subelements %mul3A_125, 1 {pack_format = #tpu.pack_format<interleaved>} : vector<32xbf16> -> vector<16xf32>
          %add3A_127 = arith.addf %unpack3A, %unpack3A_126 : vector<16xf32>
          %xor3A = arith.constant 8 : i32
          %xor3A_128 = vector.broadcast %xor3A : i32 to vector<16xi32>
          %xor3A_129 = arith.xori %iota3A, %xor3A_128 : vector<16xi32>
          %broadcast_in_dim3A_130 = vector.shape_cast %xor3A_129 : vector<16xi32> to vector<16x1xi32>
          %gather3A = vector.shape_cast %broadcast_in_dim3A_130 : vector<16x1xi32> to vector<16xi32>
          %gather3A_131 = tpu.dynamic_gather %add3A_127[%gather3A] in [0] : vector<16xf32>, vector<16xi32> -> vector<16xf32>
          %add3A_132 = arith.addf %add3A_127, %gather3A_131 : vector<16xf32>
          %xor3A_133 = arith.constant 4 : i32
          %xor3A_134 = vector.broadcast %xor3A_133 : i32 to vector<16xi32>
          %xor3A_135 = arith.xori %iota3A, %xor3A_134 : vector<16xi32>
          %broadcast_in_dim3A_136 = vector.shape_cast %xor3A_135 : vector<16xi32> to vector<16x1xi32>
          %gather3A_137 = vector.shape_cast %broadcast_in_dim3A_136 : vector<16x1xi32> to vector<16xi32>
          %gather3A_138 = tpu.dynamic_gather %add3A_132[%gather3A_137] in [0] : vector<16xf32>, vector<16xi32> -> vector<16xf32>
          %add3A_139 = arith.addf %add3A_132, %gather3A_138 : vector<16xf32>
          %xor3A_140 = arith.constant 2 : i32
          %xor3A_141 = vector.broadcast %xor3A_140 : i32 to vector<16xi32>
          %xor3A_142 = arith.xori %iota3A, %xor3A_141 : vector<16xi32>
          %broadcast_in_dim3A_143 = vector.shape_cast %xor3A_142 : vector<16xi32> to vector<16x1xi32>
          %gather3A_144 = vector.shape_cast %broadcast_in_dim3A_143 : vector<16x1xi32> to vector<16xi32>
          %gather3A_145 = tpu.dynamic_gather %add3A_139[%gather3A_144] in [0] : vector<16xf32>, vector<16xi32> -> vector<16xf32>
          %add3A_146 = arith.addf %add3A_139, %gather3A_145 : vector<16xf32>
          %xor3A_147 = arith.constant 1 : i32
          %xor3A_148 = vector.broadcast %xor3A_147 : i32 to vector<16xi32>
          %xor3A_149 = arith.xori %iota3A, %xor3A_148 : vector<16xi32>
          %broadcast_in_dim3A_150 = vector.shape_cast %xor3A_149 : vector<16xi32> to vector<16x1xi32>
          %gather3A_151 = vector.shape_cast %broadcast_in_dim3A_150 : vector<16x1xi32> to vector<16xi32>
          %gather3A_152 = tpu.dynamic_gather %add3A_146[%gather3A_151] in [0] : vector<16xf32>, vector<16xi32> -> vector<16xf32>
          %add3A_153 = arith.addf %add3A_146, %gather3A_152 : vector<16xf32>
          %mul3A_154 = arith.mulf %add3A_153, %convert_element_type3A_3 : vector<16xf32>
          %add3A_155 = arith.addf %broadcast_in_dim3A_115, %mul3A_154 : vector<16xf32>
          %get3A_156 = arith.index_cast %scan3A_114 : i32 to index
          %get3A_157 = arith.constant 32 : index
          %get3A_158 = tpu.vector_load %arg15[%get3A_156, %get3A_157] {strides = array<i32>} : memref<128x256xbf16, #tpu.memory_space<vmem>>, vector<32xbf16>,
          %get3A_159 = arith.index_cast %scan3A_114 : i32 to index
          %get3A_160 = arith.constant 32 : index
          %get3A_161 = tpu.vector_load %arg16[%get3A_159, %get3A_160] {strides = array<i32>} : memref<128x256xbf16, #tpu.memory_space<vmem>>, vector<32xbf16>,
          %mul3A_162 = arith.mulf %get3A_158, %get3A_161 : vector<32xbf16>
          %get3A_163 = arith.index_cast %scan3A_114 : i32 to index
          %get3A_164 = arith.constant 32 : index
          %get3A_165 = tpu.vector_load %arg17[%get3A_163, %get3A_164] {strides = array<i32>} : memref<128x256xbf16, #tpu.memory_space<vmem>>, vector<32xbf16>,
          %mul3A_166 = arith.mulf %mul3A_162, %get3A_165 : vector<32xbf16>
          %unpack3A_167 = tpu.unpack_subelements %mul3A_166, 0 {pack_format = #tpu.pack_format<interleaved>} : vector<32xbf16> -> vector<16xf32>
          %unpack3A_168 = tpu.unpack_subelements %mul3A_166, 1 {pack_format = #tpu.pack_format<interleaved>} : vector<32xbf16> -> vector<16xf32>
          %add3A_169 = arith.addf %unpack3A_167, %unpack3A_168 : vector<16xf32>
          %xor3A_170 = arith.constant 8 : i32
          %xor3A_171 = vector.broadcast %xor3A_170 : i32 to vector<16xi32>
          %xor3A_172 = arith.xori %iota3A, %xor3A_171 : vector<16xi32>
          %broadcast_in_dim3A_173 = vector.shape_cast %xor3A_172 : vector<16xi32> to vector<16x1xi32>
          %gather3A_174 = vector.shape_cast %broadcast_in_dim3A_173 : vector<16x1xi32> to vector<16xi32>
          %gather3A_175 = tpu.dynamic_gather %add3A_169[%gather3A_174] in [0] : vector<16xf32>, vector<16xi32> -> vector<16xf32>
          %add3A_176 = arith.addf %add3A_169, %gather3A_175 : vector<16xf32>
          %xor3A_177 = arith.constant 4 : i32
          %xor3A_178 = vector.broadcast %xor3A_177 : i32 to vector<16xi32>
          %xor3A_179 = arith.xori %iota3A, %xor3A_178 : vector<16xi32>
          %broadcast_in_dim3A_180 = vector.shape_cast %xor3A_179 : vector<16xi32> to vector<16x1xi32>
          %gather3A_181 = vector.shape_cast %broadcast_in_dim3A_180 : vector<16x1xi32> to vector<16xi32>
          %gather3A_182 = tpu.dynamic_gather %add3A_176[%gather3A_181] in [0] : vector<16xf32>, vector<16xi32> -> vector<16xf32>
          %add3A_183 = arith.addf %add3A_176, %gather3A_182 : vector<16xf32>
          %xor3A_184 = arith.constant 2 : i32
          %xor3A_185 = vector.broadcast %xor3A_184 : i32 to vector<16xi32>
          %xor3A_186 = arith.xori %iota3A, %xor3A_185 : vector<16xi32>
          %broadcast_in_dim3A_187 = vector.shape_cast %xor3A_186 : vector<16xi32> to vector<16x1xi32>
          %gather3A_188 = vector.shape_cast %broadcast_in_dim3A_187 : vector<16x1xi32> to vector<16xi32>
          %gather3A_189 = tpu.dynamic_gather %add3A_183[%gather3A_188] in [0] : vector<16xf32>, vector<16xi32> -> vector<16xf32>
          %add3A_190 = arith.addf %add3A_183, %gather3A_189 : vector<16xf32>
          %xor3A_191 = arith.constant 1 : i32
          %xor3A_192 = vector.broadcast %xor3A_191 : i32 to vector<16xi32>
          %xor3A_193 = arith.xori %iota3A, %xor3A_192 : vector<16xi32>
          %broadcast_in_dim3A_194 = vector.shape_cast %xor3A_193 : vector<16xi32> to vector<16x1xi32>
          %gather3A_195 = vector.shape_cast %broadcast_in_dim3A_194 : vector<16x1xi32> to vector<16xi32>
          %gather3A_196 = tpu.dynamic_gather %add3A_190[%gather3A_195] in [0] : vector<16xf32>, vector<16xi32> -> vector<16xf32>
          %add3A_197 = arith.addf %add3A_190, %gather3A_196 : vector<16xf32>
          %mul3A_198 = arith.mulf %add3A_197, %convert_element_type3A_8 : vector<16xf32>
          %add3A_199 = arith.addf %add3A_155, %mul3A_198 : vector<16xf32>
          %get3A_200 = arith.index_cast %scan3A_114 : i32 to index
          %get3A_201 = arith.constant 64 : index
          %get3A_202 = tpu.vector_load %arg15[%get3A_200, %get3A_201] {strides = array<i32>} : memref<128x256xbf16, #tpu.memory_space<vmem>>, vector<32xbf16>,
          %get3A_203 = arith.index_cast %scan3A_114 : i32 to index
          %get3A_204 = arith.constant 64 : index
          %get3A_205 = tpu.vector_load %arg16[%get3A_203, %get3A_204] {strides = array<i32>} : memref<128x256xbf16, #tpu.memory_space<vmem>>, vector<32xbf16>,
          %mul3A_206 = arith.mulf %get3A_202, %get3A_205 : vector<32xbf16>
          %get3A_207 = arith.index_cast %scan3A_114 : i32 to index
          %get3A_208 = arith.constant 64 : index
          %get3A_209 = tpu.vector_load %arg17[%get3A_207, %get3A_208] {strides = array<i32>} : memref<128x256xbf16, #tpu.memory_space<vmem>>, vector<32xbf16>,
          %mul3A_210 = arith.mulf %mul3A_206, %get3A_209 : vector<32xbf16>
          %unpack3A_211 = tpu.unpack_subelements %mul3A_210, 0 {pack_format = #tpu.pack_format<interleaved>} : vector<32xbf16> -> vector<16xf32>
          %unpack3A_212 = tpu.unpack_subelements %mul3A_210, 1 {pack_format = #tpu.pack_format<interleaved>} : vector<32xbf16> -> vector<16xf32>
          %add3A_213 = arith.addf %unpack3A_211, %unpack3A_212 : vector<16xf32>
          %xor3A_214 = arith.constant 8 : i32
          %xor3A_215 = vector.broadcast %xor3A_214 : i32 to vector<16xi32>
          %xor3A_216 = arith.xori %iota3A, %xor3A_215 : vector<16xi32>
          %broadcast_in_dim3A_217 = vector.shape_cast %xor3A_216 : vector<16xi32> to vector<16x1xi32>
          %gather3A_218 = vector.shape_cast %broadcast_in_dim3A_217 : vector<16x1xi32> to vector<16xi32>
          %gather3A_219 = tpu.dynamic_gather %add3A_213[%gather3A_218] in [0] : vector<16xf32>, vector<16xi32> -> vector<16xf32>
          %add3A_220 = arith.addf %add3A_213, %gather3A_219 : vector<16xf32>
          %xor3A_221 = arith.constant 4 : i32
          %xor3A_222 = vector.broadcast %xor3A_221 : i32 to vector<16xi32>
          %xor3A_223 = arith.xori %iota3A, %xor3A_222 : vector<16xi32>
          %broadcast_in_dim3A_224 = vector.shape_cast %xor3A_223 : vector<16xi32> to vector<16x1xi32>
          %gather3A_225 = vector.shape_cast %broadcast_in_dim3A_224 : vector<16x1xi32> to vector<16xi32>
          %gather3A_226 = tpu.dynamic_gather %add3A_220[%gather3A_225] in [0] : vector<16xf32>, vector<16xi32> -> vector<16xf32>
          %add3A_227 = arith.addf %add3A_220, %gather3A_226 : vector<16xf32>
          %xor3A_228 = arith.constant 2 : i32
          %xor3A_229 = vector.broadcast %xor3A_228 : i32 to vector<16xi32>
          %xor3A_230 = arith.xori %iota3A, %xor3A_229 : vector<16xi32>
          %broadcast_in_dim3A_231 = vector.shape_cast %xor3A_230 : vector<16xi32> to vector<16x1xi32>
          %gather3A_232 = vector.shape_cast %broadcast_in_dim3A_231 : vector<16x1xi32> to vector<16xi32>
          %gather3A_233 = tpu.dynamic_gather %add3A_227[%gather3A_232] in [0] : vector<16xf32>, vector<16xi32> -> vector<16xf32>
          %add3A_234 = arith.addf %add3A_227, %gather3A_233 : vector<16xf32>
          %xor3A_235 = arith.constant 1 : i32
          %xor3A_236 = vector.broadcast %xor3A_235 : i32 to vector<16xi32>
          %xor3A_237 = arith.xori %iota3A, %xor3A_236 : vector<16xi32>
          %broadcast_in_dim3A_238 = vector.shape_cast %xor3A_237 : vector<16xi32> to vector<16x1xi32>
          %gather3A_239 = vector.shape_cast %broadcast_in_dim3A_238 : vector<16x1xi32> to vector<16xi32>
          %gather3A_240 = tpu.dynamic_gather %add3A_234[%gather3A_239] in [0] : vector<16xf32>, vector<16xi32> -> vector<16xf32>
          %add3A_241 = arith.addf %add3A_234, %gather3A_240 : vector<16xf32>
          %mul3A_242 = arith.mulf %add3A_241, %convert_element_type3A_13 : vector<16xf32>
          %add3A_243 = arith.addf %add3A_199, %mul3A_242 : vector<16xf32>
          %get3A_244 = arith.index_cast %scan3A_114 : i32 to index
          %get3A_245 = arith.constant 96 : index
          %get3A_246 = tpu.vector_load %arg15[%get3A_244, %get3A_245] {strides = array<i32>} : memref<128x256xbf16, #tpu.memory_space<vmem>>, vector<32xbf16>,
          %get3A_247 = arith.index_cast %scan3A_114 : i32 to index
          %get3A_248 = arith.constant 96 : index
          %get3A_249 = tpu.vector_load %arg16[%get3A_247, %get3A_248] {strides = array<i32>} : memref<128x256xbf16, #tpu.memory_space<vmem>>, vector<32xbf16>,
          %mul3A_250 = arith.mulf %get3A_246, %get3A_249 : vector<32xbf16>
          %get3A_251 = arith.index_cast %scan3A_114 : i32 to index
          %get3A_252 = arith.constant 96 : index
          %get3A_253 = tpu.vector_load %arg17[%get3A_251, %get3A_252] {strides = array<i32>} : memref<128x256xbf16, #tpu.memory_space<vmem>>, vector<32xbf16>,
          %mul3A_254 = arith.mulf %mul3A_250, %get3A_253 : vector<32xbf16>
          %unpack3A_255 = tpu.unpack_subelements %mul3A_254, 0 {pack_format = #tpu.pack_format<interleaved>} : vector<32xbf16> -> vector<16xf32>
          %unpack3A_256 = tpu.unpack_subelements %mul3A_254, 1 {pack_format = #tpu.pack_format<interleaved>} : vector<32xbf16> -> vector<16xf32>
          %add3A_257 = arith.addf %unpack3A_255, %unpack3A_256 : vector<16xf32>
          %xor3A_258 = arith.constant 8 : i32
          %xor3A_259 = vector.broadcast %xor3A_258 : i32 to vector<16xi32>
          %xor3A_260 = arith.xori %iota3A, %xor3A_259 : vector<16xi32>
          %broadcast_in_dim3A_261 = vector.shape_cast %xor3A_260 : vector<16xi32> to vector<16x1xi32>
          %gather3A_262 = vector.shape_cast %broadcast_in_dim3A_261 : vector<16x1xi32> to vector<16xi32>
          %gather3A_263 = tpu.dynamic_gather %add3A_257[%gather3A_262] in [0] : vector<16xf32>, vector<16xi32> -> vector<16xf32>
          %add3A_264 = arith.addf %add3A_257, %gather3A_263 : vector<16xf32>
          %xor3A_265 = arith.constant 4 : i32
          %xor3A_266 = vector.broadcast %xor3A_265 : i32 to vector<16xi32>
          %xor3A_267 = arith.xori %iota3A, %xor3A_266 : vector<16xi32>
          %broadcast_in_dim3A_268 = vector.shape_cast %xor3A_267 : vector<16xi32> to vector<16x1xi32>
          %gather3A_269 = vector.shape_cast %broadcast_in_dim3A_268 : vector<16x1xi32> to vector<16xi32>
          %gather3A_270 = tpu.dynamic_gather %add3A_264[%gather3A_269] in [0] : vector<16xf32>, vector<16xi32> -> vector<16xf32>
          %add3A_271 = arith.addf %add3A_264, %gather3A_270 : vector<16xf32>
          %xor3A_272 = arith.constant 2 : i32
          %xor3A_273 = vector.broadcast %xor3A_272 : i32 to vector<16xi32>
          %xor3A_274 = arith.xori %iota3A, %xor3A_273 : vector<16xi32>
          %broadcast_in_dim3A_275 = vector.shape_cast %xor3A_274 : vector<16xi32> to vector<16x1xi32>
          %gather3A_276 = vector.shape_cast %broadcast_in_dim3A_275 : vector<16x1xi32> to vector<16xi32>
          %gather3A_277 = tpu.dynamic_gather %add3A_271[%gather3A_276] in [0] : vector<16xf32>, vector<16xi32> -> vector<16xf32>
          %add3A_278 = arith.addf %add3A_271, %gather3A_277 : vector<16xf32>
          %xor3A_279 = arith.constant 1 : i32
          %xor3A_280 = vector.broadcast %xor3A_279 : i32 to vector<16xi32>
          %xor3A_281 = arith.xori %iota3A, %xor3A_280 : vector<16xi32>
          %broadcast_in_dim3A_282 = vector.shape_cast %xor3A_281 : vector<16xi32> to vector<16x1xi32>
          %gather3A_283 = vector.shape_cast %broadcast_in_dim3A_282 : vector<16x1xi32> to vector<16xi32>
          %gather3A_284 = tpu.dynamic_gather %add3A_278[%gather3A_283] in [0] : vector<16xf32>, vector<16xi32> -> vector<16xf32>
          %add3A_285 = arith.addf %add3A_278, %gather3A_284 : vector<16xf32>
          %mul3A_286 = arith.mulf %add3A_285, %convert_element_type3A_18 : vector<16xf32>
          %add3A_287 = arith.addf %add3A_243, %mul3A_286 : vector<16xf32>
          %get3A_288 = arith.index_cast %scan3A_114 : i32 to index
          %get3A_289 = arith.constant 128 : index
          %get3A_290 = tpu.vector_load %arg15[%get3A_288, %get3A_289] {strides = array<i32>} : memref<128x256xbf16, #tpu.memory_space<vmem>>, vector<32xbf16>,
          %get3A_291 = arith.index_cast %scan3A_114 : i32 to index
          %get3A_292 = arith.constant 128 : index
          %get3A_293 = tpu.vector_load %arg16[%get3A_291, %get3A_292] {strides = array<i32>} : memref<128x256xbf16, #tpu.memory_space<vmem>>, vector<32xbf16>,
          %mul3A_294 = arith.mulf %get3A_290, %get3A_293 : vector<32xbf16>
          %get3A_295 = arith.index_cast %scan3A_114 : i32 to index
          %get3A_296 = arith.constant 128 : index
          %get3A_297 = tpu.vector_load %arg17[%get3A_295, %get3A_296] {strides = array<i32>} : memref<128x256xbf16, #tpu.memory_space<vmem>>, vector<32xbf16>,
          %mul3A_298 = arith.mulf %mul3A_294, %get3A_297 : vector<32xbf16>
          %unpack3A_299 = tpu.unpack_subelements %mul3A_298, 0 {pack_format = #tpu.pack_format<interleaved>} : vector<32xbf16> -> vector<16xf32>
          %unpack3A_300 = tpu.unpack_subelements %mul3A_298, 1 {pack_format = #tpu.pack_format<interleaved>} : vector<32xbf16> -> vector<16xf32>
          %add3A_301 = arith.addf %unpack3A_299, %unpack3A_300 : vector<16xf32>
          %xor3A_302 = arith.constant 8 : i32
          %xor3A_303 = vector.broadcast %xor3A_302 : i32 to vector<16xi32>
          %xor3A_304 = arith.xori %iota3A, %xor3A_303 : vector<16xi32>
          %broadcast_in_dim3A_305 = vector.shape_cast %xor3A_304 : vector<16xi32> to vector<16x1xi32>
          %gather3A_306 = vector.shape_cast %broadcast_in_dim3A_305 : vector<16x1xi32> to vector<16xi32>
          %gather3A_307 = tpu.dynamic_gather %add3A_301[%gather3A_306] in [0] : vector<16xf32>, vector<16xi32> -> vector<16xf32>
          %add3A_308 = arith.addf %add3A_301, %gather3A_307 : vector<16xf32>
          %xor3A_309 = arith.constant 4 : i32
          %xor3A_310 = vector.broadcast %xor3A_309 : i32 to vector<16xi32>
          %xor3A_311 = arith.xori %iota3A, %xor3A_310 : vector<16xi32>
          %broadcast_in_dim3A_312 = vector.shape_cast %xor3A_311 : vector<16xi32> to vector<16x1xi32>
          %gather3A_313 = vector.shape_cast %broadcast_in_dim3A_312 : vector<16x1xi32> to vector<16xi32>
          %gather3A_314 = tpu.dynamic_gather %add3A_308[%gather3A_313] in [0] : vector<16xf32>, vector<16xi32> -> vector<16xf32>
          %add3A_315 = arith.addf %add3A_308, %gather3A_314 : vector<16xf32>
          %xor3A_316 = arith.constant 2 : i32
          %xor3A_317 = vector.broadcast %xor3A_316 : i32 to vector<16xi32>
          %xor3A_318 = arith.xori %iota3A, %xor3A_317 : vector<16xi32>
          %broadcast_in_dim3A_319 = vector.shape_cast %xor3A_318 : vector<16xi32> to vector<16x1xi32>
          %gather3A_320 = vector.shape_cast %broadcast_in_dim3A_319 : vector<16x1xi32> to vector<16xi32>
          %gather3A_321 = tpu.dynamic_gather %add3A_315[%gather3A_320] in [0] : vector<16xf32>, vector<16xi32> -> vector<16xf32>
          %add3A_322 = arith.addf %add3A_315, %gather3A_321 : vector<16xf32>
          %xor3A_323 = arith.constant 1 : i32
          %xor3A_324 = vector.broadcast %xor3A_323 : i32 to vector<16xi32>
          %xor3A_325 = arith.xori %iota3A, %xor3A_324 : vector<16xi32>
          %broadcast_in_dim3A_326 = vector.shape_cast %xor3A_325 : vector<16xi32> to vector<16x1xi32>
          %gather3A_327 = vector.shape_cast %broadcast_in_dim3A_326 : vector<16x1xi32> to vector<16xi32>
          %gather3A_328 = tpu.dynamic_gather %add3A_322[%gather3A_327] in [0] : vector<16xf32>, vector<16xi32> -> vector<16xf32>
          %add3A_329 = arith.addf %add3A_322, %gather3A_328 : vector<16xf32>
          %mul3A_330 = arith.mulf %add3A_329, %convert_element_type3A_23 : vector<16xf32>
          %add3A_331 = arith.addf %add3A_287, %mul3A_330 : vector<16xf32>
          %get3A_332 = arith.index_cast %scan3A_114 : i32 to index
          %get3A_333 = arith.constant 160 : index
          %get3A_334 = tpu.vector_load %arg15[%get3A_332, %get3A_333] {strides = array<i32>} : memref<128x256xbf16, #tpu.memory_space<vmem>>, vector<32xbf16>,
          %get3A_335 = arith.index_cast %scan3A_114 : i32 to index
          %get3A_336 = arith.constant 160 : index
          %get3A_337 = tpu.vector_load %arg16[%get3A_335, %get3A_336] {strides = array<i32>} : memref<128x256xbf16, #tpu.memory_space<vmem>>, vector<32xbf16>,
          %mul3A_338 = arith.mulf %get3A_334, %get3A_337 : vector<32xbf16>
          %get3A_339 = arith.index_cast %scan3A_114 : i32 to index
          %get3A_340 = arith.constant 160 : index
          %get3A_341 = tpu.vector_load %arg17[%get3A_339, %get3A_340] {strides = array<i32>} : memref<128x256xbf16, #tpu.memory_space<vmem>>, vector<32xbf16>,
          %mul3A_342 = arith.mulf %mul3A_338, %get3A_341 : vector<32xbf16>
          %unpack3A_343 = tpu.unpack_subelements %mul3A_342, 0 {pack_format = #tpu.pack_format<interleaved>} : vector<32xbf16> -> vector<16xf32>
          %unpack3A_344 = tpu.unpack_subelements %mul3A_342, 1 {pack_format = #tpu.pack_format<interleaved>} : vector<32xbf16> -> vector<16xf32>
          %add3A_345 = arith.addf %unpack3A_343, %unpack3A_344 : vector<16xf32>
          %xor3A_346 = arith.constant 8 : i32
          %xor3A_347 = vector.broadcast %xor3A_346 : i32 to vector<16xi32>
          %xor3A_348 = arith.xori %iota3A, %xor3A_347 : vector<16xi32>
          %broadcast_in_dim3A_349 = vector.shape_cast %xor3A_348 : vector<16xi32> to vector<16x1xi32>
          %gather3A_350 = vector.shape_cast %broadcast_in_dim3A_349 : vector<16x1xi32> to vector<16xi32>
          %gather3A_351 = tpu.dynamic_gather %add3A_345[%gather3A_350] in [0] : vector<16xf32>, vector<16xi32> -> vector<16xf32>
          %add3A_352 = arith.addf %add3A_345, %gather3A_351 : vector<16xf32>
          %xor3A_353 = arith.constant 4 : i32
          %xor3A_354 = vector.broadcast %xor3A_353 : i32 to vector<16xi32>
          %xor3A_355 = arith.xori %iota3A, %xor3A_354 : vector<16xi32>
          %broadcast_in_dim3A_356 = vector.shape_cast %xor3A_355 : vector<16xi32> to vector<16x1xi32>
          %gather3A_357 = vector.shape_cast %broadcast_in_dim3A_356 : vector<16x1xi32> to vector<16xi32>
          %gather3A_358 = tpu.dynamic_gather %add3A_352[%gather3A_357] in [0] : vector<16xf32>, vector<16xi32> -> vector<16xf32>
          %add3A_359 = arith.addf %add3A_352, %gather3A_358 : vector<16xf32>
          %xor3A_360 = arith.constant 2 : i32
          %xor3A_361 = vector.broadcast %xor3A_360 : i32 to vector<16xi32>
          %xor3A_362 = arith.xori %iota3A, %xor3A_361 : vector<16xi32>
          %broadcast_in_dim3A_363 = vector.shape_cast %xor3A_362 : vector<16xi32> to vector<16x1xi32>
          %gather3A_364 = vector.shape_cast %broadcast_in_dim3A_363 : vector<16x1xi32> to vector<16xi32>
          %gather3A_365 = tpu.dynamic_gather %add3A_359[%gather3A_364] in [0] : vector<16xf32>, vector<16xi32> -> vector<16xf32>
          %add3A_366 = arith.addf %add3A_359, %gather3A_365 : vector<16xf32>
          %xor3A_367 = arith.constant 1 : i32
          %xor3A_368 = vector.broadcast %xor3A_367 : i32 to vector<16xi32>
          %xor3A_369 = arith.xori %iota3A, %xor3A_368 : vector<16xi32>
          %broadcast_in_dim3A_370 = vector.shape_cast %xor3A_369 : vector<16xi32> to vector<16x1xi32>
          %gather3A_371 = vector.shape_cast %broadcast_in_dim3A_370 : vector<16x1xi32> to vector<16xi32>
          %gather3A_372 = tpu.dynamic_gather %add3A_366[%gather3A_371] in [0] : vector<16xf32>, vector<16xi32> -> vector<16xf32>
          %add3A_373 = arith.addf %add3A_366, %gather3A_372 : vector<16xf32>
          %mul3A_374 = arith.mulf %add3A_373, %convert_element_type3A_28 : vector<16xf32>
          %add3A_375 = arith.addf %add3A_331, %mul3A_374 : vector<16xf32>
          %get3A_376 = arith.index_cast %scan3A_114 : i32 to index
          %get3A_377 = arith.constant 192 : index
          %get3A_378 = tpu.vector_load %arg15[%get3A_376, %get3A_377] {strides = array<i32>} : memref<128x256xbf16, #tpu.memory_space<vmem>>, vector<32xbf16>,
          %get3A_379 = arith.index_cast %scan3A_114 : i32 to index
          %get3A_380 = arith.constant 192 : index
          %get3A_381 = tpu.vector_load %arg16[%get3A_379, %get3A_380] {strides = array<i32>} : memref<128x256xbf16, #tpu.memory_space<vmem>>, vector<32xbf16>,
          %mul3A_382 = arith.mulf %get3A_378, %get3A_381 : vector<32xbf16>
          %get3A_383 = arith.index_cast %scan3A_114 : i32 to index
          %get3A_384 = arith.constant 192 : index
          %get3A_385 = tpu.vector_load %arg17[%get3A_383, %get3A_384] {strides = array<i32>} : memref<128x256xbf16, #tpu.memory_space<vmem>>, vector<32xbf16>,
          %mul3A_386 = arith.mulf %mul3A_382, %get3A_385 : vector<32xbf16>
          %unpack3A_387 = tpu.unpack_subelements %mul3A_386, 0 {pack_format = #tpu.pack_format<interleaved>} : vector<32xbf16> -> vector<16xf32>
          %unpack3A_388 = tpu.unpack_subelements %mul3A_386, 1 {pack_format = #tpu.pack_format<interleaved>} : vector<32xbf16> -> vector<16xf32>
          %add3A_389 = arith.addf %unpack3A_387, %unpack3A_388 : vector<16xf32>
          %xor3A_390 = arith.constant 8 : i32
          %xor3A_391 = vector.broadcast %xor3A_390 : i32 to vector<16xi32>
          %xor3A_392 = arith.xori %iota3A, %xor3A_391 : vector<16xi32>
          %broadcast_in_dim3A_393 = vector.shape_cast %xor3A_392 : vector<16xi32> to vector<16x1xi32>
          %gather3A_394 = vector.shape_cast %broadcast_in_dim3A_393 : vector<16x1xi32> to vector<16xi32>
          %gather3A_395 = tpu.dynamic_gather %add3A_389[%gather3A_394] in [0] : vector<16xf32>, vector<16xi32> -> vector<16xf32>
          %add3A_396 = arith.addf %add3A_389, %gather3A_395 : vector<16xf32>
          %xor3A_397 = arith.constant 4 : i32
          %xor3A_398 = vector.broadcast %xor3A_397 : i32 to vector<16xi32>
          %xor3A_399 = arith.xori %iota3A, %xor3A_398 : vector<16xi32>
          %broadcast_in_dim3A_400 = vector.shape_cast %xor3A_399 : vector<16xi32> to vector<16x1xi32>
          %gather3A_401 = vector.shape_cast %broadcast_in_dim3A_400 : vector<16x1xi32> to vector<16xi32>
          %gather3A_402 = tpu.dynamic_gather %add3A_396[%gather3A_401] in [0] : vector<16xf32>, vector<16xi32> -> vector<16xf32>
          %add3A_403 = arith.addf %add3A_396, %gather3A_402 : vector<16xf32>
          %xor3A_404 = arith.constant 2 : i32
          %xor3A_405 = vector.broadcast %xor3A_404 : i32 to vector<16xi32>
          %xor3A_406 = arith.xori %iota3A, %xor3A_405 : vector<16xi32>
          %broadcast_in_dim3A_407 = vector.shape_cast %xor3A_406 : vector<16xi32> to vector<16x1xi32>
          %gather3A_408 = vector.shape_cast %broadcast_in_dim3A_407 : vector<16x1xi32> to vector<16xi32>
          %gather3A_409 = tpu.dynamic_gather %add3A_403[%gather3A_408] in [0] : vector<16xf32>, vector<16xi32> -> vector<16xf32>
          %add3A_410 = arith.addf %add3A_403, %gather3A_409 : vector<16xf32>
          %xor3A_411 = arith.constant 1 : i32
          %xor3A_412 = vector.broadcast %xor3A_411 : i32 to vector<16xi32>
          %xor3A_413 = arith.xori %iota3A, %xor3A_412 : vector<16xi32>
          %broadcast_in_dim3A_414 = vector.shape_cast %xor3A_413 : vector<16xi32> to vector<16x1xi32>
          %gather3A_415 = vector.shape_cast %broadcast_in_dim3A_414 : vector<16x1xi32> to vector<16xi32>
          %gather3A_416 = tpu.dynamic_gather %add3A_410[%gather3A_415] in [0] : vector<16xf32>, vector<16xi32> -> vector<16xf32>
          %add3A_417 = arith.addf %add3A_410, %gather3A_416 : vector<16xf32>
          %mul3A_418 = arith.mulf %add3A_417, %convert_element_type3A_33 : vector<16xf32>
          %add3A_419 = arith.addf %add3A_375, %mul3A_418 : vector<16xf32>
          %get3A_420 = arith.index_cast %scan3A_114 : i32 to index
          %get3A_421 = arith.constant 224 : index
          %get3A_422 = tpu.vector_load %arg15[%get3A_420, %get3A_421] {strides = array<i32>} : memref<128x256xbf16, #tpu.memory_space<vmem>>, vector<32xbf16>,
          %get3A_423 = arith.index_cast %scan3A_114 : i32 to index
          %get3A_424 = arith.constant 224 : index
          %get3A_425 = tpu.vector_load %arg16[%get3A_423, %get3A_424] {strides = array<i32>} : memref<128x256xbf16, #tpu.memory_space<vmem>>, vector<32xbf16>,
          %mul3A_426 = arith.mulf %get3A_422, %get3A_425 : vector<32xbf16>
          %get3A_427 = arith.index_cast %scan3A_114 : i32 to index
          %get3A_428 = arith.constant 224 : index
          %get3A_429 = tpu.vector_load %arg17[%get3A_427, %get3A_428] {strides = array<i32>} : memref<128x256xbf16, #tpu.memory_space<vmem>>, vector<32xbf16>,
          %mul3A_430 = arith.mulf %mul3A_426, %get3A_429 : vector<32xbf16>
          %unpack3A_431 = tpu.unpack_subelements %mul3A_430, 0 {pack_format = #tpu.pack_format<interleaved>} : vector<32xbf16> -> vector<16xf32>
          %unpack3A_432 = tpu.unpack_subelements %mul3A_430, 1 {pack_format = #tpu.pack_format<interleaved>} : vector<32xbf16> -> vector<16xf32>
          %add3A_433 = arith.addf %unpack3A_431, %unpack3A_432 : vector<16xf32>
          %xor3A_434 = arith.constant 8 : i32
          %xor3A_435 = vector.broadcast %xor3A_434 : i32 to vector<16xi32>
          %xor3A_436 = arith.xori %iota3A, %xor3A_435 : vector<16xi32>
          %broadcast_in_dim3A_437 = vector.shape_cast %xor3A_436 : vector<16xi32> to vector<16x1xi32>
          %gather3A_438 = vector.shape_cast %broadcast_in_dim3A_437 : vector<16x1xi32> to vector<16xi32>
          %gather3A_439 = tpu.dynamic_gather %add3A_433[%gather3A_438] in [0] : vector<16xf32>, vector<16xi32> -> vector<16xf32>
          %add3A_440 = arith.addf %add3A_433, %gather3A_439 : vector<16xf32>
          %xor3A_441 = arith.constant 4 : i32
          %xor3A_442 = vector.broadcast %xor3A_441 : i32 to vector<16xi32>
          %xor3A_443 = arith.xori %iota3A, %xor3A_442 : vector<16xi32>
          %broadcast_in_dim3A_444 = vector.shape_cast %xor3A_443 : vector<16xi32> to vector<16x1xi32>
          %gather3A_445 = vector.shape_cast %broadcast_in_dim3A_444 : vector<16x1xi32> to vector<16xi32>
          %gather3A_446 = tpu.dynamic_gather %add3A_440[%gather3A_445] in [0] : vector<16xf32>, vector<16xi32> -> vector<16xf32>
          %add3A_447 = arith.addf %add3A_440, %gather3A_446 : vector<16xf32>
          %xor3A_448 = arith.constant 2 : i32
          %xor3A_449 = vector.broadcast %xor3A_448 : i32 to vector<16xi32>
          %xor3A_450 = arith.xori %iota3A, %xor3A_449 : vector<16xi32>
          %broadcast_in_dim3A_451 = vector.shape_cast %xor3A_450 : vector<16xi32> to vector<16x1xi32>
          %gather3A_452 = vector.shape_cast %broadcast_in_dim3A_451 : vector<16x1xi32> to vector<16xi32>
          %gather3A_453 = tpu.dynamic_gather %add3A_447[%gather3A_452] in [0] : vector<16xf32>, vector<16xi32> -> vector<16xf32>
          %add3A_454 = arith.addf %add3A_447, %gather3A_453 : vector<16xf32>
          %xor3A_455 = arith.constant 1 : i32
          %xor3A_456 = vector.broadcast %xor3A_455 : i32 to vector<16xi32>
          %xor3A_457 = arith.xori %iota3A, %xor3A_456 : vector<16xi32>
          %broadcast_in_dim3A_458 = vector.shape_cast %xor3A_457 : vector<16xi32> to vector<16x1xi32>
          %gather3A_459 = vector.shape_cast %broadcast_in_dim3A_458 : vector<16x1xi32> to vector<16xi32>
          %gather3A_460 = tpu.dynamic_gather %add3A_454[%gather3A_459] in [0] : vector<16xf32>, vector<16xi32> -> vector<16xf32>
          %add3A_461 = arith.addf %add3A_454, %gather3A_460 : vector<16xf32>
          %mul3A_462 = arith.mulf %add3A_461, %convert_element_type3A_38 : vector<16xf32>
          %add3A_463 = arith.addf %add3A_419, %mul3A_462 : vector<16xf32>
          %mul3A_464 = arith.constant 0.176776692 : f32
          %mul3A_465 = vector.broadcast %mul3A_464 : f32 to vector<16xf32>
          %mul3A_466 = arith.mulf %add3A_463, %mul3A_465 : vector<16xf32>
          %jit3A = arith.constant -5.000000e+00 : f32
          %jit3A_467 = arith.constant 5.000000e+00 : f32
          %max3A = vector.broadcast %jit3A : f32 to vector<16xf32>
          %max3A_468 = arith.maximumf %max3A, %mul3A_466 : vector<16xf32>
          %min3A = vector.broadcast %jit3A_467 : f32 to vector<16xf32>
          %min3A_469 = arith.minimumf %min3A, %max3A_468 : vector<16xf32>
          %exp3A = math.exp %min3A_469 : vector<16xf32>
          %mul3A_470 = arith.mulf %exp3A, %convert_element_type3A_42 : vector<16xf32>
          %swap3A = arith.index_cast %scan3A_114 : i32 to index
          %swap3A_471 = arith.constant 0 : index
          %swap3A_472 = tpu.vector_load %arg18[%swap3A, %swap3A_471] {strides = array<i32>} : memref<128x16xf32, #tpu.memory_space<vmem>>, vector<16xf32>,
          tpu.vector_store %arg18[%swap3A, %swap3A_471], %mul3A_470 {strides = array<i32>} : memref<128x16xf32, #tpu.memory_space<vmem>>, vector<16xf32>,
        }
        %scan3A_111 = arith.constant 128 : i32
        %mul3A_112 = arith.constant 128 : i32
        %mul3A_113 = arith.muli %add3A_89, %mul3A_112 : i32
        "tpu.region"() ({
          %run_scoped3A = tpu.sem_alloc : memref<!tpu.dma_semaphore, #tpu.memory_space<semaphore_mem>>
          %dma_start3A = arith.constant 0 : i32
          %dma_start3A_114 = tpu.memref_slice %arg7[%mul3A_113, %dma_start3A] : memref<160000x16xf32, #tpu.memory_space<hbm>> -> memref<128x16xf32, #tpu.memory_space<hbm>>
          %dma_start3A_115 = arith.constant 0 : i32
          %dma_start3A_116 = tpu.memref_slice %arg7[%mul3A_113, %dma_start3A_115] : memref<160000x16xf32, #tpu.memory_space<hbm>> -> memref<128x16xf32, #tpu.memory_space<hbm>>
          tpu.enqueue_dma source(%arg18 : memref<128x16xf32, #tpu.memory_space<vmem>>) target(%dma_start3A_116 : memref<128x16xf32, #tpu.memory_space<hbm>>) target_semaphore(%run_scoped3A : memref<!tpu.dma_semaphore, #tpu.memory_space<semaphore_mem>>)
          %dma_wait3A_117 = arith.constant 0 : i32
          %dma_wait3A_118 = tpu.memref_slice %arg7[%mul3A_113, %dma_wait3A_117] : memref<160000x16xf32, #tpu.memory_space<hbm>> -> memref<128x16xf32, #tpu.memory_space<hbm>>
          %dma_wait3A_119 = arith.constant 0 : i32
          %dma_wait3A_120 = tpu.memref_slice %arg7[%mul3A_113, %dma_wait3A_119] : memref<160000x16xf32, #tpu.memory_space<hbm>> -> memref<128x16xf32, #tpu.memory_space<hbm>>
          tpu.wait_dma2 semaphore(%run_scoped3A : memref<!tpu.dma_semaphore, #tpu.memory_space<semaphore_mem>>) src(%arg18 : memref<128x16xf32, #tpu.memory_space<vmem>>) dst(%dma_wait3A_120 : memref<128x16xf32, #tpu.memory_space<hbm>>)
          tpu.yield
        }) : () -> ()
      } else {
      }
    }
    %scan3A_53 = arith.constant 20 : i32
    return
  }
}

#map = affine_map<(d0, d1) -> (0)>
#map1 = affine_map<(d0, d1) -> (0, 0)>
module attributes {stable_mosaic.version = 14 : i64} {
  func.func @_sc_eaggr_body(%arg0: i32, %arg1: i32, %arg2: memref<160000xi32, #tpu.memory_space<hbm>>, %arg3: memref<160000xi32, #tpu.memory_space<hbm>>, %arg4: memref<160000x16xf32, #tpu.memory_space<hbm>>, %arg5: memref<10000x256xbf16, #tpu.memory_space<hbm>>, %arg6: memref<10000x288xbf16, #tpu.memory_space<hbm>>, %arg7: memref<10000x288xbf16, #tpu.memory_space<hbm>>, %arg8: memref<64xi32, #tpu.memory_space<vmem>>, %arg9: memref<64xi32, #tpu.memory_space<vmem>>, %arg10: memref<64x16xf32, #tpu.memory_space<vmem>>, %arg11: memref<64x256xbf16, #tpu.memory_space<vmem>>, %arg12: memref<64xi32, #tpu.memory_space<vmem>>, %arg13: memref<64xi32, #tpu.memory_space<vmem>>, %arg14: memref<64x16xf32, #tpu.memory_space<vmem>>, %arg15: memref<64x256xbf16, #tpu.memory_space<vmem>>, %arg16: memref<64x288xbf16, #tpu.memory_space<vmem>>, %arg17: memref<64xi32, #tpu.memory_space<vmem>>, %arg18: memref<64x288xbf16, #tpu.memory_space<vmem>>, %arg19: memref<64xi32, #tpu.memory_space<vmem>>, %arg20: memref<10000x288xbf16, #tpu.memory_space<vmem_shared>>, %arg21: memref<!tpu.dma_semaphore, #tpu.memory_space<semaphore_mem>>, %arg22: memref<!tpu.dma_semaphore, #tpu.memory_space<semaphore_mem>>, %arg23: memref<!tpu.dma_semaphore, #tpu.memory_space<semaphore_mem>>, %arg24: memref<!tpu.dma_semaphore, #tpu.memory_space<semaphore_mem>>) attributes {dimension_semantics = [#tpu.dimension_semantics<core_parallel>, #tpu.dimension_semantics<subcore_parallel>], iteration_bounds = array<i64: 2, 16>, scalar_prefetch = 0 : i64, scratch_operands = 17 : i64, tpu.core_type = #tpu.core_type<sc_vector_subcore>, window_params = [{transform_indices = #map}, {transform_indices = #map}, {transform_indices = #map1}, {transform_indices = #map1}, {transform_indices = #map1}, {transform_indices = #map1}]} {
    %broadcast_in_dim3A = arith.constant 0.000000e+00 : bf16
    %broadcast_in_dim3A_0 = vector.broadcast %broadcast_in_dim3A : bf16 to vector<32xbf16>
    %scan3A = arith.constant 0 : i32
    %scan3A_1 = arith.constant 0 : i32
    %scan3A_2 = arith.constant 64 : i32
    %scan3A_3 = arith.addi %scan3A_1, %scan3A_2 : i32
    %scan3A_4 = arith.constant 1 : i32
    scf.for %scan3A_104 = %scan3A_1 to %scan3A_3 step %scan3A_4  : i32 {
      %swap3A = arith.index_cast %scan3A_104 : i32 to index
      %swap3A_105 = arith.constant 0 : index
      %swap3A_106 = tpu.vector_load %arg16[%swap3A, %swap3A_105] {strides = array<i32>} : memref<64x288xbf16, #tpu.memory_space<vmem>>, vector<32xbf16>,
      tpu.vector_store %arg16[%swap3A, %swap3A_105], %broadcast_in_dim3A_0 {strides = array<i32>} : memref<64x288xbf16, #tpu.memory_space<vmem>>, vector<32xbf16>,
      %swap3A_107 = arith.index_cast %scan3A_104 : i32 to index
      %swap3A_108 = arith.constant 32 : index
      %swap3A_109 = tpu.vector_load %arg16[%swap3A_107, %swap3A_108] {strides = array<i32>} : memref<64x288xbf16, #tpu.memory_space<vmem>>, vector<32xbf16>,
      tpu.vector_store %arg16[%swap3A_107, %swap3A_108], %broadcast_in_dim3A_0 {strides = array<i32>} : memref<64x288xbf16, #tpu.memory_space<vmem>>, vector<32xbf16>,
      %swap3A_110 = arith.index_cast %scan3A_104 : i32 to index
      %swap3A_111 = arith.constant 64 : index
      %swap3A_112 = tpu.vector_load %arg16[%swap3A_110, %swap3A_111] {strides = array<i32>} : memref<64x288xbf16, #tpu.memory_space<vmem>>, vector<32xbf16>,
      tpu.vector_store %arg16[%swap3A_110, %swap3A_111], %broadcast_in_dim3A_0 {strides = array<i32>} : memref<64x288xbf16, #tpu.memory_space<vmem>>, vector<32xbf16>,
      %swap3A_113 = arith.index_cast %scan3A_104 : i32 to index
      %swap3A_114 = arith.constant 96 : index
      %swap3A_115 = tpu.vector_load %arg16[%swap3A_113, %swap3A_114] {strides = array<i32>} : memref<64x288xbf16, #tpu.memory_space<vmem>>, vector<32xbf16>,
      tpu.vector_store %arg16[%swap3A_113, %swap3A_114], %broadcast_in_dim3A_0 {strides = array<i32>} : memref<64x288xbf16, #tpu.memory_space<vmem>>, vector<32xbf16>,
      %swap3A_116 = arith.index_cast %scan3A_104 : i32 to index
      %swap3A_117 = arith.constant 128 : index
      %swap3A_118 = tpu.vector_load %arg16[%swap3A_116, %swap3A_117] {strides = array<i32>} : memref<64x288xbf16, #tpu.memory_space<vmem>>, vector<32xbf16>,
      tpu.vector_store %arg16[%swap3A_116, %swap3A_117], %broadcast_in_dim3A_0 {strides = array<i32>} : memref<64x288xbf16, #tpu.memory_space<vmem>>, vector<32xbf16>,
      %swap3A_119 = arith.index_cast %scan3A_104 : i32 to index
      %swap3A_120 = arith.constant 160 : index
      %swap3A_121 = tpu.vector_load %arg16[%swap3A_119, %swap3A_120] {strides = array<i32>} : memref<64x288xbf16, #tpu.memory_space<vmem>>, vector<32xbf16>,
      tpu.vector_store %arg16[%swap3A_119, %swap3A_120], %broadcast_in_dim3A_0 {strides = array<i32>} : memref<64x288xbf16, #tpu.memory_space<vmem>>, vector<32xbf16>,
      %swap3A_122 = arith.index_cast %scan3A_104 : i32 to index
      %swap3A_123 = arith.constant 192 : index
      %swap3A_124 = tpu.vector_load %arg16[%swap3A_122, %swap3A_123] {strides = array<i32>} : memref<64x288xbf16, #tpu.memory_space<vmem>>, vector<32xbf16>,
      tpu.vector_store %arg16[%swap3A_122, %swap3A_123], %broadcast_in_dim3A_0 {strides = array<i32>} : memref<64x288xbf16, #tpu.memory_space<vmem>>, vector<32xbf16>,
      %swap3A_125 = arith.index_cast %scan3A_104 : i32 to index
      %swap3A_126 = arith.constant 224 : index
      %swap3A_127 = tpu.vector_load %arg16[%swap3A_125, %swap3A_126] {strides = array<i32>} : memref<64x288xbf16, #tpu.memory_space<vmem>>, vector<32xbf16>,
      tpu.vector_store %arg16[%swap3A_125, %swap3A_126], %broadcast_in_dim3A_0 {strides = array<i32>} : memref<64x288xbf16, #tpu.memory_space<vmem>>, vector<32xbf16>,
      %swap3A_128 = arith.index_cast %scan3A_104 : i32 to index
      %swap3A_129 = arith.constant 256 : index
      %swap3A_130 = tpu.vector_load %arg16[%swap3A_128, %swap3A_129] {strides = array<i32>} : memref<64x288xbf16, #tpu.memory_space<vmem>>, vector<32xbf16>,
      tpu.vector_store %arg16[%swap3A_128, %swap3A_129], %broadcast_in_dim3A_0 {strides = array<i32>} : memref<64x288xbf16, #tpu.memory_space<vmem>>, vector<32xbf16>,
    }
    %scan3A_5 = arith.constant 64 : i32
    %mul3A = arith.constant 625 : i32
    %mul3A_6 = arith.muli %arg1, %mul3A : i32
    %add3A = arith.constant 0 : i32
    %add3A_7 = arith.addi %mul3A_6, %add3A : i32
    "tpu.region"() ({
      %run_scoped3A = tpu.sem_alloc : memref<!tpu.dma_semaphore, #tpu.memory_space<semaphore_mem>>
      %dma_start3A = arith.constant 0 : i32
      %dma_start3A_104 = tpu.memref_slice %arg20[%add3A_7, %dma_start3A] : memref<10000x288xbf16, #tpu.memory_space<vmem_shared>> -> memref<64x288xbf16, #tpu.memory_space<vmem_shared>>
      %dma_start3A_105 = arith.constant 0 : i32
      %dma_start3A_106 = tpu.memref_slice %arg20[%add3A_7, %dma_start3A_105] : memref<10000x288xbf16, #tpu.memory_space<vmem_shared>> -> memref<64x288xbf16, #tpu.memory_space<vmem_shared>>
      tpu.enqueue_dma source(%arg16 : memref<64x288xbf16, #tpu.memory_space<vmem>>) target(%dma_start3A_106 : memref<64x288xbf16, #tpu.memory_space<vmem_shared>>) target_semaphore(%run_scoped3A : memref<!tpu.dma_semaphore, #tpu.memory_space<semaphore_mem>>)
      %dma_wait3A = arith.constant 0 : i32
      %dma_wait3A_107 = tpu.memref_slice %arg20[%add3A_7, %dma_wait3A] : memref<10000x288xbf16, #tpu.memory_space<vmem_shared>> -> memref<64x288xbf16, #tpu.memory_space<vmem_shared>>
      %dma_wait3A_108 = arith.constant 0 : i32
      %dma_wait3A_109 = tpu.memref_slice %arg20[%add3A_7, %dma_wait3A_108] : memref<10000x288xbf16, #tpu.memory_space<vmem_shared>> -> memref<64x288xbf16, #tpu.memory_space<vmem_shared>>
      tpu.wait_dma2 semaphore(%run_scoped3A : memref<!tpu.dma_semaphore, #tpu.memory_space<semaphore_mem>>) src(%arg16 : memref<64x288xbf16, #tpu.memory_space<vmem>>) dst(%dma_wait3A_109 : memref<64x288xbf16, #tpu.memory_space<vmem_shared>>)
      tpu.yield
    }) : () -> ()
    %add3A_8 = arith.constant 64 : i32
    %add3A_9 = arith.addi %mul3A_6, %add3A_8 : i32
    "tpu.region"() ({
      %run_scoped3A = tpu.sem_alloc : memref<!tpu.dma_semaphore, #tpu.memory_space<semaphore_mem>>
      %dma_start3A = arith.constant 0 : i32
      %dma_start3A_104 = tpu.memref_slice %arg20[%add3A_9, %dma_start3A] : memref<10000x288xbf16, #tpu.memory_space<vmem_shared>> -> memref<64x288xbf16, #tpu.memory_space<vmem_shared>>
      %dma_start3A_105 = arith.constant 0 : i32
      %dma_start3A_106 = tpu.memref_slice %arg20[%add3A_9, %dma_start3A_105] : memref<10000x288xbf16, #tpu.memory_space<vmem_shared>> -> memref<64x288xbf16, #tpu.memory_space<vmem_shared>>
      tpu.enqueue_dma source(%arg16 : memref<64x288xbf16, #tpu.memory_space<vmem>>) target(%dma_start3A_106 : memref<64x288xbf16, #tpu.memory_space<vmem_shared>>) target_semaphore(%run_scoped3A : memref<!tpu.dma_semaphore, #tpu.memory_space<semaphore_mem>>)
      %dma_wait3A = arith.constant 0 : i32
      %dma_wait3A_107 = tpu.memref_slice %arg20[%add3A_9, %dma_wait3A] : memref<10000x288xbf16, #tpu.memory_space<vmem_shared>> -> memref<64x288xbf16, #tpu.memory_space<vmem_shared>>
      %dma_wait3A_108 = arith.constant 0 : i32
      %dma_wait3A_109 = tpu.memref_slice %arg20[%add3A_9, %dma_wait3A_108] : memref<10000x288xbf16, #tpu.memory_space<vmem_shared>> -> memref<64x288xbf16, #tpu.memory_space<vmem_shared>>
      tpu.wait_dma2 semaphore(%run_scoped3A : memref<!tpu.dma_semaphore, #tpu.memory_space<semaphore_mem>>) src(%arg16 : memref<64x288xbf16, #tpu.memory_space<vmem>>) dst(%dma_wait3A_109 : memref<64x288xbf16, #tpu.memory_space<vmem_shared>>)
      tpu.yield
    }) : () -> ()
    %add3A_10 = arith.constant 128 : i32
    %add3A_11 = arith.addi %mul3A_6, %add3A_10 : i32
    "tpu.region"() ({
      %run_scoped3A = tpu.sem_alloc : memref<!tpu.dma_semaphore, #tpu.memory_space<semaphore_mem>>
      %dma_start3A = arith.constant 0 : i32
      %dma_start3A_104 = tpu.memref_slice %arg20[%add3A_11, %dma_start3A] : memref<10000x288xbf16, #tpu.memory_space<vmem_shared>> -> memref<64x288xbf16, #tpu.memory_space<vmem_shared>>
      %dma_start3A_105 = arith.constant 0 : i32
      %dma_start3A_106 = tpu.memref_slice %arg20[%add3A_11, %dma_start3A_105] : memref<10000x288xbf16, #tpu.memory_space<vmem_shared>> -> memref<64x288xbf16, #tpu.memory_space<vmem_shared>>
      tpu.enqueue_dma source(%arg16 : memref<64x288xbf16, #tpu.memory_space<vmem>>) target(%dma_start3A_106 : memref<64x288xbf16, #tpu.memory_space<vmem_shared>>) target_semaphore(%run_scoped3A : memref<!tpu.dma_semaphore, #tpu.memory_space<semaphore_mem>>)
      %dma_wait3A = arith.constant 0 : i32
      %dma_wait3A_107 = tpu.memref_slice %arg20[%add3A_11, %dma_wait3A] : memref<10000x288xbf16, #tpu.memory_space<vmem_shared>> -> memref<64x288xbf16, #tpu.memory_space<vmem_shared>>
      %dma_wait3A_108 = arith.constant 0 : i32
      %dma_wait3A_109 = tpu.memref_slice %arg20[%add3A_11, %dma_wait3A_108] : memref<10000x288xbf16, #tpu.memory_space<vmem_shared>> -> memref<64x288xbf16, #tpu.memory_space<vmem_shared>>
      tpu.wait_dma2 semaphore(%run_scoped3A : memref<!tpu.dma_semaphore, #tpu.memory_space<semaphore_mem>>) src(%arg16 : memref<64x288xbf16, #tpu.memory_space<vmem>>) dst(%dma_wait3A_109 : memref<64x288xbf16, #tpu.memory_space<vmem_shared>>)
      tpu.yield
    }) : () -> ()
    %add3A_12 = arith.constant 192 : i32
    %add3A_13 = arith.addi %mul3A_6, %add3A_12 : i32
    "tpu.region"() ({
      %run_scoped3A = tpu.sem_alloc : memref<!tpu.dma_semaphore, #tpu.memory_space<semaphore_mem>>
      %dma_start3A = arith.constant 0 : i32
      %dma_start3A_104 = tpu.memref_slice %arg20[%add3A_13, %dma_start3A] : memref<10000x288xbf16, #tpu.memory_space<vmem_shared>> -> memref<64x288xbf16, #tpu.memory_space<vmem_shared>>
      %dma_start3A_105 = arith.constant 0 : i32
      %dma_start3A_106 = tpu.memref_slice %arg20[%add3A_13, %dma_start3A_105] : memref<10000x288xbf16, #tpu.memory_space<vmem_shared>> -> memref<64x288xbf16, #tpu.memory_space<vmem_shared>>
      tpu.enqueue_dma source(%arg16 : memref<64x288xbf16, #tpu.memory_space<vmem>>) target(%dma_start3A_106 : memref<64x288xbf16, #tpu.memory_space<vmem_shared>>) target_semaphore(%run_scoped3A : memref<!tpu.dma_semaphore, #tpu.memory_space<semaphore_mem>>)
      %dma_wait3A = arith.constant 0 : i32
      %dma_wait3A_107 = tpu.memref_slice %arg20[%add3A_13, %dma_wait3A] : memref<10000x288xbf16, #tpu.memory_space<vmem_shared>> -> memref<64x288xbf16, #tpu.memory_space<vmem_shared>>
      %dma_wait3A_108 = arith.constant 0 : i32
      %dma_wait3A_109 = tpu.memref_slice %arg20[%add3A_13, %dma_wait3A_108] : memref<10000x288xbf16, #tpu.memory_space<vmem_shared>> -> memref<64x288xbf16, #tpu.memory_space<vmem_shared>>
      tpu.wait_dma2 semaphore(%run_scoped3A : memref<!tpu.dma_semaphore, #tpu.memory_space<semaphore_mem>>) src(%arg16 : memref<64x288xbf16, #tpu.memory_space<vmem>>) dst(%dma_wait3A_109 : memref<64x288xbf16, #tpu.memory_space<vmem_shared>>)
      tpu.yield
    }) : () -> ()
    %add3A_14 = arith.constant 256 : i32
    %add3A_15 = arith.addi %mul3A_6, %add3A_14 : i32
    "tpu.region"() ({
      %run_scoped3A = tpu.sem_alloc : memref<!tpu.dma_semaphore, #tpu.memory_space<semaphore_mem>>
      %dma_start3A = arith.constant 0 : i32
      %dma_start3A_104 = tpu.memref_slice %arg20[%add3A_15, %dma_start3A] : memref<10000x288xbf16, #tpu.memory_space<vmem_shared>> -> memref<64x288xbf16, #tpu.memory_space<vmem_shared>>
      %dma_start3A_105 = arith.constant 0 : i32
      %dma_start3A_106 = tpu.memref_slice %arg20[%add3A_15, %dma_start3A_105] : memref<10000x288xbf16, #tpu.memory_space<vmem_shared>> -> memref<64x288xbf16, #tpu.memory_space<vmem_shared>>
      tpu.enqueue_dma source(%arg16 : memref<64x288xbf16, #tpu.memory_space<vmem>>) target(%dma_start3A_106 : memref<64x288xbf16, #tpu.memory_space<vmem_shared>>) target_semaphore(%run_scoped3A : memref<!tpu.dma_semaphore, #tpu.memory_space<semaphore_mem>>)
      %dma_wait3A = arith.constant 0 : i32
      %dma_wait3A_107 = tpu.memref_slice %arg20[%add3A_15, %dma_wait3A] : memref<10000x288xbf16, #tpu.memory_space<vmem_shared>> -> memref<64x288xbf16, #tpu.memory_space<vmem_shared>>
      %dma_wait3A_108 = arith.constant 0 : i32
      %dma_wait3A_109 = tpu.memref_slice %arg20[%add3A_15, %dma_wait3A_108] : memref<10000x288xbf16, #tpu.memory_space<vmem_shared>> -> memref<64x288xbf16, #tpu.memory_space<vmem_shared>>
      tpu.wait_dma2 semaphore(%run_scoped3A : memref<!tpu.dma_semaphore, #tpu.memory_space<semaphore_mem>>) src(%arg16 : memref<64x288xbf16, #tpu.memory_space<vmem>>) dst(%dma_wait3A_109 : memref<64x288xbf16, #tpu.memory_space<vmem_shared>>)
      tpu.yield
    }) : () -> ()
    %add3A_16 = arith.constant 320 : i32
    %add3A_17 = arith.addi %mul3A_6, %add3A_16 : i32
    "tpu.region"() ({
      %run_scoped3A = tpu.sem_alloc : memref<!tpu.dma_semaphore, #tpu.memory_space<semaphore_mem>>
      %dma_start3A = arith.constant 0 : i32
      %dma_start3A_104 = tpu.memref_slice %arg20[%add3A_17, %dma_start3A] : memref<10000x288xbf16, #tpu.memory_space<vmem_shared>> -> memref<64x288xbf16, #tpu.memory_space<vmem_shared>>
      %dma_start3A_105 = arith.constant 0 : i32
      %dma_start3A_106 = tpu.memref_slice %arg20[%add3A_17, %dma_start3A_105] : memref<10000x288xbf16, #tpu.memory_space<vmem_shared>> -> memref<64x288xbf16, #tpu.memory_space<vmem_shared>>
      tpu.enqueue_dma source(%arg16 : memref<64x288xbf16, #tpu.memory_space<vmem>>) target(%dma_start3A_106 : memref<64x288xbf16, #tpu.memory_space<vmem_shared>>) target_semaphore(%run_scoped3A : memref<!tpu.dma_semaphore, #tpu.memory_space<semaphore_mem>>)
      %dma_wait3A = arith.constant 0 : i32
      %dma_wait3A_107 = tpu.memref_slice %arg20[%add3A_17, %dma_wait3A] : memref<10000x288xbf16, #tpu.memory_space<vmem_shared>> -> memref<64x288xbf16, #tpu.memory_space<vmem_shared>>
      %dma_wait3A_108 = arith.constant 0 : i32
      %dma_wait3A_109 = tpu.memref_slice %arg20[%add3A_17, %dma_wait3A_108] : memref<10000x288xbf16, #tpu.memory_space<vmem_shared>> -> memref<64x288xbf16, #tpu.memory_space<vmem_shared>>
      tpu.wait_dma2 semaphore(%run_scoped3A : memref<!tpu.dma_semaphore, #tpu.memory_space<semaphore_mem>>) src(%arg16 : memref<64x288xbf16, #tpu.memory_space<vmem>>) dst(%dma_wait3A_109 : memref<64x288xbf16, #tpu.memory_space<vmem_shared>>)
      tpu.yield
    }) : () -> ()
    %add3A_18 = arith.constant 384 : i32
    %add3A_19 = arith.addi %mul3A_6, %add3A_18 : i32
    "tpu.region"() ({
      %run_scoped3A = tpu.sem_alloc : memref<!tpu.dma_semaphore, #tpu.memory_space<semaphore_mem>>
      %dma_start3A = arith.constant 0 : i32
      %dma_start3A_104 = tpu.memref_slice %arg20[%add3A_19, %dma_start3A] : memref<10000x288xbf16, #tpu.memory_space<vmem_shared>> -> memref<64x288xbf16, #tpu.memory_space<vmem_shared>>
      %dma_start3A_105 = arith.constant 0 : i32
      %dma_start3A_106 = tpu.memref_slice %arg20[%add3A_19, %dma_start3A_105] : memref<10000x288xbf16, #tpu.memory_space<vmem_shared>> -> memref<64x288xbf16, #tpu.memory_space<vmem_shared>>
      tpu.enqueue_dma source(%arg16 : memref<64x288xbf16, #tpu.memory_space<vmem>>) target(%dma_start3A_106 : memref<64x288xbf16, #tpu.memory_space<vmem_shared>>) target_semaphore(%run_scoped3A : memref<!tpu.dma_semaphore, #tpu.memory_space<semaphore_mem>>)
      %dma_wait3A = arith.constant 0 : i32
      %dma_wait3A_107 = tpu.memref_slice %arg20[%add3A_19, %dma_wait3A] : memref<10000x288xbf16, #tpu.memory_space<vmem_shared>> -> memref<64x288xbf16, #tpu.memory_space<vmem_shared>>
      %dma_wait3A_108 = arith.constant 0 : i32
      %dma_wait3A_109 = tpu.memref_slice %arg20[%add3A_19, %dma_wait3A_108] : memref<10000x288xbf16, #tpu.memory_space<vmem_shared>> -> memref<64x288xbf16, #tpu.memory_space<vmem_shared>>
      tpu.wait_dma2 semaphore(%run_scoped3A : memref<!tpu.dma_semaphore, #tpu.memory_space<semaphore_mem>>) src(%arg16 : memref<64x288xbf16, #tpu.memory_space<vmem>>) dst(%dma_wait3A_109 : memref<64x288xbf16, #tpu.memory_space<vmem_shared>>)
      tpu.yield
    }) : () -> ()
    %add3A_20 = arith.constant 448 : i32
    %add3A_21 = arith.addi %mul3A_6, %add3A_20 : i32
    "tpu.region"() ({
      %run_scoped3A = tpu.sem_alloc : memref<!tpu.dma_semaphore, #tpu.memory_space<semaphore_mem>>
      %dma_start3A = arith.constant 0 : i32
      %dma_start3A_104 = tpu.memref_slice %arg20[%add3A_21, %dma_start3A] : memref<10000x288xbf16, #tpu.memory_space<vmem_shared>> -> memref<64x288xbf16, #tpu.memory_space<vmem_shared>>
      %dma_start3A_105 = arith.constant 0 : i32
      %dma_start3A_106 = tpu.memref_slice %arg20[%add3A_21, %dma_start3A_105] : memref<10000x288xbf16, #tpu.memory_space<vmem_shared>> -> memref<64x288xbf16, #tpu.memory_space<vmem_shared>>
      tpu.enqueue_dma source(%arg16 : memref<64x288xbf16, #tpu.memory_space<vmem>>) target(%dma_start3A_106 : memref<64x288xbf16, #tpu.memory_space<vmem_shared>>) target_semaphore(%run_scoped3A : memref<!tpu.dma_semaphore, #tpu.memory_space<semaphore_mem>>)
      %dma_wait3A = arith.constant 0 : i32
      %dma_wait3A_107 = tpu.memref_slice %arg20[%add3A_21, %dma_wait3A] : memref<10000x288xbf16, #tpu.memory_space<vmem_shared>> -> memref<64x288xbf16, #tpu.memory_space<vmem_shared>>
      %dma_wait3A_108 = arith.constant 0 : i32
      %dma_wait3A_109 = tpu.memref_slice %arg20[%add3A_21, %dma_wait3A_108] : memref<10000x288xbf16, #tpu.memory_space<vmem_shared>> -> memref<64x288xbf16, #tpu.memory_space<vmem_shared>>
      tpu.wait_dma2 semaphore(%run_scoped3A : memref<!tpu.dma_semaphore, #tpu.memory_space<semaphore_mem>>) src(%arg16 : memref<64x288xbf16, #tpu.memory_space<vmem>>) dst(%dma_wait3A_109 : memref<64x288xbf16, #tpu.memory_space<vmem_shared>>)
      tpu.yield
    }) : () -> ()
    %add3A_22 = arith.constant 512 : i32
    %add3A_23 = arith.addi %mul3A_6, %add3A_22 : i32
    "tpu.region"() ({
      %run_scoped3A = tpu.sem_alloc : memref<!tpu.dma_semaphore, #tpu.memory_space<semaphore_mem>>
      %dma_start3A = arith.constant 0 : i32
      %dma_start3A_104 = tpu.memref_slice %arg20[%add3A_23, %dma_start3A] : memref<10000x288xbf16, #tpu.memory_space<vmem_shared>> -> memref<64x288xbf16, #tpu.memory_space<vmem_shared>>
      %dma_start3A_105 = arith.constant 0 : i32
      %dma_start3A_106 = tpu.memref_slice %arg20[%add3A_23, %dma_start3A_105] : memref<10000x288xbf16, #tpu.memory_space<vmem_shared>> -> memref<64x288xbf16, #tpu.memory_space<vmem_shared>>
      tpu.enqueue_dma source(%arg16 : memref<64x288xbf16, #tpu.memory_space<vmem>>) target(%dma_start3A_106 : memref<64x288xbf16, #tpu.memory_space<vmem_shared>>) target_semaphore(%run_scoped3A : memref<!tpu.dma_semaphore, #tpu.memory_space<semaphore_mem>>)
      %dma_wait3A = arith.constant 0 : i32
      %dma_wait3A_107 = tpu.memref_slice %arg20[%add3A_23, %dma_wait3A] : memref<10000x288xbf16, #tpu.memory_space<vmem_shared>> -> memref<64x288xbf16, #tpu.memory_space<vmem_shared>>
      %dma_wait3A_108 = arith.constant 0 : i32
      %dma_wait3A_109 = tpu.memref_slice %arg20[%add3A_23, %dma_wait3A_108] : memref<10000x288xbf16, #tpu.memory_space<vmem_shared>> -> memref<64x288xbf16, #tpu.memory_space<vmem_shared>>
      tpu.wait_dma2 semaphore(%run_scoped3A : memref<!tpu.dma_semaphore, #tpu.memory_space<semaphore_mem>>) src(%arg16 : memref<64x288xbf16, #tpu.memory_space<vmem>>) dst(%dma_wait3A_109 : memref<64x288xbf16, #tpu.memory_space<vmem_shared>>)
      tpu.yield
    }) : () -> ()
    %add3A_24 = arith.constant 625 : i32
    %add3A_25 = arith.addi %mul3A_6, %add3A_24 : i32
    %sub3A = arith.constant 64 : i32
    %sub3A_26 = arith.subi %add3A_25, %sub3A : i32
    "tpu.region"() ({
      %run_scoped3A = tpu.sem_alloc : memref<!tpu.dma_semaphore, #tpu.memory_space<semaphore_mem>>
      %dma_start3A = arith.constant 0 : i32
      %dma_start3A_104 = tpu.memref_slice %arg20[%sub3A_26, %dma_start3A] : memref<10000x288xbf16, #tpu.memory_space<vmem_shared>> -> memref<64x288xbf16, #tpu.memory_space<vmem_shared>>
      %dma_start3A_105 = arith.constant 0 : i32
      %dma_start3A_106 = tpu.memref_slice %arg20[%sub3A_26, %dma_start3A_105] : memref<10000x288xbf16, #tpu.memory_space<vmem_shared>> -> memref<64x288xbf16, #tpu.memory_space<vmem_shared>>
      tpu.enqueue_dma source(%arg16 : memref<64x288xbf16, #tpu.memory_space<vmem>>) target(%dma_start3A_106 : memref<64x288xbf16, #tpu.memory_space<vmem_shared>>) target_semaphore(%run_scoped3A : memref<!tpu.dma_semaphore, #tpu.memory_space<semaphore_mem>>)
      %dma_wait3A = arith.constant 0 : i32
      %dma_wait3A_107 = tpu.memref_slice %arg20[%sub3A_26, %dma_wait3A] : memref<10000x288xbf16, #tpu.memory_space<vmem_shared>> -> memref<64x288xbf16, #tpu.memory_space<vmem_shared>>
      %dma_wait3A_108 = arith.constant 0 : i32
      %dma_wait3A_109 = tpu.memref_slice %arg20[%sub3A_26, %dma_wait3A_108] : memref<10000x288xbf16, #tpu.memory_space<vmem_shared>> -> memref<64x288xbf16, #tpu.memory_space<vmem_shared>>
      tpu.wait_dma2 semaphore(%run_scoped3A : memref<!tpu.dma_semaphore, #tpu.memory_space<semaphore_mem>>) src(%arg16 : memref<64x288xbf16, #tpu.memory_space<vmem>>) dst(%dma_wait3A_109 : memref<64x288xbf16, #tpu.memory_space<vmem_shared>>)
      tpu.yield
    }) : () -> ()
    %barrier3A = arith.constant 0 : index
    tpu.barrier barrier_id(%barrier3A)
    %add3A_27 = arith.constant 0 : i32
    %add3A_28 = arith.addi %arg1, %add3A_27 : i32
    %lt3A = arith.constant 1250 : i32
    %lt3A_29 = arith.cmpi slt, %add3A_28, %lt3A : i32
    %convert_element_type3A = arith.extui %lt3A_29 : i1 to i32
    %cond3A = arith.constant 0 : i32
    %cond3A_30 = arith.cmpi ne, %convert_element_type3A, %cond3A : i32
    scf.if %cond3A_30 {
      %mul3A_104 = arith.constant 1250 : i32
      %mul3A_105 = arith.muli %arg0, %mul3A_104 : i32
      %add3A_106 = arith.addi %mul3A_105, %add3A_28 : i32
      %mul3A_107 = arith.constant 64 : i32
      %mul3A_108 = arith.muli %add3A_106, %mul3A_107 : i32
      "tpu.region"() ({
        %run_scoped3A = tpu.sem_alloc : memref<!tpu.dma_semaphore, #tpu.memory_space<semaphore_mem>>
        %dma_start3A_111 = tpu.memref_slice %arg2[%mul3A_108] : memref<160000xi32, #tpu.memory_space<hbm>> -> memref<64xi32, #tpu.memory_space<hbm>>
        %dma_start3A_112 = tpu.memref_slice %arg2[%mul3A_108] : memref<160000xi32, #tpu.memory_space<hbm>> -> memref<64xi32, #tpu.memory_space<hbm>>
        tpu.enqueue_dma source(%dma_start3A_112 : memref<64xi32, #tpu.memory_space<hbm>>) target(%arg8 : memref<64xi32, #tpu.memory_space<vmem>>) target_semaphore(%run_scoped3A : memref<!tpu.dma_semaphore, #tpu.memory_space<semaphore_mem>>)
        %dma_wait3A = tpu.memref_slice %arg2[%mul3A_108] : memref<160000xi32, #tpu.memory_space<hbm>> -> memref<64xi32, #tpu.memory_space<hbm>>
        %dma_wait3A_113 = tpu.memref_slice %arg2[%mul3A_108] : memref<160000xi32, #tpu.memory_space<hbm>> -> memref<64xi32, #tpu.memory_space<hbm>>
        tpu.wait_dma2 semaphore(%run_scoped3A : memref<!tpu.dma_semaphore, #tpu.memory_space<semaphore_mem>>) src(%dma_wait3A_113 : memref<64xi32, #tpu.memory_space<hbm>>) dst(%arg8 : memref<64xi32, #tpu.memory_space<vmem>>)
        tpu.yield
      }) : () -> ()
      "tpu.region"() ({
        %run_scoped3A = tpu.sem_alloc : memref<!tpu.dma_semaphore, #tpu.memory_space<semaphore_mem>>
        %dma_start3A_111 = tpu.memref_slice %arg3[%mul3A_108] : memref<160000xi32, #tpu.memory_space<hbm>> -> memref<64xi32, #tpu.memory_space<hbm>>
        %dma_start3A_112 = tpu.memref_slice %arg3[%mul3A_108] : memref<160000xi32, #tpu.memory_space<hbm>> -> memref<64xi32, #tpu.memory_space<hbm>>
        tpu.enqueue_dma source(%dma_start3A_112 : memref<64xi32, #tpu.memory_space<hbm>>) target(%arg9 : memref<64xi32, #tpu.memory_space<vmem>>) target_semaphore(%run_scoped3A : memref<!tpu.dma_semaphore, #tpu.memory_space<semaphore_mem>>)
        %dma_wait3A = tpu.memref_slice %arg3[%mul3A_108] : memref<160000xi32, #tpu.memory_space<hbm>> -> memref<64xi32, #tpu.memory_space<hbm>>
        %dma_wait3A_113 = tpu.memref_slice %arg3[%mul3A_108] : memref<160000xi32, #tpu.memory_space<hbm>> -> memref<64xi32, #tpu.memory_space<hbm>>
        tpu.wait_dma2 semaphore(%run_scoped3A : memref<!tpu.dma_semaphore, #tpu.memory_space<semaphore_mem>>) src(%dma_wait3A_113 : memref<64xi32, #tpu.memory_space<hbm>>) dst(%arg9 : memref<64xi32, #tpu.memory_space<vmem>>)
        tpu.yield
      }) : () -> ()
      "tpu.region"() ({
        %run_scoped3A = tpu.sem_alloc : memref<!tpu.dma_semaphore, #tpu.memory_space<semaphore_mem>>
        %dma_start3A_111 = arith.constant 0 : i32
        %dma_start3A_112 = tpu.memref_slice %arg4[%mul3A_108, %dma_start3A_111] : memref<160000x16xf32, #tpu.memory_space<hbm>> -> memref<64x16xf32, #tpu.memory_space<hbm>>
        %dma_start3A_113 = arith.constant 0 : i32
        %dma_start3A_114 = tpu.memref_slice %arg4[%mul3A_108, %dma_start3A_113] : memref<160000x16xf32, #tpu.memory_space<hbm>> -> memref<64x16xf32, #tpu.memory_space<hbm>>
        tpu.enqueue_dma source(%dma_start3A_114 : memref<64x16xf32, #tpu.memory_space<hbm>>) target(%arg10 : memref<64x16xf32, #tpu.memory_space<vmem>>) target_semaphore(%run_scoped3A : memref<!tpu.dma_semaphore, #tpu.memory_space<semaphore_mem>>)
        %dma_wait3A = arith.constant 0 : i32
        %dma_wait3A_115 = tpu.memref_slice %arg4[%mul3A_108, %dma_wait3A] : memref<160000x16xf32, #tpu.memory_space<hbm>> -> memref<64x16xf32, #tpu.memory_space<hbm>>
        %dma_wait3A_116 = arith.constant 0 : i32
        %dma_wait3A_117 = tpu.memref_slice %arg4[%mul3A_108, %dma_wait3A_116] : memref<160000x16xf32, #tpu.memory_space<hbm>> -> memref<64x16xf32, #tpu.memory_space<hbm>>
        tpu.wait_dma2 semaphore(%run_scoped3A : memref<!tpu.dma_semaphore, #tpu.memory_space<semaphore_mem>>) src(%dma_wait3A_117 : memref<64x16xf32, #tpu.memory_space<hbm>>) dst(%arg10 : memref<64x16xf32, #tpu.memory_space<vmem>>)
        tpu.yield
      }) : () -> ()
      %dma_start3A = arith.constant 0 : i32
      %dma_start3A_109 = arith.constant 0 : i32
      %dma_start3A_110 = tpu.memref_slice %arg5[%dma_start3A, %dma_start3A_109] : memref<10000x256xbf16, #tpu.memory_space<hbm>> -> memref<10000x256xbf16, #tpu.memory_space<hbm>>
      tpu.enqueue_indirect_dma source(%dma_start3A_110 : memref<10000x256xbf16, #tpu.memory_space<hbm>>) target(%arg11 : memref<64x256xbf16, #tpu.memory_space<vmem>>) offsets(%arg8 : memref<64xi32, #tpu.memory_space<vmem>>) semaphore(%arg21 : memref<!tpu.dma_semaphore, #tpu.memory_space<semaphore_mem>>)
    } else {
    }
    %add3A_31 = arith.constant 16 : i32
    %add3A_32 = arith.addi %arg1, %add3A_31 : i32
    %lt3A_33 = arith.constant 1250 : i32
    %lt3A_34 = arith.cmpi slt, %add3A_32, %lt3A_33 : i32
    %convert_element_type3A_35 = arith.extui %lt3A_34 : i1 to i32
    %cond3A_36 = arith.constant 0 : i32
    %cond3A_37 = arith.cmpi ne, %convert_element_type3A_35, %cond3A_36 : i32
    scf.if %cond3A_37 {
      %mul3A_104 = arith.constant 1250 : i32
      %mul3A_105 = arith.muli %arg0, %mul3A_104 : i32
      %add3A_106 = arith.addi %mul3A_105, %add3A_32 : i32
      %mul3A_107 = arith.constant 64 : i32
      %mul3A_108 = arith.muli %add3A_106, %mul3A_107 : i32
      "tpu.region"() ({
        %run_scoped3A = tpu.sem_alloc : memref<!tpu.dma_semaphore, #tpu.memory_space<semaphore_mem>>
        %dma_start3A_111 = tpu.memref_slice %arg2[%mul3A_108] : memref<160000xi32, #tpu.memory_space<hbm>> -> memref<64xi32, #tpu.memory_space<hbm>>
        %dma_start3A_112 = tpu.memref_slice %arg2[%mul3A_108] : memref<160000xi32, #tpu.memory_space<hbm>> -> memref<64xi32, #tpu.memory_space<hbm>>
        tpu.enqueue_dma source(%dma_start3A_112 : memref<64xi32, #tpu.memory_space<hbm>>) target(%arg12 : memref<64xi32, #tpu.memory_space<vmem>>) target_semaphore(%run_scoped3A : memref<!tpu.dma_semaphore, #tpu.memory_space<semaphore_mem>>)
        %dma_wait3A = tpu.memref_slice %arg2[%mul3A_108] : memref<160000xi32, #tpu.memory_space<hbm>> -> memref<64xi32, #tpu.memory_space<hbm>>
        %dma_wait3A_113 = tpu.memref_slice %arg2[%mul3A_108] : memref<160000xi32, #tpu.memory_space<hbm>> -> memref<64xi32, #tpu.memory_space<hbm>>
        tpu.wait_dma2 semaphore(%run_scoped3A : memref<!tpu.dma_semaphore, #tpu.memory_space<semaphore_mem>>) src(%dma_wait3A_113 : memref<64xi32, #tpu.memory_space<hbm>>) dst(%arg12 : memref<64xi32, #tpu.memory_space<vmem>>)
        tpu.yield
      }) : () -> ()
      "tpu.region"() ({
        %run_scoped3A = tpu.sem_alloc : memref<!tpu.dma_semaphore, #tpu.memory_space<semaphore_mem>>
        %dma_start3A_111 = tpu.memref_slice %arg3[%mul3A_108] : memref<160000xi32, #tpu.memory_space<hbm>> -> memref<64xi32, #tpu.memory_space<hbm>>
        %dma_start3A_112 = tpu.memref_slice %arg3[%mul3A_108] : memref<160000xi32, #tpu.memory_space<hbm>> -> memref<64xi32, #tpu.memory_space<hbm>>
        tpu.enqueue_dma source(%dma_start3A_112 : memref<64xi32, #tpu.memory_space<hbm>>) target(%arg13 : memref<64xi32, #tpu.memory_space<vmem>>) target_semaphore(%run_scoped3A : memref<!tpu.dma_semaphore, #tpu.memory_space<semaphore_mem>>)
        %dma_wait3A = tpu.memref_slice %arg3[%mul3A_108] : memref<160000xi32, #tpu.memory_space<hbm>> -> memref<64xi32, #tpu.memory_space<hbm>>
        %dma_wait3A_113 = tpu.memref_slice %arg3[%mul3A_108] : memref<160000xi32, #tpu.memory_space<hbm>> -> memref<64xi32, #tpu.memory_space<hbm>>
        tpu.wait_dma2 semaphore(%run_scoped3A : memref<!tpu.dma_semaphore, #tpu.memory_space<semaphore_mem>>) src(%dma_wait3A_113 : memref<64xi32, #tpu.memory_space<hbm>>) dst(%arg13 : memref<64xi32, #tpu.memory_space<vmem>>)
        tpu.yield
      }) : () -> ()
      "tpu.region"() ({
        %run_scoped3A = tpu.sem_alloc : memref<!tpu.dma_semaphore, #tpu.memory_space<semaphore_mem>>
        %dma_start3A_111 = arith.constant 0 : i32
        %dma_start3A_112 = tpu.memref_slice %arg4[%mul3A_108, %dma_start3A_111] : memref<160000x16xf32, #tpu.memory_space<hbm>> -> memref<64x16xf32, #tpu.memory_space<hbm>>
        %dma_start3A_113 = arith.constant 0 : i32
        %dma_start3A_114 = tpu.memref_slice %arg4[%mul3A_108, %dma_start3A_113] : memref<160000x16xf32, #tpu.memory_space<hbm>> -> memref<64x16xf32, #tpu.memory_space<hbm>>
        tpu.enqueue_dma source(%dma_start3A_114 : memref<64x16xf32, #tpu.memory_space<hbm>>) target(%arg14 : memref<64x16xf32, #tpu.memory_space<vmem>>) target_semaphore(%run_scoped3A : memref<!tpu.dma_semaphore, #tpu.memory_space<semaphore_mem>>)
        %dma_wait3A = arith.constant 0 : i32
        %dma_wait3A_115 = tpu.memref_slice %arg4[%mul3A_108, %dma_wait3A] : memref<160000x16xf32, #tpu.memory_space<hbm>> -> memref<64x16xf32, #tpu.memory_space<hbm>>
        %dma_wait3A_116 = arith.constant 0 : i32
        %dma_wait3A_117 = tpu.memref_slice %arg4[%mul3A_108, %dma_wait3A_116] : memref<160000x16xf32, #tpu.memory_space<hbm>> -> memref<64x16xf32, #tpu.memory_space<hbm>>
        tpu.wait_dma2 semaphore(%run_scoped3A : memref<!tpu.dma_semaphore, #tpu.memory_space<semaphore_mem>>) src(%dma_wait3A_117 : memref<64x16xf32, #tpu.memory_space<hbm>>) dst(%arg14 : memref<64x16xf32, #tpu.memory_space<vmem>>)
        tpu.yield
      }) : () -> ()
      %dma_start3A = arith.constant 0 : i32
      %dma_start3A_109 = arith.constant 0 : i32
      %dma_start3A_110 = tpu.memref_slice %arg5[%dma_start3A, %dma_start3A_109] : memref<10000x256xbf16, #tpu.memory_space<hbm>> -> memref<10000x256xbf16, #tpu.memory_space<hbm>>
      tpu.enqueue_indirect_dma source(%dma_start3A_110 : memref<10000x256xbf16, #tpu.memory_space<hbm>>) target(%arg15 : memref<64x256xbf16, #tpu.memory_space<vmem>>) offsets(%arg12 : memref<64xi32, #tpu.memory_space<vmem>>) semaphore(%arg22 : memref<!tpu.dma_semaphore, #tpu.memory_space<semaphore_mem>>)
    } else {
    }
    %scan3A_38 = arith.constant 0 : i32
    %scan3A_39 = arith.constant 0 : i32
    %scan3A_40 = arith.constant 41 : i32
    %scan3A_41 = arith.addi %scan3A_39, %scan3A_40 : i32
    %scan3A_42 = arith.constant 1 : i32
    scf.for %scan3A_104 = %scan3A_39 to %scan3A_41 step %scan3A_42  : i32 {
      %mul3A_105 = arith.constant 2 : i32
      %mul3A_106 = arith.muli %mul3A_105, %scan3A_104 : i32
      %add3A_107 = arith.constant 0 : i32
      %add3A_108 = arith.addi %mul3A_106, %add3A_107 : i32
      %sub3A_109 = arith.constant 2 : i32
      %sub3A_110 = arith.subi %add3A_108, %sub3A_109 : i32
      %mul3A_111 = arith.constant 16 : i32
      %mul3A_112 = arith.muli %sub3A_110, %mul3A_111 : i32
      %add3A_113 = arith.addi %arg1, %mul3A_112 : i32
      %ge3A = arith.constant 0 : i32
      %ge3A_114 = arith.cmpi sge, %sub3A_110, %ge3A : i32
      %lt3A_115 = arith.constant 1250 : i32
      %lt3A_116 = arith.cmpi slt, %add3A_113, %lt3A_115 : i32
      %and3A = arith.andi %ge3A_114, %lt3A_116 : i1
      %convert_element_type3A_117 = arith.extui %and3A : i1 to i32
      %cond3A_118 = arith.constant 0 : i32
      %cond3A_119 = arith.cmpi ne, %convert_element_type3A_117, %cond3A_118 : i32
      scf.if %cond3A_119 {
        %dma_wait3A = arith.constant 0 : i32
        %dma_wait3A_173 = arith.constant 0 : i32
        %dma_wait3A_174 = tpu.memref_slice %arg20[%dma_wait3A, %dma_wait3A_173] : memref<10000x288xbf16, #tpu.memory_space<vmem_shared>> -> memref<10000x288xbf16, #tpu.memory_space<vmem_shared>>
        tpu.wait_indirect_dma semaphore(%arg23 : memref<!tpu.dma_semaphore, #tpu.memory_space<semaphore_mem>>) src(%arg16 : memref<64x288xbf16, #tpu.memory_space<vmem>>) dst(%dma_wait3A_174 : memref<10000x288xbf16, #tpu.memory_space<vmem_shared>>)
      } else {
      }
      %mul3A_120 = arith.constant 16 : i32
      %mul3A_121 = arith.muli %add3A_108, %mul3A_120 : i32
      %add3A_122 = arith.addi %arg1, %mul3A_121 : i32
      %lt3A_123 = arith.constant 1250 : i32
      %lt3A_124 = arith.cmpi slt, %add3A_122, %lt3A_123 : i32
      %convert_element_type3A_125 = arith.extui %lt3A_124 : i1 to i32
      %cond3A_126 = arith.constant 0 : i32
      %cond3A_127 = arith.cmpi ne, %convert_element_type3A_125, %cond3A_126 : i32
      scf.if %cond3A_127 {
        %dma_wait3A = arith.constant 0 : i32
        %dma_wait3A_173 = arith.constant 0 : i32
        %dma_wait3A_174 = tpu.memref_slice %arg5[%dma_wait3A, %dma_wait3A_173] : memref<10000x256xbf16, #tpu.memory_space<hbm>> -> memref<10000x256xbf16, #tpu.memory_space<hbm>>
        tpu.wait_indirect_dma semaphore(%arg21 : memref<!tpu.dma_semaphore, #tpu.memory_space<semaphore_mem>>) src(%dma_wait3A_174 : memref<10000x256xbf16, #tpu.memory_space<hbm>>) dst(%arg11 : memref<64x256xbf16, #tpu.memory_space<vmem>>)
        %scan3A_175 = arith.constant 0 : i32
        %scan3A_176 = arith.constant 0 : i32
        %scan3A_177 = arith.constant 64 : i32
        %scan3A_178 = arith.addi %scan3A_176, %scan3A_177 : i32
        %scan3A_179 = arith.constant 1 : i32
        scf.for %scan3A_197 = %scan3A_176 to %scan3A_178 step %scan3A_179  : i32 {
          %get3A_198 = arith.index_cast %scan3A_197 : i32 to index
          %get3A_199 = arith.constant 0 : index
          %get3A_200 = tpu.vector_load %arg10[%get3A_198, %get3A_199] {strides = array<i32>} : memref<64x16xf32, #tpu.memory_space<vmem>>, vector<16xf32>,
          %broadcast_in_dim3A_201 = arith.constant 0 : i32
          %broadcast_in_dim3A_202 = vector.broadcast %broadcast_in_dim3A_201 : i32 to vector<16xi32>
          %broadcast_in_dim3A_203 = vector.shape_cast %broadcast_in_dim3A_202 : vector<16xi32> to vector<16x1xi32>
          %gather3A = vector.shape_cast %broadcast_in_dim3A_203 : vector<16x1xi32> to vector<16xi32>
          %gather3A_204 = tpu.dynamic_gather %get3A_200[%gather3A] in [0] : vector<16xf32>, vector<16xi32> -> vector<16xf32>
          %pack3A = tpu.pack_subelements %gather3A_204, %gather3A_204 {pack_format = #tpu.pack_format<interleaved>, positions = array<i32: 0, 1>} : vector<16xf32>, vector<16xf32> -> vector<32xbf16>
          %get3A_205 = arith.index_cast %scan3A_197 : i32 to index
          %get3A_206 = arith.constant 0 : index
          %get3A_207 = tpu.vector_load %arg11[%get3A_205, %get3A_206] {strides = array<i32>} : memref<64x256xbf16, #tpu.memory_space<vmem>>, vector<32xbf16>,
          %mul3A_208 = arith.mulf %get3A_207, %pack3A : vector<32xbf16>
          %swap3A_209 = arith.index_cast %scan3A_197 : i32 to index
          %swap3A_210 = arith.constant 0 : index
          %swap3A_211 = tpu.vector_load %arg16[%swap3A_209, %swap3A_210] {strides = array<i32>} : memref<64x288xbf16, #tpu.memory_space<vmem>>, vector<32xbf16>,
          tpu.vector_store %arg16[%swap3A_209, %swap3A_210], %mul3A_208 {strides = array<i32>} : memref<64x288xbf16, #tpu.memory_space<vmem>>, vector<32xbf16>,
          %broadcast_in_dim3A_212 = arith.constant 1 : i32
          %broadcast_in_dim3A_213 = vector.broadcast %broadcast_in_dim3A_212 : i32 to vector<16xi32>
          %broadcast_in_dim3A_214 = vector.shape_cast %broadcast_in_dim3A_213 : vector<16xi32> to vector<16x1xi32>
          %gather3A_215 = vector.shape_cast %broadcast_in_dim3A_214 : vector<16x1xi32> to vector<16xi32>
          %gather3A_216 = tpu.dynamic_gather %get3A_200[%gather3A_215] in [0] : vector<16xf32>, vector<16xi32> -> vector<16xf32>
          %pack3A_217 = tpu.pack_subelements %gather3A_216, %gather3A_216 {pack_format = #tpu.pack_format<interleaved>, positions = array<i32: 0, 1>} : vector<16xf32>, vector<16xf32> -> vector<32xbf16>
          %get3A_218 = arith.index_cast %scan3A_197 : i32 to index
          %get3A_219 = arith.constant 32 : index
          %get3A_220 = tpu.vector_load %arg11[%get3A_218, %get3A_219] {strides = array<i32>} : memref<64x256xbf16, #tpu.memory_space<vmem>>, vector<32xbf16>,
          %mul3A_221 = arith.mulf %get3A_220, %pack3A_217 : vector<32xbf16>
          %swap3A_222 = arith.index_cast %scan3A_197 : i32 to index
          %swap3A_223 = arith.constant 32 : index
          %swap3A_224 = tpu.vector_load %arg16[%swap3A_222, %swap3A_223] {strides = array<i32>} : memref<64x288xbf16, #tpu.memory_space<vmem>>, vector<32xbf16>,
          tpu.vector_store %arg16[%swap3A_222, %swap3A_223], %mul3A_221 {strides = array<i32>} : memref<64x288xbf16, #tpu.memory_space<vmem>>, vector<32xbf16>,
          %broadcast_in_dim3A_225 = arith.constant 2 : i32
          %broadcast_in_dim3A_226 = vector.broadcast %broadcast_in_dim3A_225 : i32 to vector<16xi32>
          %broadcast_in_dim3A_227 = vector.shape_cast %broadcast_in_dim3A_226 : vector<16xi32> to vector<16x1xi32>
          %gather3A_228 = vector.shape_cast %broadcast_in_dim3A_227 : vector<16x1xi32> to vector<16xi32>
          %gather3A_229 = tpu.dynamic_gather %get3A_200[%gather3A_228] in [0] : vector<16xf32>, vector<16xi32> -> vector<16xf32>
          %pack3A_230 = tpu.pack_subelements %gather3A_229, %gather3A_229 {pack_format = #tpu.pack_format<interleaved>, positions = array<i32: 0, 1>} : vector<16xf32>, vector<16xf32> -> vector<32xbf16>
          %get3A_231 = arith.index_cast %scan3A_197 : i32 to index
          %get3A_232 = arith.constant 64 : index
          %get3A_233 = tpu.vector_load %arg11[%get3A_231, %get3A_232] {strides = array<i32>} : memref<64x256xbf16, #tpu.memory_space<vmem>>, vector<32xbf16>,
          %mul3A_234 = arith.mulf %get3A_233, %pack3A_230 : vector<32xbf16>
          %swap3A_235 = arith.index_cast %scan3A_197 : i32 to index
          %swap3A_236 = arith.constant 64 : index
          %swap3A_237 = tpu.vector_load %arg16[%swap3A_235, %swap3A_236] {strides = array<i32>} : memref<64x288xbf16, #tpu.memory_space<vmem>>, vector<32xbf16>,
          tpu.vector_store %arg16[%swap3A_235, %swap3A_236], %mul3A_234 {strides = array<i32>} : memref<64x288xbf16, #tpu.memory_space<vmem>>, vector<32xbf16>,
          %broadcast_in_dim3A_238 = arith.constant 3 : i32
          %broadcast_in_dim3A_239 = vector.broadcast %broadcast_in_dim3A_238 : i32 to vector<16xi32>
          %broadcast_in_dim3A_240 = vector.shape_cast %broadcast_in_dim3A_239 : vector<16xi32> to vector<16x1xi32>
          %gather3A_241 = vector.shape_cast %broadcast_in_dim3A_240 : vector<16x1xi32> to vector<16xi32>
          %gather3A_242 = tpu.dynamic_gather %get3A_200[%gather3A_241] in [0] : vector<16xf32>, vector<16xi32> -> vector<16xf32>
          %pack3A_243 = tpu.pack_subelements %gather3A_242, %gather3A_242 {pack_format = #tpu.pack_format<interleaved>, positions = array<i32: 0, 1>} : vector<16xf32>, vector<16xf32> -> vector<32xbf16>
          %get3A_244 = arith.index_cast %scan3A_197 : i32 to index
          %get3A_245 = arith.constant 96 : index
          %get3A_246 = tpu.vector_load %arg11[%get3A_244, %get3A_245] {strides = array<i32>} : memref<64x256xbf16, #tpu.memory_space<vmem>>, vector<32xbf16>,
          %mul3A_247 = arith.mulf %get3A_246, %pack3A_243 : vector<32xbf16>
          %swap3A_248 = arith.index_cast %scan3A_197 : i32 to index
          %swap3A_249 = arith.constant 96 : index
          %swap3A_250 = tpu.vector_load %arg16[%swap3A_248, %swap3A_249] {strides = array<i32>} : memref<64x288xbf16, #tpu.memory_space<vmem>>, vector<32xbf16>,
          tpu.vector_store %arg16[%swap3A_248, %swap3A_249], %mul3A_247 {strides = array<i32>} : memref<64x288xbf16, #tpu.memory_space<vmem>>, vector<32xbf16>,
          %broadcast_in_dim3A_251 = arith.constant 4 : i32
          %broadcast_in_dim3A_252 = vector.broadcast %broadcast_in_dim3A_251 : i32 to vector<16xi32>
          %broadcast_in_dim3A_253 = vector.shape_cast %broadcast_in_dim3A_252 : vector<16xi32> to vector<16x1xi32>
          %gather3A_254 = vector.shape_cast %broadcast_in_dim3A_253 : vector<16x1xi32> to vector<16xi32>
          %gather3A_255 = tpu.dynamic_gather %get3A_200[%gather3A_254] in [0] : vector<16xf32>, vector<16xi32> -> vector<16xf32>
          %pack3A_256 = tpu.pack_subelements %gather3A_255, %gather3A_255 {pack_format = #tpu.pack_format<interleaved>, positions = array<i32: 0, 1>} : vector<16xf32>, vector<16xf32> -> vector<32xbf16>
          %get3A_257 = arith.index_cast %scan3A_197 : i32 to index
          %get3A_258 = arith.constant 128 : index
          %get3A_259 = tpu.vector_load %arg11[%get3A_257, %get3A_258] {strides = array<i32>} : memref<64x256xbf16, #tpu.memory_space<vmem>>, vector<32xbf16>,
          %mul3A_260 = arith.mulf %get3A_259, %pack3A_256 : vector<32xbf16>
          %swap3A_261 = arith.index_cast %scan3A_197 : i32 to index
          %swap3A_262 = arith.constant 128 : index
          %swap3A_263 = tpu.vector_load %arg16[%swap3A_261, %swap3A_262] {strides = array<i32>} : memref<64x288xbf16, #tpu.memory_space<vmem>>, vector<32xbf16>,
          tpu.vector_store %arg16[%swap3A_261, %swap3A_262], %mul3A_260 {strides = array<i32>} : memref<64x288xbf16, #tpu.memory_space<vmem>>, vector<32xbf16>,
          %broadcast_in_dim3A_264 = arith.constant 5 : i32
          %broadcast_in_dim3A_265 = vector.broadcast %broadcast_in_dim3A_264 : i32 to vector<16xi32>
          %broadcast_in_dim3A_266 = vector.shape_cast %broadcast_in_dim3A_265 : vector<16xi32> to vector<16x1xi32>
          %gather3A_267 = vector.shape_cast %broadcast_in_dim3A_266 : vector<16x1xi32> to vector<16xi32>
          %gather3A_268 = tpu.dynamic_gather %get3A_200[%gather3A_267] in [0] : vector<16xf32>, vector<16xi32> -> vector<16xf32>
          %pack3A_269 = tpu.pack_subelements %gather3A_268, %gather3A_268 {pack_format = #tpu.pack_format<interleaved>, positions = array<i32: 0, 1>} : vector<16xf32>, vector<16xf32> -> vector<32xbf16>
          %get3A_270 = arith.index_cast %scan3A_197 : i32 to index
          %get3A_271 = arith.constant 160 : index
          %get3A_272 = tpu.vector_load %arg11[%get3A_270, %get3A_271] {strides = array<i32>} : memref<64x256xbf16, #tpu.memory_space<vmem>>, vector<32xbf16>,
          %mul3A_273 = arith.mulf %get3A_272, %pack3A_269 : vector<32xbf16>
          %swap3A_274 = arith.index_cast %scan3A_197 : i32 to index
          %swap3A_275 = arith.constant 160 : index
          %swap3A_276 = tpu.vector_load %arg16[%swap3A_274, %swap3A_275] {strides = array<i32>} : memref<64x288xbf16, #tpu.memory_space<vmem>>, vector<32xbf16>,
          tpu.vector_store %arg16[%swap3A_274, %swap3A_275], %mul3A_273 {strides = array<i32>} : memref<64x288xbf16, #tpu.memory_space<vmem>>, vector<32xbf16>,
          %broadcast_in_dim3A_277 = arith.constant 6 : i32
          %broadcast_in_dim3A_278 = vector.broadcast %broadcast_in_dim3A_277 : i32 to vector<16xi32>
          %broadcast_in_dim3A_279 = vector.shape_cast %broadcast_in_dim3A_278 : vector<16xi32> to vector<16x1xi32>
          %gather3A_280 = vector.shape_cast %broadcast_in_dim3A_279 : vector<16x1xi32> to vector<16xi32>
          %gather3A_281 = tpu.dynamic_gather %get3A_200[%gather3A_280] in [0] : vector<16xf32>, vector<16xi32> -> vector<16xf32>
          %pack3A_282 = tpu.pack_subelements %gather3A_281, %gather3A_281 {pack_format = #tpu.pack_format<interleaved>, positions = array<i32: 0, 1>} : vector<16xf32>, vector<16xf32> -> vector<32xbf16>
          %get3A_283 = arith.index_cast %scan3A_197 : i32 to index
          %get3A_284 = arith.constant 192 : index
          %get3A_285 = tpu.vector_load %arg11[%get3A_283, %get3A_284] {strides = array<i32>} : memref<64x256xbf16, #tpu.memory_space<vmem>>, vector<32xbf16>,
          %mul3A_286 = arith.mulf %get3A_285, %pack3A_282 : vector<32xbf16>
          %swap3A_287 = arith.index_cast %scan3A_197 : i32 to index
          %swap3A_288 = arith.constant 192 : index
          %swap3A_289 = tpu.vector_load %arg16[%swap3A_287, %swap3A_288] {strides = array<i32>} : memref<64x288xbf16, #tpu.memory_space<vmem>>, vector<32xbf16>,
          tpu.vector_store %arg16[%swap3A_287, %swap3A_288], %mul3A_286 {strides = array<i32>} : memref<64x288xbf16, #tpu.memory_space<vmem>>, vector<32xbf16>,
          %broadcast_in_dim3A_290 = arith.constant 7 : i32
          %broadcast_in_dim3A_291 = vector.broadcast %broadcast_in_dim3A_290 : i32 to vector<16xi32>
          %broadcast_in_dim3A_292 = vector.shape_cast %broadcast_in_dim3A_291 : vector<16xi32> to vector<16x1xi32>
          %gather3A_293 = vector.shape_cast %broadcast_in_dim3A_292 : vector<16x1xi32> to vector<16xi32>
          %gather3A_294 = tpu.dynamic_gather %get3A_200[%gather3A_293] in [0] : vector<16xf32>, vector<16xi32> -> vector<16xf32>
          %pack3A_295 = tpu.pack_subelements %gather3A_294, %gather3A_294 {pack_format = #tpu.pack_format<interleaved>, positions = array<i32: 0, 1>} : vector<16xf32>, vector<16xf32> -> vector<32xbf16>
          %get3A_296 = arith.index_cast %scan3A_197 : i32 to index
          %get3A_297 = arith.constant 224 : index
          %get3A_298 = tpu.vector_load %arg11[%get3A_296, %get3A_297] {strides = array<i32>} : memref<64x256xbf16, #tpu.memory_space<vmem>>, vector<32xbf16>,
          %mul3A_299 = arith.mulf %get3A_298, %pack3A_295 : vector<32xbf16>
          %swap3A_300 = arith.index_cast %scan3A_197 : i32 to index
          %swap3A_301 = arith.constant 224 : index
          %swap3A_302 = tpu.vector_load %arg16[%swap3A_300, %swap3A_301] {strides = array<i32>} : memref<64x288xbf16, #tpu.memory_space<vmem>>, vector<32xbf16>,
          tpu.vector_store %arg16[%swap3A_300, %swap3A_301], %mul3A_299 {strides = array<i32>} : memref<64x288xbf16, #tpu.memory_space<vmem>>, vector<32xbf16>,
          %pack3A_303 = tpu.pack_subelements %get3A_200, %get3A_200 {pack_format = #tpu.pack_format<interleaved>, positions = array<i32: 0, 1>} : vector<16xf32>, vector<16xf32> -> vector<32xbf16>
          %swap3A_304 = arith.index_cast %scan3A_197 : i32 to index
          %swap3A_305 = arith.constant 256 : index
          %swap3A_306 = tpu.vector_load %arg16[%swap3A_304, %swap3A_305] {strides = array<i32>} : memref<64x288xbf16, #tpu.memory_space<vmem>>, vector<32xbf16>,
          tpu.vector_store %arg16[%swap3A_304, %swap3A_305], %pack3A_303 {strides = array<i32>} : memref<64x288xbf16, #tpu.memory_space<vmem>>, vector<32xbf16>,
        }
        %scan3A_180 = arith.constant 64 : i32
        %get3A = arith.constant 0 : index
        %get3A_181 = tpu.vector_load %arg9[%get3A] {strides = array<i32>} : memref<64xi32, #tpu.memory_space<vmem>>, vector<16xi32>,
        %swap3A = arith.constant 0 : index
        %swap3A_182 = tpu.vector_load %arg17[%swap3A] {strides = array<i32>} : memref<64xi32, #tpu.memory_space<vmem>>, vector<16xi32>,
        tpu.vector_store %arg17[%swap3A], %get3A_181 {strides = array<i32>} : memref<64xi32, #tpu.memory_space<vmem>>, vector<16xi32>,
        %get3A_183 = arith.constant 16 : index
        %get3A_184 = tpu.vector_load %arg9[%get3A_183] {strides = array<i32>} : memref<64xi32, #tpu.memory_space<vmem>>, vector<16xi32>,
        %swap3A_185 = arith.constant 16 : index
        %swap3A_186 = tpu.vector_load %arg17[%swap3A_185] {strides = array<i32>} : memref<64xi32, #tpu.memory_space<vmem>>, vector<16xi32>,
        tpu.vector_store %arg17[%swap3A_185], %get3A_184 {strides = array<i32>} : memref<64xi32, #tpu.memory_space<vmem>>, vector<16xi32>,
        %get3A_187 = arith.constant 32 : index
        %get3A_188 = tpu.vector_load %arg9[%get3A_187] {strides = array<i32>} : memref<64xi32, #tpu.memory_space<vmem>>, vector<16xi32>,
        %swap3A_189 = arith.constant 32 : index
        %swap3A_190 = tpu.vector_load %arg17[%swap3A_189] {strides = array<i32>} : memref<64xi32, #tpu.memory_space<vmem>>, vector<16xi32>,
        tpu.vector_store %arg17[%swap3A_189], %get3A_188 {strides = array<i32>} : memref<64xi32, #tpu.memory_space<vmem>>, vector<16xi32>,
        %get3A_191 = arith.constant 48 : index
        %get3A_192 = tpu.vector_load %arg9[%get3A_191] {strides = array<i32>} : memref<64xi32, #tpu.memory_space<vmem>>, vector<16xi32>,
        %swap3A_193 = arith.constant 48 : index
        %swap3A_194 = tpu.vector_load %arg17[%swap3A_193] {strides = array<i32>} : memref<64xi32, #tpu.memory_space<vmem>>, vector<16xi32>,
        tpu.vector_store %arg17[%swap3A_193], %get3A_192 {strides = array<i32>} : memref<64xi32, #tpu.memory_space<vmem>>, vector<16xi32>,
        %dma_start3A = arith.constant 0 : i32
        %dma_start3A_195 = arith.constant 0 : i32
        %dma_start3A_196 = tpu.memref_slice %arg20[%dma_start3A, %dma_start3A_195] : memref<10000x288xbf16, #tpu.memory_space<vmem_shared>> -> memref<10000x288xbf16, #tpu.memory_space<vmem_shared>>
        tpu.enqueue_indirect_dma source(%arg16 : memref<64x288xbf16, #tpu.memory_space<vmem>>) target(%dma_start3A_196 : memref<10000x288xbf16, #tpu.memory_space<vmem_shared>>) offsets(%arg17 : memref<64xi32, #tpu.memory_space<vmem>>) semaphore(%arg23 : memref<!tpu.dma_semaphore, #tpu.memory_space<semaphore_mem>>) {add = true}
      } else {
      }
      %add3A_128 = arith.constant 2 : i32
      %add3A_129 = arith.addi %add3A_108, %add3A_128 : i32
      %mul3A_130 = arith.constant 16 : i32
      %mul3A_131 = arith.muli %add3A_129, %mul3A_130 : i32
      %add3A_132 = arith.addi %arg1, %mul3A_131 : i32
      %lt3A_133 = arith.constant 1250 : i32
      %lt3A_134 = arith.cmpi slt, %add3A_132, %lt3A_133 : i32
      %convert_element_type3A_135 = arith.extui %lt3A_134 : i1 to i32
      %cond3A_136 = arith.constant 0 : i32
      %cond3A_137 = arith.cmpi ne, %convert_element_type3A_135, %cond3A_136 : i32
      scf.if %cond3A_137 {
        %mul3A_173 = arith.constant 1250 : i32
        %mul3A_174 = arith.muli %arg0, %mul3A_173 : i32
        %add3A_175 = arith.addi %mul3A_174, %add3A_132 : i32
        %mul3A_176 = arith.constant 64 : i32
        %mul3A_177 = arith.muli %add3A_175, %mul3A_176 : i32
        "tpu.region"() ({
          %run_scoped3A = tpu.sem_alloc : memref<!tpu.dma_semaphore, #tpu.memory_space<semaphore_mem>>
          %dma_start3A_180 = tpu.memref_slice %arg2[%mul3A_177] : memref<160000xi32, #tpu.memory_space<hbm>> -> memref<64xi32, #tpu.memory_space<hbm>>
          %dma_start3A_181 = tpu.memref_slice %arg2[%mul3A_177] : memref<160000xi32, #tpu.memory_space<hbm>> -> memref<64xi32, #tpu.memory_space<hbm>>
          tpu.enqueue_dma source(%dma_start3A_181 : memref<64xi32, #tpu.memory_space<hbm>>) target(%arg8 : memref<64xi32, #tpu.memory_space<vmem>>) target_semaphore(%run_scoped3A : memref<!tpu.dma_semaphore, #tpu.memory_space<semaphore_mem>>)
          %dma_wait3A = tpu.memref_slice %arg2[%mul3A_177] : memref<160000xi32, #tpu.memory_space<hbm>> -> memref<64xi32, #tpu.memory_space<hbm>>
          %dma_wait3A_182 = tpu.memref_slice %arg2[%mul3A_177] : memref<160000xi32, #tpu.memory_space<hbm>> -> memref<64xi32, #tpu.memory_space<hbm>>
          tpu.wait_dma2 semaphore(%run_scoped3A : memref<!tpu.dma_semaphore, #tpu.memory_space<semaphore_mem>>) src(%dma_wait3A_182 : memref<64xi32, #tpu.memory_space<hbm>>) dst(%arg8 : memref<64xi32, #tpu.memory_space<vmem>>)
          tpu.yield
        }) : () -> ()
        "tpu.region"() ({
          %run_scoped3A = tpu.sem_alloc : memref<!tpu.dma_semaphore, #tpu.memory_space<semaphore_mem>>
          %dma_start3A_180 = tpu.memref_slice %arg3[%mul3A_177] : memref<160000xi32, #tpu.memory_space<hbm>> -> memref<64xi32, #tpu.memory_space<hbm>>
          %dma_start3A_181 = tpu.memref_slice %arg3[%mul3A_177] : memref<160000xi32, #tpu.memory_space<hbm>> -> memref<64xi32, #tpu.memory_space<hbm>>
          tpu.enqueue_dma source(%dma_start3A_181 : memref<64xi32, #tpu.memory_space<hbm>>) target(%arg9 : memref<64xi32, #tpu.memory_space<vmem>>) target_semaphore(%run_scoped3A : memref<!tpu.dma_semaphore, #tpu.memory_space<semaphore_mem>>)
          %dma_wait3A = tpu.memref_slice %arg3[%mul3A_177] : memref<160000xi32, #tpu.memory_space<hbm>> -> memref<64xi32, #tpu.memory_space<hbm>>
          %dma_wait3A_182 = tpu.memref_slice %arg3[%mul3A_177] : memref<160000xi32, #tpu.memory_space<hbm>> -> memref<64xi32, #tpu.memory_space<hbm>>
          tpu.wait_dma2 semaphore(%run_scoped3A : memref<!tpu.dma_semaphore, #tpu.memory_space<semaphore_mem>>) src(%dma_wait3A_182 : memref<64xi32, #tpu.memory_space<hbm>>) dst(%arg9 : memref<64xi32, #tpu.memory_space<vmem>>)
          tpu.yield
        }) : () -> ()
        "tpu.region"() ({
          %run_scoped3A = tpu.sem_alloc : memref<!tpu.dma_semaphore, #tpu.memory_space<semaphore_mem>>
          %dma_start3A_180 = arith.constant 0 : i32
          %dma_start3A_181 = tpu.memref_slice %arg4[%mul3A_177, %dma_start3A_180] : memref<160000x16xf32, #tpu.memory_space<hbm>> -> memref<64x16xf32, #tpu.memory_space<hbm>>
          %dma_start3A_182 = arith.constant 0 : i32
          %dma_start3A_183 = tpu.memref_slice %arg4[%mul3A_177, %dma_start3A_182] : memref<160000x16xf32, #tpu.memory_space<hbm>> -> memref<64x16xf32, #tpu.memory_space<hbm>>
          tpu.enqueue_dma source(%dma_start3A_183 : memref<64x16xf32, #tpu.memory_space<hbm>>) target(%arg10 : memref<64x16xf32, #tpu.memory_space<vmem>>) target_semaphore(%run_scoped3A : memref<!tpu.dma_semaphore, #tpu.memory_space<semaphore_mem>>)
          %dma_wait3A = arith.constant 0 : i32
          %dma_wait3A_184 = tpu.memref_slice %arg4[%mul3A_177, %dma_wait3A] : memref<160000x16xf32, #tpu.memory_space<hbm>> -> memref<64x16xf32, #tpu.memory_space<hbm>>
          %dma_wait3A_185 = arith.constant 0 : i32
          %dma_wait3A_186 = tpu.memref_slice %arg4[%mul3A_177, %dma_wait3A_185] : memref<160000x16xf32, #tpu.memory_space<hbm>> -> memref<64x16xf32, #tpu.memory_space<hbm>>
          tpu.wait_dma2 semaphore(%run_scoped3A : memref<!tpu.dma_semaphore, #tpu.memory_space<semaphore_mem>>) src(%dma_wait3A_186 : memref<64x16xf32, #tpu.memory_space<hbm>>) dst(%arg10 : memref<64x16xf32, #tpu.memory_space<vmem>>)
          tpu.yield
        }) : () -> ()
        %dma_start3A = arith.constant 0 : i32
        %dma_start3A_178 = arith.constant 0 : i32
        %dma_start3A_179 = tpu.memref_slice %arg5[%dma_start3A, %dma_start3A_178] : memref<10000x256xbf16, #tpu.memory_space<hbm>> -> memref<10000x256xbf16, #tpu.memory_space<hbm>>
        tpu.enqueue_indirect_dma source(%dma_start3A_179 : memref<10000x256xbf16, #tpu.memory_space<hbm>>) target(%arg11 : memref<64x256xbf16, #tpu.memory_space<vmem>>) offsets(%arg8 : memref<64xi32, #tpu.memory_space<vmem>>) semaphore(%arg21 : memref<!tpu.dma_semaphore, #tpu.memory_space<semaphore_mem>>)
      } else {
      }
      %mul3A_138 = arith.constant 2 : i32
      %mul3A_139 = arith.muli %mul3A_138, %scan3A_104 : i32
      %add3A_140 = arith.constant 1 : i32
      %add3A_141 = arith.addi %mul3A_139, %add3A_140 : i32
      %sub3A_142 = arith.constant 2 : i32
      %sub3A_143 = arith.subi %add3A_141, %sub3A_142 : i32
      %mul3A_144 = arith.constant 16 : i32
      %mul3A_145 = arith.muli %sub3A_143, %mul3A_144 : i32
      %add3A_146 = arith.addi %arg1, %mul3A_145 : i32
      %ge3A_147 = arith.constant 0 : i32
      %ge3A_148 = arith.cmpi sge, %sub3A_143, %ge3A_147 : i32
      %lt3A_149 = arith.constant 1250 : i32
      %lt3A_150 = arith.cmpi slt, %add3A_146, %lt3A_149 : i32
      %and3A_151 = arith.andi %ge3A_148, %lt3A_150 : i1
      %convert_element_type3A_152 = arith.extui %and3A_151 : i1 to i32
      %cond3A_153 = arith.constant 0 : i32
      %cond3A_154 = arith.cmpi ne, %convert_element_type3A_152, %cond3A_153 : i32
      scf.if %cond3A_154 {
        %dma_wait3A = arith.constant 0 : i32
        %dma_wait3A_173 = arith.constant 0 : i32
        %dma_wait3A_174 = tpu.memref_slice %arg20[%dma_wait3A, %dma_wait3A_173] : memref<10000x288xbf16, #tpu.memory_space<vmem_shared>> -> memref<10000x288xbf16, #tpu.memory_space<vmem_shared>>
        tpu.wait_indirect_dma semaphore(%arg24 : memref<!tpu.dma_semaphore, #tpu.memory_space<semaphore_mem>>) src(%arg18 : memref<64x288xbf16, #tpu.memory_space<vmem>>) dst(%dma_wait3A_174 : memref<10000x288xbf16, #tpu.memory_space<vmem_shared>>)
      } else {
      }
      %mul3A_155 = arith.constant 16 : i32
      %mul3A_156 = arith.muli %add3A_141, %mul3A_155 : i32
      %add3A_157 = arith.addi %arg1, %mul3A_156 : i32
      %lt3A_158 = arith.constant 1250 : i32
      %lt3A_159 = arith.cmpi slt, %add3A_157, %lt3A_158 : i32
      %convert_element_type3A_160 = arith.extui %lt3A_159 : i1 to i32
      %cond3A_161 = arith.constant 0 : i32
      %cond3A_162 = arith.cmpi ne, %convert_element_type3A_160, %cond3A_161 : i32
      scf.if %cond3A_162 {
        %dma_wait3A = arith.constant 0 : i32
        %dma_wait3A_173 = arith.constant 0 : i32
        %dma_wait3A_174 = tpu.memref_slice %arg5[%dma_wait3A, %dma_wait3A_173] : memref<10000x256xbf16, #tpu.memory_space<hbm>> -> memref<10000x256xbf16, #tpu.memory_space<hbm>>
        tpu.wait_indirect_dma semaphore(%arg22 : memref<!tpu.dma_semaphore, #tpu.memory_space<semaphore_mem>>) src(%dma_wait3A_174 : memref<10000x256xbf16, #tpu.memory_space<hbm>>) dst(%arg15 : memref<64x256xbf16, #tpu.memory_space<vmem>>)
        %scan3A_175 = arith.constant 0 : i32
        %scan3A_176 = arith.constant 0 : i32
        %scan3A_177 = arith.constant 64 : i32
        %scan3A_178 = arith.addi %scan3A_176, %scan3A_177 : i32
        %scan3A_179 = arith.constant 1 : i32
        scf.for %scan3A_197 = %scan3A_176 to %scan3A_178 step %scan3A_179  : i32 {
          %get3A_198 = arith.index_cast %scan3A_197 : i32 to index
          %get3A_199 = arith.constant 0 : index
          %get3A_200 = tpu.vector_load %arg14[%get3A_198, %get3A_199] {strides = array<i32>} : memref<64x16xf32, #tpu.memory_space<vmem>>, vector<16xf32>,
          %broadcast_in_dim3A_201 = arith.constant 0 : i32
          %broadcast_in_dim3A_202 = vector.broadcast %broadcast_in_dim3A_201 : i32 to vector<16xi32>
          %broadcast_in_dim3A_203 = vector.shape_cast %broadcast_in_dim3A_202 : vector<16xi32> to vector<16x1xi32>
          %gather3A = vector.shape_cast %broadcast_in_dim3A_203 : vector<16x1xi32> to vector<16xi32>
          %gather3A_204 = tpu.dynamic_gather %get3A_200[%gather3A] in [0] : vector<16xf32>, vector<16xi32> -> vector<16xf32>
          %pack3A = tpu.pack_subelements %gather3A_204, %gather3A_204 {pack_format = #tpu.pack_format<interleaved>, positions = array<i32: 0, 1>} : vector<16xf32>, vector<16xf32> -> vector<32xbf16>
          %get3A_205 = arith.index_cast %scan3A_197 : i32 to index
          %get3A_206 = arith.constant 0 : index
          %get3A_207 = tpu.vector_load %arg15[%get3A_205, %get3A_206] {strides = array<i32>} : memref<64x256xbf16, #tpu.memory_space<vmem>>, vector<32xbf16>,
          %mul3A_208 = arith.mulf %get3A_207, %pack3A : vector<32xbf16>
          %swap3A_209 = arith.index_cast %scan3A_197 : i32 to index
          %swap3A_210 = arith.constant 0 : index
          %swap3A_211 = tpu.vector_load %arg18[%swap3A_209, %swap3A_210] {strides = array<i32>} : memref<64x288xbf16, #tpu.memory_space<vmem>>, vector<32xbf16>,
          tpu.vector_store %arg18[%swap3A_209, %swap3A_210], %mul3A_208 {strides = array<i32>} : memref<64x288xbf16, #tpu.memory_space<vmem>>, vector<32xbf16>,
          %broadcast_in_dim3A_212 = arith.constant 1 : i32
          %broadcast_in_dim3A_213 = vector.broadcast %broadcast_in_dim3A_212 : i32 to vector<16xi32>
          %broadcast_in_dim3A_214 = vector.shape_cast %broadcast_in_dim3A_213 : vector<16xi32> to vector<16x1xi32>
          %gather3A_215 = vector.shape_cast %broadcast_in_dim3A_214 : vector<16x1xi32> to vector<16xi32>
          %gather3A_216 = tpu.dynamic_gather %get3A_200[%gather3A_215] in [0] : vector<16xf32>, vector<16xi32> -> vector<16xf32>
          %pack3A_217 = tpu.pack_subelements %gather3A_216, %gather3A_216 {pack_format = #tpu.pack_format<interleaved>, positions = array<i32: 0, 1>} : vector<16xf32>, vector<16xf32> -> vector<32xbf16>
          %get3A_218 = arith.index_cast %scan3A_197 : i32 to index
          %get3A_219 = arith.constant 32 : index
          %get3A_220 = tpu.vector_load %arg15[%get3A_218, %get3A_219] {strides = array<i32>} : memref<64x256xbf16, #tpu.memory_space<vmem>>, vector<32xbf16>,
          %mul3A_221 = arith.mulf %get3A_220, %pack3A_217 : vector<32xbf16>
          %swap3A_222 = arith.index_cast %scan3A_197 : i32 to index
          %swap3A_223 = arith.constant 32 : index
          %swap3A_224 = tpu.vector_load %arg18[%swap3A_222, %swap3A_223] {strides = array<i32>} : memref<64x288xbf16, #tpu.memory_space<vmem>>, vector<32xbf16>,
          tpu.vector_store %arg18[%swap3A_222, %swap3A_223], %mul3A_221 {strides = array<i32>} : memref<64x288xbf16, #tpu.memory_space<vmem>>, vector<32xbf16>,
          %broadcast_in_dim3A_225 = arith.constant 2 : i32
          %broadcast_in_dim3A_226 = vector.broadcast %broadcast_in_dim3A_225 : i32 to vector<16xi32>
          %broadcast_in_dim3A_227 = vector.shape_cast %broadcast_in_dim3A_226 : vector<16xi32> to vector<16x1xi32>
          %gather3A_228 = vector.shape_cast %broadcast_in_dim3A_227 : vector<16x1xi32> to vector<16xi32>
          %gather3A_229 = tpu.dynamic_gather %get3A_200[%gather3A_228] in [0] : vector<16xf32>, vector<16xi32> -> vector<16xf32>
          %pack3A_230 = tpu.pack_subelements %gather3A_229, %gather3A_229 {pack_format = #tpu.pack_format<interleaved>, positions = array<i32: 0, 1>} : vector<16xf32>, vector<16xf32> -> vector<32xbf16>
          %get3A_231 = arith.index_cast %scan3A_197 : i32 to index
          %get3A_232 = arith.constant 64 : index
          %get3A_233 = tpu.vector_load %arg15[%get3A_231, %get3A_232] {strides = array<i32>} : memref<64x256xbf16, #tpu.memory_space<vmem>>, vector<32xbf16>,
          %mul3A_234 = arith.mulf %get3A_233, %pack3A_230 : vector<32xbf16>
          %swap3A_235 = arith.index_cast %scan3A_197 : i32 to index
          %swap3A_236 = arith.constant 64 : index
          %swap3A_237 = tpu.vector_load %arg18[%swap3A_235, %swap3A_236] {strides = array<i32>} : memref<64x288xbf16, #tpu.memory_space<vmem>>, vector<32xbf16>,
          tpu.vector_store %arg18[%swap3A_235, %swap3A_236], %mul3A_234 {strides = array<i32>} : memref<64x288xbf16, #tpu.memory_space<vmem>>, vector<32xbf16>,
          %broadcast_in_dim3A_238 = arith.constant 3 : i32
          %broadcast_in_dim3A_239 = vector.broadcast %broadcast_in_dim3A_238 : i32 to vector<16xi32>
          %broadcast_in_dim3A_240 = vector.shape_cast %broadcast_in_dim3A_239 : vector<16xi32> to vector<16x1xi32>
          %gather3A_241 = vector.shape_cast %broadcast_in_dim3A_240 : vector<16x1xi32> to vector<16xi32>
          %gather3A_242 = tpu.dynamic_gather %get3A_200[%gather3A_241] in [0] : vector<16xf32>, vector<16xi32> -> vector<16xf32>
          %pack3A_243 = tpu.pack_subelements %gather3A_242, %gather3A_242 {pack_format = #tpu.pack_format<interleaved>, positions = array<i32: 0, 1>} : vector<16xf32>, vector<16xf32> -> vector<32xbf16>
          %get3A_244 = arith.index_cast %scan3A_197 : i32 to index
          %get3A_245 = arith.constant 96 : index
          %get3A_246 = tpu.vector_load %arg15[%get3A_244, %get3A_245] {strides = array<i32>} : memref<64x256xbf16, #tpu.memory_space<vmem>>, vector<32xbf16>,
          %mul3A_247 = arith.mulf %get3A_246, %pack3A_243 : vector<32xbf16>
          %swap3A_248 = arith.index_cast %scan3A_197 : i32 to index
          %swap3A_249 = arith.constant 96 : index
          %swap3A_250 = tpu.vector_load %arg18[%swap3A_248, %swap3A_249] {strides = array<i32>} : memref<64x288xbf16, #tpu.memory_space<vmem>>, vector<32xbf16>,
          tpu.vector_store %arg18[%swap3A_248, %swap3A_249], %mul3A_247 {strides = array<i32>} : memref<64x288xbf16, #tpu.memory_space<vmem>>, vector<32xbf16>,
          %broadcast_in_dim3A_251 = arith.constant 4 : i32
          %broadcast_in_dim3A_252 = vector.broadcast %broadcast_in_dim3A_251 : i32 to vector<16xi32>
          %broadcast_in_dim3A_253 = vector.shape_cast %broadcast_in_dim3A_252 : vector<16xi32> to vector<16x1xi32>
          %gather3A_254 = vector.shape_cast %broadcast_in_dim3A_253 : vector<16x1xi32> to vector<16xi32>
          %gather3A_255 = tpu.dynamic_gather %get3A_200[%gather3A_254] in [0] : vector<16xf32>, vector<16xi32> -> vector<16xf32>
          %pack3A_256 = tpu.pack_subelements %gather3A_255, %gather3A_255 {pack_format = #tpu.pack_format<interleaved>, positions = array<i32: 0, 1>} : vector<16xf32>, vector<16xf32> -> vector<32xbf16>
          %get3A_257 = arith.index_cast %scan3A_197 : i32 to index
          %get3A_258 = arith.constant 128 : index
          %get3A_259 = tpu.vector_load %arg15[%get3A_257, %get3A_258] {strides = array<i32>} : memref<64x256xbf16, #tpu.memory_space<vmem>>, vector<32xbf16>,
          %mul3A_260 = arith.mulf %get3A_259, %pack3A_256 : vector<32xbf16>
          %swap3A_261 = arith.index_cast %scan3A_197 : i32 to index
          %swap3A_262 = arith.constant 128 : index
          %swap3A_263 = tpu.vector_load %arg18[%swap3A_261, %swap3A_262] {strides = array<i32>} : memref<64x288xbf16, #tpu.memory_space<vmem>>, vector<32xbf16>,
          tpu.vector_store %arg18[%swap3A_261, %swap3A_262], %mul3A_260 {strides = array<i32>} : memref<64x288xbf16, #tpu.memory_space<vmem>>, vector<32xbf16>,
          %broadcast_in_dim3A_264 = arith.constant 5 : i32
          %broadcast_in_dim3A_265 = vector.broadcast %broadcast_in_dim3A_264 : i32 to vector<16xi32>
          %broadcast_in_dim3A_266 = vector.shape_cast %broadcast_in_dim3A_265 : vector<16xi32> to vector<16x1xi32>
          %gather3A_267 = vector.shape_cast %broadcast_in_dim3A_266 : vector<16x1xi32> to vector<16xi32>
          %gather3A_268 = tpu.dynamic_gather %get3A_200[%gather3A_267] in [0] : vector<16xf32>, vector<16xi32> -> vector<16xf32>
          %pack3A_269 = tpu.pack_subelements %gather3A_268, %gather3A_268 {pack_format = #tpu.pack_format<interleaved>, positions = array<i32: 0, 1>} : vector<16xf32>, vector<16xf32> -> vector<32xbf16>
          %get3A_270 = arith.index_cast %scan3A_197 : i32 to index
          %get3A_271 = arith.constant 160 : index
          %get3A_272 = tpu.vector_load %arg15[%get3A_270, %get3A_271] {strides = array<i32>} : memref<64x256xbf16, #tpu.memory_space<vmem>>, vector<32xbf16>,
          %mul3A_273 = arith.mulf %get3A_272, %pack3A_269 : vector<32xbf16>
          %swap3A_274 = arith.index_cast %scan3A_197 : i32 to index
          %swap3A_275 = arith.constant 160 : index
          %swap3A_276 = tpu.vector_load %arg18[%swap3A_274, %swap3A_275] {strides = array<i32>} : memref<64x288xbf16, #tpu.memory_space<vmem>>, vector<32xbf16>,
          tpu.vector_store %arg18[%swap3A_274, %swap3A_275], %mul3A_273 {strides = array<i32>} : memref<64x288xbf16, #tpu.memory_space<vmem>>, vector<32xbf16>,
          %broadcast_in_dim3A_277 = arith.constant 6 : i32
          %broadcast_in_dim3A_278 = vector.broadcast %broadcast_in_dim3A_277 : i32 to vector<16xi32>
          %broadcast_in_dim3A_279 = vector.shape_cast %broadcast_in_dim3A_278 : vector<16xi32> to vector<16x1xi32>
          %gather3A_280 = vector.shape_cast %broadcast_in_dim3A_279 : vector<16x1xi32> to vector<16xi32>
          %gather3A_281 = tpu.dynamic_gather %get3A_200[%gather3A_280] in [0] : vector<16xf32>, vector<16xi32> -> vector<16xf32>
          %pack3A_282 = tpu.pack_subelements %gather3A_281, %gather3A_281 {pack_format = #tpu.pack_format<interleaved>, positions = array<i32: 0, 1>} : vector<16xf32>, vector<16xf32> -> vector<32xbf16>
          %get3A_283 = arith.index_cast %scan3A_197 : i32 to index
          %get3A_284 = arith.constant 192 : index
          %get3A_285 = tpu.vector_load %arg15[%get3A_283, %get3A_284] {strides = array<i32>} : memref<64x256xbf16, #tpu.memory_space<vmem>>, vector<32xbf16>,
          %mul3A_286 = arith.mulf %get3A_285, %pack3A_282 : vector<32xbf16>
          %swap3A_287 = arith.index_cast %scan3A_197 : i32 to index
          %swap3A_288 = arith.constant 192 : index
          %swap3A_289 = tpu.vector_load %arg18[%swap3A_287, %swap3A_288] {strides = array<i32>} : memref<64x288xbf16, #tpu.memory_space<vmem>>, vector<32xbf16>,
          tpu.vector_store %arg18[%swap3A_287, %swap3A_288], %mul3A_286 {strides = array<i32>} : memref<64x288xbf16, #tpu.memory_space<vmem>>, vector<32xbf16>,
          %broadcast_in_dim3A_290 = arith.constant 7 : i32
          %broadcast_in_dim3A_291 = vector.broadcast %broadcast_in_dim3A_290 : i32 to vector<16xi32>
          %broadcast_in_dim3A_292 = vector.shape_cast %broadcast_in_dim3A_291 : vector<16xi32> to vector<16x1xi32>
          %gather3A_293 = vector.shape_cast %broadcast_in_dim3A_292 : vector<16x1xi32> to vector<16xi32>
          %gather3A_294 = tpu.dynamic_gather %get3A_200[%gather3A_293] in [0] : vector<16xf32>, vector<16xi32> -> vector<16xf32>
          %pack3A_295 = tpu.pack_subelements %gather3A_294, %gather3A_294 {pack_format = #tpu.pack_format<interleaved>, positions = array<i32: 0, 1>} : vector<16xf32>, vector<16xf32> -> vector<32xbf16>
          %get3A_296 = arith.index_cast %scan3A_197 : i32 to index
          %get3A_297 = arith.constant 224 : index
          %get3A_298 = tpu.vector_load %arg15[%get3A_296, %get3A_297] {strides = array<i32>} : memref<64x256xbf16, #tpu.memory_space<vmem>>, vector<32xbf16>,
          %mul3A_299 = arith.mulf %get3A_298, %pack3A_295 : vector<32xbf16>
          %swap3A_300 = arith.index_cast %scan3A_197 : i32 to index
          %swap3A_301 = arith.constant 224 : index
          %swap3A_302 = tpu.vector_load %arg18[%swap3A_300, %swap3A_301] {strides = array<i32>} : memref<64x288xbf16, #tpu.memory_space<vmem>>, vector<32xbf16>,
          tpu.vector_store %arg18[%swap3A_300, %swap3A_301], %mul3A_299 {strides = array<i32>} : memref<64x288xbf16, #tpu.memory_space<vmem>>, vector<32xbf16>,
          %pack3A_303 = tpu.pack_subelements %get3A_200, %get3A_200 {pack_format = #tpu.pack_format<interleaved>, positions = array<i32: 0, 1>} : vector<16xf32>, vector<16xf32> -> vector<32xbf16>
          %swap3A_304 = arith.index_cast %scan3A_197 : i32 to index
          %swap3A_305 = arith.constant 256 : index
          %swap3A_306 = tpu.vector_load %arg18[%swap3A_304, %swap3A_305] {strides = array<i32>} : memref<64x288xbf16, #tpu.memory_space<vmem>>, vector<32xbf16>,
          tpu.vector_store %arg18[%swap3A_304, %swap3A_305], %pack3A_303 {strides = array<i32>} : memref<64x288xbf16, #tpu.memory_space<vmem>>, vector<32xbf16>,
        }
        %scan3A_180 = arith.constant 64 : i32
        %get3A = arith.constant 0 : index
        %get3A_181 = tpu.vector_load %arg13[%get3A] {strides = array<i32>} : memref<64xi32, #tpu.memory_space<vmem>>, vector<16xi32>,
        %swap3A = arith.constant 0 : index
        %swap3A_182 = tpu.vector_load %arg19[%swap3A] {strides = array<i32>} : memref<64xi32, #tpu.memory_space<vmem>>, vector<16xi32>,
        tpu.vector_store %arg19[%swap3A], %get3A_181 {strides = array<i32>} : memref<64xi32, #tpu.memory_space<vmem>>, vector<16xi32>,
        %get3A_183 = arith.constant 16 : index
        %get3A_184 = tpu.vector_load %arg13[%get3A_183] {strides = array<i32>} : memref<64xi32, #tpu.memory_space<vmem>>, vector<16xi32>,
        %swap3A_185 = arith.constant 16 : index
        %swap3A_186 = tpu.vector_load %arg19[%swap3A_185] {strides = array<i32>} : memref<64xi32, #tpu.memory_space<vmem>>, vector<16xi32>,
        tpu.vector_store %arg19[%swap3A_185], %get3A_184 {strides = array<i32>} : memref<64xi32, #tpu.memory_space<vmem>>, vector<16xi32>,
        %get3A_187 = arith.constant 32 : index
        %get3A_188 = tpu.vector_load %arg13[%get3A_187] {strides = array<i32>} : memref<64xi32, #tpu.memory_space<vmem>>, vector<16xi32>,
        %swap3A_189 = arith.constant 32 : index
        %swap3A_190 = tpu.vector_load %arg19[%swap3A_189] {strides = array<i32>} : memref<64xi32, #tpu.memory_space<vmem>>, vector<16xi32>,
        tpu.vector_store %arg19[%swap3A_189], %get3A_188 {strides = array<i32>} : memref<64xi32, #tpu.memory_space<vmem>>, vector<16xi32>,
        %get3A_191 = arith.constant 48 : index
        %get3A_192 = tpu.vector_load %arg13[%get3A_191] {strides = array<i32>} : memref<64xi32, #tpu.memory_space<vmem>>, vector<16xi32>,
        %swap3A_193 = arith.constant 48 : index
        %swap3A_194 = tpu.vector_load %arg19[%swap3A_193] {strides = array<i32>} : memref<64xi32, #tpu.memory_space<vmem>>, vector<16xi32>,
        tpu.vector_store %arg19[%swap3A_193], %get3A_192 {strides = array<i32>} : memref<64xi32, #tpu.memory_space<vmem>>, vector<16xi32>,
        %dma_start3A = arith.constant 0 : i32
        %dma_start3A_195 = arith.constant 0 : i32
        %dma_start3A_196 = tpu.memref_slice %arg20[%dma_start3A, %dma_start3A_195] : memref<10000x288xbf16, #tpu.memory_space<vmem_shared>> -> memref<10000x288xbf16, #tpu.memory_space<vmem_shared>>
        tpu.enqueue_indirect_dma source(%arg18 : memref<64x288xbf16, #tpu.memory_space<vmem>>) target(%dma_start3A_196 : memref<10000x288xbf16, #tpu.memory_space<vmem_shared>>) offsets(%arg19 : memref<64xi32, #tpu.memory_space<vmem>>) semaphore(%arg24 : memref<!tpu.dma_semaphore, #tpu.memory_space<semaphore_mem>>) {add = true}
      } else {
      }
      %add3A_163 = arith.constant 2 : i32
      %add3A_164 = arith.addi %add3A_141, %add3A_163 : i32
      %mul3A_165 = arith.constant 16 : i32
      %mul3A_166 = arith.muli %add3A_164, %mul3A_165 : i32
      %add3A_167 = arith.addi %arg1, %mul3A_166 : i32
      %lt3A_168 = arith.constant 1250 : i32
      %lt3A_169 = arith.cmpi slt, %add3A_167, %lt3A_168 : i32
      %convert_element_type3A_170 = arith.extui %lt3A_169 : i1 to i32
      %cond3A_171 = arith.constant 0 : i32
      %cond3A_172 = arith.cmpi ne, %convert_element_type3A_170, %cond3A_171 : i32
      scf.if %cond3A_172 {
        %mul3A_173 = arith.constant 1250 : i32
        %mul3A_174 = arith.muli %arg0, %mul3A_173 : i32
        %add3A_175 = arith.addi %mul3A_174, %add3A_167 : i32
        %mul3A_176 = arith.constant 64 : i32
        %mul3A_177 = arith.muli %add3A_175, %mul3A_176 : i32
        "tpu.region"() ({
          %run_scoped3A = tpu.sem_alloc : memref<!tpu.dma_semaphore, #tpu.memory_space<semaphore_mem>>
          %dma_start3A_180 = tpu.memref_slice %arg2[%mul3A_177] : memref<160000xi32, #tpu.memory_space<hbm>> -> memref<64xi32, #tpu.memory_space<hbm>>
          %dma_start3A_181 = tpu.memref_slice %arg2[%mul3A_177] : memref<160000xi32, #tpu.memory_space<hbm>> -> memref<64xi32, #tpu.memory_space<hbm>>
          tpu.enqueue_dma source(%dma_start3A_181 : memref<64xi32, #tpu.memory_space<hbm>>) target(%arg12 : memref<64xi32, #tpu.memory_space<vmem>>) target_semaphore(%run_scoped3A : memref<!tpu.dma_semaphore, #tpu.memory_space<semaphore_mem>>)
          %dma_wait3A = tpu.memref_slice %arg2[%mul3A_177] : memref<160000xi32, #tpu.memory_space<hbm>> -> memref<64xi32, #tpu.memory_space<hbm>>
          %dma_wait3A_182 = tpu.memref_slice %arg2[%mul3A_177] : memref<160000xi32, #tpu.memory_space<hbm>> -> memref<64xi32, #tpu.memory_space<hbm>>
          tpu.wait_dma2 semaphore(%run_scoped3A : memref<!tpu.dma_semaphore, #tpu.memory_space<semaphore_mem>>) src(%dma_wait3A_182 : memref<64xi32, #tpu.memory_space<hbm>>) dst(%arg12 : memref<64xi32, #tpu.memory_space<vmem>>)
          tpu.yield
        }) : () -> ()
        "tpu.region"() ({
          %run_scoped3A = tpu.sem_alloc : memref<!tpu.dma_semaphore, #tpu.memory_space<semaphore_mem>>
          %dma_start3A_180 = tpu.memref_slice %arg3[%mul3A_177] : memref<160000xi32, #tpu.memory_space<hbm>> -> memref<64xi32, #tpu.memory_space<hbm>>
          %dma_start3A_181 = tpu.memref_slice %arg3[%mul3A_177] : memref<160000xi32, #tpu.memory_space<hbm>> -> memref<64xi32, #tpu.memory_space<hbm>>
          tpu.enqueue_dma source(%dma_start3A_181 : memref<64xi32, #tpu.memory_space<hbm>>) target(%arg13 : memref<64xi32, #tpu.memory_space<vmem>>) target_semaphore(%run_scoped3A : memref<!tpu.dma_semaphore, #tpu.memory_space<semaphore_mem>>)
          %dma_wait3A = tpu.memref_slice %arg3[%mul3A_177] : memref<160000xi32, #tpu.memory_space<hbm>> -> memref<64xi32, #tpu.memory_space<hbm>>
          %dma_wait3A_182 = tpu.memref_slice %arg3[%mul3A_177] : memref<160000xi32, #tpu.memory_space<hbm>> -> memref<64xi32, #tpu.memory_space<hbm>>
          tpu.wait_dma2 semaphore(%run_scoped3A : memref<!tpu.dma_semaphore, #tpu.memory_space<semaphore_mem>>) src(%dma_wait3A_182 : memref<64xi32, #tpu.memory_space<hbm>>) dst(%arg13 : memref<64xi32, #tpu.memory_space<vmem>>)
          tpu.yield
        }) : () -> ()
        "tpu.region"() ({
          %run_scoped3A = tpu.sem_alloc : memref<!tpu.dma_semaphore, #tpu.memory_space<semaphore_mem>>
          %dma_start3A_180 = arith.constant 0 : i32
          %dma_start3A_181 = tpu.memref_slice %arg4[%mul3A_177, %dma_start3A_180] : memref<160000x16xf32, #tpu.memory_space<hbm>> -> memref<64x16xf32, #tpu.memory_space<hbm>>
          %dma_start3A_182 = arith.constant 0 : i32
          %dma_start3A_183 = tpu.memref_slice %arg4[%mul3A_177, %dma_start3A_182] : memref<160000x16xf32, #tpu.memory_space<hbm>> -> memref<64x16xf32, #tpu.memory_space<hbm>>
          tpu.enqueue_dma source(%dma_start3A_183 : memref<64x16xf32, #tpu.memory_space<hbm>>) target(%arg14 : memref<64x16xf32, #tpu.memory_space<vmem>>) target_semaphore(%run_scoped3A : memref<!tpu.dma_semaphore, #tpu.memory_space<semaphore_mem>>)
          %dma_wait3A = arith.constant 0 : i32
          %dma_wait3A_184 = tpu.memref_slice %arg4[%mul3A_177, %dma_wait3A] : memref<160000x16xf32, #tpu.memory_space<hbm>> -> memref<64x16xf32, #tpu.memory_space<hbm>>
          %dma_wait3A_185 = arith.constant 0 : i32
          %dma_wait3A_186 = tpu.memref_slice %arg4[%mul3A_177, %dma_wait3A_185] : memref<160000x16xf32, #tpu.memory_space<hbm>> -> memref<64x16xf32, #tpu.memory_space<hbm>>
          tpu.wait_dma2 semaphore(%run_scoped3A : memref<!tpu.dma_semaphore, #tpu.memory_space<semaphore_mem>>) src(%dma_wait3A_186 : memref<64x16xf32, #tpu.memory_space<hbm>>) dst(%arg14 : memref<64x16xf32, #tpu.memory_space<vmem>>)
          tpu.yield
        }) : () -> ()
        %dma_start3A = arith.constant 0 : i32
        %dma_start3A_178 = arith.constant 0 : i32
        %dma_start3A_179 = tpu.memref_slice %arg5[%dma_start3A, %dma_start3A_178] : memref<10000x256xbf16, #tpu.memory_space<hbm>> -> memref<10000x256xbf16, #tpu.memory_space<hbm>>
        tpu.enqueue_indirect_dma source(%dma_start3A_179 : memref<10000x256xbf16, #tpu.memory_space<hbm>>) target(%arg15 : memref<64x256xbf16, #tpu.memory_space<vmem>>) offsets(%arg12 : memref<64xi32, #tpu.memory_space<vmem>>) semaphore(%arg22 : memref<!tpu.dma_semaphore, #tpu.memory_space<semaphore_mem>>)
      } else {
      }
    }
    %scan3A_43 = arith.constant 41 : i32
    %barrier3A_44 = arith.constant 0 : index
    tpu.barrier barrier_id(%barrier3A_44)
    %add3A_45 = arith.constant 0 : i32
    %add3A_46 = arith.addi %mul3A_6, %add3A_45 : i32
    %eq3A = arith.constant 0 : i32
    %eq3A_47 = arith.cmpi eq, %arg0, %eq3A : i32
    %convert_element_type3A_48 = arith.extui %eq3A_47 : i1 to i32
    %cond3A_49 = arith.constant 0 : i32
    %cond3A_50 = arith.cmpi ne, %convert_element_type3A_48, %cond3A_49 : i32
    scf.if %cond3A_50 {
      "tpu.region"() ({
        %run_scoped3A = tpu.sem_alloc : memref<!tpu.dma_semaphore, #tpu.memory_space<semaphore_mem>>
        %dma_start3A = arith.constant 0 : i32
        %dma_start3A_104 = tpu.memref_slice %arg6[%add3A_46, %dma_start3A] : memref<10000x288xbf16, #tpu.memory_space<hbm>> -> memref<125x288xbf16, #tpu.memory_space<hbm>>
        %dma_start3A_105 = arith.constant 0 : i32
        %dma_start3A_106 = tpu.memref_slice %arg20[%add3A_46, %dma_start3A_105] : memref<10000x288xbf16, #tpu.memory_space<vmem_shared>> -> memref<125x288xbf16, #tpu.memory_space<vmem_shared>>
        tpu.enqueue_dma source(%dma_start3A_106 : memref<125x288xbf16, #tpu.memory_space<vmem_shared>>) target(%dma_start3A_104 : memref<125x288xbf16, #tpu.memory_space<hbm>>) target_semaphore(%run_scoped3A : memref<!tpu.dma_semaphore, #tpu.memory_space<semaphore_mem>>)
        %dma_wait3A = arith.constant 0 : i32
        %dma_wait3A_107 = tpu.memref_slice %arg6[%add3A_46, %dma_wait3A] : memref<10000x288xbf16, #tpu.memory_space<hbm>> -> memref<125x288xbf16, #tpu.memory_space<hbm>>
        %dma_wait3A_108 = arith.constant 0 : i32
        %dma_wait3A_109 = tpu.memref_slice %arg20[%add3A_46, %dma_wait3A_108] : memref<10000x288xbf16, #tpu.memory_space<vmem_shared>> -> memref<125x288xbf16, #tpu.memory_space<vmem_shared>>
        tpu.wait_dma2 semaphore(%run_scoped3A : memref<!tpu.dma_semaphore, #tpu.memory_space<semaphore_mem>>) src(%dma_wait3A_109 : memref<125x288xbf16, #tpu.memory_space<vmem_shared>>) dst(%dma_wait3A_107 : memref<125x288xbf16, #tpu.memory_space<hbm>>)
        tpu.yield
      }) : () -> ()
    } else {
    }
    %eq3A_51 = arith.constant 1 : i32
    %eq3A_52 = arith.cmpi eq, %arg0, %eq3A_51 : i32
    %convert_element_type3A_53 = arith.extui %eq3A_52 : i1 to i32
    %cond3A_54 = arith.constant 0 : i32
    %cond3A_55 = arith.cmpi ne, %convert_element_type3A_53, %cond3A_54 : i32
    scf.if %cond3A_55 {
      "tpu.region"() ({
        %run_scoped3A = tpu.sem_alloc : memref<!tpu.dma_semaphore, #tpu.memory_space<semaphore_mem>>
        %dma_start3A = arith.constant 0 : i32
        %dma_start3A_104 = tpu.memref_slice %arg7[%add3A_46, %dma_start3A] : memref<10000x288xbf16, #tpu.memory_space<hbm>> -> memref<125x288xbf16, #tpu.memory_space<hbm>>
        %dma_start3A_105 = arith.constant 0 : i32
        %dma_start3A_106 = tpu.memref_slice %arg20[%add3A_46, %dma_start3A_105] : memref<10000x288xbf16, #tpu.memory_space<vmem_shared>> -> memref<125x288xbf16, #tpu.memory_space<vmem_shared>>
        tpu.enqueue_dma source(%dma_start3A_106 : memref<125x288xbf16, #tpu.memory_space<vmem_shared>>) target(%dma_start3A_104 : memref<125x288xbf16, #tpu.memory_space<hbm>>) target_semaphore(%run_scoped3A : memref<!tpu.dma_semaphore, #tpu.memory_space<semaphore_mem>>)
        %dma_wait3A = arith.constant 0 : i32
        %dma_wait3A_107 = tpu.memref_slice %arg7[%add3A_46, %dma_wait3A] : memref<10000x288xbf16, #tpu.memory_space<hbm>> -> memref<125x288xbf16, #tpu.memory_space<hbm>>
        %dma_wait3A_108 = arith.constant 0 : i32
        %dma_wait3A_109 = tpu.memref_slice %arg20[%add3A_46, %dma_wait3A_108] : memref<10000x288xbf16, #tpu.memory_space<vmem_shared>> -> memref<125x288xbf16, #tpu.memory_space<vmem_shared>>
        tpu.wait_dma2 semaphore(%run_scoped3A : memref<!tpu.dma_semaphore, #tpu.memory_space<semaphore_mem>>) src(%dma_wait3A_109 : memref<125x288xbf16, #tpu.memory_space<vmem_shared>>) dst(%dma_wait3A_107 : memref<125x288xbf16, #tpu.memory_space<hbm>>)
        tpu.yield
      }) : () -> ()
    } else {
    }
    %add3A_56 = arith.constant 125 : i32
    %add3A_57 = arith.addi %mul3A_6, %add3A_56 : i32
    %eq3A_58 = arith.constant 0 : i32
    %eq3A_59 = arith.cmpi eq, %arg0, %eq3A_58 : i32
    %convert_element_type3A_60 = arith.extui %eq3A_59 : i1 to i32
    %cond3A_61 = arith.constant 0 : i32
    %cond3A_62 = arith.cmpi ne, %convert_element_type3A_60, %cond3A_61 : i32
    scf.if %cond3A_62 {
      "tpu.region"() ({
        %run_scoped3A = tpu.sem_alloc : memref<!tpu.dma_semaphore, #tpu.memory_space<semaphore_mem>>
        %dma_start3A = arith.constant 0 : i32
        %dma_start3A_104 = tpu.memref_slice %arg6[%add3A_57, %dma_start3A] : memref<10000x288xbf16, #tpu.memory_space<hbm>> -> memref<125x288xbf16, #tpu.memory_space<hbm>>
        %dma_start3A_105 = arith.constant 0 : i32
        %dma_start3A_106 = tpu.memref_slice %arg20[%add3A_57, %dma_start3A_105] : memref<10000x288xbf16, #tpu.memory_space<vmem_shared>> -> memref<125x288xbf16, #tpu.memory_space<vmem_shared>>
        tpu.enqueue_dma source(%dma_start3A_106 : memref<125x288xbf16, #tpu.memory_space<vmem_shared>>) target(%dma_start3A_104 : memref<125x288xbf16, #tpu.memory_space<hbm>>) target_semaphore(%run_scoped3A : memref<!tpu.dma_semaphore, #tpu.memory_space<semaphore_mem>>)
        %dma_wait3A = arith.constant 0 : i32
        %dma_wait3A_107 = tpu.memref_slice %arg6[%add3A_57, %dma_wait3A] : memref<10000x288xbf16, #tpu.memory_space<hbm>> -> memref<125x288xbf16, #tpu.memory_space<hbm>>
        %dma_wait3A_108 = arith.constant 0 : i32
        %dma_wait3A_109 = tpu.memref_slice %arg20[%add3A_57, %dma_wait3A_108] : memref<10000x288xbf16, #tpu.memory_space<vmem_shared>> -> memref<125x288xbf16, #tpu.memory_space<vmem_shared>>
        tpu.wait_dma2 semaphore(%run_scoped3A : memref<!tpu.dma_semaphore, #tpu.memory_space<semaphore_mem>>) src(%dma_wait3A_109 : memref<125x288xbf16, #tpu.memory_space<vmem_shared>>) dst(%dma_wait3A_107 : memref<125x288xbf16, #tpu.memory_space<hbm>>)
        tpu.yield
      }) : () -> ()
    } else {
    }
    %eq3A_63 = arith.constant 1 : i32
    %eq3A_64 = arith.cmpi eq, %arg0, %eq3A_63 : i32
    %convert_element_type3A_65 = arith.extui %eq3A_64 : i1 to i32
    %cond3A_66 = arith.constant 0 : i32
    %cond3A_67 = arith.cmpi ne, %convert_element_type3A_65, %cond3A_66 : i32
    scf.if %cond3A_67 {
      "tpu.region"() ({
        %run_scoped3A = tpu.sem_alloc : memref<!tpu.dma_semaphore, #tpu.memory_space<semaphore_mem>>
        %dma_start3A = arith.constant 0 : i32
        %dma_start3A_104 = tpu.memref_slice %arg7[%add3A_57, %dma_start3A] : memref<10000x288xbf16, #tpu.memory_space<hbm>> -> memref<125x288xbf16, #tpu.memory_space<hbm>>
        %dma_start3A_105 = arith.constant 0 : i32
        %dma_start3A_106 = tpu.memref_slice %arg20[%add3A_57, %dma_start3A_105] : memref<10000x288xbf16, #tpu.memory_space<vmem_shared>> -> memref<125x288xbf16, #tpu.memory_space<vmem_shared>>
        tpu.enqueue_dma source(%dma_start3A_106 : memref<125x288xbf16, #tpu.memory_space<vmem_shared>>) target(%dma_start3A_104 : memref<125x288xbf16, #tpu.memory_space<hbm>>) target_semaphore(%run_scoped3A : memref<!tpu.dma_semaphore, #tpu.memory_space<semaphore_mem>>)
        %dma_wait3A = arith.constant 0 : i32
        %dma_wait3A_107 = tpu.memref_slice %arg7[%add3A_57, %dma_wait3A] : memref<10000x288xbf16, #tpu.memory_space<hbm>> -> memref<125x288xbf16, #tpu.memory_space<hbm>>
        %dma_wait3A_108 = arith.constant 0 : i32
        %dma_wait3A_109 = tpu.memref_slice %arg20[%add3A_57, %dma_wait3A_108] : memref<10000x288xbf16, #tpu.memory_space<vmem_shared>> -> memref<125x288xbf16, #tpu.memory_space<vmem_shared>>
        tpu.wait_dma2 semaphore(%run_scoped3A : memref<!tpu.dma_semaphore, #tpu.memory_space<semaphore_mem>>) src(%dma_wait3A_109 : memref<125x288xbf16, #tpu.memory_space<vmem_shared>>) dst(%dma_wait3A_107 : memref<125x288xbf16, #tpu.memory_space<hbm>>)
        tpu.yield
      }) : () -> ()
    } else {
    }
    %add3A_68 = arith.constant 250 : i32
    %add3A_69 = arith.addi %mul3A_6, %add3A_68 : i32
    %eq3A_70 = arith.constant 0 : i32
    %eq3A_71 = arith.cmpi eq, %arg0, %eq3A_70 : i32
    %convert_element_type3A_72 = arith.extui %eq3A_71 : i1 to i32
    %cond3A_73 = arith.constant 0 : i32
    %cond3A_74 = arith.cmpi ne, %convert_element_type3A_72, %cond3A_73 : i32
    scf.if %cond3A_74 {
      "tpu.region"() ({
        %run_scoped3A = tpu.sem_alloc : memref<!tpu.dma_semaphore, #tpu.memory_space<semaphore_mem>>
        %dma_start3A = arith.constant 0 : i32
        %dma_start3A_104 = tpu.memref_slice %arg6[%add3A_69, %dma_start3A] : memref<10000x288xbf16, #tpu.memory_space<hbm>> -> memref<125x288xbf16, #tpu.memory_space<hbm>>
        %dma_start3A_105 = arith.constant 0 : i32
        %dma_start3A_106 = tpu.memref_slice %arg20[%add3A_69, %dma_start3A_105] : memref<10000x288xbf16, #tpu.memory_space<vmem_shared>> -> memref<125x288xbf16, #tpu.memory_space<vmem_shared>>
        tpu.enqueue_dma source(%dma_start3A_106 : memref<125x288xbf16, #tpu.memory_space<vmem_shared>>) target(%dma_start3A_104 : memref<125x288xbf16, #tpu.memory_space<hbm>>) target_semaphore(%run_scoped3A : memref<!tpu.dma_semaphore, #tpu.memory_space<semaphore_mem>>)
        %dma_wait3A = arith.constant 0 : i32
        %dma_wait3A_107 = tpu.memref_slice %arg6[%add3A_69, %dma_wait3A] : memref<10000x288xbf16, #tpu.memory_space<hbm>> -> memref<125x288xbf16, #tpu.memory_space<hbm>>
        %dma_wait3A_108 = arith.constant 0 : i32
        %dma_wait3A_109 = tpu.memref_slice %arg20[%add3A_69, %dma_wait3A_108] : memref<10000x288xbf16, #tpu.memory_space<vmem_shared>> -> memref<125x288xbf16, #tpu.memory_space<vmem_shared>>
        tpu.wait_dma2 semaphore(%run_scoped3A : memref<!tpu.dma_semaphore, #tpu.memory_space<semaphore_mem>>) src(%dma_wait3A_109 : memref<125x288xbf16, #tpu.memory_space<vmem_shared>>) dst(%dma_wait3A_107 : memref<125x288xbf16, #tpu.memory_space<hbm>>)
        tpu.yield
      }) : () -> ()
    } else {
    }
    %eq3A_75 = arith.constant 1 : i32
    %eq3A_76 = arith.cmpi eq, %arg0, %eq3A_75 : i32
    %convert_element_type3A_77 = arith.extui %eq3A_76 : i1 to i32
    %cond3A_78 = arith.constant 0 : i32
    %cond3A_79 = arith.cmpi ne, %convert_element_type3A_77, %cond3A_78 : i32
    scf.if %cond3A_79 {
      "tpu.region"() ({
        %run_scoped3A = tpu.sem_alloc : memref<!tpu.dma_semaphore, #tpu.memory_space<semaphore_mem>>
        %dma_start3A = arith.constant 0 : i32
        %dma_start3A_104 = tpu.memref_slice %arg7[%add3A_69, %dma_start3A] : memref<10000x288xbf16, #tpu.memory_space<hbm>> -> memref<125x288xbf16, #tpu.memory_space<hbm>>
        %dma_start3A_105 = arith.constant 0 : i32
        %dma_start3A_106 = tpu.memref_slice %arg20[%add3A_69, %dma_start3A_105] : memref<10000x288xbf16, #tpu.memory_space<vmem_shared>> -> memref<125x288xbf16, #tpu.memory_space<vmem_shared>>
        tpu.enqueue_dma source(%dma_start3A_106 : memref<125x288xbf16, #tpu.memory_space<vmem_shared>>) target(%dma_start3A_104 : memref<125x288xbf16, #tpu.memory_space<hbm>>) target_semaphore(%run_scoped3A : memref<!tpu.dma_semaphore, #tpu.memory_space<semaphore_mem>>)
        %dma_wait3A = arith.constant 0 : i32
        %dma_wait3A_107 = tpu.memref_slice %arg7[%add3A_69, %dma_wait3A] : memref<10000x288xbf16, #tpu.memory_space<hbm>> -> memref<125x288xbf16, #tpu.memory_space<hbm>>
        %dma_wait3A_108 = arith.constant 0 : i32
        %dma_wait3A_109 = tpu.memref_slice %arg20[%add3A_69, %dma_wait3A_108] : memref<10000x288xbf16, #tpu.memory_space<vmem_shared>> -> memref<125x288xbf16, #tpu.memory_space<vmem_shared>>
        tpu.wait_dma2 semaphore(%run_scoped3A : memref<!tpu.dma_semaphore, #tpu.memory_space<semaphore_mem>>) src(%dma_wait3A_109 : memref<125x288xbf16, #tpu.memory_space<vmem_shared>>) dst(%dma_wait3A_107 : memref<125x288xbf16, #tpu.memory_space<hbm>>)
        tpu.yield
      }) : () -> ()
    } else {
    }
    %add3A_80 = arith.constant 375 : i32
    %add3A_81 = arith.addi %mul3A_6, %add3A_80 : i32
    %eq3A_82 = arith.constant 0 : i32
    %eq3A_83 = arith.cmpi eq, %arg0, %eq3A_82 : i32
    %convert_element_type3A_84 = arith.extui %eq3A_83 : i1 to i32
    %cond3A_85 = arith.constant 0 : i32
    %cond3A_86 = arith.cmpi ne, %convert_element_type3A_84, %cond3A_85 : i32
    scf.if %cond3A_86 {
      "tpu.region"() ({
        %run_scoped3A = tpu.sem_alloc : memref<!tpu.dma_semaphore, #tpu.memory_space<semaphore_mem>>
        %dma_start3A = arith.constant 0 : i32
        %dma_start3A_104 = tpu.memref_slice %arg6[%add3A_81, %dma_start3A] : memref<10000x288xbf16, #tpu.memory_space<hbm>> -> memref<125x288xbf16, #tpu.memory_space<hbm>>
        %dma_start3A_105 = arith.constant 0 : i32
        %dma_start3A_106 = tpu.memref_slice %arg20[%add3A_81, %dma_start3A_105] : memref<10000x288xbf16, #tpu.memory_space<vmem_shared>> -> memref<125x288xbf16, #tpu.memory_space<vmem_shared>>
        tpu.enqueue_dma source(%dma_start3A_106 : memref<125x288xbf16, #tpu.memory_space<vmem_shared>>) target(%dma_start3A_104 : memref<125x288xbf16, #tpu.memory_space<hbm>>) target_semaphore(%run_scoped3A : memref<!tpu.dma_semaphore, #tpu.memory_space<semaphore_mem>>)
        %dma_wait3A = arith.constant 0 : i32
        %dma_wait3A_107 = tpu.memref_slice %arg6[%add3A_81, %dma_wait3A] : memref<10000x288xbf16, #tpu.memory_space<hbm>> -> memref<125x288xbf16, #tpu.memory_space<hbm>>
        %dma_wait3A_108 = arith.constant 0 : i32
        %dma_wait3A_109 = tpu.memref_slice %arg20[%add3A_81, %dma_wait3A_108] : memref<10000x288xbf16, #tpu.memory_space<vmem_shared>> -> memref<125x288xbf16, #tpu.memory_space<vmem_shared>>
        tpu.wait_dma2 semaphore(%run_scoped3A : memref<!tpu.dma_semaphore, #tpu.memory_space<semaphore_mem>>) src(%dma_wait3A_109 : memref<125x288xbf16, #tpu.memory_space<vmem_shared>>) dst(%dma_wait3A_107 : memref<125x288xbf16, #tpu.memory_space<hbm>>)
        tpu.yield
      }) : () -> ()
    } else {
    }
    %eq3A_87 = arith.constant 1 : i32
    %eq3A_88 = arith.cmpi eq, %arg0, %eq3A_87 : i32
    %convert_element_type3A_89 = arith.extui %eq3A_88 : i1 to i32
    %cond3A_90 = arith.constant 0 : i32
    %cond3A_91 = arith.cmpi ne, %convert_element_type3A_89, %cond3A_90 : i32
    scf.if %cond3A_91 {
      "tpu.region"() ({
        %run_scoped3A = tpu.sem_alloc : memref<!tpu.dma_semaphore, #tpu.memory_space<semaphore_mem>>
        %dma_start3A = arith.constant 0 : i32
        %dma_start3A_104 = tpu.memref_slice %arg7[%add3A_81, %dma_start3A] : memref<10000x288xbf16, #tpu.memory_space<hbm>> -> memref<125x288xbf16, #tpu.memory_space<hbm>>
        %dma_start3A_105 = arith.constant 0 : i32
        %dma_start3A_106 = tpu.memref_slice %arg20[%add3A_81, %dma_start3A_105] : memref<10000x288xbf16, #tpu.memory_space<vmem_shared>> -> memref<125x288xbf16, #tpu.memory_space<vmem_shared>>
        tpu.enqueue_dma source(%dma_start3A_106 : memref<125x288xbf16, #tpu.memory_space<vmem_shared>>) target(%dma_start3A_104 : memref<125x288xbf16, #tpu.memory_space<hbm>>) target_semaphore(%run_scoped3A : memref<!tpu.dma_semaphore, #tpu.memory_space<semaphore_mem>>)
        %dma_wait3A = arith.constant 0 : i32
        %dma_wait3A_107 = tpu.memref_slice %arg7[%add3A_81, %dma_wait3A] : memref<10000x288xbf16, #tpu.memory_space<hbm>> -> memref<125x288xbf16, #tpu.memory_space<hbm>>
        %dma_wait3A_108 = arith.constant 0 : i32
        %dma_wait3A_109 = tpu.memref_slice %arg20[%add3A_81, %dma_wait3A_108] : memref<10000x288xbf16, #tpu.memory_space<vmem_shared>> -> memref<125x288xbf16, #tpu.memory_space<vmem_shared>>
        tpu.wait_dma2 semaphore(%run_scoped3A : memref<!tpu.dma_semaphore, #tpu.memory_space<semaphore_mem>>) src(%dma_wait3A_109 : memref<125x288xbf16, #tpu.memory_space<vmem_shared>>) dst(%dma_wait3A_107 : memref<125x288xbf16, #tpu.memory_space<hbm>>)
        tpu.yield
      }) : () -> ()
    } else {
    }
    %add3A_92 = arith.constant 500 : i32
    %add3A_93 = arith.addi %mul3A_6, %add3A_92 : i32
    %eq3A_94 = arith.constant 0 : i32
    %eq3A_95 = arith.cmpi eq, %arg0, %eq3A_94 : i32
    %convert_element_type3A_96 = arith.extui %eq3A_95 : i1 to i32
    %cond3A_97 = arith.constant 0 : i32
    %cond3A_98 = arith.cmpi ne, %convert_element_type3A_96, %cond3A_97 : i32
    scf.if %cond3A_98 {
      "tpu.region"() ({
        %run_scoped3A = tpu.sem_alloc : memref<!tpu.dma_semaphore, #tpu.memory_space<semaphore_mem>>
        %dma_start3A = arith.constant 0 : i32
        %dma_start3A_104 = tpu.memref_slice %arg6[%add3A_93, %dma_start3A] : memref<10000x288xbf16, #tpu.memory_space<hbm>> -> memref<125x288xbf16, #tpu.memory_space<hbm>>
        %dma_start3A_105 = arith.constant 0 : i32
        %dma_start3A_106 = tpu.memref_slice %arg20[%add3A_93, %dma_start3A_105] : memref<10000x288xbf16, #tpu.memory_space<vmem_shared>> -> memref<125x288xbf16, #tpu.memory_space<vmem_shared>>
        tpu.enqueue_dma source(%dma_start3A_106 : memref<125x288xbf16, #tpu.memory_space<vmem_shared>>) target(%dma_start3A_104 : memref<125x288xbf16, #tpu.memory_space<hbm>>) target_semaphore(%run_scoped3A : memref<!tpu.dma_semaphore, #tpu.memory_space<semaphore_mem>>)
        %dma_wait3A = arith.constant 0 : i32
        %dma_wait3A_107 = tpu.memref_slice %arg6[%add3A_93, %dma_wait3A] : memref<10000x288xbf16, #tpu.memory_space<hbm>> -> memref<125x288xbf16, #tpu.memory_space<hbm>>
        %dma_wait3A_108 = arith.constant 0 : i32
        %dma_wait3A_109 = tpu.memref_slice %arg20[%add3A_93, %dma_wait3A_108] : memref<10000x288xbf16, #tpu.memory_space<vmem_shared>> -> memref<125x288xbf16, #tpu.memory_space<vmem_shared>>
        tpu.wait_dma2 semaphore(%run_scoped3A : memref<!tpu.dma_semaphore, #tpu.memory_space<semaphore_mem>>) src(%dma_wait3A_109 : memref<125x288xbf16, #tpu.memory_space<vmem_shared>>) dst(%dma_wait3A_107 : memref<125x288xbf16, #tpu.memory_space<hbm>>)
        tpu.yield
      }) : () -> ()
    } else {
    }
    %eq3A_99 = arith.constant 1 : i32
    %eq3A_100 = arith.cmpi eq, %arg0, %eq3A_99 : i32
    %convert_element_type3A_101 = arith.extui %eq3A_100 : i1 to i32
    %cond3A_102 = arith.constant 0 : i32
    %cond3A_103 = arith.cmpi ne, %convert_element_type3A_101, %cond3A_102 : i32
    scf.if %cond3A_103 {
      "tpu.region"() ({
        %run_scoped3A = tpu.sem_alloc : memref<!tpu.dma_semaphore, #tpu.memory_space<semaphore_mem>>
        %dma_start3A = arith.constant 0 : i32
        %dma_start3A_104 = tpu.memref_slice %arg7[%add3A_93, %dma_start3A] : memref<10000x288xbf16, #tpu.memory_space<hbm>> -> memref<125x288xbf16, #tpu.memory_space<hbm>>
        %dma_start3A_105 = arith.constant 0 : i32
        %dma_start3A_106 = tpu.memref_slice %arg20[%add3A_93, %dma_start3A_105] : memref<10000x288xbf16, #tpu.memory_space<vmem_shared>> -> memref<125x288xbf16, #tpu.memory_space<vmem_shared>>
        tpu.enqueue_dma source(%dma_start3A_106 : memref<125x288xbf16, #tpu.memory_space<vmem_shared>>) target(%dma_start3A_104 : memref<125x288xbf16, #tpu.memory_space<hbm>>) target_semaphore(%run_scoped3A : memref<!tpu.dma_semaphore, #tpu.memory_space<semaphore_mem>>)
        %dma_wait3A = arith.constant 0 : i32
        %dma_wait3A_107 = tpu.memref_slice %arg7[%add3A_93, %dma_wait3A] : memref<10000x288xbf16, #tpu.memory_space<hbm>> -> memref<125x288xbf16, #tpu.memory_space<hbm>>
        %dma_wait3A_108 = arith.constant 0 : i32
        %dma_wait3A_109 = tpu.memref_slice %arg20[%add3A_93, %dma_wait3A_108] : memref<10000x288xbf16, #tpu.memory_space<vmem_shared>> -> memref<125x288xbf16, #tpu.memory_space<vmem_shared>>
        tpu.wait_dma2 semaphore(%run_scoped3A : memref<!tpu.dma_semaphore, #tpu.memory_space<semaphore_mem>>) src(%dma_wait3A_109 : memref<125x288xbf16, #tpu.memory_space<vmem_shared>>) dst(%dma_wait3A_107 : memref<125x288xbf16, #tpu.memory_space<hbm>>)
        tpu.yield
      }) : () -> ()
    } else {
    }
    return
  }
}

module attributes {stable_mosaic.version = 14 : i64} {
  func.func @_tc_proj_e_body(%arg0: i32, %arg1: memref<2000x256xf32, #tpu.memory_space<vmem>>, %arg2: memref<256x256xf32, #tpu.memory_space<vmem>>, %arg3: memref<2000x256xbf16, #tpu.memory_space<vmem>>, %arg4: memref<1x1x256xf32, #tpu.memory_space<vmem>>, %arg5: memref<1x1x256xf32, #tpu.memory_space<vmem>>) attributes {dimension_semantics = [#tpu.dimension_semantics<arbitrary>], iteration_bounds = array<i64: 80>, scalar_prefetch = 0 : i64, scratch_operands = 0 : i64, tpu.core_type = #tpu.core_type<tc>, window_params = [{transform_indices = @transform_0, window_bounds = array<i64: 2000, 256>}, {pipeline_mode = #tpu.pipeline_mode<synchronous>, transform_indices = @transform_1, window_bounds = array<i64: 256, 256>}, {transform_indices = @transform_2, window_bounds = array<i64: 2000, 256>}, {transform_indices = @transform_3, window_bounds = array<i64: 1, 1, 256>}, {transform_indices = @transform_4, window_bounds = array<i64: 1, 1, 256>}]} {
    %get3A = arith.constant 0 : index
    %get3A_0 = arith.constant 0 : index
    %get3A_1 = vector.load %arg1[%get3A, %get3A_0] : memref<2000x256xf32, #tpu.memory_space<vmem>>, vector<2000x256xf32>
    %get3A_2 = arith.constant 0 : index
    %get3A_3 = arith.constant 0 : index
    %get3A_4 = vector.load %arg2[%get3A_2, %get3A_3] : memref<256x256xf32, #tpu.memory_space<vmem>>, vector<256x256xf32>
    %dot_general3A = arith.constant dense<0.000000e+00> : vector<2000x256xf32>
    %dot_general3A_5 = tpu.matmul %get3A_1, %get3A_4, %dot_general3A {dimension_numbers = #tpu.dot_dimension_numbers<[1], [0], [0], [1], [0, 0, 1, 1], [], []>, transpose_lhs_hint = false} : vector<2000x256xf32>, vector<256x256xf32>, vector<2000x256xf32> -> vector<2000x256xf32>
    %convert_element_type3A = arith.truncf %dot_general3A_5 : vector<2000x256xf32> to vector<2000x256xbf16>
    %swap3A = arith.constant 0 : index
    %swap3A_6 = arith.constant 0 : index
    %swap3A_7 = vector.load %arg3[%swap3A, %swap3A_6] : memref<2000x256xbf16, #tpu.memory_space<vmem>>, vector<2000x256xbf16>
    tpu.vector_store %arg3[%swap3A, %swap3A_6], %convert_element_type3A {strides = array<i32>} : memref<2000x256xbf16, #tpu.memory_space<vmem>>, vector<2000x256xbf16>,
    %convert_element_type3A_8 = arith.extf %convert_element_type3A : vector<2000x256xbf16> to vector<2000x256xf32>
    %add3A = arith.addf %get3A_1, %convert_element_type3A_8 : vector<2000x256xf32>
    %reduce_sum3A = arith.constant dense<0.000000e+00> : vector<256xf32>
    %reduce_sum3A_9 = vector.multi_reduction <add>, %add3A, %reduce_sum3A [0] : vector<2000x256xf32> to vector<256xf32>
    %broadcast_in_dim3A = vector.shape_cast %reduce_sum3A_9 : vector<256xf32> to vector<1x256xf32>
    %broadcast_in_dim3A_10 = vector.shape_cast %broadcast_in_dim3A : vector<1x256xf32> to vector<1x1x256xf32>
    %swap3A_11 = arith.constant 0 : index
    %swap3A_12 = arith.constant 0 : index
    %swap3A_13 = arith.constant 0 : index
    %swap3A_14 = vector.load %arg4[%swap3A_11, %swap3A_12, %swap3A_13] : memref<1x1x256xf32, #tpu.memory_space<vmem>>, vector<1x1x256xf32>
    tpu.vector_store %arg4[%swap3A_11, %swap3A_12, %swap3A_13], %broadcast_in_dim3A_10 {strides = array<i32>} : memref<1x1x256xf32, #tpu.memory_space<vmem>>, vector<1x1x256xf32>,
    %mul3A = arith.mulf %add3A, %add3A : vector<2000x256xf32>
    %reduce_sum3A_15 = arith.constant dense<0.000000e+00> : vector<256xf32>
    %reduce_sum3A_16 = vector.multi_reduction <add>, %mul3A, %reduce_sum3A_15 [0] : vector<2000x256xf32> to vector<256xf32>
    %broadcast_in_dim3A_17 = vector.shape_cast %reduce_sum3A_16 : vector<256xf32> to vector<1x256xf32>
    %broadcast_in_dim3A_18 = vector.shape_cast %broadcast_in_dim3A_17 : vector<1x256xf32> to vector<1x1x256xf32>
    %swap3A_19 = arith.constant 0 : index
    %swap3A_20 = arith.constant 0 : index
    %swap3A_21 = arith.constant 0 : index
    %swap3A_22 = vector.load %arg5[%swap3A_19, %swap3A_20, %swap3A_21] : memref<1x1x256xf32, #tpu.memory_space<vmem>>, vector<1x1x256xf32>
    tpu.vector_store %arg5[%swap3A_19, %swap3A_20, %swap3A_21], %broadcast_in_dim3A_18 {strides = array<i32>} : memref<1x1x256xf32, #tpu.memory_space<vmem>>, vector<1x1x256xf32>,
    return
  }
  func.func @transform_0(%arg0: i32) -> (i32, i32) {
    %c0_i32 = arith.constant 0 : i32
    %c0_i32_0 = arith.constant 0 : i32
    return %arg0, %c0_i32 : i32, i32
  }
  func.func @transform_1(%arg0: i32) -> (i32, i32) {
    %c0_i32 = arith.constant 0 : i32
    %c0_i32_0 = arith.constant 0 : i32
    %c0_i32_1 = arith.constant 0 : i32
    return %c0_i32, %c0_i32_0 : i32, i32
  }
  func.func @transform_2(%arg0: i32) -> (i32, i32) {
    %c0_i32 = arith.constant 0 : i32
    %c0_i32_0 = arith.constant 0 : i32
    return %arg0, %c0_i32 : i32, i32
  }
  func.func @transform_3(%arg0: i32) -> (i32, i32, i32) {
    %c0_i32 = arith.constant 0 : i32
    %c0_i32_0 = arith.constant 0 : i32
    %c0_i32_1 = arith.constant 0 : i32
    return %arg0, %c0_i32, %c0_i32_0 : i32, i32, i32
  }
  func.func @transform_4(%arg0: i32) -> (i32, i32, i32) {
    %c0_i32 = arith.constant 0 : i32
    %c0_i32_0 = arith.constant 0 : i32
    %c0_i32_1 = arith.constant 0 : i32
    return %arg0, %c0_i32, %c0_i32_0 : i32, i32, i32
  }
}

module attributes {stable_mosaic.version = 14 : i64} {
  func.func @_tc_proj_h_body(%arg0: i32, %arg1: memref<2000x256xf32, #tpu.memory_space<vmem>>, %arg2: memref<256x256xf32, #tpu.memory_space<vmem>>, %arg3: memref<256x256xf32, #tpu.memory_space<vmem>>, %arg4: memref<256x256xf32, #tpu.memory_space<vmem>>, %arg5: memref<2000x256xbf16, #tpu.memory_space<vmem>>, %arg6: memref<2000x256xbf16, #tpu.memory_space<vmem>>, %arg7: memref<2000x256xbf16, #tpu.memory_space<vmem>>) attributes {dimension_semantics = [#tpu.dimension_semantics<arbitrary>], iteration_bounds = array<i64: 5>, scalar_prefetch = 0 : i64, scratch_operands = 0 : i64, tpu.core_type = #tpu.core_type<tc>, window_params = [{transform_indices = @transform_0, window_bounds = array<i64: 2000, 256>}, {pipeline_mode = #tpu.pipeline_mode<synchronous>, transform_indices = @transform_1, window_bounds = array<i64: 256, 256>}, {pipeline_mode = #tpu.pipeline_mode<synchronous>, transform_indices = @transform_2, window_bounds = array<i64: 256, 256>}, {pipeline_mode = #tpu.pipeline_mode<synchronous>, transform_indices = @transform_3, window_bounds = array<i64: 256, 256>}, {transform_indices = @transform_4, window_bounds = array<i64: 2000, 256>}, {transform_indices = @transform_5, window_bounds = array<i64: 2000, 256>}, {transform_indices = @transform_6, window_bounds = array<i64: 2000, 256>}]} {
    %get3A = arith.constant 0 : index
    %get3A_0 = arith.constant 0 : index
    %get3A_1 = vector.load %arg1[%get3A, %get3A_0] : memref<2000x256xf32, #tpu.memory_space<vmem>>, vector<2000x256xf32>
    %get3A_2 = arith.constant 0 : index
    %get3A_3 = arith.constant 0 : index
    %get3A_4 = vector.load %arg2[%get3A_2, %get3A_3] : memref<256x256xf32, #tpu.memory_space<vmem>>, vector<256x256xf32>
    %dot_general3A = arith.constant dense<0.000000e+00> : vector<2000x256xf32>
    %dot_general3A_5 = tpu.matmul %get3A_1, %get3A_4, %dot_general3A {dimension_numbers = #tpu.dot_dimension_numbers<[1], [0], [0], [1], [0, 0, 1, 1], [], []>, transpose_lhs_hint = false} : vector<2000x256xf32>, vector<256x256xf32>, vector<2000x256xf32> -> vector<2000x256xf32>
    %get3A_6 = arith.constant 0 : index
    %get3A_7 = arith.constant 0 : index
    %get3A_8 = vector.load %arg3[%get3A_6, %get3A_7] : memref<256x256xf32, #tpu.memory_space<vmem>>, vector<256x256xf32>
    %dot_general3A_9 = arith.constant dense<0.000000e+00> : vector<2000x256xf32>
    %dot_general3A_10 = tpu.matmul %get3A_1, %get3A_8, %dot_general3A_9 {dimension_numbers = #tpu.dot_dimension_numbers<[1], [0], [0], [1], [0, 0, 1, 1], [], []>, transpose_lhs_hint = false} : vector<2000x256xf32>, vector<256x256xf32>, vector<2000x256xf32> -> vector<2000x256xf32>
    %convert_element_type3A = arith.truncf %dot_general3A_5 : vector<2000x256xf32> to vector<2000x256xbf16>
    %swap3A = arith.constant 0 : index
    %swap3A_11 = arith.constant 0 : index
    %swap3A_12 = vector.load %arg5[%swap3A, %swap3A_11] : memref<2000x256xbf16, #tpu.memory_space<vmem>>, vector<2000x256xbf16>
    tpu.vector_store %arg5[%swap3A, %swap3A_11], %convert_element_type3A {strides = array<i32>} : memref<2000x256xbf16, #tpu.memory_space<vmem>>, vector<2000x256xbf16>,
    %convert_element_type3A_13 = arith.truncf %dot_general3A_10 : vector<2000x256xf32> to vector<2000x256xbf16>
    %swap3A_14 = arith.constant 0 : index
    %swap3A_15 = arith.constant 0 : index
    %swap3A_16 = vector.load %arg6[%swap3A_14, %swap3A_15] : memref<2000x256xbf16, #tpu.memory_space<vmem>>, vector<2000x256xbf16>
    tpu.vector_store %arg6[%swap3A_14, %swap3A_15], %convert_element_type3A_13 {strides = array<i32>} : memref<2000x256xbf16, #tpu.memory_space<vmem>>, vector<2000x256xbf16>,
    %get3A_17 = arith.constant 0 : index
    %get3A_18 = arith.constant 0 : index
    %get3A_19 = vector.load %arg4[%get3A_17, %get3A_18] : memref<256x256xf32, #tpu.memory_space<vmem>>, vector<256x256xf32>
    %dot_general3A_20 = arith.constant dense<0.000000e+00> : vector<2000x256xf32>
    %dot_general3A_21 = tpu.matmul %get3A_1, %get3A_19, %dot_general3A_20 {dimension_numbers = #tpu.dot_dimension_numbers<[1], [0], [0], [1], [0, 0, 1, 1], [], []>, transpose_lhs_hint = false} : vector<2000x256xf32>, vector<256x256xf32>, vector<2000x256xf32> -> vector<2000x256xf32>
    %convert_element_type3A_22 = arith.truncf %dot_general3A_21 : vector<2000x256xf32> to vector<2000x256xbf16>
    %swap3A_23 = arith.constant 0 : index
    %swap3A_24 = arith.constant 0 : index
    %swap3A_25 = vector.load %arg7[%swap3A_23, %swap3A_24] : memref<2000x256xbf16, #tpu.memory_space<vmem>>, vector<2000x256xbf16>
    tpu.vector_store %arg7[%swap3A_23, %swap3A_24], %convert_element_type3A_22 {strides = array<i32>} : memref<2000x256xbf16, #tpu.memory_space<vmem>>, vector<2000x256xbf16>,
    return
  }
  func.func @transform_0(%arg0: i32) -> (i32, i32) {
    %c0_i32 = arith.constant 0 : i32
    %c0_i32_0 = arith.constant 0 : i32
    return %arg0, %c0_i32 : i32, i32
  }
  func.func @transform_1(%arg0: i32) -> (i32, i32) {
    %c0_i32 = arith.constant 0 : i32
    %c0_i32_0 = arith.constant 0 : i32
    %c0_i32_1 = arith.constant 0 : i32
    return %c0_i32, %c0_i32_0 : i32, i32
  }
  func.func @transform_2(%arg0: i32) -> (i32, i32) {
    %c0_i32 = arith.constant 0 : i32
    %c0_i32_0 = arith.constant 0 : i32
    %c0_i32_1 = arith.constant 0 : i32
    return %c0_i32, %c0_i32_0 : i32, i32
  }
  func.func @transform_3(%arg0: i32) -> (i32, i32) {
    %c0_i32 = arith.constant 0 : i32
    %c0_i32_0 = arith.constant 0 : i32
    %c0_i32_1 = arith.constant 0 : i32
    return %c0_i32, %c0_i32_0 : i32, i32
  }
  func.func @transform_4(%arg0: i32) -> (i32, i32) {
    %c0_i32 = arith.constant 0 : i32
    %c0_i32_0 = arith.constant 0 : i32
    return %arg0, %c0_i32 : i32, i32
  }
  func.func @transform_5(%arg0: i32) -> (i32, i32) {
    %c0_i32 = arith.constant 0 : i32
    %c0_i32_0 = arith.constant 0 : i32
    return %arg0, %c0_i32 : i32, i32
  }
  func.func @transform_6(%arg0: i32) -> (i32, i32) {
    %c0_i32 = arith.constant 0 : i32
    %c0_i32_0 = arith.constant 0 : i32
    return %arg0, %c0_i32 : i32, i32
  }
}

module attributes {stable_mosaic.version = 14 : i64} {
  func.func @_tc_addnorm_body(%arg0: i32, %arg1: memref<2000x256xf32, #tpu.memory_space<vmem>>, %arg2: memref<2000x256xbf16, #tpu.memory_space<vmem>>, %arg3: memref<1x256xf32, #tpu.memory_space<vmem>>, %arg4: memref<1x256xf32, #tpu.memory_space<vmem>>, %arg5: memref<2000x256xf32, #tpu.memory_space<vmem>>) attributes {dimension_semantics = [#tpu.dimension_semantics<arbitrary>], iteration_bounds = array<i64: 80>, scalar_prefetch = 0 : i64, scratch_operands = 0 : i64, tpu.core_type = #tpu.core_type<tc>, window_params = [{transform_indices = @transform_0, window_bounds = array<i64: 2000, 256>}, {transform_indices = @transform_1, window_bounds = array<i64: 2000, 256>}, {pipeline_mode = #tpu.pipeline_mode<synchronous>, transform_indices = @transform_2, window_bounds = array<i64: 1, 256>}, {pipeline_mode = #tpu.pipeline_mode<synchronous>, transform_indices = @transform_3, window_bounds = array<i64: 1, 256>}, {transform_indices = @transform_4, window_bounds = array<i64: 2000, 256>}]} {
    %get3A = arith.constant 0 : index
    %get3A_0 = arith.constant 0 : index
    %get3A_1 = vector.load %arg1[%get3A, %get3A_0] : memref<2000x256xf32, #tpu.memory_space<vmem>>, vector<2000x256xf32>
    %get3A_2 = arith.constant 0 : index
    %get3A_3 = arith.constant 0 : index
    %get3A_4 = vector.load %arg2[%get3A_2, %get3A_3] : memref<2000x256xbf16, #tpu.memory_space<vmem>>, vector<2000x256xbf16>
    %convert_element_type3A = arith.extf %get3A_4 : vector<2000x256xbf16> to vector<2000x256xf32>
    %add3A = arith.addf %get3A_1, %convert_element_type3A : vector<2000x256xf32>
    %get3A_5 = arith.constant 0 : index
    %get3A_6 = arith.constant 0 : index
    %get3A_7 = vector.load %arg3[%get3A_5, %get3A_6] : memref<1x256xf32, #tpu.memory_space<vmem>>, vector<1x256xf32>
    %mul3A = vector.broadcast %get3A_7 : vector<1x256xf32> to vector<2000x256xf32>
    %mul3A_8 = arith.mulf %add3A, %mul3A : vector<2000x256xf32>
    %get3A_9 = arith.constant 0 : index
    %get3A_10 = arith.constant 0 : index
    %get3A_11 = vector.load %arg4[%get3A_9, %get3A_10] : memref<1x256xf32, #tpu.memory_space<vmem>>, vector<1x256xf32>
    %add3A_12 = vector.broadcast %get3A_11 : vector<1x256xf32> to vector<2000x256xf32>
    %add3A_13 = arith.addf %mul3A_8, %add3A_12 : vector<2000x256xf32>
    %swap3A = arith.constant 0 : index
    %swap3A_14 = arith.constant 0 : index
    %swap3A_15 = vector.load %arg5[%swap3A, %swap3A_14] : memref<2000x256xf32, #tpu.memory_space<vmem>>, vector<2000x256xf32>
    tpu.vector_store %arg5[%swap3A, %swap3A_14], %add3A_13 {strides = array<i32>} : memref<2000x256xf32, #tpu.memory_space<vmem>>, vector<2000x256xf32>,
    return
  }
  func.func @transform_0(%arg0: i32) -> (i32, i32) {
    %c0_i32 = arith.constant 0 : i32
    %c0_i32_0 = arith.constant 0 : i32
    return %arg0, %c0_i32 : i32, i32
  }
  func.func @transform_1(%arg0: i32) -> (i32, i32) {
    %c0_i32 = arith.constant 0 : i32
    %c0_i32_0 = arith.constant 0 : i32
    return %arg0, %c0_i32 : i32, i32
  }
  func.func @transform_2(%arg0: i32) -> (i32, i32) {
    %c0_i32 = arith.constant 0 : i32
    %c0_i32_0 = arith.constant 0 : i32
    %c0_i32_1 = arith.constant 0 : i32
    return %c0_i32, %c0_i32_0 : i32, i32
  }
  func.func @transform_3(%arg0: i32) -> (i32, i32) {
    %c0_i32 = arith.constant 0 : i32
    %c0_i32_0 = arith.constant 0 : i32
    %c0_i32_1 = arith.constant 0 : i32
    return %c0_i32, %c0_i32_0 : i32, i32
  }
  func.func @transform_4(%arg0: i32) -> (i32, i32) {
    %c0_i32 = arith.constant 0 : i32
    %c0_i32_0 = arith.constant 0 : i32
    return %arg0, %c0_i32 : i32, i32
  }
}

module attributes {stable_mosaic.version = 14 : i64} {
  func.func @_tc_attn_out_body(%arg0: i32, %arg1: memref<1000x288xbf16, #tpu.memory_space<vmem>>, %arg2: memref<1000x288xbf16, #tpu.memory_space<vmem>>, %arg3: memref<1000x256xf32, #tpu.memory_space<vmem>>, %arg4: memref<256x256xf32, #tpu.memory_space<vmem>>, %arg5: memref<1x256xf32, #tpu.memory_space<vmem>>, %arg6: memref<288x256xf32, #tpu.memory_space<vmem>>, %arg7: memref<1000x256xf32, #tpu.memory_space<vmem>>, %arg8: memref<1x1x256xf32, #tpu.memory_space<vmem>>, %arg9: memref<1x1x256xf32, #tpu.memory_space<vmem>>) attributes {dimension_semantics = [#tpu.dimension_semantics<arbitrary>], iteration_bounds = array<i64: 10>, scalar_prefetch = 0 : i64, scratch_operands = 0 : i64, tpu.core_type = #tpu.core_type<tc>, window_params = [{transform_indices = @transform_0, window_bounds = array<i64: 1000, 288>}, {transform_indices = @transform_1, window_bounds = array<i64: 1000, 288>}, {transform_indices = @transform_2, window_bounds = array<i64: 1000, 256>}, {pipeline_mode = #tpu.pipeline_mode<synchronous>, transform_indices = @transform_3, window_bounds = array<i64: 256, 256>}, {pipeline_mode = #tpu.pipeline_mode<synchronous>, transform_indices = @transform_4, window_bounds = array<i64: 1, 256>}, {pipeline_mode = #tpu.pipeline_mode<synchronous>, transform_indices = @transform_5, window_bounds = array<i64: 288, 256>}, {transform_indices = @transform_6, window_bounds = array<i64: 1000, 256>}, {transform_indices = @transform_7, window_bounds = array<i64: 1, 1, 256>}, {transform_indices = @transform_8, window_bounds = array<i64: 1, 1, 256>}]} {
    %get3A = arith.constant 0 : index
    %get3A_0 = arith.constant 0 : index
    %get3A_1 = vector.load %arg1[%get3A, %get3A_0] : memref<1000x288xbf16, #tpu.memory_space<vmem>>, vector<1000x288xbf16>
    %convert_element_type3A = arith.extf %get3A_1 : vector<1000x288xbf16> to vector<1000x288xf32>
    %get3A_2 = arith.constant 0 : index
    %get3A_3 = arith.constant 0 : index
    %get3A_4 = vector.load %arg2[%get3A_2, %get3A_3] : memref<1000x288xbf16, #tpu.memory_space<vmem>>, vector<1000x288xbf16>
    %convert_element_type3A_5 = arith.extf %get3A_4 : vector<1000x288xbf16> to vector<1000x288xf32>
    %add3A = arith.addf %convert_element_type3A, %convert_element_type3A_5 : vector<1000x288xf32>
    %get3A_6 = arith.constant 0 : index
    %get3A_7 = arith.constant 0 : index
    %get3A_8 = vector.load %arg6[%get3A_6, %get3A_7] : memref<288x256xf32, #tpu.memory_space<vmem>>, vector<288x256xf32>
    %dot_general3A = arith.constant dense<0.000000e+00> : vector<1000x256xf32>
    %dot_general3A_9 = tpu.matmul %add3A, %get3A_8, %dot_general3A {dimension_numbers = #tpu.dot_dimension_numbers<[1], [0], [0], [1], [0, 0, 1, 1], [], []>, transpose_lhs_hint = false} : vector<1000x288xf32>, vector<288x256xf32>, vector<1000x256xf32> -> vector<1000x256xf32>
    %add3A_10 = arith.constant 9.99999997E-7 : f32
    %add3A_11 = vector.broadcast %add3A_10 : f32 to vector<1000x256xf32>
    %add3A_12 = arith.addf %dot_general3A_9, %add3A_11 : vector<1000x256xf32>
    %slice3A = vector.extract_strided_slice %add3A {offsets = [0, 0], sizes = [1000, 256], strides = [1, 1]} : vector<1000x288xf32> to vector<1000x256xf32>
    %div3A = arith.divf %slice3A, %add3A_12 : vector<1000x256xf32>
    %get3A_13 = arith.constant 0 : index
    %get3A_14 = arith.constant 0 : index
    %get3A_15 = vector.load %arg4[%get3A_13, %get3A_14] : memref<256x256xf32, #tpu.memory_space<vmem>>, vector<256x256xf32>
    %dot_general3A_16 = arith.constant dense<0.000000e+00> : vector<1000x256xf32>
    %dot_general3A_17 = tpu.matmul %div3A, %get3A_15, %dot_general3A_16 {dimension_numbers = #tpu.dot_dimension_numbers<[1], [0], [0], [1], [0, 0, 1, 1], [], []>, transpose_lhs_hint = false} : vector<1000x256xf32>, vector<256x256xf32>, vector<1000x256xf32> -> vector<1000x256xf32>
    %get3A_18 = arith.constant 0 : index
    %get3A_19 = arith.constant 0 : index
    %get3A_20 = vector.load %arg5[%get3A_18, %get3A_19] : memref<1x256xf32, #tpu.memory_space<vmem>>, vector<1x256xf32>
    %add3A_21 = vector.broadcast %get3A_20 : vector<1x256xf32> to vector<1000x256xf32>
    %add3A_22 = arith.addf %dot_general3A_17, %add3A_21 : vector<1000x256xf32>
    %get3A_23 = arith.constant 0 : index
    %get3A_24 = arith.constant 0 : index
    %get3A_25 = vector.load %arg3[%get3A_23, %get3A_24] : memref<1000x256xf32, #tpu.memory_space<vmem>>, vector<1000x256xf32>
    %add3A_26 = arith.addf %add3A_22, %get3A_25 : vector<1000x256xf32>
    %swap3A = arith.constant 0 : index
    %swap3A_27 = arith.constant 0 : index
    %swap3A_28 = vector.load %arg7[%swap3A, %swap3A_27] : memref<1000x256xf32, #tpu.memory_space<vmem>>, vector<1000x256xf32>
    tpu.vector_store %arg7[%swap3A, %swap3A_27], %add3A_26 {strides = array<i32>} : memref<1000x256xf32, #tpu.memory_space<vmem>>, vector<1000x256xf32>,
    %reduce_sum3A = arith.constant dense<0.000000e+00> : vector<256xf32>
    %reduce_sum3A_29 = vector.multi_reduction <add>, %add3A_26, %reduce_sum3A [0] : vector<1000x256xf32> to vector<256xf32>
    %broadcast_in_dim3A = vector.shape_cast %reduce_sum3A_29 : vector<256xf32> to vector<1x256xf32>
    %broadcast_in_dim3A_30 = vector.shape_cast %broadcast_in_dim3A : vector<1x256xf32> to vector<1x1x256xf32>
    %swap3A_31 = arith.constant 0 : index
    %swap3A_32 = arith.constant 0 : index
    %swap3A_33 = arith.constant 0 : index
    %swap3A_34 = vector.load %arg8[%swap3A_31, %swap3A_32, %swap3A_33] : memref<1x1x256xf32, #tpu.memory_space<vmem>>, vector<1x1x256xf32>
    tpu.vector_store %arg8[%swap3A_31, %swap3A_32, %swap3A_33], %broadcast_in_dim3A_30 {strides = array<i32>} : memref<1x1x256xf32, #tpu.memory_space<vmem>>, vector<1x1x256xf32>,
    %mul3A = arith.mulf %add3A_26, %add3A_26 : vector<1000x256xf32>
    %reduce_sum3A_35 = arith.constant dense<0.000000e+00> : vector<256xf32>
    %reduce_sum3A_36 = vector.multi_reduction <add>, %mul3A, %reduce_sum3A_35 [0] : vector<1000x256xf32> to vector<256xf32>
    %broadcast_in_dim3A_37 = vector.shape_cast %reduce_sum3A_36 : vector<256xf32> to vector<1x256xf32>
    %broadcast_in_dim3A_38 = vector.shape_cast %broadcast_in_dim3A_37 : vector<1x256xf32> to vector<1x1x256xf32>
    %swap3A_39 = arith.constant 0 : index
    %swap3A_40 = arith.constant 0 : index
    %swap3A_41 = arith.constant 0 : index
    %swap3A_42 = vector.load %arg9[%swap3A_39, %swap3A_40, %swap3A_41] : memref<1x1x256xf32, #tpu.memory_space<vmem>>, vector<1x1x256xf32>
    tpu.vector_store %arg9[%swap3A_39, %swap3A_40, %swap3A_41], %broadcast_in_dim3A_38 {strides = array<i32>} : memref<1x1x256xf32, #tpu.memory_space<vmem>>, vector<1x1x256xf32>,
    return
  }
  func.func @transform_0(%arg0: i32) -> (i32, i32) {
    %c0_i32 = arith.constant 0 : i32
    %c0_i32_0 = arith.constant 0 : i32
    return %arg0, %c0_i32 : i32, i32
  }
  func.func @transform_1(%arg0: i32) -> (i32, i32) {
    %c0_i32 = arith.constant 0 : i32
    %c0_i32_0 = arith.constant 0 : i32
    return %arg0, %c0_i32 : i32, i32
  }
  func.func @transform_2(%arg0: i32) -> (i32, i32) {
    %c0_i32 = arith.constant 0 : i32
    %c0_i32_0 = arith.constant 0 : i32
    return %arg0, %c0_i32 : i32, i32
  }
  func.func @transform_3(%arg0: i32) -> (i32, i32) {
    %c0_i32 = arith.constant 0 : i32
    %c0_i32_0 = arith.constant 0 : i32
    %c0_i32_1 = arith.constant 0 : i32
    return %c0_i32, %c0_i32_0 : i32, i32
  }
  func.func @transform_4(%arg0: i32) -> (i32, i32) {
    %c0_i32 = arith.constant 0 : i32
    %c0_i32_0 = arith.constant 0 : i32
    %c0_i32_1 = arith.constant 0 : i32
    return %c0_i32, %c0_i32_0 : i32, i32
  }
  func.func @transform_5(%arg0: i32) -> (i32, i32) {
    %c0_i32 = arith.constant 0 : i32
    %c0_i32_0 = arith.constant 0 : i32
    %c0_i32_1 = arith.constant 0 : i32
    return %c0_i32, %c0_i32_0 : i32, i32
  }
  func.func @transform_6(%arg0: i32) -> (i32, i32) {
    %c0_i32 = arith.constant 0 : i32
    %c0_i32_0 = arith.constant 0 : i32
    return %arg0, %c0_i32 : i32, i32
  }
  func.func @transform_7(%arg0: i32) -> (i32, i32, i32) {
    %c0_i32 = arith.constant 0 : i32
    %c0_i32_0 = arith.constant 0 : i32
    %c0_i32_1 = arith.constant 0 : i32
    return %arg0, %c0_i32, %c0_i32_0 : i32, i32, i32
  }
  func.func @transform_8(%arg0: i32) -> (i32, i32, i32) {
    %c0_i32 = arith.constant 0 : i32
    %c0_i32_0 = arith.constant 0 : i32
    %c0_i32_1 = arith.constant 0 : i32
    return %arg0, %c0_i32, %c0_i32_0 : i32, i32, i32
  }
}

module attributes {stable_mosaic.version = 14 : i64} {
  func.func @_tc_ffn_body(%arg0: i32, %arg1: memref<1000x256xf32, #tpu.memory_space<vmem>>, %arg2: memref<1x256xf32, #tpu.memory_space<vmem>>, %arg3: memref<1x256xf32, #tpu.memory_space<vmem>>, %arg4: memref<256x512xf32, #tpu.memory_space<vmem>>, %arg5: memref<1x512xf32, #tpu.memory_space<vmem>>, %arg6: memref<512x256xf32, #tpu.memory_space<vmem>>, %arg7: memref<1x256xf32, #tpu.memory_space<vmem>>, %arg8: memref<1000x256xf32, #tpu.memory_space<vmem>>, %arg9: memref<1x1x256xf32, #tpu.memory_space<vmem>>, %arg10: memref<1x1x256xf32, #tpu.memory_space<vmem>>) attributes {dimension_semantics = [#tpu.dimension_semantics<arbitrary>], iteration_bounds = array<i64: 10>, scalar_prefetch = 0 : i64, scratch_operands = 0 : i64, tpu.core_type = #tpu.core_type<tc>, window_params = [{transform_indices = @transform_0, window_bounds = array<i64: 1000, 256>}, {pipeline_mode = #tpu.pipeline_mode<synchronous>, transform_indices = @transform_1, window_bounds = array<i64: 1, 256>}, {pipeline_mode = #tpu.pipeline_mode<synchronous>, transform_indices = @transform_2, window_bounds = array<i64: 1, 256>}, {pipeline_mode = #tpu.pipeline_mode<synchronous>, transform_indices = @transform_3, window_bounds = array<i64: 256, 512>}, {pipeline_mode = #tpu.pipeline_mode<synchronous>, transform_indices = @transform_4, window_bounds = array<i64: 1, 512>}, {pipeline_mode = #tpu.pipeline_mode<synchronous>, transform_indices = @transform_5, window_bounds = array<i64: 512, 256>}, {pipeline_mode = #tpu.pipeline_mode<synchronous>, transform_indices = @transform_6, window_bounds = array<i64: 1, 256>}, {transform_indices = @transform_7, window_bounds = array<i64: 1000, 256>}, {transform_indices = @transform_8, window_bounds = array<i64: 1, 1, 256>}, {transform_indices = @transform_9, window_bounds = array<i64: 1, 1, 256>}]} {
    %get3A = arith.constant 0 : index
    %get3A_0 = arith.constant 0 : index
    %get3A_1 = vector.load %arg1[%get3A, %get3A_0] : memref<1000x256xf32, #tpu.memory_space<vmem>>, vector<1000x256xf32>
    %get3A_2 = arith.constant 0 : index
    %get3A_3 = arith.constant 0 : index
    %get3A_4 = vector.load %arg2[%get3A_2, %get3A_3] : memref<1x256xf32, #tpu.memory_space<vmem>>, vector<1x256xf32>
    %mul3A = vector.broadcast %get3A_4 : vector<1x256xf32> to vector<1000x256xf32>
    %mul3A_5 = arith.mulf %get3A_1, %mul3A : vector<1000x256xf32>
    %get3A_6 = arith.constant 0 : index
    %get3A_7 = arith.constant 0 : index
    %get3A_8 = vector.load %arg3[%get3A_6, %get3A_7] : memref<1x256xf32, #tpu.memory_space<vmem>>, vector<1x256xf32>
    %add3A = vector.broadcast %get3A_8 : vector<1x256xf32> to vector<1000x256xf32>
    %add3A_9 = arith.addf %mul3A_5, %add3A : vector<1000x256xf32>
    %get3A_10 = arith.constant 0 : index
    %get3A_11 = arith.constant 0 : index
    %get3A_12 = vector.load %arg4[%get3A_10, %get3A_11] : memref<256x512xf32, #tpu.memory_space<vmem>>, vector<256x512xf32>
    %dot_general3A = arith.constant dense<0.000000e+00> : vector<1000x512xf32>
    %dot_general3A_13 = tpu.matmul %add3A_9, %get3A_12, %dot_general3A {dimension_numbers = #tpu.dot_dimension_numbers<[1], [0], [0], [1], [0, 0, 1, 1], [], []>, transpose_lhs_hint = false} : vector<1000x256xf32>, vector<256x512xf32>, vector<1000x512xf32> -> vector<1000x512xf32>
    %get3A_14 = arith.constant 0 : index
    %get3A_15 = arith.constant 0 : index
    %get3A_16 = vector.load %arg5[%get3A_14, %get3A_15] : memref<1x512xf32, #tpu.memory_space<vmem>>, vector<1x512xf32>
    %add3A_17 = vector.broadcast %get3A_16 : vector<1x512xf32> to vector<1000x512xf32>
    %add3A_18 = arith.addf %dot_general3A_13, %add3A_17 : vector<1000x512xf32>
    %max3A = arith.constant 0.000000e+00 : f32
    %max3A_19 = vector.broadcast %max3A : f32 to vector<1000x512xf32>
    %max3A_20 = arith.maximumf %add3A_18, %max3A_19 : vector<1000x512xf32>
    %get3A_21 = arith.constant 0 : index
    %get3A_22 = arith.constant 0 : index
    %get3A_23 = vector.load %arg6[%get3A_21, %get3A_22] : memref<512x256xf32, #tpu.memory_space<vmem>>, vector<512x256xf32>
    %dot_general3A_24 = arith.constant dense<0.000000e+00> : vector<1000x256xf32>
    %dot_general3A_25 = tpu.matmul %max3A_20, %get3A_23, %dot_general3A_24 {dimension_numbers = #tpu.dot_dimension_numbers<[1], [0], [0], [1], [0, 0, 1, 1], [], []>, transpose_lhs_hint = false} : vector<1000x512xf32>, vector<512x256xf32>, vector<1000x256xf32> -> vector<1000x256xf32>
    %get3A_26 = arith.constant 0 : index
    %get3A_27 = arith.constant 0 : index
    %get3A_28 = vector.load %arg7[%get3A_26, %get3A_27] : memref<1x256xf32, #tpu.memory_space<vmem>>, vector<1x256xf32>
    %add3A_29 = vector.broadcast %get3A_28 : vector<1x256xf32> to vector<1000x256xf32>
    %add3A_30 = arith.addf %dot_general3A_25, %add3A_29 : vector<1000x256xf32>
    %add3A_31 = arith.addf %add3A_9, %add3A_30 : vector<1000x256xf32>
    %swap3A = arith.constant 0 : index
    %swap3A_32 = arith.constant 0 : index
    %swap3A_33 = vector.load %arg8[%swap3A, %swap3A_32] : memref<1000x256xf32, #tpu.memory_space<vmem>>, vector<1000x256xf32>
    tpu.vector_store %arg8[%swap3A, %swap3A_32], %add3A_31 {strides = array<i32>} : memref<1000x256xf32, #tpu.memory_space<vmem>>, vector<1000x256xf32>,
    %reduce_sum3A = arith.constant dense<0.000000e+00> : vector<256xf32>
    %reduce_sum3A_34 = vector.multi_reduction <add>, %add3A_31, %reduce_sum3A [0] : vector<1000x256xf32> to vector<256xf32>
    %broadcast_in_dim3A = vector.shape_cast %reduce_sum3A_34 : vector<256xf32> to vector<1x256xf32>
    %broadcast_in_dim3A_35 = vector.shape_cast %broadcast_in_dim3A : vector<1x256xf32> to vector<1x1x256xf32>
    %swap3A_36 = arith.constant 0 : index
    %swap3A_37 = arith.constant 0 : index
    %swap3A_38 = arith.constant 0 : index
    %swap3A_39 = vector.load %arg9[%swap3A_36, %swap3A_37, %swap3A_38] : memref<1x1x256xf32, #tpu.memory_space<vmem>>, vector<1x1x256xf32>
    tpu.vector_store %arg9[%swap3A_36, %swap3A_37, %swap3A_38], %broadcast_in_dim3A_35 {strides = array<i32>} : memref<1x1x256xf32, #tpu.memory_space<vmem>>, vector<1x1x256xf32>,
    %mul3A_40 = arith.mulf %add3A_31, %add3A_31 : vector<1000x256xf32>
    %reduce_sum3A_41 = arith.constant dense<0.000000e+00> : vector<256xf32>
    %reduce_sum3A_42 = vector.multi_reduction <add>, %mul3A_40, %reduce_sum3A_41 [0] : vector<1000x256xf32> to vector<256xf32>
    %broadcast_in_dim3A_43 = vector.shape_cast %reduce_sum3A_42 : vector<256xf32> to vector<1x256xf32>
    %broadcast_in_dim3A_44 = vector.shape_cast %broadcast_in_dim3A_43 : vector<1x256xf32> to vector<1x1x256xf32>
    %swap3A_45 = arith.constant 0 : index
    %swap3A_46 = arith.constant 0 : index
    %swap3A_47 = arith.constant 0 : index
    %swap3A_48 = vector.load %arg10[%swap3A_45, %swap3A_46, %swap3A_47] : memref<1x1x256xf32, #tpu.memory_space<vmem>>, vector<1x1x256xf32>
    tpu.vector_store %arg10[%swap3A_45, %swap3A_46, %swap3A_47], %broadcast_in_dim3A_44 {strides = array<i32>} : memref<1x1x256xf32, #tpu.memory_space<vmem>>, vector<1x1x256xf32>,
    return
  }
  func.func @transform_0(%arg0: i32) -> (i32, i32) {
    %c0_i32 = arith.constant 0 : i32
    %c0_i32_0 = arith.constant 0 : i32
    return %arg0, %c0_i32 : i32, i32
  }
  func.func @transform_1(%arg0: i32) -> (i32, i32) {
    %c0_i32 = arith.constant 0 : i32
    %c0_i32_0 = arith.constant 0 : i32
    %c0_i32_1 = arith.constant 0 : i32
    return %c0_i32, %c0_i32_0 : i32, i32
  }
  func.func @transform_2(%arg0: i32) -> (i32, i32) {
    %c0_i32 = arith.constant 0 : i32
    %c0_i32_0 = arith.constant 0 : i32
    %c0_i32_1 = arith.constant 0 : i32
    return %c0_i32, %c0_i32_0 : i32, i32
  }
  func.func @transform_3(%arg0: i32) -> (i32, i32) {
    %c0_i32 = arith.constant 0 : i32
    %c0_i32_0 = arith.constant 0 : i32
    %c0_i32_1 = arith.constant 0 : i32
    return %c0_i32, %c0_i32_0 : i32, i32
  }
  func.func @transform_4(%arg0: i32) -> (i32, i32) {
    %c0_i32 = arith.constant 0 : i32
    %c0_i32_0 = arith.constant 0 : i32
    %c0_i32_1 = arith.constant 0 : i32
    return %c0_i32, %c0_i32_0 : i32, i32
  }
  func.func @transform_5(%arg0: i32) -> (i32, i32) {
    %c0_i32 = arith.constant 0 : i32
    %c0_i32_0 = arith.constant 0 : i32
    %c0_i32_1 = arith.constant 0 : i32
    return %c0_i32, %c0_i32_0 : i32, i32
  }
  func.func @transform_6(%arg0: i32) -> (i32, i32) {
    %c0_i32 = arith.constant 0 : i32
    %c0_i32_0 = arith.constant 0 : i32
    %c0_i32_1 = arith.constant 0 : i32
    return %c0_i32, %c0_i32_0 : i32, i32
  }
  func.func @transform_7(%arg0: i32) -> (i32, i32) {
    %c0_i32 = arith.constant 0 : i32
    %c0_i32_0 = arith.constant 0 : i32
    return %arg0, %c0_i32 : i32, i32
  }
  func.func @transform_8(%arg0: i32) -> (i32, i32, i32) {
    %c0_i32 = arith.constant 0 : i32
    %c0_i32_0 = arith.constant 0 : i32
    %c0_i32_1 = arith.constant 0 : i32
    return %arg0, %c0_i32, %c0_i32_0 : i32, i32, i32
  }
  func.func @transform_9(%arg0: i32) -> (i32, i32, i32) {
    %c0_i32 = arith.constant 0 : i32
    %c0_i32_0 = arith.constant 0 : i32
    %c0_i32_1 = arith.constant 0 : i32
    return %arg0, %c0_i32, %c0_i32_0 : i32, i32, i32
  }
}

module attributes {stable_mosaic.version = 14 : i64} {
  func.func @_tc_norm_body(%arg0: i32, %arg1: memref<1000x256xf32, #tpu.memory_space<vmem>>, %arg2: memref<1x256xf32, #tpu.memory_space<vmem>>, %arg3: memref<1x256xf32, #tpu.memory_space<vmem>>, %arg4: memref<1000x256xf32, #tpu.memory_space<vmem>>) attributes {dimension_semantics = [#tpu.dimension_semantics<arbitrary>], iteration_bounds = array<i64: 10>, scalar_prefetch = 0 : i64, scratch_operands = 0 : i64, tpu.core_type = #tpu.core_type<tc>, window_params = [{transform_indices = @transform_0, window_bounds = array<i64: 1000, 256>}, {pipeline_mode = #tpu.pipeline_mode<synchronous>, transform_indices = @transform_1, window_bounds = array<i64: 1, 256>}, {pipeline_mode = #tpu.pipeline_mode<synchronous>, transform_indices = @transform_2, window_bounds = array<i64: 1, 256>}, {transform_indices = @transform_3, window_bounds = array<i64: 1000, 256>}]} {
    %get3A = arith.constant 0 : index
    %get3A_0 = arith.constant 0 : index
    %get3A_1 = vector.load %arg1[%get3A, %get3A_0] : memref<1000x256xf32, #tpu.memory_space<vmem>>, vector<1000x256xf32>
    %get3A_2 = arith.constant 0 : index
    %get3A_3 = arith.constant 0 : index
    %get3A_4 = vector.load %arg2[%get3A_2, %get3A_3] : memref<1x256xf32, #tpu.memory_space<vmem>>, vector<1x256xf32>
    %mul3A = vector.broadcast %get3A_4 : vector<1x256xf32> to vector<1000x256xf32>
    %mul3A_5 = arith.mulf %get3A_1, %mul3A : vector<1000x256xf32>
    %get3A_6 = arith.constant 0 : index
    %get3A_7 = arith.constant 0 : index
    %get3A_8 = vector.load %arg3[%get3A_6, %get3A_7] : memref<1x256xf32, #tpu.memory_space<vmem>>, vector<1x256xf32>
    %add3A = vector.broadcast %get3A_8 : vector<1x256xf32> to vector<1000x256xf32>
    %add3A_9 = arith.addf %mul3A_5, %add3A : vector<1000x256xf32>
    %swap3A = arith.constant 0 : index
    %swap3A_10 = arith.constant 0 : index
    %swap3A_11 = vector.load %arg4[%swap3A, %swap3A_10] : memref<1000x256xf32, #tpu.memory_space<vmem>>, vector<1000x256xf32>
    tpu.vector_store %arg4[%swap3A, %swap3A_10], %add3A_9 {strides = array<i32>} : memref<1000x256xf32, #tpu.memory_space<vmem>>, vector<1000x256xf32>,
    return
  }
  func.func @transform_0(%arg0: i32) -> (i32, i32) {
    %c0_i32 = arith.constant 0 : i32
    %c0_i32_0 = arith.constant 0 : i32
    return %arg0, %c0_i32 : i32, i32
  }
  func.func @transform_1(%arg0: i32) -> (i32, i32) {
    %c0_i32 = arith.constant 0 : i32
    %c0_i32_0 = arith.constant 0 : i32
    %c0_i32_1 = arith.constant 0 : i32
    return %c0_i32, %c0_i32_0 : i32, i32
  }
  func.func @transform_2(%arg0: i32) -> (i32, i32) {
    %c0_i32 = arith.constant 0 : i32
    %c0_i32_0 = arith.constant 0 : i32
    %c0_i32_1 = arith.constant 0 : i32
    return %c0_i32, %c0_i32_0 : i32, i32
  }
  func.func @transform_3(%arg0: i32) -> (i32, i32) {
    %c0_i32 = arith.constant 0 : i32
    %c0_i32_0 = arith.constant 0 : i32
    return %arg0, %c0_i32 : i32, i32
  }
}

</mosaic_0001>

<sc_bundles>
// kernel: kernel.10.cloned.1.call-start
scs
__scs_entry_jumppad:
0x0: {  	(pc) =	sbr.rel $0x88, $3  }
0x1: {  	(tag) =	ssettag $0x0;
	lr =	simm.s32 $0x1  }
0x2: {  	[smem:$0x3F8E] =	sst lr;
	_ =	strace $0xD0000000  }
0x3: {  	_ = 	snop  }
0x4: {  	_ = 	snop  }
0x5: {  	_ = 	snop  }
0x6: {  	_ = 	snop  }
0x7: {  	_ = 	snop  }
__scs_overlays_trampoline_lowered:
0x8: {  	[smem:$0x3F9D] =	sst s0  }
0x9: {  	[smem:$0x3F9E] =	sst s1  }
0xa: {  	[smem:$0x3F9F] =	sst s2  }
0xb: {  	[smem:$0x3FA0] =	sst s3  }
0xc: {  	[smem:$0x3FA1] =	sst s4  }
0xd: {  	[smem:$0x3FA2] =	sst s5  }
0xe: {  	[smem:$0x3FA3] =	sst s6  }
0xf: {  	[smem:$0x3FA4] =	sst s7  }
0x10: {  	[smem:$0x3FA5] =	sst s8  }
0x11: {  	[smem:$0x3FA6] =	sst s9;
	s0 =	simm.s32 @!p0 $0x0  }
0x12: {  	s1 =	sld [smem:$0x3F8C];
	s0 =	simm.s32 @p0 $0x1  }
0x13: {  	[smem:$0x3FA7] =	sst s0;
	s0 =	simm.s32 @!p1 $0x0  }
0x14: {  	s2 =	sld [smem:$0x3F8B];
	s0 =	simm.s32 @p1 $0x1  }
0x15: {  	[smem:$0x3FA8] =	sst s0;
	s0 =	simm.s32 @!p2 $0x0  }
0x16: {  	s3 =	sld [smem:$0x3FDB];
	s0 =	simm.s32 @p2 $0x1  }
0x17: {  	s4 =	simm.s32 $0x1BF5;
	[smem:$0x3FAA] =	sst s0  }
0x18: {  	s0 =	sld [smem:$0x3F8D];
	_ =	swait.ge [sflag:s4], $0x0  }
0x19: {  	s7 =	sld [smem:$0x3F8E]  }
0x1a: {  	s8 =	sadd.s32 $0xFFFFE003, lr  }
0x1b: {  	s9 =	sadd.s32 $0xFFFFFEF7, lr;
	s5 =	simm.s32 $0xFFFFFFFF;
	p2 =	slt.u32 s8, $0xFFFFF086  }
0x1c: {  	p1 =	slt.u32 s9, $0xF7A;
	s5 =	simm.s32 @!p2 $0x0  }
0x1d: {  	s5 =	simm.s32 @p1 $0x1;
	p0 =	seq.s32 s7, s2  }
0x1e: {  	s7 =	smul.u32 @!p0 $0xF7A, s2;
	p2 =	seq.s32 @!p0 s5, $0x0  }
0x1f: {  	s9 =	smul.u32 $0xF7A, s1;
	s8 =	simm.s32 @!p0 $0x1BF5;
	p2 =	por !p2, p0  }
0x20: {  	[sflag:s8] =	ssyncset.s32 @!p0 $0xFFFFF086;
	s6 =	sadd.s32 @!p0 s3, s7;
	s7 =	simm.s32 @!p0 $0x108  }
0x21: {  	s3 =	sadd.s32 s3, s9;
	s6 =	sadd.s32 @!p0 $0x88, s6;
	s7 =	simm.s32 @p2 $0x1082  }
0x22: {  	[simem:s7], [sflag:s8] =	dma.local @!p0 [hbm:s6], $0xF7A  }
0x23: {  	s9 =	sor.u32 $0xD0000000, s2;
	s6 =	simm.s32 $0x108;
	_ =	swait.ge @!p0 [sflag:s8], $0x0  }
0x24: {  	s3 =	sadd.s32 $0x88, s3;
	s6 =	simm.s32 @!p1 $0x1082;
	[sflag:s4] =	ssyncset.s32 $0xFFFFF086  }
0x25: {  	[simem:s6], [sflag:s4] =	dma.local [hbm:s3], $0xF7A  }
0x26: {  	[smem:$0x3F8E] =	sst s1;
	(tag) =	ssettag s2;
	_ =	strace s9  }
0x27: {  	s1 =	sld [smem:$0x3F9E]  }
0x28: {  	s2 =	sld [smem:$0x3F9F]  }
0x29: {  	s4 =	sld [smem:$0x3FA1]  }
0x2a: {  	p0 =	seq.s32 s5, $0x0;
	s5 =	sld [smem:$0x3FA2]  }
0x2b: {  	s6 =	sld [smem:$0x3FA3]  }
0x2c: {  	s7 =	sld [smem:$0x3FA4]  }
0x2d: {  	s3 =	simm.s32 $0x108;
	s8 =	sld [smem:$0x3FA5]  }
0x2e: {  	s3 =	simm.s32 @!p0 $0x1082;
	s9 =	sld [smem:$0x3FA6]  }
0x2f: {  	lr =	sadd.s32 s0, s3;
	s0 =	sld [smem:$0x3F9D]  }
0x30: {  	s3 =	sld [smem:$0x3FA0]  }
0x31: {  	[smem:$0x3FA9] =	sst s10  }
0x32: {  	s10 =	sld [smem:$0x3FA7];
	_ =	sdelay $0x3  }
0x33: {  	p0 =	seq.s32 s10, $0x1;
	s10 =	sld [smem:$0x3FA9];
	_ =	sdelay $0x3  }
0x34: {  	[smem:$0x3FA9] =	sst s10  }
0x35: {  	s10 =	sld [smem:$0x3FA8];
	_ =	sdelay $0x3  }
0x36: {  	p1 =	seq.s32 s10, $0x1;
	s10 =	sld [smem:$0x3FA9];
	_ =	sdelay $0x3  }
0x37: {  	[smem:$0x3FA9] =	sst s10  }
0x38: {  	s10 =	sld [smem:$0x3FAA]  }
0x39: {  	_ = 	snop;
	(pc) =	sbr.ind lr, $3  }
0x3a: {  	_ = 	snop  }
0x3b: {  	_ = 	snop  }
0x3c: {  	p2 =	seq.s32 s10, $0x1;
	s10 =	sld [smem:$0x3FA9]  }
0x3d: {  	_ =	shalt  }
0x3e: {  	_ =	shalt  }
0x3f: {  	_ =	shalt  }
0x40: {  	_ =	shalt  }
0x41: {  	_ =	shalt  }
0x42: {  	_ =	shalt  }
0x43: {  	_ =	shalt  }
0x44: {  	_ =	shalt  }
0x45: {  	_ =	shalt  }
0x46: {  	_ =	shalt  }
0x47: {  	_ =	shalt  }
0x48: {  	_ =	shalt  }
0x49: {  	_ =	shalt  }
0x4a: {  	_ =	shalt  }
0x4b: {  	_ =	shalt  }
0x4c: {  	_ =	shalt  }
0x4d: {  	_ =	shalt  }
0x4e: {  	_ =	shalt  }
0x4f: {  	_ =	shalt  }
0x50: {  	_ =	shalt  }
0x51: {  	_ =	shalt  }
0x52: {  	_ =	shalt  }
0x53: {  	_ =	shalt  }
0x54: {  	_ =	shalt  }
0x55: {  	_ =	shalt  }
0x56: {  	_ =	shalt  }
0x57: {  	_ =	shalt  }
0x58: {  	_ =	shalt  }
0x59: {  	_ =	shalt  }
0x5a: {  	_ =	shalt  }
0x5b: {  	_ =	shalt  }
0x5c: {  	_ =	shalt  }
0x5d: {  	_ =	shalt  }
0x5e: {  	_ =	shalt  }
0x5f: {  	_ =	shalt  }
0x60: {  	_ =	shalt  }
0x61: {  	_ =	shalt  }
0x62: {  	_ =	shalt  }
0x63: {  	_ =	shalt  }
0x64: {  	_ =	shalt  }
0x65: {  	_ =	shalt  }
0x66: {  	_ =	shalt  }
0x67: {  	_ =	shalt  }
0x68: {  	_ =	shalt  }
0x69: {  	_ =	shalt  }
0x6a: {  	_ =	shalt  }
0x6b: {  	_ =	shalt  }
0x6c: {  	_ =	shalt  }
0x6d: {  	_ =	shalt  }
0x6e: {  	_ =	shalt  }
0x6f: {  	_ =	shalt  }
0x70: {  	_ =	shalt  }
0x71: {  	_ =	shalt  }
0x72: {  	_ =	shalt  }
0x73: {  	_ =	shalt  }
0x74: {  	_ =	shalt  }
0x75: {  	_ =	shalt  }
0x76: {  	_ =	shalt  }
0x77: {  	_ =	shalt  }
0x78: {  	_ =	shalt  }
0x79: {  	_ =	shalt  }
0x7a: {  	_ =	shalt  }
0x7b: {  	_ =	shalt  }
0x7c: {  	_ =	shalt  }
0x7d: {  	_ =	shalt  }
0x7e: {  	_ =	shalt  }
0x7f: {  	_ =	shalt  }
0x80: {  	_ =	shalt  }
0x81: {  	_ =	shalt  }
0x82: {  	_ =	shalt  }
0x83: {  	_ =	shalt  }
0x84: {  	_ =	shalt  }
0x85: {  	_ =	shalt  }
0x86: {  	_ =	shalt  }
0x87: {  	_ =	shalt  }
.Lfunc_end0:
.L_simem_size_0:
called_computation.1_lowered:
.L_overlay_start_0:
0x88: {  	s2 =	sld [smem:$0x3FD9]  }
0x89: {  	s3 =	sld [smem:$0x3FFE];
	_ =	sdelay $0x1  }
0x8a: {  	s1 =	srdreg.scid  }
0x8b: {  	s0 =	sand.u32 $0x1, s1  }
0x8c: {  	s14 =	sshll.u32 s0, $0xA;
	s2 =	sadd.s32 s3, s2  }
0x8d: {  	s2 =	sadd.s32 s2, s14  }
0x8e: {  	[smem:$0x3FB5] =	sst s2  }
0x8f: {  	_ = 	snop  }
0x90: {  	s2 =	sld [smem:$0x3FD0];
	_ =	sdelay $0x2  }
0x91: {  	s15 =	simm.s32 $0xA;
	s4 =	simm.s32 $0x10  }
0x92: {  	[smem:s4], [sflag:s15] =	dma.local [hbm:s2], $0x1  }
0x93: {  	_ =	swait.eq [sflag:s15], $0x1  }
0x94: {  	[sflag:s15] =	ssyncset.done $0x0  }
0x95: {  	[sflag:s15] =	ssyncadd.s32 $0xFFFFFFFF  }
0x96: {  	s16 =	sld [smem:$0x10];
	(tm) =	ssettm $0x1  }
0x97: {  	s17 =	sld [smem:$0x3FFB];
	_ =	sdelay $0x3  }
0x98: {  	_ =	strace s17  }
0x99: {  	s3 =	sld [smem:$0x3FFC];
	_ =	sdelay $0x3  }
0x9a: {  	_ =	strace s3  }
0x9b: {  	s3 =	sld [smem:$0x3FFD];
	_ =	sdelay $0x3  }
0x9c: {  	_ =	strace s3  }
0x9d: {  	_ =	strace $0x8FFFFFFF  }
0x9e: {  	s18 =	sld [smem:$0x3FDB];
	_ =	sdelay $0x1  }
0x9f: {  	s19 =	simm.s32 $_scs_section_size  }
0xa0: {  	s5 =	simm.s32 $_size__tile_overlayer_lowered;
	s6 =	simm.s32 $_tile_overlayer_lowered  }
0xa1: {  	s22 =	simm.s32 $0x1BFF;
	s21 =	sshll.u32 s6, $0x1;
	s3 =	sadd.s32 s19, s18  }
0xa2: {  	s7 =	simm.s32 $0x0;
	s20 =	sshll.u32 s5, $0x1;
	s5 =	sadd.s32 s21, s3  }
0xa3: {  	[timem:s7], [sflag:s22] =	dma.local [hbm:s5], s20  }
0xa4: {  	_ =	swait.ge [sflag:s22], s20  }
0xa5: {  	s4 =	ssub.s32 $0x0, s20;
	[sflag:s22] =	ssyncset.done $0x0  }
0xa6: {  	[sflag:s22] =	ssyncadd.s32 s4;
	_ =	sdelay $0x1  }
0xa7: {  	s23 =	simm.s32 $0x1B8B  }
0xa8: {  	_ =	swait.ge [sflag:s23], $0x1  }
0xa9: {  	[sflag:s23] =	ssyncset.done $0x0  }
0xaa: {  	s25 =	simm.s32 $0x1B8E;
	s24 =	sld [smem:$0x3FFE];
	[sflag:s23] =	ssyncadd.s32 $0xFFFFFFFF  }
0xab: {  	s26 =	simm.s32 $execute0_lowered;
	[smem:$0x3FD2] =	sst s25  }
0xac: {  	s5 =	sshll.u32 s26, $0x1;
	_ =	strace $0x80000049;
	[dreg:$0x1] =	wrdreg $0xFFFFFFFF  }
0xad: {  	s28 =	simm.s32 $_size_execute0_lowered;
	s3 =	sadd.s32 s3, s5;
	[dreg:$0x0] =	wrdreg $0x0  }
0xae: {  	s5 =	sshll.u32 s28, $0x1;
	[dreg:$0x2] =	wrdreg s3  }
0xaf: {  	[dreg:$0x3] =	wrdreg s5  }
0xb0: {  	[dreg:$0x4] =	wrdreg $0xC0  }
0xb1: {  	_ =	task [dreg:s7], $0x5FFFF  }
0xb2: {  	[dreg:$0x1] =	wrdreg $0xFFFFFFFF  }
0xb3: {  	[dreg:$0x0] =	wrdreg $0x60  }
0xb4: {  	[dreg:$0x2] =	wrdreg s24  }
0xb5: {  	[dreg:$0x3] =	wrdreg s16  }
0xb6: {  	[dreg:$0x4] =	wrdreg $0x9  }
0xb7: {  	_ =	task.clear_ibuf [dreg:s7], $0x5FFFF;
	_ =	strace $0x90000049  }
0xb8: {  	s29 =	simm.s32 $0x9;
	_ =	strace $0x8000004B  }
0xb9: {  	_ =	swait.ge [sflag:s29], $0x1  }
0xba: {  	[sflag:s29] =	ssyncadd.s32 $0xFFFFFFFF  }
0xbb: {  	_ =	strace $0x9000004B  }
0xbc: {  	_ =	sfence  }
0xbd: {  	s30 =	sld [smem:$0x0];
	_ =	sdelay $0x2  }
0xbe: {  	s31 =	sshll.u32 s1, $0xD;
	s1 =	sshrl.u32 s1, $0x2  }
0xbf: {  	s3 =	sand.u32 $0x4000, s31;
	s1 =	sadd.s32 s1, s30  }
0xc0: {  	s0 =	sor.u32 s3, s0;
	s1 =	sshll.u32 s1, $0x11  }
0xc1: {  	s0 =	sor.u32 s1, s0  }
0xc2: {  	s0 =	sadd.s32 $0x8F2B, s0  }
0xc3: {  	[sflag:s0] =	ssyncadd.remote.s32 $0x1  }
0xc4: {  	_ =	sfence.sel $0xFFFF  }
0xc5: {  	[dreg:$0x0] =	wrdreg $0xFFFFFFFF;
	(pc) =	sbr.abs _section_cstart, $3  }
0xc6: {  	[dreg:$0x1] =	wrdreg $0xFFFFFFFF  }
0xc7: {  	_ =	task.clear_ibuf [dreg:s7], $0x2FFFF;
	_ =	strace $0x9FFFFFFF  }
0xc8: {  	(tm) =	ssettm $0x7FFFFFFF  }
0xc9: {  	_ =	shalt  }
tec
execute0_lowered:
.L_overlay_start_1:
0x0: {  	(tag) =	ssettag $0x1  }
0x1: {  	v0 =	vimm.s32 $0xFEDCBA98;
	v1 =	vimm.s32 $0x76543210;
	v2 =	vimm.s32 $0xBA98FEDC  }
0x2: {  	v3 =	vimm.s32 $0x32107654;
	v4 =	vimm.s32 $0xDCFE98BA;
	v5 =	vimm.s32 $0x54761032  }
0x3: {  	vm0 =	vcmask $0x300;
	v12 =	vimm.f32 $0.0e+00;
	vm8 =	vcmask $0x704  }
0x4: {  	s0 =	rddreg [dreg:$0x0];
	vm9 =	vcmask $0xB08;
	vm10 =	vcmask $0xF0C;
	vm11 =	vcmask $0x1310  }
0x5: {  	s1 =	rddreg [dreg:$0x1];
	s2 =	simm.s32 $0x0;
	v0 =	vunpack.c.l.s4.s8 v0;
	v2 =	vunpack.c.l.s4.s8 v2;
	v3 =	vunpack.c.l.s4.s8 v3  }
0x6: {  	s3 =	srdreg.scid;
	s7 =	stileid.u32;
	s15 =	simm.s32 $0x7;
	vm12 =	vcmask $0x1714;
	v1 =	vunpack.c.l.s4.s8 v1;
	v4 =	vunpack.c.l.s4.s8 v4  }
0x7: {  	s16 =	simm.s32 $0x80;
	s20 =	simm.s32 $0x1;
	s21 =	simm.s32 $0x2;
	v0 =	vunpack.c.0.s8.s32 v0;
	v2 =	vunpack.c.0.s8.s32 v2;
	v3 =	vunpack.c.0.s8.s32 v3  }
0x8: {  	vm13 =	vcmask $0x1B18;
	s22 =	simm.s32 $0x3;
	s23 =	simm.s32 $0x18200;
	s24 =	simm.s32 $0x8;
	v5 =	vunpack.c.l.s4.s8 v5;
	v1 =	vunpack.c.0.s8.s32 v1  }
0x9: {  	s25 =	simm.s32 $0x4;
	[smem:$0x7FF] =	sst s2;
	s4 =	sadd.s32 $0x538200, s0;
	v6 =	vunpack.c.0.s8.s32 v4;
	v0 =	vand.u32 $0xF, v0;
	v8 =	vcombine.low v3, v2  }
0xa: {  	s28 =	simm.s32 $0x6;
	s29 =	simm.s32 $0x0;
	s5 =	sadd.s32 $0x533200, s0;
	v3 =	vimm.s32 $0x67452301;
	v0 =	vcombine.low v0, v1;
	v1 =	vimm.s32 $0xEFCDAB89  }
0xb: {  	s6 =	sadd.s32 $0x50C000, s0;
	s8 =	sshll.u32 s7, $0x1;
	s7 =	sadd.s32 $0x4E4E00, s0;
	v7 =	vunpack.c.0.s8.s32 v5;
	v5 =	vunpack.c.l.s4.s8 v3;
	v4 =	vunpack.c.l.s4.s8 v1  }
0xc: {  	vm14 =	vcmask $0x1F1C;
	vm15 =	vcmask $0x1F00;
	s3 =	sand.u32 $0x1, s3;
	s9 =	sadd.s32 $0x273E00, s0;
	_ =	strace $0x8000004A;
	v2 =	vsel vm8, $0x3F800000, v12  }
.Ltmp0:
0xd: {  	s10 =	ssub.s32 $0x2, s3;
	s8 =	sor.u32 s3, s8;
	v11 =	vcombine.low v7, v6;
	v10 =	vunpack.c.0.s8.s32 v5;
	v9 =	vunpack.c.0.s8.s32 v4;
	(pc) =	sbr.rel .LBB2_1-.Ltmp0, $4  }
0xe: {  	s26 =	sshrl.u32 s10, $0x1;
	s3 =	sshll.u32 s8, $0x4;
	s31 =	sshll.u32 s8, $0xB;
	v6 =	vsel vm12, $0x3F800000, v12;
	v7 =	vsel vm13, $0x3F800000, v12;
	v3 =	vsel vm9, $0x3F800000, v12  }
0xf: {  	s13 =	sor.u32 $0x40, s8;
	s0 =	ssub.s32 s10, s26;
	s30 =	sadd.s32 s4, s3;
	v1 =	vsel vm0, $0x3F800000, v12;
	v8 =	vand.u32 $0xF, v8;
	v13 =	vcombine.low v10, v9  }
0x10: {  	s3 =	sadd.s32 s5, s3;
	s12 =	sadd.s32 s9, s31;
	[dreg:$0x3] =	wrdreg s30;
	v5 =	vsel vm11, $0x3F800000, v12;
	v4 =	vsel vm10, $0x3F800000, v12;
	v9 =	vsel vm14, $0x3F800000, v12  }
0x11: {  	s26 =	simm.s32 $0x5;
	[dreg:$0x4] =	wrdreg s3;
	s14 =	smax.u32 s0, $0x1;
	v10 =	vand.u32 $0xF, v11;
	v12 =	vsel vm15, $0x3F800000, v12;
	v11 =	vand.u32 $0xF, v13  }
.LBB2_9:
0x12: {  	s29 =	sadd.s32 $0x1, s29  }
0x13: {  	p0 =	sne.s32 s29, s14  }
.Ltmp1:
0x14: {  	_ = 	snop;
	(pc) =	sbr.rel @!p0 .LBB2_10-.Ltmp1, $1  }
0x15: {  	_ =	sdelay $0x3  }
.LBB2_1:
0x16: {  	s0 =	rddreg [dreg:$0x3]  }
0x17: {  	[tilespmem:s2], [sflag:$0x7] =	stream.linear.gather [hbm4b:s0+s2], $0x80, $0x38;
	[tilespmem:$0x18A00] =	vst v63  }
0x18: {  	_ =	swait.ge [sflag:s15], $0x80  }
0x19: {  	[sflag:s15] =	ssyncset.done $0x0  }
0x1a: {  	s17 =	rddreg [dreg:$0x4];
	[sflag:s15] =	ssyncadd.s32 $0xFFFFFF80  }
0x1b: {  	[tilespmem:s16], [sflag:$0x7] =	stream.linear.gather [hbm4b:s17+s2], $0x80, $0x38;
	[tilespmem:$0x18A00] =	vst v63  }
0x1c: {  	_ =	swait.ge [sflag:s15], $0x80  }
0x1d: {  	[sflag:s15] =	ssyncset.done $0x0  }
0x1e: {  	s18 =	simm.s32 $0x100;
	[sflag:s15] =	ssyncadd.s32 $0xFFFFFF80  }
0x1f: {  	[tilespmem:s18], [sflag:$0x1] =	stream.indirect.gather [hbm4b:s6+s16], $0x80, s2, s16, $0xb8;
	[tilespmem:$0x18A00] =	vst v63  }
.Ltmp2:
0x20: {  	_ = 	snop;
	(pc) =	sbr.rel .LBB2_2-.Ltmp2, $4  }
0x21: {  	s19 =	simm.s32 $0x4100  }
0x22: {  	[tilespmem:s19], [sflag:$0x2] =	stream.indirect.gather [hbm4b:s7+s16], $0x80, s16, s16, $0xb8;
	[tilespmem:$0x18A00] =	vst v63  }
0x23: {  	s31 =	simm.s32 $0x8100;
	s30 =	simm.s32 $0x0  }
0x24: {  	[tilespmem:s31], [sflag:$0x3] =	stream.linear.gather [hbm4b:s12+s2], $0x4000, $0x38;
	[tilespmem:$0x18A00] =	vst v63  }
.LBB2_8:
0x25: {  	s30 =	sadd.s32 $0x1, s30  }
0x26: {  	p0 =	sne.s32 s30, $0x14  }
.Ltmp3:
0x27: {  	_ = 	snop;
	(pc) =	sbr.rel @!p0 .LBB2_9-.Ltmp3, $1  }
0x28: {  	_ =	sdelay $0x3  }
.LBB2_2:
0x29: {  	s0 =	sshll.u32 s30, $0x6  }
0x2a: {  	s3 =	sor.u32 s0, s8  }
0x2b: {  	s31 =	sor.u32 $0x20, s3  }
0x2c: {  	p0 =	sgt.u32 s31, $0x4E1  }
0x2d: {  	s10 =	sshll.u32 @!p0 s31, $0x4  }
0x2e: {  	s18 =	simm.s32 @!p0 $0x0;
	s19 =	simm.s32 @!p0 $0xC100;
	s17 =	sadd.s32 @!p0 s4, s10  }
0x2f: {  	[tilespmem:s19], [sflag:$0x8] =	stream.linear.gather @!p0 [hbm4b:s17+s18], $0x80, $0x38;
	[tilespmem:$0x18A00] =	vst v63  }
0x30: {  	s17 =	simm.s32 @!p0 $0x8  }
0x31: {  	_ =	swait.ge @!p0 [sflag:s17], $0x80  }
0x32: {  	[sflag:s17] =	ssyncset.done @!p0 $0x0  }
0x33: {  	s11 =	simm.s32 @!p0 $0xC180;
	s10 =	sadd.s32 @!p0 s5, s10;
	[sflag:s17] =	ssyncadd.s32 @!p0 $0xFFFFFF80  }
0x34: {  	[tilespmem:s11], [sflag:$0x8] =	stream.linear.gather @!p0 [hbm4b:s10+s18], $0x80, $0x38;
	[tilespmem:$0x18A00] =	vst v63  }
0x35: {  	_ =	swait.ge @!p0 [sflag:s17], $0x80  }
0x36: {  	[sflag:s17] =	ssyncset.done @!p0 $0x0  }
0x37: {  	s10 =	simm.s32 @!p0 $0x80;
	[sflag:s17] =	ssyncadd.s32 @!p0 $0xFFFFFF80;
	s17 =	simm.s32 @!p0 $0xC200  }
0x38: {  	[tilespmem:s17], [sflag:$0x4] =	stream.indirect.gather @!p0 [hbm4b:s6+s10], $0x80, s19, s10, $0xb8;
	[tilespmem:$0x18A00] =	vst v63  }
0x39: {  	s17 =	simm.s32 @!p0 $0x10200  }
0x3a: {  	[tilespmem:s17], [sflag:$0x5] =	stream.indirect.gather @!p0 [hbm4b:s7+s10], $0x80, s11, s10, $0xb8;
	[tilespmem:$0x18A00] =	vst v63  }
0x3b: {  	s10 =	sshll.u32 @!p0 s31, $0xB  }
0x3c: {  	s11 =	simm.s32 @!p0 $0x14200;
	s10 =	sadd.s32 @!p0 s9, s10  }
0x3d: {  	[tilespmem:s11], [sflag:$0x6] =	stream.linear.gather @!p0 [hbm4b:s10+s18], $0x4000, $0x38;
	[tilespmem:$0x18A00] =	vst v63  }
0x3e: {  	_ =	swait.ge [sflag:s20], $0x4000  }
0x3f: {  	[sflag:s20] =	ssyncset.done $0x0  }
0x40: {  	[sflag:s20] =	ssyncadd.s32 $0xFFFFC000  }
0x41: {  	_ =	swait.ge [sflag:s21], $0x4000  }
0x42: {  	[sflag:s21] =	ssyncset.done $0x0  }
0x43: {  	[sflag:s21] =	ssyncadd.s32 $0xFFFFC000  }
0x44: {  	_ =	swait.ge [sflag:s22], $0x4000  }
0x45: {  	[sflag:s22] =	ssyncset.done $0x0  }
0x46: {  	s19 =	simm.s32 $0x0;
	[sflag:s22] =	ssyncadd.s32 $0xFFFFC000  }
0x47: {  	v13 =	vld [tilespmem:s19+$0x8130]  }
0x48: {  	v14 =	vld [tilespmem:s19+$0x140]  }
0x49: {  	v15 =	vld [tilespmem:s19+$0x8140]  }
0x4a: {  	v16 =	vld [tilespmem:s19+$0x130]  }
0x4b: {  	v17 =	vld [tilespmem:s19+$0x8120]  }
0x4c: {  	v18 =	vld [tilespmem:s19+$0x4130]  }
0x4d: {  	v19 =	vld [tilespmem:s19+$0x120]  }
0x4e: {  	v20 =	vld [tilespmem:s19+$0x4120]  }
0x4f: {  	v21 =	vld [tilespmem:s19+$0x4140]  }
0x50: {  	v22 =	vld [tilespmem:s19+$0x4110]  }
0x51: {  	v23 =	vld [tilespmem:s19+$0x100]  }
0x52: {  	v24 =	vld [tilespmem:s19+$0x110]  }
0x53: {  	v25 =	vld [tilespmem:s19+$0x4100]  }
0x54: {  	v47 =	vld [tilespmem:s19+$0x8110]  }
0x55: {  	v53 =	vld [tilespmem:s19+$0x4150]  }
0x56: {  	v55 =	vld [tilespmem:s19+$0x150]  }
0x57: {  	v60 =	vld [tilespmem:s19+$0x4160]  }
0x58: {  	v26 =	vld [tilespmem:s19+$0x160]  }
0x59: {  	v48 =	vld [tilespmem:s19+$0x8100]  }
0x5a: {  	v58 =	vld [tilespmem:s19+$0x8150];
	v16 =	vmul.bf16 v18, v16;
	v46 =	vmul.bf16 v20, v19  }
0x5b: {  	v35 =	vld [tilespmem:s19+$0x8160];
	v14 =	vmul.bf16 v21, v14;
	v49 =	vmul.bf16 v22, v24  }
0x5c: {  	v51 =	vmul.bf16 v25, v23;
	v19 =	vmul.bf16 v53, v55  }
0x5d: {  	v37 =	vmul.bf16 v60, v26;
	v13 =	vmul.bf16 v13, v16  }
0x5e: {  	v17 =	vmul.bf16 v17, v46;
	v14 =	vmul.bf16 v15, v14  }
0x5f: {  	v18 =	vmul.bf16 v47, v49;
	v16 =	vmul.bf16 v48, v51  }
0x60: {  	v63 =	vld [tilespmem:s19+$0x4170];
	v19 =	vmul.bf16 v58, v19;
	v41 =	vmul.bf16 v35, v37;
	v15 =	vunpack.i.u.bf16.f32 v13  }
0x61: {  	v32 =	vld [tilespmem:s19+$0x170];
	v13 =	vunpack.i.l.bf16.f32 v13;
	v50 =	vunpack.i.u.bf16.f32 v17;
	v52 =	vunpack.i.u.bf16.f32 v14  }
0x62: {  	v14 =	vunpack.i.l.bf16.f32 v14;
	v56 =	vunpack.i.u.bf16.f32 v18;
	v57 =	vunpack.i.u.bf16.f32 v16  }
0x63: {  	v18 =	vunpack.i.l.bf16.f32 v18;
	v16 =	vunpack.i.l.bf16.f32 v16;
	v39 =	vunpack.i.u.bf16.f32 v19  }
0x64: {  	v28 =	vld [tilespmem:s19+$0x8170];
	v19 =	vunpack.i.l.bf16.f32 v19;
	v43 =	vunpack.i.u.bf16.f32 v41;
	v20 =	vunpack.i.l.bf16.f32 v41  }
0x65: {  	v13 =	vadd.f32 v13, v15;
	v15 =	vunpack.i.l.bf16.f32 v17;
	v14 =	vadd.f32 v14, v52  }
0x66: {  	v17 =	vadd.f32 v18, v56;
	v16 =	vadd.f32 v16, v57;
	v18 =	vmul.bf16 v63, v32  }
0x67: {  	v19 =	vadd.f32 v19, v39;
	v54 =	vperm.xlane v13, v0;
	v59 =	vperm.xlane v14, v0  }
0x68: {  	v20 =	vadd.f32 v20, v43;
	v31 =	vperm.xlane v17, v0;
	v33 =	vperm.xlane v16, v0  }
0x69: {  	v15 =	vadd.f32 v15, v50;
	v18 =	vmul.bf16 v28, v18;
	v44 =	vperm.xlane v19, v0  }
0x6a: {  	v22 =	vperm.xlane v20, v0;
	v13 =	vadd.f32 v54, v13;
	v16 =	vadd.f32 v33, v16  }
0x6b: {  	v61 =	vperm.xlane v15, v0;
	v14 =	vadd.f32 v59, v14;
	v17 =	vadd.f32 v31, v17  }
0x6c: {  	v46 =	vunpack.i.u.bf16.f32 v18;
	v19 =	vadd.f32 v44, v19;
	v40 =	vperm.xlane v16, v8  }
0x6d: {  	v18 =	vunpack.i.l.bf16.f32 v18;
	v20 =	vadd.f32 v22, v20;
	v15 =	vadd.f32 v61, v15  }
0x6e: {  	v62 =	vperm.xlane v13, v8;
	v38 =	vperm.xlane v17, v8;
	v16 =	vadd.f32 v40, v16  }
0x6f: {  	v18 =	vadd.f32 v18, v46;
	v34 =	vperm.xlane v14, v8;
	v51 =	vperm.xlane v19, v8  }
0x70: {  	v36 =	vperm.xlane v15, v8;
	v17 =	vadd.f32 v38, v17;
	v45 =	vperm.xlane v16, v10  }
0x71: {  	v52 =	vperm.xlane v20, v8;
	v13 =	vadd.f32 v62, v13;
	v14 =	vadd.f32 v34, v14  }
0x72: {  	v15 =	vadd.f32 v36, v15;
	v42 =	vperm.xlane v17, v10;
	v16 =	vadd.f32 v45, v16  }
0x73: {  	v53 =	vperm.xlane v18, v0;
	v19 =	vadd.f32 v51, v19;
	v20 =	vadd.f32 v52, v20  }
0x74: {  	v48 =	vperm.xlane v15, v10;
	v17 =	vadd.f32 v42, v17;
	v50 =	vperm.xlane v16, v11  }
0x75: {  	v18 =	vadd.f32 v53, v18;
	v27 =	vperm.xlane v13, v10;
	v49 =	vperm.xlane v14, v10  }
0x76: {  	v15 =	vadd.f32 v48, v15;
	v47 =	vperm.xlane v17, v11;
	v16 =	vadd.f32 v50, v16  }
0x77: {  	v56 =	vperm.xlane v19, v10;
	v57 =	vperm.xlane v20, v10;
	v13 =	vadd.f32 v27, v13  }
0x78: {  	v54 =	vperm.xlane v15, v11;
	v17 =	vadd.f32 v47, v17;
	v16 =	vmul.f32 v1, v16  }
0x79: {  	v22 =	vperm.xlane v18, v8;
	v14 =	vadd.f32 v49, v14;
	v55 =	vperm.xlane v13, v11  }
0x7a: {  	v15 =	vadd.f32 v54, v15;
	v17 =	vmul.f32 v2, v17;
	v16 =	vadd.f32 $0.0e+00, v16  }
0x7b: {  	v19 =	vadd.f32 v56, v19;
	v59 =	vadd.f32 v22, v18;
	v58 =	vperm.xlane v14, v11  }
0x7c: {  	v13 =	vadd.f32 v55, v13;
	v15 =	vmul.f32 v3, v15;
	v16 =	vadd.f32 v17, v16  }
0x7d: {  	v20 =	vadd.f32 v57, v20;
	v60 =	vperm.xlane v19, v11;
	v61 =	vperm.xlane v59, v10  }
0x7e: {  	v14 =	vadd.f32 v58, v14;
	v13 =	vmul.f32 v4, v13;
	v15 =	vadd.f32 v15, v16  }
0x7f: {  	v62 =	vperm.xlane v20, v11;
	v18 =	vadd.f32 v60, v19  }
0x80: {  	v14 =	vmul.f32 v5, v14;
	v13 =	vadd.f32 v13, v15;
	v15 =	vadd.f32 v61, v59  }
0x81: {  	v63 =	vadd.f32 v62, v20  }
0x82: {  	v13 =	vadd.f32 v14, v13;
	v14 =	vmul.f32 v6, v18;
	v17 =	vperm.xlane v15, v11;
	_ =	sdelay $0x1  }
0x83: {  	v13 =	vadd.f32 v14, v13;
	v14 =	vmul.f32 v7, v63;
	v15 =	vadd.f32 v17, v15;
	_ =	sdelay $0x1  }
0x84: {  	v13 =	vadd.f32 v14, v13;
	v14 =	vmul.f32 v9, v15;
	_ =	sdelay $0x1  }
0x85: {  	s17 =	simm.s32 $0x18200;
	s18 =	simm.s32 $0x18200;
	s19 =	simm.s32 $0x200;
	v13 =	vadd.f32 v14, v13  }
.LBB2_3:
0x86: {  	p1 =	sne.s32 s19, $0xFE00  }
0x87: {  	s18 =	sadd.s32 $0x10, s18;
	s10 =	smov.u32 s19;
	s19 =	sadd.s32 $0x200, s19  }
0x88: {  	v13 =	vmul.f32 $1.767766920e-01, v13;
	_ =	sdelay $0x1  }
0x89: {  	v13 =	vmax.f32 v13, $-5.000000000e+00  }
0x8a: {  	v13 =	vmin.f32 v13, $5.000000000e+00  }
0x8b: {  	v13 =	vmul.f32 $1.442695020e+00, v13;
	_ =	sdelay $0x1  }
0x8c: {  	(erf) = vpow2.f32 v13;
	_ =	sdelay $0x8  }
0x8d: {  	s10 =	sshra.s32 s10, $0x2;
	v13 =	vpop (erf)  }
0x8e: {  	v13 =	vmul.f32 v12, v13;
	_ =	sdelay $0x1  }
0x8f: {  	[tilespmem:s17+$0x0] =	vst v13;
	s17 =	smov.u32 s18  }
0x90: {  	v13 =	vld [tilespmem:s10+$0x8130]  }
0x91: {  	v14 =	vld [tilespmem:s10+$0x140]  }
0x92: {  	v15 =	vld [tilespmem:s10+$0x8140]  }
0x93: {  	v16 =	vld [tilespmem:s10+$0x130]  }
0x94: {  	v17 =	vld [tilespmem:s10+$0x8120]  }
0x95: {  	v18 =	vld [tilespmem:s10+$0x4130]  }
0x96: {  	v19 =	vld [tilespmem:s10+$0x120]  }
0x97: {  	v20 =	vld [tilespmem:s10+$0x4120]  }
0x98: {  	v21 =	vld [tilespmem:s10+$0x4140]  }
0x99: {  	v22 =	vld [tilespmem:s10+$0x4110]  }
0x9a: {  	v23 =	vld [tilespmem:s10+$0x100]  }
0x9b: {  	v24 =	vld [tilespmem:s10+$0x110]  }
0x9c: {  	v16 =	vmul.bf16 v18, v16;
	v25 =	vld [tilespmem:s10+$0x4100];
	v19 =	vmul.bf16 v20, v19  }
0x9d: {  	v14 =	vmul.bf16 v21, v14  }
0x9e: {  	v13 =	vmul.bf16 v13, v16;
	v18 =	vld [tilespmem:s10+$0x8110];
	v17 =	vmul.bf16 v17, v19  }
0x9f: {  	v16 =	vld [tilespmem:s10+$0x8100];
	v14 =	vmul.bf16 v15, v14  }
0xa0: {  	v15 =	vunpack.i.u.bf16.f32 v13;
	v13 =	vunpack.i.l.bf16.f32 v13  }
0xa1: {  	v19 =	vmul.bf16 v22, v24;
	v20 =	vunpack.i.u.bf16.f32 v17;
	v17 =	vunpack.i.l.bf16.f32 v17  }
0xa2: {  	v13 =	vadd.f32 v13, v15;
	v21 =	vmul.bf16 v25, v23;
	v15 =	vunpack.i.u.bf16.f32 v14  }
0xa3: {  	v14 =	vunpack.i.l.bf16.f32 v14;
	v18 =	vmul.bf16 v18, v19;
	v19 =	vld [tilespmem:s10+$0x4150]  }
0xa4: {  	v14 =	vadd.f32 v14, v15;
	v16 =	vmul.bf16 v16, v21;
	v21 =	vperm.xlane v13, v0;
	v15 =	vld [tilespmem:s10+$0x150]  }
0xa5: {  	v17 =	vadd.f32 v17, v20;
	v22 =	vunpack.i.u.bf16.f32 v18  }
0xa6: {  	v20 =	vunpack.i.u.bf16.f32 v16;
	v13 =	vadd.f32 v21, v13;
	v21 =	vperm.xlane v14, v0;
	v23 =	vld [tilespmem:s10+$0x8150]  }
0xa7: {  	v24 =	vperm.xlane v17, v0;
	v18 =	vunpack.i.l.bf16.f32 v18;
	v16 =	vunpack.i.l.bf16.f32 v16;
	v25 =	vld [tilespmem:s10+$0x4160]  }
0xa8: {  	v18 =	vadd.f32 v18, v22;
	v22 =	vperm.xlane v13, v8;
	v14 =	vadd.f32 v21, v14;
	v21 =	vld [tilespmem:s10+$0x160]  }
0xa9: {  	v17 =	vadd.f32 v24, v17;
	v16 =	vadd.f32 v16, v20;
	v15 =	vmul.bf16 v19, v15;
	v19 =	vld [tilespmem:s10+$0x4170]  }
0xaa: {  	v20 =	vperm.xlane v18, v0;
	v13 =	vadd.f32 v22, v13;
	v22 =	vperm.xlane v14, v8;
	v24 =	vld [tilespmem:s10+$0x170]  }
0xab: {  	v26 =	vperm.xlane v16, v0;
	v15 =	vmul.bf16 v23, v15;
	v23 =	vld [tilespmem:s10+$0x8160]  }
0xac: {  	v18 =	vadd.f32 v20, v18;
	v20 =	vperm.xlane v17, v8;
	v27 =	vperm.xlane v13, v10;
	v28 =	vld [tilespmem:s10+$0x8170]  }
0xad: {  	v16 =	vadd.f32 v26, v16;
	v14 =	vadd.f32 v22, v14;
	v21 =	vmul.bf16 v25, v21  }
0xae: {  	v22 =	vperm.xlane v18, v8;
	v17 =	vadd.f32 v20, v17;
	v20 =	vunpack.i.u.bf16.f32 v15  }
0xaf: {  	v25 =	vperm.xlane v16, v8;
	v13 =	vadd.f32 v27, v13;
	v19 =	vmul.bf16 v19, v24  }
0xb0: {  	v15 =	vunpack.i.l.bf16.f32 v15;
	v18 =	vadd.f32 v22, v18;
	v21 =	vmul.bf16 v23, v21  }
0xb1: {  	v15 =	vadd.f32 v15, v20;
	v16 =	vadd.f32 v25, v16;
	v19 =	vmul.bf16 v28, v19  }
0xb2: {  	v20 =	vperm.xlane v18, v10;
	v22 =	vunpack.i.u.bf16.f32 v21;
	v21 =	vunpack.i.l.bf16.f32 v21  }
0xb3: {  	v24 =	vperm.xlane v15, v0;
	v23 =	vperm.xlane v16, v10;
	v21 =	vadd.f32 v21, v22  }
0xb4: {  	v18 =	vadd.f32 v20, v18;
	v20 =	vunpack.i.u.bf16.f32 v19;
	v19 =	vunpack.i.l.bf16.f32 v19  }
0xb5: {  	v15 =	vadd.f32 v24, v15;
	v19 =	vadd.f32 v19, v20;
	v22 =	vperm.xlane v21, v0  }
0xb6: {  	v16 =	vadd.f32 v23, v16;
	v23 =	vperm.xlane v17, v10;
	v20 =	vperm.xlane v18, v11  }
0xb7: {  	v24 =	vperm.xlane v14, v10;
	v25 =	vperm.xlane v15, v8;
	v21 =	vadd.f32 v22, v21  }
0xb8: {  	v17 =	vadd.f32 v23, v17;
	v18 =	vadd.f32 v20, v18;
	v22 =	vperm.xlane v16, v11  }
0xb9: {  	v14 =	vadd.f32 v24, v14;
	v15 =	vadd.f32 v25, v15;
	v20 =	vperm.xlane v21, v8  }
0xba: {  	v23 =	vperm.xlane v19, v0;
	v16 =	vadd.f32 v22, v16;
	v22 =	vperm.xlane v17, v11  }
0xbb: {  	v24 =	vperm.xlane v13, v11;
	v25 =	vperm.xlane v15, v10;
	v20 =	vadd.f32 v20, v21  }
0xbc: {  	v19 =	vadd.f32 v23, v19;
	v16 =	vmul.f32 v1, v16;
	v17 =	vadd.f32 v22, v17  }
0xbd: {  	v13 =	vadd.f32 v24, v13;
	v15 =	vadd.f32 v25, v15;
	v21 =	vperm.xlane v20, v10  }
0xbe: {  	v18 =	vmul.f32 v2, v18;
	v22 =	vperm.xlane v19, v8;
	v16 =	vadd.f32 $0.0e+00, v16  }
0xbf: {  	v23 =	vperm.xlane v14, v11;
	v24 =	vperm.xlane v15, v11;
	v20 =	vadd.f32 v21, v20  }
0xc0: {  	v17 =	vmul.f32 v3, v17;
	v16 =	vadd.f32 v18, v16;
	v18 =	vadd.f32 v22, v19  }
0xc1: {  	v14 =	vadd.f32 v23, v14;
	v15 =	vadd.f32 v24, v15;
	v19 =	vperm.xlane v20, v11  }
0xc2: {  	v13 =	vmul.f32 v4, v13;
	v16 =	vadd.f32 v17, v16;
	v17 =	vperm.xlane v18, v10  }
0xc3: {  	v19 =	vadd.f32 v19, v20  }
0xc4: {  	v14 =	vmul.f32 v5, v14;
	v13 =	vadd.f32 v13, v16;
	v16 =	vadd.f32 v17, v18;
	_ =	sdelay $0x1  }
0xc5: {  	v13 =	vadd.f32 v14, v13;
	v14 =	vmul.f32 v6, v15;
	v15 =	vperm.xlane v16, v11;
	_ =	sdelay $0x1  }
.Ltmp4:
0xc6: {  	v13 =	vadd.f32 v14, v13;
	v14 =	vmul.f32 v7, v19;
	v15 =	vadd.f32 v15, v16;
	(pc) =	sbr.rel @p1 .LBB2_3-.Ltmp4, $3  }
0xc7: {  	_ = 	snop  }
0xc8: {  	v13 =	vadd.f32 v14, v13;
	v14 =	vmul.f32 v9, v15;
	_ =	sdelay $0x1  }
0xc9: {  	v13 =	vadd.f32 v14, v13  }
0xca: {  	_ = 	snop  }
0xcb: {  	v13 =	vmul.f32 $1.767766920e-01, v13;
	_ =	sdelay $0x1  }
0xcc: {  	v13 =	vmax.f32 v13, $-5.000000000e+00  }
0xcd: {  	v13 =	vmin.f32 v13, $5.000000000e+00  }
0xce: {  	v13 =	vmul.f32 $1.442695020e+00, v13;
	_ =	sdelay $0x1  }
0xcf: {  	(erf) = vpow2.f32 v13;
	_ =	sdelay $0x8  }
0xd0: {  	v13 =	vpop (erf)  }
0xd1: {  	v13 =	vmul.f32 v12, v13  }
0xd2: {  	s3 =	sshll.u32 s3, $0x8  }
0xd3: {  	s0 =	sadd.s32 s13, s0;
	s3 =	sadd.s32 s1, s3;
	[tilespmem:s17+$0x0] =	vst v13  }
0xd4: {  	[hbm4b:s3+s2] =	stream.linear.scatter [tilespmem:s23], [sflag:$0x8], $0x800, $0x38;
	[tilespmem:$0x18A00] =	vst v63  }
0xd5: {  	p1 =	sgt.u32 s0, $0x4E1;
	_ =	swait.ge [sflag:s24], $0x800  }
0xd6: {  	s3 =	sshll.u32 @!p1 s0, $0x4;
	[sflag:s24] =	ssyncset.done $0x0  }
0xd7: {  	s11 =	simm.s32 @!p1 $0x0;
	s10 =	sadd.s32 @!p1 s4, s3;
	[sflag:s24] =	ssyncadd.s32 $0xFFFFF800  }
0xd8: {  	[tilespmem:s11], [sflag:$0x8] =	stream.linear.gather @!p1 [hbm4b:s10+s11], $0x80, $0x38;
	[tilespmem:$0x18A00] =	vst v63  }
0xd9: {  	s10 =	simm.s32 @!p1 $0x8  }
0xda: {  	_ =	swait.ge @!p1 [sflag:s10], $0x80  }
0xdb: {  	[sflag:s10] =	ssyncset.done @!p1 $0x0  }
0xdc: {  	s17 =	simm.s32 @!p1 $0x80;
	s3 =	sadd.s32 @!p1 s5, s3;
	[sflag:s10] =	ssyncadd.s32 @!p1 $0xFFFFFF80  }
0xdd: {  	[tilespmem:s17], [sflag:$0x8] =	stream.linear.gather @!p1 [hbm4b:s3+s11], $0x80, $0x38;
	[tilespmem:$0x18A00] =	vst v63  }
0xde: {  	_ =	swait.ge @!p1 [sflag:s10], $0x80  }
0xdf: {  	[sflag:s10] =	ssyncset.done @!p1 $0x0  }
0xe0: {  	s3 =	simm.s32 @!p1 $0x100;
	[sflag:s10] =	ssyncadd.s32 @!p1 $0xFFFFFF80  }
0xe1: {  	[tilespmem:s3], [sflag:$0x1] =	stream.indirect.gather @!p1 [hbm4b:s6+s17], $0x80, s11, s17, $0xb8;
	[tilespmem:$0x18A00] =	vst v63  }
.Ltmp5:
0xe2: {  	_ = 	snop;
	(pc) =	sbr.rel @p0 .LBB2_8-.Ltmp5, $4  }
0xe3: {  	s0 =	sshll.u32 @!p1 s0, $0xB;
	s3 =	simm.s32 @!p1 $0x4100  }
0xe4: {  	[tilespmem:s3], [sflag:$0x2] =	stream.indirect.gather @!p1 [hbm4b:s7+s17], $0x80, s17, s17, $0xb8;
	[tilespmem:$0x18A00] =	vst v63  }
0xe5: {  	s0 =	sadd.s32 @!p1 s9, s0;
	s3 =	simm.s32 @!p1 $0x8100  }
0xe6: {  	[tilespmem:s3], [sflag:$0x3] =	stream.linear.gather @!p1 [hbm4b:s0+s11], $0x4000, $0x38;
	[tilespmem:$0x18A00] =	vst v63  }
0xe7: {  	_ =	swait.ge [sflag:s25], $0x4000  }
0xe8: {  	[sflag:s25] =	ssyncset.done $0x0  }
0xe9: {  	[sflag:s25] =	ssyncadd.s32 $0xFFFFC000  }
0xea: {  	_ =	swait.ge [sflag:s26], $0x4000  }
0xeb: {  	[sflag:s26] =	ssyncset.done $0x0  }
0xec: {  	[sflag:s26] =	ssyncadd.s32 $0xFFFFC000  }
0xed: {  	_ =	swait.ge [sflag:s28], $0x4000  }
0xee: {  	[sflag:s28] =	ssyncset.done $0x0  }
0xef: {  	s0 =	simm.s32 $0x0;
	[sflag:s28] =	ssyncadd.s32 $0xFFFFC000  }
0xf0: {  	v13 =	vld [tilespmem:s0+$0x14230]  }
0xf1: {  	v14 =	vld [tilespmem:s0+$0xC240]  }
0xf2: {  	v15 =	vld [tilespmem:s0+$0x14240]  }
0xf3: {  	v16 =	vld [tilespmem:s0+$0xC230]  }
0xf4: {  	v17 =	vld [tilespmem:s0+$0x14220]  }
0xf5: {  	v18 =	vld [tilespmem:s0+$0x10230]  }
0xf6: {  	v19 =	vld [tilespmem:s0+$0xC220]  }
0xf7: {  	v20 =	vld [tilespmem:s0+$0x10220]  }
0xf8: {  	v21 =	vld [tilespmem:s0+$0x10240]  }
0xf9: {  	v22 =	vld [tilespmem:s0+$0x10210]  }
0xfa: {  	v23 =	vld [tilespmem:s0+$0xC200]  }
0xfb: {  	v24 =	vld [tilespmem:s0+$0xC210]  }
0xfc: {  	v25 =	vld [tilespmem:s0+$0x10200]  }
0xfd: {  	v47 =	vld [tilespmem:s0+$0x14210]  }
0xfe: {  	v53 =	vld [tilespmem:s0+$0x10250]  }
0xff: {  	v55 =	vld [tilespmem:s0+$0xC250]  }
0x100: {  	v60 =	vld [tilespmem:s0+$0x10260]  }
0x101: {  	v26 =	vld [tilespmem:s0+$0xC260]  }
0x102: {  	v48 =	vld [tilespmem:s0+$0x14200]  }
0x103: {  	v58 =	vld [tilespmem:s0+$0x14250];
	v16 =	vmul.bf16 v18, v16;
	v46 =	vmul.bf16 v20, v19  }
0x104: {  	v35 =	vld [tilespmem:s0+$0x14260];
	v14 =	vmul.bf16 v21, v14;
	v49 =	vmul.bf16 v22, v24  }
0x105: {  	v51 =	vmul.bf16 v25, v23;
	v19 =	vmul.bf16 v53, v55  }
0x106: {  	v37 =	vmul.bf16 v60, v26;
	v13 =	vmul.bf16 v13, v16  }
0x107: {  	v17 =	vmul.bf16 v17, v46;
	v14 =	vmul.bf16 v15, v14  }
0x108: {  	v18 =	vmul.bf16 v47, v49;
	v16 =	vmul.bf16 v48, v51  }
0x109: {  	v63 =	vld [tilespmem:s0+$0x10270];
	v19 =	vmul.bf16 v58, v19;
	v41 =	vmul.bf16 v35, v37;
	v15 =	vunpack.i.u.bf16.f32 v13  }
0x10a: {  	v32 =	vld [tilespmem:s0+$0xC270];
	v13 =	vunpack.i.l.bf16.f32 v13;
	v50 =	vunpack.i.u.bf16.f32 v17;
	v52 =	vunpack.i.u.bf16.f32 v14  }
0x10b: {  	v14 =	vunpack.i.l.bf16.f32 v14;
	v56 =	vunpack.i.u.bf16.f32 v18;
	v57 =	vunpack.i.u.bf16.f32 v16  }
0x10c: {  	v18 =	vunpack.i.l.bf16.f32 v18;
	v16 =	vunpack.i.l.bf16.f32 v16;
	v39 =	vunpack.i.u.bf16.f32 v19  }
0x10d: {  	v28 =	vld [tilespmem:s0+$0x14270];
	v19 =	vunpack.i.l.bf16.f32 v19;
	v43 =	vunpack.i.u.bf16.f32 v41;
	v20 =	vunpack.i.l.bf16.f32 v41  }
0x10e: {  	v13 =	vadd.f32 v13, v15;
	v15 =	vunpack.i.l.bf16.f32 v17;
	v14 =	vadd.f32 v14, v52  }
0x10f: {  	v17 =	vadd.f32 v18, v56;
	v16 =	vadd.f32 v16, v57;
	v18 =	vmul.bf16 v63, v32  }
0x110: {  	v19 =	vadd.f32 v19, v39;
	v54 =	vperm.xlane v13, v0;
	v59 =	vperm.xlane v14, v0  }
0x111: {  	v20 =	vadd.f32 v20, v43;
	v31 =	vperm.xlane v17, v0;
	v33 =	vperm.xlane v16, v0  }
0x112: {  	v15 =	vadd.f32 v15, v50;
	v18 =	vmul.bf16 v28, v18;
	v44 =	vperm.xlane v19, v0  }
0x113: {  	v22 =	vperm.xlane v20, v0;
	v13 =	vadd.f32 v54, v13;
	v16 =	vadd.f32 v33, v16  }
0x114: {  	v61 =	vperm.xlane v15, v0;
	v14 =	vadd.f32 v59, v14;
	v17 =	vadd.f32 v31, v17  }
0x115: {  	v46 =	vunpack.i.u.bf16.f32 v18;
	v19 =	vadd.f32 v44, v19;
	v40 =	vperm.xlane v16, v8  }
0x116: {  	v18 =	vunpack.i.l.bf16.f32 v18;
	v20 =	vadd.f32 v22, v20;
	v15 =	vadd.f32 v61, v15  }
0x117: {  	v62 =	vperm.xlane v13, v8;
	v38 =	vperm.xlane v17, v8;
	v16 =	vadd.f32 v40, v16  }
0x118: {  	v18 =	vadd.f32 v18, v46;
	v34 =	vperm.xlane v14, v8;
	v51 =	vperm.xlane v19, v8  }
0x119: {  	v36 =	vperm.xlane v15, v8;
	v17 =	vadd.f32 v38, v17;
	v45 =	vperm.xlane v16, v10  }
0x11a: {  	v52 =	vperm.xlane v20, v8;
	v13 =	vadd.f32 v62, v13;
	v14 =	vadd.f32 v34, v14  }
0x11b: {  	v15 =	vadd.f32 v36, v15;
	v42 =	vperm.xlane v17, v10;
	v16 =	vadd.f32 v45, v16  }
0x11c: {  	v53 =	vperm.xlane v18, v0;
	v19 =	vadd.f32 v51, v19;
	v20 =	vadd.f32 v52, v20  }
0x11d: {  	v48 =	vperm.xlane v15, v10;
	v17 =	vadd.f32 v42, v17;
	v50 =	vperm.xlane v16, v11  }
0x11e: {  	v18 =	vadd.f32 v53, v18;
	v27 =	vperm.xlane v13, v10;
	v49 =	vperm.xlane v14, v10  }
0x11f: {  	v15 =	vadd.f32 v48, v15;
	v47 =	vperm.xlane v17, v11;
	v16 =	vadd.f32 v50, v16  }
0x120: {  	v56 =	vperm.xlane v19, v10;
	v57 =	vperm.xlane v20, v10;
	v13 =	vadd.f32 v27, v13  }
0x121: {  	v54 =	vperm.xlane v15, v11;
	v17 =	vadd.f32 v47, v17;
	v16 =	vmul.f32 v1, v16  }
0x122: {  	v22 =	vperm.xlane v18, v8;
	v14 =	vadd.f32 v49, v14;
	v55 =	vperm.xlane v13, v11  }
0x123: {  	v15 =	vadd.f32 v54, v15;
	v17 =	vmul.f32 v2, v17;
	v16 =	vadd.f32 $0.0e+00, v16  }
0x124: {  	v19 =	vadd.f32 v56, v19;
	v59 =	vadd.f32 v22, v18;
	v58 =	vperm.xlane v14, v11  }
0x125: {  	v13 =	vadd.f32 v55, v13;
	v15 =	vmul.f32 v3, v15;
	v16 =	vadd.f32 v17, v16  }
0x126: {  	v20 =	vadd.f32 v57, v20;
	v60 =	vperm.xlane v19, v11;
	v61 =	vperm.xlane v59, v10  }
0x127: {  	v14 =	vadd.f32 v58, v14;
	v13 =	vmul.f32 v4, v13;
	v15 =	vadd.f32 v15, v16  }
0x128: {  	v62 =	vperm.xlane v20, v11;
	v18 =	vadd.f32 v60, v19  }
0x129: {  	v14 =	vmul.f32 v5, v14;
	v13 =	vadd.f32 v13, v15;
	v15 =	vadd.f32 v61, v59  }
0x12a: {  	v63 =	vadd.f32 v62, v20  }
0x12b: {  	v13 =	vadd.f32 v14, v13;
	v14 =	vmul.f32 v6, v18;
	v17 =	vperm.xlane v15, v11;
	_ =	sdelay $0x1  }
0x12c: {  	v13 =	vadd.f32 v14, v13;
	v14 =	vmul.f32 v7, v63;
	v15 =	vadd.f32 v17, v15;
	_ =	sdelay $0x1  }
0x12d: {  	v13 =	vadd.f32 v14, v13;
	v14 =	vmul.f32 v9, v15;
	_ =	sdelay $0x1  }
0x12e: {  	s3 =	simm.s32 $0x18200;
	s17 =	simm.s32 $0x200;
	s0 =	simm.s32 $0x18200;
	v13 =	vadd.f32 v14, v13  }
.LBB2_6:
0x12f: {  	p0 =	sne.s32 s17, $0xFE00  }
0x130: {  	s3 =	sadd.s32 $0x10, s3;
	s10 =	smov.u32 s17;
	s17 =	sadd.s32 $0x200, s17  }
0x131: {  	v13 =	vmul.f32 $1.767766920e-01, v13;
	_ =	sdelay $0x1  }
0x132: {  	v13 =	vmax.f32 v13, $-5.000000000e+00  }
0x133: {  	v13 =	vmin.f32 v13, $5.000000000e+00  }
0x134: {  	v13 =	vmul.f32 $1.442695020e+00, v13;
	_ =	sdelay $0x1  }
0x135: {  	(erf) = vpow2.f32 v13;
	_ =	sdelay $0x8  }
0x136: {  	s10 =	sshra.s32 s10, $0x2;
	v13 =	vpop (erf)  }
0x137: {  	v13 =	vmul.f32 v12, v13;
	_ =	sdelay $0x1  }
0x138: {  	[tilespmem:s0+$0x0] =	vst v13;
	s0 =	smov.u32 s3  }
0x139: {  	v13 =	vld [tilespmem:s10+$0x14230]  }
0x13a: {  	v14 =	vld [tilespmem:s10+$0xC240]  }
0x13b: {  	v15 =	vld [tilespmem:s10+$0x14240]  }
0x13c: {  	v16 =	vld [tilespmem:s10+$0xC230]  }
0x13d: {  	v17 =	vld [tilespmem:s10+$0x14220]  }
0x13e: {  	v18 =	vld [tilespmem:s10+$0x10230]  }
0x13f: {  	v19 =	vld [tilespmem:s10+$0xC220]  }
0x140: {  	v20 =	vld [tilespmem:s10+$0x10220]  }
0x141: {  	v21 =	vld [tilespmem:s10+$0x10240]  }
0x142: {  	v22 =	vld [tilespmem:s10+$0x10210]  }
0x143: {  	v23 =	vld [tilespmem:s10+$0xC200]  }
0x144: {  	v24 =	vld [tilespmem:s10+$0xC210]  }
0x145: {  	v16 =	vmul.bf16 v18, v16;
	v25 =	vld [tilespmem:s10+$0x10200];
	v19 =	vmul.bf16 v20, v19  }
0x146: {  	v14 =	vmul.bf16 v21, v14  }
0x147: {  	v13 =	vmul.bf16 v13, v16;
	v18 =	vld [tilespmem:s10+$0x14210];
	v17 =	vmul.bf16 v17, v19  }
0x148: {  	v16 =	vld [tilespmem:s10+$0x14200];
	v14 =	vmul.bf16 v15, v14  }
0x149: {  	v15 =	vunpack.i.u.bf16.f32 v13;
	v13 =	vunpack.i.l.bf16.f32 v13  }
0x14a: {  	v19 =	vmul.bf16 v22, v24;
	v20 =	vunpack.i.u.bf16.f32 v17;
	v17 =	vunpack.i.l.bf16.f32 v17  }
0x14b: {  	v13 =	vadd.f32 v13, v15;
	v21 =	vmul.bf16 v25, v23;
	v15 =	vunpack.i.u.bf16.f32 v14  }
0x14c: {  	v14 =	vunpack.i.l.bf16.f32 v14;
	v18 =	vmul.bf16 v18, v19;
	v19 =	vld [tilespmem:s10+$0x10250]  }
0x14d: {  	v14 =	vadd.f32 v14, v15;
	v16 =	vmul.bf16 v16, v21;
	v21 =	vperm.xlane v13, v0;
	v15 =	vld [tilespmem:s10+$0xC250]  }
0x14e: {  	v17 =	vadd.f32 v17, v20;
	v22 =	vunpack.i.u.bf16.f32 v18  }
0x14f: {  	v20 =	vunpack.i.u.bf16.f32 v16;
	v13 =	vadd.f32 v21, v13;
	v21 =	vperm.xlane v14, v0;
	v23 =	vld [tilespmem:s10+$0x14250]  }
0x150: {  	v24 =	vperm.xlane v17, v0;
	v18 =	vunpack.i.l.bf16.f32 v18;
	v16 =	vunpack.i.l.bf16.f32 v16;
	v25 =	vld [tilespmem:s10+$0x10260]  }
0x151: {  	v18 =	vadd.f32 v18, v22;
	v22 =	vperm.xlane v13, v8;
	v14 =	vadd.f32 v21, v14;
	v21 =	vld [tilespmem:s10+$0xC260]  }
0x152: {  	v17 =	vadd.f32 v24, v17;
	v16 =	vadd.f32 v16, v20;
	v15 =	vmul.bf16 v19, v15;
	v19 =	vld [tilespmem:s10+$0x10270]  }
0x153: {  	v20 =	vperm.xlane v18, v0;
	v13 =	vadd.f32 v22, v13;
	v22 =	vperm.xlane v14, v8;
	v24 =	vld [tilespmem:s10+$0xC270]  }
0x154: {  	v26 =	vperm.xlane v16, v0;
	v15 =	vmul.bf16 v23, v15;
	v23 =	vld [tilespmem:s10+$0x14260]  }
0x155: {  	v18 =	vadd.f32 v20, v18;
	v20 =	vperm.xlane v17, v8;
	v27 =	vperm.xlane v13, v10;
	v28 =	vld [tilespmem:s10+$0x14270]  }
0x156: {  	v16 =	vadd.f32 v26, v16;
	v14 =	vadd.f32 v22, v14;
	v21 =	vmul.bf16 v25, v21  }
0x157: {  	v22 =	vperm.xlane v18, v8;
	v17 =	vadd.f32 v20, v17;
	v20 =	vunpack.i.u.bf16.f32 v15  }
0x158: {  	v25 =	vperm.xlane v16, v8;
	v13 =	vadd.f32 v27, v13;
	v19 =	vmul.bf16 v19, v24  }
0x159: {  	v15 =	vunpack.i.l.bf16.f32 v15;
	v18 =	vadd.f32 v22, v18;
	v21 =	vmul.bf16 v23, v21  }
0x15a: {  	v15 =	vadd.f32 v15, v20;
	v16 =	vadd.f32 v25, v16;
	v19 =	vmul.bf16 v28, v19  }
0x15b: {  	v20 =	vperm.xlane v18, v10;
	v22 =	vunpack.i.u.bf16.f32 v21;
	v21 =	vunpack.i.l.bf16.f32 v21  }
0x15c: {  	v24 =	vperm.xlane v15, v0;
	v23 =	vperm.xlane v16, v10;
	v21 =	vadd.f32 v21, v22  }
0x15d: {  	v18 =	vadd.f32 v20, v18;
	v20 =	vunpack.i.u.bf16.f32 v19;
	v19 =	vunpack.i.l.bf16.f32 v19  }
0x15e: {  	v15 =	vadd.f32 v24, v15;
	v19 =	vadd.f32 v19, v20;
	v22 =	vperm.xlane v21, v0  }
0x15f: {  	v16 =	vadd.f32 v23, v16;
	v23 =	vperm.xlane v17, v10;
	v20 =	vperm.xlane v18, v11  }
0x160: {  	v24 =	vperm.xlane v14, v10;
	v25 =	vperm.xlane v15, v8;
	v21 =	vadd.f32 v22, v21  }
0x161: {  	v17 =	vadd.f32 v23, v17;
	v18 =	vadd.f32 v20, v18;
	v22 =	vperm.xlane v16, v11  }
0x162: {  	v14 =	vadd.f32 v24, v14;
	v15 =	vadd.f32 v25, v15;
	v20 =	vperm.xlane v21, v8  }
0x163: {  	v23 =	vperm.xlane v19, v0;
	v16 =	vadd.f32 v22, v16;
	v22 =	vperm.xlane v17, v11  }
0x164: {  	v24 =	vperm.xlane v13, v11;
	v25 =	vperm.xlane v15, v10;
	v20 =	vadd.f32 v20, v21  }
0x165: {  	v19 =	vadd.f32 v23, v19;
	v16 =	vmul.f32 v1, v16;
	v17 =	vadd.f32 v22, v17  }
0x166: {  	v13 =	vadd.f32 v24, v13;
	v15 =	vadd.f32 v25, v15;
	v21 =	vperm.xlane v20, v10  }
0x167: {  	v18 =	vmul.f32 v2, v18;
	v22 =	vperm.xlane v19, v8;
	v16 =	vadd.f32 $0.0e+00, v16  }
0x168: {  	v23 =	vperm.xlane v14, v11;
	v24 =	vperm.xlane v15, v11;
	v20 =	vadd.f32 v21, v20  }
0x169: {  	v17 =	vmul.f32 v3, v17;
	v16 =	vadd.f32 v18, v16;
	v18 =	vadd.f32 v22, v19  }
0x16a: {  	v14 =	vadd.f32 v23, v14;
	v15 =	vadd.f32 v24, v15;
	v19 =	vperm.xlane v20, v11  }
0x16b: {  	v13 =	vmul.f32 v4, v13;
	v16 =	vadd.f32 v17, v16;
	v17 =	vperm.xlane v18, v10  }
0x16c: {  	v19 =	vadd.f32 v19, v20  }
0x16d: {  	v14 =	vmul.f32 v5, v14;
	v13 =	vadd.f32 v13, v16;
	v16 =	vadd.f32 v17, v18;
	_ =	sdelay $0x1  }
0x16e: {  	v13 =	vadd.f32 v14, v13;
	v14 =	vmul.f32 v6, v15;
	v15 =	vperm.xlane v16, v11;
	_ =	sdelay $0x1  }
.Ltmp6:
0x16f: {  	v13 =	vadd.f32 v14, v13;
	v14 =	vmul.f32 v7, v19;
	v15 =	vadd.f32 v15, v16;
	(pc) =	sbr.rel @p0 .LBB2_6-.Ltmp6, $3  }
0x170: {  	_ = 	snop  }
0x171: {  	v13 =	vadd.f32 v14, v13;
	v14 =	vmul.f32 v9, v15;
	_ =	sdelay $0x1  }
0x172: {  	v13 =	vadd.f32 v14, v13  }
0x173: {  	_ = 	snop  }
0x174: {  	v13 =	vmul.f32 $1.767766920e-01, v13;
	_ =	sdelay $0x1  }
0x175: {  	v13 =	vmax.f32 v13, $-5.000000000e+00  }
0x176: {  	v13 =	vmin.f32 v13, $5.000000000e+00  }
0x177: {  	v13 =	vmul.f32 $1.442695020e+00, v13;
	_ =	sdelay $0x1  }
0x178: {  	(erf) = vpow2.f32 v13;
	_ =	sdelay $0x8  }
0x179: {  	v13 =	vpop (erf)  }
0x17a: {  	v13 =	vmul.f32 v12, v13  }
0x17b: {  	s3 =	sshll.u32 s31, $0x8  }
.Ltmp7:
0x17c: {  	s31 =	sadd.s32 s1, s3;
	[tilespmem:s0+$0x0] =	vst v13;
	(pc) =	sbr.rel .LBB2_8-.Ltmp7, $4  }
0x17d: {  	[hbm4b:s31+s2] =	stream.linear.scatter [tilespmem:s23], [sflag:$0x7], $0x800, $0x38;
	[tilespmem:$0x18A00] =	vst v63  }
0x17e: {  	_ =	swait.ge [sflag:s15], $0x800  }
0x17f: {  	[sflag:s15] =	ssyncset.done $0x0  }
0x180: {  	[sflag:s15] =	ssyncadd.s32 $0xFFFFF800  }
.LBB2_10:
0x181: {  	_ =	sfence.sel $0x180000  }
0x182: {  	[bflag:$0x0] =	sbarrier.arrive $0xFFFF  }
0x183: {  	_ =	strace $0x9000004A  }
0x184: {  	s0 =	stileid.u32;
	[bflag:$0x2] =	sbarrier.arrive $0xFFFF  }
0x185: {  	p0 =	sne.s32 s0, $0x0;
	s0 =	rddreg [dreg:$0x2]  }
0x186: {  	s0 =	sadd.s32 @!p0 $0x100000, s0  }
0x187: {  	[sflag:s0] =	ssyncadd.tile.s32 @!p0 $0x1;
	_ =	shalt  }
.Lfunc_end2:
_tile_overlayer_lowered:
.L_overlay_start_2:
0x188: {  	(tag) =	ssettag $0x2  }
0x189: {  	s0 =	rddreg [dreg:$0x0];
	s2 =	stileid.u32  }
0x18a: {  	s1 =	rddreg [dreg:$0x1];
	p0 =	sne.s32 s2, $0x0  }
0x18b: {  	s3 =	rddreg [dreg:$0x2];
	[bflag:$0x3] =	sbarrier.arrive $0xFFFF;
	s2 =	simm.s32 @!p0 $0x1C07  }
0x18c: {  	[timem:s3], [sflag:s2] =	dma.local @!p0 [hbm:s0], s1  }
0x18d: {  	s0 =	simm.s32 @!p0 $0x7  }
0x18e: {  	_ =	swait.ge @!p0 [sflag:s0], s1  }
0x18f: {  	s1 =	ssub.s32 @!p0 $0x0, s1;
	[sflag:s0] =	ssyncset.done @!p0 $0x0  }
0x190: {  	[sflag:s0] =	ssyncadd.s32 @!p0 s1  }
0x191: {  	[bflag:$0x3] =	sbarrier.arrive $0xFFFF  }
0x192: {  	_ =	shalt  }

// kernel: kernel.13.cloned.1.call-start
scs
__scs_entry_jumppad:
0x0: {  	(pc) =	sbr.rel $0x88, $3  }
0x1: {  	(tag) =	ssettag $0x0;
	lr =	simm.s32 $0x1  }
0x2: {  	[smem:$0x3F8E] =	sst lr;
	_ =	strace $0xD0000000  }
0x3: {  	_ = 	snop  }
0x4: {  	_ = 	snop  }
0x5: {  	_ = 	snop  }
0x6: {  	_ = 	snop  }
0x7: {  	_ = 	snop  }
__scs_overlays_trampoline_lowered:
0x8: {  	[smem:$0x3F9D] =	sst s0  }
0x9: {  	[smem:$0x3F9E] =	sst s1  }
0xa: {  	[smem:$0x3F9F] =	sst s2  }
0xb: {  	[smem:$0x3FA0] =	sst s3  }
0xc: {  	[smem:$0x3FA1] =	sst s4  }
0xd: {  	[smem:$0x3FA2] =	sst s5  }
0xe: {  	[smem:$0x3FA3] =	sst s6  }
0xf: {  	[smem:$0x3FA4] =	sst s7  }
0x10: {  	[smem:$0x3FA5] =	sst s8  }
0x11: {  	[smem:$0x3FA6] =	sst s9;
	s0 =	simm.s32 @!p0 $0x0  }
0x12: {  	s1 =	sld [smem:$0x3F8C];
	s0 =	simm.s32 @p0 $0x1  }
0x13: {  	[smem:$0x3FA7] =	sst s0;
	s0 =	simm.s32 @!p1 $0x0  }
0x14: {  	s2 =	sld [smem:$0x3F8B];
	s0 =	simm.s32 @p1 $0x1  }
0x15: {  	[smem:$0x3FA8] =	sst s0;
	s0 =	simm.s32 @!p2 $0x0  }
0x16: {  	s3 =	sld [smem:$0x3FDB];
	s0 =	simm.s32 @p2 $0x1  }
0x17: {  	s4 =	simm.s32 $0x1BF5;
	[smem:$0x3FAA] =	sst s0  }
0x18: {  	s0 =	sld [smem:$0x3F8D];
	_ =	swait.ge [sflag:s4], $0x0  }
0x19: {  	s7 =	sld [smem:$0x3F8E]  }
0x1a: {  	s8 =	sadd.s32 $0xFFFFE003, lr  }
0x1b: {  	s9 =	sadd.s32 $0xFFFFFEF7, lr;
	s5 =	simm.s32 $0xFFFFFFFF;
	p2 =	slt.u32 s8, $0xFFFFF086  }
0x1c: {  	p1 =	slt.u32 s9, $0xF7A;
	s5 =	simm.s32 @!p2 $0x0  }
0x1d: {  	s5 =	simm.s32 @p1 $0x1;
	p0 =	seq.s32 s7, s2  }
0x1e: {  	s7 =	smul.u32 @!p0 $0xF7A, s2;
	p2 =	seq.s32 @!p0 s5, $0x0  }
0x1f: {  	s9 =	smul.u32 $0xF7A, s1;
	s8 =	simm.s32 @!p0 $0x1BF5;
	p2 =	por !p2, p0  }
0x20: {  	[sflag:s8] =	ssyncset.s32 @!p0 $0xFFFFF086;
	s6 =	sadd.s32 @!p0 s3, s7;
	s7 =	simm.s32 @!p0 $0x108  }
0x21: {  	s3 =	sadd.s32 s3, s9;
	s6 =	sadd.s32 @!p0 $0x88, s6;
	s7 =	simm.s32 @p2 $0x1082  }
0x22: {  	[simem:s7], [sflag:s8] =	dma.local @!p0 [hbm:s6], $0xF7A  }
0x23: {  	s9 =	sor.u32 $0xD0000000, s2;
	s6 =	simm.s32 $0x108;
	_ =	swait.ge @!p0 [sflag:s8], $0x0  }
0x24: {  	s3 =	sadd.s32 $0x88, s3;
	s6 =	simm.s32 @!p1 $0x1082;
	[sflag:s4] =	ssyncset.s32 $0xFFFFF086  }
0x25: {  	[simem:s6], [sflag:s4] =	dma.local [hbm:s3], $0xF7A  }
0x26: {  	[smem:$0x3F8E] =	sst s1;
	(tag) =	ssettag s2;
	_ =	strace s9  }
0x27: {  	s1 =	sld [smem:$0x3F9E]  }
0x28: {  	s2 =	sld [smem:$0x3F9F]  }
0x29: {  	s4 =	sld [smem:$0x3FA1]  }
0x2a: {  	p0 =	seq.s32 s5, $0x0;
	s5 =	sld [smem:$0x3FA2]  }
0x2b: {  	s6 =	sld [smem:$0x3FA3]  }
0x2c: {  	s7 =	sld [smem:$0x3FA4]  }
0x2d: {  	s3 =	simm.s32 $0x108;
	s8 =	sld [smem:$0x3FA5]  }
0x2e: {  	s3 =	simm.s32 @!p0 $0x1082;
	s9 =	sld [smem:$0x3FA6]  }
0x2f: {  	lr =	sadd.s32 s0, s3;
	s0 =	sld [smem:$0x3F9D]  }
0x30: {  	s3 =	sld [smem:$0x3FA0]  }
0x31: {  	[smem:$0x3FA9] =	sst s10  }
0x32: {  	s10 =	sld [smem:$0x3FA7];
	_ =	sdelay $0x3  }
0x33: {  	p0 =	seq.s32 s10, $0x1;
	s10 =	sld [smem:$0x3FA9];
	_ =	sdelay $0x3  }
0x34: {  	[smem:$0x3FA9] =	sst s10  }
0x35: {  	s10 =	sld [smem:$0x3FA8];
	_ =	sdelay $0x3  }
0x36: {  	p1 =	seq.s32 s10, $0x1;
	s10 =	sld [smem:$0x3FA9];
	_ =	sdelay $0x3  }
0x37: {  	[smem:$0x3FA9] =	sst s10  }
0x38: {  	s10 =	sld [smem:$0x3FAA]  }
0x39: {  	_ = 	snop;
	(pc) =	sbr.ind lr, $3  }
0x3a: {  	_ = 	snop  }
0x3b: {  	_ = 	snop  }
0x3c: {  	p2 =	seq.s32 s10, $0x1;
	s10 =	sld [smem:$0x3FA9]  }
0x3d: {  	_ =	shalt  }
0x3e: {  	_ =	shalt  }
0x3f: {  	_ =	shalt  }
0x40: {  	_ =	shalt  }
0x41: {  	_ =	shalt  }
0x42: {  	_ =	shalt  }
0x43: {  	_ =	shalt  }
0x44: {  	_ =	shalt  }
0x45: {  	_ =	shalt  }
0x46: {  	_ =	shalt  }
0x47: {  	_ =	shalt  }
0x48: {  	_ =	shalt  }
0x49: {  	_ =	shalt  }
0x4a: {  	_ =	shalt  }
0x4b: {  	_ =	shalt  }
0x4c: {  	_ =	shalt  }
0x4d: {  	_ =	shalt  }
0x4e: {  	_ =	shalt  }
0x4f: {  	_ =	shalt  }
0x50: {  	_ =	shalt  }
0x51: {  	_ =	shalt  }
0x52: {  	_ =	shalt  }
0x53: {  	_ =	shalt  }
0x54: {  	_ =	shalt  }
0x55: {  	_ =	shalt  }
0x56: {  	_ =	shalt  }
0x57: {  	_ =	shalt  }
0x58: {  	_ =	shalt  }
0x59: {  	_ =	shalt  }
0x5a: {  	_ =	shalt  }
0x5b: {  	_ =	shalt  }
0x5c: {  	_ =	shalt  }
0x5d: {  	_ =	shalt  }
0x5e: {  	_ =	shalt  }
0x5f: {  	_ =	shalt  }
0x60: {  	_ =	shalt  }
0x61: {  	_ =	shalt  }
0x62: {  	_ =	shalt  }
0x63: {  	_ =	shalt  }
0x64: {  	_ =	shalt  }
0x65: {  	_ =	shalt  }
0x66: {  	_ =	shalt  }
0x67: {  	_ =	shalt  }
0x68: {  	_ =	shalt  }
0x69: {  	_ =	shalt  }
0x6a: {  	_ =	shalt  }
0x6b: {  	_ =	shalt  }
0x6c: {  	_ =	shalt  }
0x6d: {  	_ =	shalt  }
0x6e: {  	_ =	shalt  }
0x6f: {  	_ =	shalt  }
0x70: {  	_ =	shalt  }
0x71: {  	_ =	shalt  }
0x72: {  	_ =	shalt  }
0x73: {  	_ =	shalt  }
0x74: {  	_ =	shalt  }
0x75: {  	_ =	shalt  }
0x76: {  	_ =	shalt  }
0x77: {  	_ =	shalt  }
0x78: {  	_ =	shalt  }
0x79: {  	_ =	shalt  }
0x7a: {  	_ =	shalt  }
0x7b: {  	_ =	shalt  }
0x7c: {  	_ =	shalt  }
0x7d: {  	_ =	shalt  }
0x7e: {  	_ =	shalt  }
0x7f: {  	_ =	shalt  }
0x80: {  	_ =	shalt  }
0x81: {  	_ =	shalt  }
0x82: {  	_ =	shalt  }
0x83: {  	_ =	shalt  }
0x84: {  	_ =	shalt  }
0x85: {  	_ =	shalt  }
0x86: {  	_ =	shalt  }
0x87: {  	_ =	shalt  }
.Lfunc_end0:
.L_simem_size_0:
called_computation.2_lowered:
.L_overlay_start_0:
0x88: {  	s2 =	sld [smem:$0x3FD9]  }
0x89: {  	s3 =	sld [smem:$0x3FFE];
	_ =	sdelay $0x1  }
0x8a: {  	s1 =	srdreg.scid  }
0x8b: {  	s0 =	sand.u32 $0x1, s1  }
0x8c: {  	s14 =	sshll.u32 s0, $0xA;
	s2 =	sadd.s32 s3, s2  }
0x8d: {  	s2 =	sadd.s32 s2, s14  }
0x8e: {  	[smem:$0x3FB5] =	sst s2  }
0x8f: {  	_ = 	snop  }
0x90: {  	s2 =	sld [smem:$0x3FD0];
	_ =	sdelay $0x2  }
0x91: {  	s15 =	simm.s32 $0xA;
	s4 =	simm.s32 $0x10  }
0x92: {  	[smem:s4], [sflag:s15] =	dma.local [hbm:s2], $0x1  }
0x93: {  	_ =	swait.eq [sflag:s15], $0x1  }
0x94: {  	[sflag:s15] =	ssyncset.done $0x0  }
0x95: {  	[sflag:s15] =	ssyncadd.s32 $0xFFFFFFFF  }
0x96: {  	s16 =	sld [smem:$0x10];
	(tm) =	ssettm $0x1  }
0x97: {  	s17 =	sld [smem:$0x3FFB];
	_ =	sdelay $0x3  }
0x98: {  	_ =	strace s17  }
0x99: {  	s3 =	sld [smem:$0x3FFC];
	_ =	sdelay $0x3  }
0x9a: {  	_ =	strace s3  }
0x9b: {  	s3 =	sld [smem:$0x3FFD];
	_ =	sdelay $0x3  }
0x9c: {  	_ =	strace s3  }
0x9d: {  	_ =	strace $0x8FFFFFFF  }
0x9e: {  	s18 =	sld [smem:$0x3FDB];
	_ =	sdelay $0x1  }
0x9f: {  	s19 =	simm.s32 $_scs_section_size  }
0xa0: {  	s5 =	simm.s32 $_size__tile_overlayer_lowered;
	s6 =	simm.s32 $_tile_overlayer_lowered  }
0xa1: {  	s22 =	simm.s32 $0x1BFF;
	s21 =	sshll.u32 s6, $0x1;
	s3 =	sadd.s32 s19, s18  }
0xa2: {  	s7 =	simm.s32 $0x0;
	s20 =	sshll.u32 s5, $0x1;
	s5 =	sadd.s32 s21, s3  }
0xa3: {  	[timem:s7], [sflag:s22] =	dma.local [hbm:s5], s20  }
0xa4: {  	_ =	swait.ge [sflag:s22], s20  }
0xa5: {  	s4 =	ssub.s32 $0x0, s20;
	[sflag:s22] =	ssyncset.done $0x0  }
0xa6: {  	[sflag:s22] =	ssyncadd.s32 s4;
	_ =	sdelay $0x1  }
0xa7: {  	s23 =	simm.s32 $0x1B8B  }
0xa8: {  	_ =	swait.ge [sflag:s23], $0x1  }
0xa9: {  	[sflag:s23] =	ssyncset.done $0x0  }
0xaa: {  	s25 =	simm.s32 $0x1B8E;
	s24 =	sld [smem:$0x3FFE];
	[sflag:s23] =	ssyncadd.s32 $0xFFFFFFFF  }
0xab: {  	s26 =	simm.s32 $execute0_lowered;
	[smem:$0x3FD2] =	sst s25  }
0xac: {  	s5 =	sshll.u32 s26, $0x1;
	_ =	strace $0x8000004C;
	[dreg:$0x1] =	wrdreg $0xFFFFFFFF  }
0xad: {  	s28 =	simm.s32 $_size_execute0_lowered;
	s3 =	sadd.s32 s3, s5;
	[dreg:$0x0] =	wrdreg $0x0  }
0xae: {  	s5 =	sshll.u32 s28, $0x1;
	[dreg:$0x2] =	wrdreg s3  }
0xaf: {  	[dreg:$0x3] =	wrdreg s5  }
0xb0: {  	[dreg:$0x4] =	wrdreg $0xC0  }
0xb1: {  	_ =	task [dreg:s7], $0x5FFFF  }
0xb2: {  	[dreg:$0x1] =	wrdreg $0xFFFFFFFF  }
0xb3: {  	[dreg:$0x0] =	wrdreg $0x60  }
0xb4: {  	[dreg:$0x2] =	wrdreg s24  }
0xb5: {  	[dreg:$0x3] =	wrdreg s16  }
0xb6: {  	[dreg:$0x4] =	wrdreg $0x91800  }
0xb7: {  	[dreg:$0x5] =	wrdreg $0x9  }
0xb8: {  	_ =	task.clear_ibuf [dreg:s7], $0x6FFFF;
	_ =	strace $0x9000004C  }
0xb9: {  	s29 =	simm.s32 $0x9;
	_ =	strace $0x8000004E  }
0xba: {  	_ =	swait.ge [sflag:s29], $0x1  }
0xbb: {  	[sflag:s29] =	ssyncadd.s32 $0xFFFFFFFF  }
0xbc: {  	_ =	strace $0x9000004E  }
0xbd: {  	_ =	sfence  }
0xbe: {  	s30 =	sld [smem:$0x0];
	_ =	sdelay $0x2  }
0xbf: {  	s31 =	sshll.u32 s1, $0xD;
	s1 =	sshrl.u32 s1, $0x2  }
0xc0: {  	s3 =	sand.u32 $0x4000, s31;
	s1 =	sadd.s32 s1, s30  }
0xc1: {  	s0 =	sor.u32 s3, s0;
	s1 =	sshll.u32 s1, $0x11  }
0xc2: {  	s0 =	sor.u32 s1, s0  }
0xc3: {  	s0 =	sadd.s32 $0x8F2B, s0  }
0xc4: {  	[sflag:s0] =	ssyncadd.remote.s32 $0x1  }
0xc5: {  	_ =	sfence.sel $0xFFFF  }
0xc6: {  	[dreg:$0x0] =	wrdreg $0xFFFFFFFF;
	(pc) =	sbr.abs _section_cstart, $3  }
0xc7: {  	[dreg:$0x1] =	wrdreg $0xFFFFFFFF  }
0xc8: {  	_ =	task.clear_ibuf [dreg:s7], $0x2FFFF;
	_ =	strace $0x9FFFFFFF  }
0xc9: {  	(tm) =	ssettm $0x7FFFFFFF  }
tec
execute0_lowered:
.L_overlay_start_1:
0x0: {  	(tag) =	ssettag $0x1  }
0x1: {  	s0 =	rddreg [dreg:$0x0]  }
0x2: {  	s1 =	rddreg [dreg:$0x1]  }
0x3: {  	s2 =	rddreg [dreg:$0x2]  }
0x4: {  	s4 =	simm.s32 $0x0;
	s20 =	stileid.u32;
	s3 =	srdreg.scid  }
0x5: {  	s15 =	simm.s32 $0x56000;
	[smem:$0x7FF] =	sst s4;
	s5 =	sadd.s32 $0x538200, s0  }
0x6: {  	s8 =	smul.u32 $0x57E40, s20;
	s6 =	sadd.s32 $0x533200, s0;
	s3 =	sand.u32 $0x1, s3  }
0x7: {  	s9 =	smul.u32 $0x2BF20, s20;
	s7 =	sadd.s32 $0x2E00, s0;
	_ =	strace $0x8000004D  }
0x8: {  	s10 =	ssub.s32 $0x2, s3;
	s13 =	smul.u32 $0x4E2, s3;
	p0 =	seq.s32 s3, $0x0  }
0x9: {  	s8 =	sshrl.u32 s8, $0x2;
	s11 =	sshrl.u32 s10, $0x1;
	s12 =	sshrl.u32 s9, $0x1  }
0xa: {  	s30 =	sshrl.u32 s9, $0x4;
	s15 =	simm.s32 @!p0 $0x2A000;
	s14 =	sadd.s32 s8, s2  }
0xb: {  	s18 =	sadd.s32 $0x1A5E0, s9;
	s10 =	ssub.s32 s10, s11;
	s25 =	sadd.s32 $0x2400, s14  }
0xc: {  	s8 =	sadd.s32 s12, s2;
	s26 =	sadd.s32 $0x4800, s14;
	[dreg:$0x4] =	wrdreg s25  }
0xd: {  	s11 =	sadd.s32 $0x8CA0, s9;
	s28 =	sadd.s32 $0x6C00, s14;
	[dreg:$0x5] =	wrdreg s26  }
0xe: {  	s0 =	sadd.s32 s15, s0;
	s29 =	sadd.s32 $0x9000, s14;
	[dreg:$0x6] =	wrdreg s28  }
0xf: {  	s31 =	sshrl.u32 s18, $0x4;
	s3 =	sadd.s32 s0, s30;
	[dreg:$0x7] =	wrdreg s29  }
0x10: {  	s12 =	sadd.s32 $0x11940, s9;
	s22 =	sadd.s32 s0, s31;
	[dreg:$0x8] =	wrdreg s3  }
0x11: {  	s9 =	sadd.s32 $0x23280, s9;
	s23 =	sadd.s32 $0xB400, s14;
	[dreg:$0xb] =	wrdreg s22  }
0x12: {  	s16 =	sshrl.u32 s11, $0x4;
	s24 =	sadd.s32 $0xD800, s14;
	[dreg:$0xd] =	wrdreg s23  }
0x13: {  	s17 =	sshrl.u32 s12, $0x4;
	s16 =	sadd.s32 s0, s16;
	[dreg:$0xe] =	wrdreg s24  }
0x14: {  	s19 =	sshrl.u32 s9, $0x4;
	s21 =	sadd.s32 s0, s17;
	[dreg:$0x9] =	wrdreg s16  }
0x15: {  	s15 =	ssub.s32 $0x4D2, s20;
	s0 =	sadd.s32 s0, s19;
	[dreg:$0xa] =	wrdreg s21  }
0x16: {  	s9 =	sshrl.u32 s9, $0x1;
	s25 =	sadd.s32 $0xFC00, s14;
	[dreg:$0xc] =	wrdreg s0  }
0x17: {  	s26 =	sadd.s32 $0x12000, s14;
	s28 =	sadd.s32 s20, s13;
	[dreg:$0xf] =	wrdreg s25  }
0x18: {  	s29 =	sadd.s32 $0x13B90, s14;
	s23 =	sshrl.u32 s11, $0x1;
	[dreg:$0x10] =	wrdreg s26  }
0x19: {  	s14 =	sor.u32 $0x30, s20;
	[dreg:$0x11] =	wrdreg s29;
	s30 =	sshll.u32 s28, $0x3  }
0x1a: {  	s31 =	sadd.s32 $0x10, s28;
	s0 =	sshll.u32 s28, $0x7;
	s24 =	sadd.s32 s23, s2  }
0x1b: {  	s25 =	sshrl.u32 s12, $0x1;
	s26 =	sshrl.u32 s18, $0x1;
	s28 =	sadd.s32 s9, s2  }
0x1c: {  	s29 =	smax.u32 s10, $0x1;
	s12 =	sor.u32 $0x20, s20;
	s18 =	simm.s32 $0x4900  }
0x1d: {  	s23 =	simm.s32 $0x6D00;
	s16 =	sadd.s32 s5, s30;
	s17 =	sshll.u32 s31, $0x3  }
0x1e: {  	s3 =	sadd.s32 s6, s30;
	s0 =	sadd.s32 s1, s0;
	[dreg:$0x18] =	wrdreg s29  }
0x1f: {  	s22 =	sshll.u32 s31, $0x7;
	s11 =	sadd.s32 s26, s2;
	[dreg:$0x12] =	wrdreg s16  }
0x20: {  	s10 =	sshrl.u32 s28, $0x3;
	s26 =	simm.s32 $0x6D40;
	[dreg:$0x13] =	wrdreg s3  }
0x21: {  	[dreg:$0x14] =	wrdreg s0;
	s19 =	sadd.s32 s5, s17;
	s21 =	sadd.s32 s6, s17  }
0x22: {  	s0 =	sadd.s32 s1, s22;
	s3 =	sadd.s32 s25, s2;
	s31 =	sshrl.u32 s11, $0x3  }
0x23: {  	s11 =	ssub.s32 $0x4E2, s20;
	s16 =	ssub.s32 $0x502, s20;
	[dreg:$0x15] =	wrdreg s19  }
.Ltmp0:
0x24: {  	s17 =	ssub.s32 $0x4F2, s20;
	[dreg:$0x16] =	wrdreg s21;
	(pc) =	sbr.rel .LBB2_1-.Ltmp0, $4  }
0x25: {  	s20 =	simm.s32 $0x40;
	s22 =	simm.s32 $0x1;
	[dreg:$0x17] =	wrdreg s0  }
0x26: {  	v0 =	vimm.bf16 $0.0e+00;
	v1 =	vimm.s32 $0x0;
	v2 =	vimm.s32 $0x1;
	s25 =	simm.s32 $0x9140;
	s0 =	sshrl.u32 s24, $0x3;
	[dreg:$0x1b] =	wrdreg s31  }
0x27: {  	v3 =	vimm.s32 $0x2;
	v4 =	vimm.s32 $0x3;
	v5 =	vimm.s32 $0x4;
	s30 =	sshrl.u32 s3, $0x3;
	s19 =	simm.s32 $0x5;
	[dreg:$0x19] =	wrdreg s0  }
0x28: {  	v6 =	vimm.s32 $0x5;
	v7 =	vimm.s32 $0x6;
	v8 =	vimm.s32 $0x7;
	s21 =	simm.s32 $0x2480;
	s24 =	simm.s32 $0x2;
	[dreg:$0x1a] =	wrdreg s30  }
.LBB2_13:
0x29: {  	s0 =	stileid.u32  }
0x2a: {  	[bflag:$0x0] =	sbarrier.arrive $0xFFFF;
	s0 =	sshll.u32 s0, $0x6  }
0x2b: {  	s3 =	sshrl.u32 s8, $0x3;
	s9 =	rddreg [dreg:$0x8];
	s0 =	sor.u32 $0x1C05, s0  }
0x2c: {  	[hbm:s9], [sflag:s0] =	dma.local [spmem:s3], $0x8CA  }
0x2d: {  	_ =	swait.ge [sflag:s19], $0x8CA  }
0x2e: {  	[sflag:s19] =	ssyncset.done $0x0;
	s28 =	rddreg [dreg:$0x9]  }
0x2f: {  	s29 =	rddreg [dreg:$0x19];
	[sflag:s19] =	ssyncadd.s32 $0xFFFFF736  }
0x30: {  	[hbm:s28], [sflag:s0] =	dma.local [spmem:s29], $0x8CA  }
0x31: {  	_ =	swait.ge [sflag:s19], $0x8CA  }
0x32: {  	[sflag:s19] =	ssyncset.done $0x0;
	s30 =	rddreg [dreg:$0xa]  }
0x33: {  	s31 =	rddreg [dreg:$0x1a];
	[sflag:s19] =	ssyncadd.s32 $0xFFFFF736  }
0x34: {  	[hbm:s30], [sflag:s0] =	dma.local [spmem:s31], $0x8CA  }
0x35: {  	_ =	swait.ge [sflag:s19], $0x8CA  }
0x36: {  	[sflag:s19] =	ssyncset.done $0x0;
	s28 =	rddreg [dreg:$0xb]  }
0x37: {  	s29 =	rddreg [dreg:$0x1b];
	[sflag:s19] =	ssyncadd.s32 $0xFFFFF736  }
0x38: {  	[hbm:s28], [sflag:s0] =	dma.local [spmem:s29], $0x8CA  }
0x39: {  	_ =	swait.ge [sflag:s19], $0x8CA  }
0x3a: {  	[sflag:s19] =	ssyncset.done $0x0  }
0x3b: {  	s30 =	rddreg [dreg:$0xc];
	[sflag:s19] =	ssyncadd.s32 $0xFFFFF736  }
0x3c: {  	[hbm:s30], [sflag:s0] =	dma.local [spmem:s10], $0x8CA  }
0x3d: {  	_ =	swait.ge [sflag:s19], $0x8CA  }
0x3e: {  	s4 =	sadd.s32 $0x1, s4;
	s31 =	rddreg [dreg:$0x18]  }
0x3f: {  	p0 =	sne.s32 s4, s31  }
.Ltmp1:
0x40: {  	_ = 	snop;
	(pc) =	sbr.rel @!p0 .LBB2_14-.Ltmp1, $3  }
0x41: {  	_ =	sdelay $0x1  }
0x42: {  	[sflag:s19] =	ssyncset.done $0x0  }
0x43: {  	[sflag:s19] =	ssyncadd.s32 $0xFFFFF736  }
.LBB2_1:
0x44: {  	s0 =	simm.s32 $0x0;
	s28 =	simm.s32 $0x240  }
.LBB2_2:
0x45: {  	p0 =	sne.s32 s28, $0x8DC0;
	[tilespmem:s0+$0x4980] =	vst v0  }
0x46: {  	[tilespmem:s0+$0x4900] =	vst v0  }
0x47: {  	[tilespmem:s0+$0x4910] =	vst v0  }
0x48: {  	[tilespmem:s0+$0x4920] =	vst v0  }
.Ltmp2:
0x49: {  	[tilespmem:s0+$0x4930] =	vst v0;
	(pc) =	sbr.rel @p0 .LBB2_2-.Ltmp2, $4  }
0x4a: {  	[tilespmem:s0+$0x4940] =	vst v0  }
0x4b: {  	[tilespmem:s0+$0x4950] =	vst v0  }
0x4c: {  	[tilespmem:s0+$0x4960] =	vst v0  }
0x4d: {  	[tilespmem:s0+$0x4970] =	vst v0;
	s0 =	sshra.s32 s28, $0x2;
	s28 =	sadd.s32 $0x240, s28  }
0x4e: {  	[tilespmem:s0+$0x4980] =	vst v0  }
0x4f: {  	[tilespmem:s0+$0x4900] =	vst v0  }
0x50: {  	[tilespmem:s0+$0x4910] =	vst v0  }
0x51: {  	[tilespmem:s0+$0x4920] =	vst v0  }
0x52: {  	[tilespmem:s0+$0x4930] =	vst v0  }
0x53: {  	[tilespmem:s0+$0x4940] =	vst v0  }
0x54: {  	[tilespmem:s0+$0x4950] =	vst v0  }
0x55: {  	[tilespmem:s0+$0x4960] =	vst v0  }
0x56: {  	[tilespmem:s0+$0x4970] =	vst v0  }
0x57: {  	[spmem:s8] =	stream.linear.scatter [tilespmem:s18], [sflag:$0x5], $0x2400, $0x38;
	[tilespmem:$0x1F110] =	vst v63  }
0x58: {  	_ =	swait.ge [sflag:s19], $0x2400  }
0x59: {  	[sflag:s19] =	ssyncset.done $0x0  }
0x5a: {  	s9 =	rddreg [dreg:$0x4];
	[sflag:s19] =	ssyncadd.s32 $0xFFFFDC00  }
0x5b: {  	[spmem:s9] =	stream.linear.scatter [tilespmem:s18], [sflag:$0x5], $0x2400, $0x38;
	[tilespmem:$0x1F110] =	vst v63  }
0x5c: {  	_ =	swait.ge [sflag:s19], $0x2400  }
0x5d: {  	[sflag:s19] =	ssyncset.done $0x0  }
0x5e: {  	s29 =	rddreg [dreg:$0x5];
	[sflag:s19] =	ssyncadd.s32 $0xFFFFDC00  }
0x5f: {  	[spmem:s29] =	stream.linear.scatter [tilespmem:s18], [sflag:$0x5], $0x2400, $0x38;
	[tilespmem:$0x1F110] =	vst v63  }
0x60: {  	_ =	swait.ge [sflag:s19], $0x2400  }
0x61: {  	[sflag:s19] =	ssyncset.done $0x0  }
0x62: {  	s30 =	rddreg [dreg:$0x6];
	[sflag:s19] =	ssyncadd.s32 $0xFFFFDC00  }
0x63: {  	[spmem:s30] =	stream.linear.scatter [tilespmem:s18], [sflag:$0x5], $0x2400, $0x38;
	[tilespmem:$0x1F110] =	vst v63  }
0x64: {  	_ =	swait.ge [sflag:s19], $0x2400  }
0x65: {  	[sflag:s19] =	ssyncset.done $0x0  }
0x66: {  	s31 =	rddreg [dreg:$0x7];
	[sflag:s19] =	ssyncadd.s32 $0xFFFFDC00  }
0x67: {  	[spmem:s31] =	stream.linear.scatter [tilespmem:s18], [sflag:$0x5], $0x2400, $0x38;
	[tilespmem:$0x1F110] =	vst v63  }
0x68: {  	_ =	swait.ge [sflag:s19], $0x2400  }
0x69: {  	[sflag:s19] =	ssyncset.done $0x0  }
0x6a: {  	s3 =	rddreg [dreg:$0xd];
	[sflag:s19] =	ssyncadd.s32 $0xFFFFDC00  }
0x6b: {  	[spmem:s3] =	stream.linear.scatter [tilespmem:s18], [sflag:$0x5], $0x2400, $0x38;
	[tilespmem:$0x1F110] =	vst v63  }
0x6c: {  	_ =	swait.ge [sflag:s19], $0x2400  }
0x6d: {  	[sflag:s19] =	ssyncset.done $0x0  }
0x6e: {  	s9 =	rddreg [dreg:$0xe];
	[sflag:s19] =	ssyncadd.s32 $0xFFFFDC00  }
0x6f: {  	[spmem:s9] =	stream.linear.scatter [tilespmem:s18], [sflag:$0x5], $0x2400, $0x38;
	[tilespmem:$0x1F110] =	vst v63  }
0x70: {  	_ =	swait.ge [sflag:s19], $0x2400  }
0x71: {  	[sflag:s19] =	ssyncset.done $0x0  }
0x72: {  	s29 =	rddreg [dreg:$0xf];
	[sflag:s19] =	ssyncadd.s32 $0xFFFFDC00  }
0x73: {  	[spmem:s29] =	stream.linear.scatter [tilespmem:s18], [sflag:$0x5], $0x2400, $0x38;
	[tilespmem:$0x1F110] =	vst v63  }
0x74: {  	_ =	swait.ge [sflag:s19], $0x2400  }
0x75: {  	[sflag:s19] =	ssyncset.done $0x0  }
0x76: {  	s30 =	rddreg [dreg:$0x10];
	[sflag:s19] =	ssyncadd.s32 $0xFFFFDC00  }
0x77: {  	[spmem:s30] =	stream.linear.scatter [tilespmem:s18], [sflag:$0x5], $0x2400, $0x38;
	[tilespmem:$0x1F110] =	vst v63  }
0x78: {  	_ =	swait.ge [sflag:s19], $0x2400  }
0x79: {  	[sflag:s19] =	ssyncset.done $0x0  }
0x7a: {  	s31 =	rddreg [dreg:$0x11];
	[sflag:s19] =	ssyncadd.s32 $0xFFFFDC00  }
0x7b: {  	[spmem:s31] =	stream.linear.scatter [tilespmem:s18], [sflag:$0x5], $0x2400, $0x38;
	[tilespmem:$0x1F110] =	vst v63  }
0x7c: {  	_ =	swait.ge [sflag:s19], $0x2400  }
0x7d: {  	[sflag:s19] =	ssyncset.done $0x0  }
0x7e: {  	[sflag:s19] =	ssyncadd.s32 $0xFFFFDC00  }
0x7f: {  	[bflag:$0x0] =	sbarrier.arrive $0xFFFF  }
0x80: {  	s28 =	simm.s32 $0x0;
	s3 =	rddreg [dreg:$0x12]  }
0x81: {  	[tilespmem:s28], [sflag:$0x5] =	stream.linear.gather [hbm4b:s3+s28], $0x40, $0x38;
	[tilespmem:$0x1F110] =	vst v63  }
0x82: {  	_ =	swait.ge [sflag:s19], $0x40  }
0x83: {  	[sflag:s19] =	ssyncset.done $0x0  }
0x84: {  	s9 =	rddreg [dreg:$0x13];
	[sflag:s19] =	ssyncadd.s32 $0xFFFFFFC0  }
0x85: {  	[tilespmem:s20], [sflag:$0x5] =	stream.linear.gather [hbm4b:s9+s28], $0x40, $0x38;
	[tilespmem:$0x1F110] =	vst v63  }
0x86: {  	_ =	swait.ge [sflag:s19], $0x40  }
0x87: {  	[sflag:s19] =	ssyncset.done $0x0  }
0x88: {  	s3 =	simm.s32 $0x80;
	s29 =	rddreg [dreg:$0x14];
	[sflag:s19] =	ssyncadd.s32 $0xFFFFFFC0  }
0x89: {  	[tilespmem:s3], [sflag:$0x5] =	stream.linear.gather [hbm4b:s29+s28], $0x400, $0x38;
	[tilespmem:$0x1F110] =	vst v63  }
0x8a: {  	_ =	swait.ge [sflag:s19], $0x400  }
0x8b: {  	[sflag:s19] =	ssyncset.done $0x0  }
0x8c: {  	s30 =	simm.s32 $0x480;
	[sflag:s19] =	ssyncadd.s32 $0xFFFFFC00  }
0x8d: {  	[tilespmem:s30], [sflag:$0x1] =	stream.indirect.gather [hbm4b:s7+s20], $0x80, s28, s20, $0xb8;
	[tilespmem:$0x1F110] =	vst v63  }
0x8e: {  	s31 =	rddreg [dreg:$0x15]  }
0x8f: {  	[tilespmem:s21], [sflag:$0x5] =	stream.linear.gather [hbm4b:s31+s28], $0x40, $0x38;
	[tilespmem:$0x1F110] =	vst v63  }
0x90: {  	_ =	swait.ge [sflag:s19], $0x40  }
0x91: {  	[sflag:s19] =	ssyncset.done $0x0  }
0x92: {  	s9 =	simm.s32 $0x24C0;
	s3 =	rddreg [dreg:$0x16];
	[sflag:s19] =	ssyncadd.s32 $0xFFFFFFC0  }
0x93: {  	[tilespmem:s9], [sflag:$0x5] =	stream.linear.gather [hbm4b:s3+s28], $0x40, $0x38;
	[tilespmem:$0x1F110] =	vst v63  }
0x94: {  	_ =	swait.ge [sflag:s19], $0x40  }
0x95: {  	[sflag:s19] =	ssyncset.done $0x0  }
0x96: {  	s30 =	simm.s32 $0x2500;
	s29 =	rddreg [dreg:$0x17];
	[sflag:s19] =	ssyncadd.s32 $0xFFFFFFC0  }
0x97: {  	[tilespmem:s30], [sflag:$0x5] =	stream.linear.gather [hbm4b:s29+s28], $0x400, $0x38;
	[tilespmem:$0x1F110] =	vst v63  }
.Ltmp3:
0x98: {  	_ = 	snop;
	(pc) =	sbr.rel .LBB2_4-.Ltmp3, $4  }
0x99: {  	_ =	swait.ge [sflag:s19], $0x400  }
0x9a: {  	[sflag:s19] =	ssyncset.done $0x0  }
0x9b: {  	s31 =	simm.s32 $0x2900;
	[sflag:s19] =	ssyncadd.s32 $0xFFFFFC00  }
0x9c: {  	[tilespmem:s31], [sflag:$0x2] =	stream.indirect.gather [hbm4b:s7+s20], $0x80, s21, s20, $0xb8;
	[tilespmem:$0x1F110] =	vst v63  }
.LBB2_12:
0x9d: {  	s0 =	sadd.s32 s14, s29  }
0x9e: {  	p0 =	sgt.u32 s0, $0x4E1  }
0x9f: {  	s0 =	sadd.s32 @!p0 s13, s0  }
0xa0: {  	s3 =	sshll.u32 @!p0 s0, $0x3  }
0xa1: {  	s29 =	simm.s32 @!p0 $0x0;
	s30 =	simm.s32 @!p0 $0x2480;
	s9 =	sadd.s32 @!p0 s5, s3  }
0xa2: {  	[tilespmem:s30], [sflag:$0x5] =	stream.linear.gather @!p0 [hbm4b:s9+s29], $0x40, $0x38;
	[tilespmem:$0x1F110] =	vst v63  }
0xa3: {  	s9 =	simm.s32 @!p0 $0x5  }
0xa4: {  	_ =	swait.ge @!p0 [sflag:s9], $0x40  }
0xa5: {  	[sflag:s9] =	ssyncset.done @!p0 $0x0  }
0xa6: {  	s31 =	simm.s32 @!p0 $0x24C0;
	s3 =	sadd.s32 @!p0 s6, s3;
	[sflag:s9] =	ssyncadd.s32 @!p0 $0xFFFFFFC0  }
0xa7: {  	[tilespmem:s31], [sflag:$0x5] =	stream.linear.gather @!p0 [hbm4b:s3+s29], $0x40, $0x38;
	[tilespmem:$0x1F110] =	vst v63  }
0xa8: {  	_ =	swait.ge @!p0 [sflag:s9], $0x40  }
0xa9: {  	s0 =	sshll.u32 @!p0 s0, $0x7;
	[sflag:s9] =	ssyncset.done @!p0 $0x0  }
0xaa: {  	s0 =	sadd.s32 @!p0 s1, s0;
	s3 =	simm.s32 @!p0 $0x2500;
	[sflag:s9] =	ssyncadd.s32 @!p0 $0xFFFFFFC0  }
0xab: {  	[tilespmem:s3], [sflag:$0x5] =	stream.linear.gather @!p0 [hbm4b:s0+s29], $0x400, $0x38;
	[tilespmem:$0x1F110] =	vst v63  }
0xac: {  	_ =	swait.ge @!p0 [sflag:s9], $0x400  }
0xad: {  	s28 =	sadd.s32 $0x1, s28;
	[sflag:s9] =	ssyncset.done @!p0 $0x0  }
0xae: {  	s0 =	simm.s32 @!p0 $0x40;
	s3 =	simm.s32 @!p0 $0x2900;
	[sflag:s9] =	ssyncadd.s32 @!p0 $0xFFFFFC00  }
0xaf: {  	[tilespmem:s3], [sflag:$0x2] =	stream.indirect.gather @!p0 [hbm4b:s7+s0], $0x80, s30, s0, $0xb8;
	[tilespmem:$0x1F110] =	vst v63  }
0xb0: {  	p0 =	sne.s32 s28, $0x29  }
.Ltmp4:
0xb1: {  	_ = 	snop;
	(pc) =	sbr.rel @!p0 .LBB2_13-.Ltmp4, $1  }
0xb2: {  	_ =	sdelay $0x3  }
.LBB2_4:
0xb3: {  	s29 =	sshll.u32 s28, $0x5;
	p0 =	seq.s32 s28, $0x0  }
0xb4: {  	p1 =	sge.u32 @!p0 s29, s16;
	p2 =	sge.u32 s29, s11  }
.Ltmp5:
0xb5: {  	p1 =	por p1, p0;
	(pc) =	sbr.rel @p2 .LBB2_8-.Ltmp5, $4  }
0xb6: {  	s0 =	simm.s32 @!p1 $0x3  }
0xb7: {  	_ =	swait.ge @!p1 [sflag:s0], $0x2400  }
0xb8: {  	[sflag:s0] =	ssyncset.done @!p1 $0x0  }
0xb9: {  	[sflag:s0] =	ssyncadd.s32 @!p1 $0xFFFFDC00  }
0xba: {  	_ =	swait.ge [sflag:s22], $0x2000  }
0xbb: {  	[sflag:s22] =	ssyncset.done $0x0  }
0xbc: {  	s0 =	simm.s32 $0x0;
	[sflag:s22] =	ssyncadd.s32 $0xFFFFE000  }
0xbd: {  	v9 =	vld [tilespmem:s0+$0x80];
	_ =	sdelay $0x1  }
0xbe: {  	s30 =	simm.s32 $0x4C0  }
0xbf: {  	v10 =	vld [tilespmem:s30+$0xFFFFFFC0];
	_ =	sdelay $0x1  }
0xc0: {  	v11 =	vperm.xlane v9, v1;
	_ =	sdelay $0x1  }
0xc1: {  	v11 =	vpack.i.f32.bf16 v11, v11  }
0xc2: {  	v10 =	vmul.bf16 v10, v11  }
0xc3: {  	s31 =	simm.s32 $0x4940  }
0xc4: {  	[tilespmem:s31+$0xFFFFFFC0] =	vst v10  }
0xc5: {  	v10 =	vld [tilespmem:s30+$0xFFFFFFD0];
	_ =	sdelay $0x1  }
0xc6: {  	v11 =	vperm.xlane v9, v2;
	_ =	sdelay $0x1  }
0xc7: {  	v11 =	vpack.i.f32.bf16 v11, v11  }
0xc8: {  	v10 =	vmul.bf16 v10, v11;
	_ =	sdelay $0x1  }
0xc9: {  	[tilespmem:s31+$0xFFFFFFD0] =	vst v10  }
0xca: {  	v10 =	vld [tilespmem:s30+$0xFFFFFFE0];
	_ =	sdelay $0x1  }
0xcb: {  	v11 =	vperm.xlane v9, v3;
	_ =	sdelay $0x1  }
0xcc: {  	v11 =	vpack.i.f32.bf16 v11, v11  }
0xcd: {  	v10 =	vmul.bf16 v10, v11;
	_ =	sdelay $0x1  }
0xce: {  	[tilespmem:s31+$0xFFFFFFE0] =	vst v10  }
0xcf: {  	v10 =	vld [tilespmem:s30+$0xFFFFFFF0];
	_ =	sdelay $0x1  }
0xd0: {  	v11 =	vperm.xlane v9, v4;
	_ =	sdelay $0x1  }
0xd1: {  	v11 =	vpack.i.f32.bf16 v11, v11  }
0xd2: {  	v10 =	vmul.bf16 v10, v11;
	_ =	sdelay $0x1  }
0xd3: {  	[tilespmem:s31+$0xFFFFFFF0] =	vst v10  }
0xd4: {  	v10 =	vld [tilespmem:s30+$0x0];
	_ =	sdelay $0x1  }
0xd5: {  	v11 =	vperm.xlane v9, v5;
	_ =	sdelay $0x1  }
0xd6: {  	v11 =	vpack.i.f32.bf16 v11, v11  }
0xd7: {  	v10 =	vmul.bf16 v10, v11;
	_ =	sdelay $0x1  }
0xd8: {  	[tilespmem:s31+$0x0] =	vst v10  }
0xd9: {  	v10 =	vld [tilespmem:s30+$0x10];
	_ =	sdelay $0x1  }
0xda: {  	v11 =	vperm.xlane v9, v6;
	_ =	sdelay $0x1  }
0xdb: {  	v11 =	vpack.i.f32.bf16 v11, v11  }
0xdc: {  	v10 =	vmul.bf16 v10, v11;
	_ =	sdelay $0x1  }
0xdd: {  	[tilespmem:s31+$0x10] =	vst v10  }
0xde: {  	v10 =	vld [tilespmem:s30+$0x20];
	_ =	sdelay $0x1  }
0xdf: {  	v11 =	vperm.xlane v9, v7;
	_ =	sdelay $0x1  }
0xe0: {  	v11 =	vpack.i.f32.bf16 v11, v11  }
0xe1: {  	v10 =	vmul.bf16 v10, v11;
	_ =	sdelay $0x1  }
0xe2: {  	[tilespmem:s31+$0x20] =	vst v10  }
0xe3: {  	v10 =	vld [tilespmem:s30+$0x30];
	_ =	sdelay $0x1  }
0xe4: {  	v11 =	vperm.xlane v9, v8;
	_ =	sdelay $0x1  }
0xe5: {  	v11 =	vpack.i.f32.bf16 v11, v11  }
0xe6: {  	v9 =	vpack.i.f32.bf16 v9, v9;
	v10 =	vmul.bf16 v10, v11  }
0xe7: {  	[tilespmem:s31+$0x40] =	vst v9  }
0xe8: {  	s3 =	simm.s32 $0x10;
	s0 =	simm.s32 $0x80;
	[tilespmem:s31+$0x30] =	vst v10  }
.LBB2_6:
0xe9: {  	p1 =	sne.s32 s0, $0xFC0;
	v9 =	vld [tilespmem:s3+$0x80];
	_ =	sdelay $0x1  }
0xea: {  	s30 =	sadd.s32 $0x80, s30  }
0xeb: {  	v10 =	vld [tilespmem:s30+$0xFFFFFFC0];
	_ =	sdelay $0x1  }
0xec: {  	v11 =	vperm.xlane v9, v1;
	v12 =	vpack.i.f32.bf16 v9, v9;
	_ =	sdelay $0x1  }
0xed: {  	v11 =	vpack.i.f32.bf16 v11, v11  }
0xee: {  	v10 =	vmul.bf16 v10, v11  }
0xef: {  	s31 =	sadd.s32 $0x90, s31  }
0xf0: {  	[tilespmem:s31+$0xFFFFFFC0] =	vst v10  }
0xf1: {  	v10 =	vld [tilespmem:s30+$0xFFFFFFD0];
	_ =	sdelay $0x1  }
0xf2: {  	v11 =	vperm.xlane v9, v2;
	_ =	sdelay $0x1  }
0xf3: {  	v11 =	vpack.i.f32.bf16 v11, v11  }
0xf4: {  	v10 =	vmul.bf16 v10, v11;
	_ =	sdelay $0x1  }
0xf5: {  	[tilespmem:s31+$0xFFFFFFD0] =	vst v10  }
0xf6: {  	v10 =	vld [tilespmem:s30+$0xFFFFFFE0];
	_ =	sdelay $0x1  }
0xf7: {  	v11 =	vperm.xlane v9, v3;
	_ =	sdelay $0x1  }
0xf8: {  	v11 =	vpack.i.f32.bf16 v11, v11  }
0xf9: {  	v10 =	vmul.bf16 v10, v11;
	_ =	sdelay $0x1  }
0xfa: {  	[tilespmem:s31+$0xFFFFFFE0] =	vst v10  }
0xfb: {  	v10 =	vld [tilespmem:s30+$0xFFFFFFF0];
	_ =	sdelay $0x1  }
0xfc: {  	v11 =	vperm.xlane v9, v4;
	_ =	sdelay $0x1  }
0xfd: {  	v11 =	vpack.i.f32.bf16 v11, v11  }
0xfe: {  	v10 =	vmul.bf16 v10, v11;
	_ =	sdelay $0x1  }
0xff: {  	[tilespmem:s31+$0xFFFFFFF0] =	vst v10  }
0x100: {  	v10 =	vld [tilespmem:s30+$0x0];
	_ =	sdelay $0x1  }
0x101: {  	v11 =	vperm.xlane v9, v5;
	_ =	sdelay $0x1  }
0x102: {  	v11 =	vpack.i.f32.bf16 v11, v11  }
0x103: {  	v10 =	vmul.bf16 v10, v11;
	_ =	sdelay $0x1  }
0x104: {  	[tilespmem:s31+$0x0] =	vst v10  }
0x105: {  	v10 =	vld [tilespmem:s30+$0x10];
	_ =	sdelay $0x1  }
0x106: {  	v11 =	vperm.xlane v9, v6;
	_ =	sdelay $0x1  }
0x107: {  	v11 =	vpack.i.f32.bf16 v11, v11  }
0x108: {  	v10 =	vmul.bf16 v10, v11;
	_ =	sdelay $0x1  }
0x109: {  	[tilespmem:s31+$0x10] =	vst v10  }
0x10a: {  	v10 =	vld [tilespmem:s30+$0x20];
	_ =	sdelay $0x1  }
0x10b: {  	v11 =	vperm.xlane v9, v7;
	_ =	sdelay $0x1  }
0x10c: {  	v11 =	vpack.i.f32.bf16 v11, v11  }
0x10d: {  	v10 =	vmul.bf16 v10, v11;
	_ =	sdelay $0x1  }
0x10e: {  	[tilespmem:s31+$0x20] =	vst v10  }
0x10f: {  	v10 =	vld [tilespmem:s30+$0x30];
	[tilespmem:s31+$0x40] =	vst v12;
	_ =	sdelay $0x1  }
0x110: {  	v9 =	vperm.xlane v9, v8  }
.Ltmp6:
0x111: {  	(pc) =	sbr.rel @p1 .LBB2_6-.Ltmp6, $3  }
0x112: {  	v9 =	vpack.i.f32.bf16 v9, v9  }
0x113: {  	v9 =	vmul.bf16 v10, v9;
	_ =	sdelay $0x1  }
0x114: {  	s3 =	sshra.s32 s0, $0x2;
	s0 =	sadd.s32 $0x40, s0;
	[tilespmem:s31+$0x30] =	vst v9  }
0x115: {  	v9 =	vld [tilespmem:s3+$0x80];
	_ =	sdelay $0x1  }
0x116: {  	s0 =	sadd.s32 $0x80, s30  }
0x117: {  	v10 =	vld [tilespmem:s0+$0xFFFFFFC0];
	_ =	sdelay $0x1  }
0x118: {  	v11 =	vperm.xlane v9, v1;
	_ =	sdelay $0x1  }
0x119: {  	v11 =	vpack.i.f32.bf16 v11, v11  }
0x11a: {  	v10 =	vmul.bf16 v10, v11  }
0x11b: {  	s31 =	sadd.s32 $0x90, s31  }
0x11c: {  	[tilespmem:s31+$0xFFFFFFC0] =	vst v10  }
0x11d: {  	v10 =	vld [tilespmem:s0+$0xFFFFFFD0];
	_ =	sdelay $0x1  }
0x11e: {  	v11 =	vperm.xlane v9, v2;
	_ =	sdelay $0x1  }
0x11f: {  	v11 =	vpack.i.f32.bf16 v11, v11  }
0x120: {  	v10 =	vmul.bf16 v10, v11;
	_ =	sdelay $0x1  }
0x121: {  	[tilespmem:s31+$0xFFFFFFD0] =	vst v10  }
0x122: {  	v10 =	vld [tilespmem:s0+$0xFFFFFFE0];
	_ =	sdelay $0x1  }
0x123: {  	v11 =	vperm.xlane v9, v3;
	_ =	sdelay $0x1  }
0x124: {  	v11 =	vpack.i.f32.bf16 v11, v11  }
0x125: {  	v10 =	vmul.bf16 v10, v11;
	_ =	sdelay $0x1  }
0x126: {  	[tilespmem:s31+$0xFFFFFFE0] =	vst v10  }
0x127: {  	v10 =	vld [tilespmem:s0+$0xFFFFFFF0];
	_ =	sdelay $0x1  }
0x128: {  	v11 =	vperm.xlane v9, v4;
	_ =	sdelay $0x1  }
0x129: {  	v11 =	vpack.i.f32.bf16 v11, v11  }
0x12a: {  	v10 =	vmul.bf16 v10, v11;
	_ =	sdelay $0x1  }
0x12b: {  	[tilespmem:s31+$0xFFFFFFF0] =	vst v10  }
0x12c: {  	v10 =	vld [tilespmem:s0+$0x0];
	_ =	sdelay $0x1  }
0x12d: {  	v11 =	vperm.xlane v9, v5;
	_ =	sdelay $0x1  }
0x12e: {  	v11 =	vpack.i.f32.bf16 v11, v11  }
0x12f: {  	v10 =	vmul.bf16 v10, v11;
	_ =	sdelay $0x1  }
0x130: {  	[tilespmem:s31+$0x0] =	vst v10  }
0x131: {  	v10 =	vld [tilespmem:s0+$0x10];
	_ =	sdelay $0x1  }
0x132: {  	v11 =	vperm.xlane v9, v6;
	_ =	sdelay $0x1  }
0x133: {  	v11 =	vpack.i.f32.bf16 v11, v11  }
0x134: {  	v10 =	vmul.bf16 v10, v11;
	_ =	sdelay $0x1  }
0x135: {  	[tilespmem:s31+$0x10] =	vst v10  }
0x136: {  	v10 =	vld [tilespmem:s0+$0x20];
	_ =	sdelay $0x1  }
0x137: {  	v11 =	vperm.xlane v9, v7;
	_ =	sdelay $0x1  }
0x138: {  	v11 =	vpack.i.f32.bf16 v11, v11  }
0x139: {  	v10 =	vmul.bf16 v10, v11;
	_ =	sdelay $0x1  }
0x13a: {  	[tilespmem:s31+$0x20] =	vst v10  }
0x13b: {  	v10 =	vld [tilespmem:s0+$0x30];
	_ =	sdelay $0x1  }
0x13c: {  	v11 =	vperm.xlane v9, v8;
	_ =	sdelay $0x1  }
0x13d: {  	v11 =	vpack.i.f32.bf16 v11, v11  }
0x13e: {  	v9 =	vpack.i.f32.bf16 v9, v9;
	v10 =	vmul.bf16 v10, v11  }
0x13f: {  	[tilespmem:s31+$0x40] =	vst v9  }
0x140: {  	[tilespmem:s31+$0x30] =	vst v10  }
0x141: {  	v9 =	vld [tilespmem:$0x40]  }
0x142: {  	v10 =	vld [tilespmem:$0x50]  }
0x143: {  	v11 =	vld [tilespmem:$0x60]  }
0x144: {  	v12 =	vld [tilespmem:$0x70];
	_ =	sdelay $0x1  }
0x145: {  	[tilespmem:$0x6D00] =	vst v9  }
0x146: {  	[tilespmem:$0x6D10] =	vst v10  }
0x147: {  	[tilespmem:$0x6D20] =	vst v11  }
0x148: {  	[tilespmem:$0x6D30] =	vst v12  }
0x149: {  	[spmem:s2] =	stream.indirect.scatter.add.bf16 [tilespmem:s18], [sflag:$0x3], $0x90, s23, s20, $0xb8;
	[tilespmem:$0x1F110] =	vst v63  }
.LBB2_8:
0x14a: {  	s0 =	sadd.s32 s12, s29  }
0x14b: {  	p1 =	sgt.u32 s0, $0x4E1  }
0x14c: {  	s0 =	sadd.s32 @!p1 s13, s0  }
0x14d: {  	s3 =	sshll.u32 @!p1 s0, $0x3  }
0x14e: {  	s31 =	simm.s32 @!p1 $0x0;
	s30 =	sadd.s32 @!p1 s5, s3  }
0x14f: {  	[tilespmem:s31], [sflag:$0x5] =	stream.linear.gather @!p1 [hbm4b:s30+s31], $0x40, $0x38;
	[tilespmem:$0x1F110] =	vst v63  }
0x150: {  	s30 =	simm.s32 @!p1 $0x5  }
0x151: {  	_ =	swait.ge @!p1 [sflag:s30], $0x40  }
0x152: {  	[sflag:s30] =	ssyncset.done @!p1 $0x0  }
0x153: {  	s9 =	simm.s32 @!p1 $0x40;
	s3 =	sadd.s32 @!p1 s6, s3;
	[sflag:s30] =	ssyncadd.s32 @!p1 $0xFFFFFFC0  }
0x154: {  	[tilespmem:s9], [sflag:$0x5] =	stream.linear.gather @!p1 [hbm4b:s3+s31], $0x40, $0x38;
	[tilespmem:$0x1F110] =	vst v63  }
0x155: {  	_ =	swait.ge @!p1 [sflag:s30], $0x40  }
0x156: {  	s0 =	sshll.u32 @!p1 s0, $0x7;
	[sflag:s30] =	ssyncset.done @!p1 $0x0  }
0x157: {  	s0 =	sadd.s32 @!p1 s1, s0;
	s3 =	simm.s32 @!p1 $0x80;
	[sflag:s30] =	ssyncadd.s32 @!p1 $0xFFFFFFC0  }
0x158: {  	[tilespmem:s3], [sflag:$0x5] =	stream.linear.gather @!p1 [hbm4b:s0+s31], $0x400, $0x38;
	[tilespmem:$0x1F110] =	vst v63  }
0x159: {  	_ =	swait.ge @!p1 [sflag:s30], $0x400  }
0x15a: {  	[sflag:s30] =	ssyncset.done @!p1 $0x0  }
0x15b: {  	s0 =	simm.s32 @!p1 $0x480;
	[sflag:s30] =	ssyncadd.s32 @!p1 $0xFFFFFC00  }
0x15c: {  	[tilespmem:s0], [sflag:$0x1] =	stream.indirect.gather @!p1 [hbm4b:s7+s9], $0x80, s31, s9, $0xb8;
	[tilespmem:$0x1F110] =	vst v63  }
0x15d: {  	p1 =	sge.u32 @!p0 s29, s17  }
0x15e: {  	p0 =	por p1, p0;
	p1 =	sge.u32 s29, s15  }
.Ltmp7:
0x15f: {  	_ = 	snop;
	(pc) =	sbr.rel @p1 .LBB2_12-.Ltmp7, $4  }
0x160: {  	s0 =	simm.s32 @!p0 $0x4  }
0x161: {  	_ =	swait.ge @!p0 [sflag:s0], $0x2400  }
0x162: {  	[sflag:s0] =	ssyncset.done @!p0 $0x0  }
0x163: {  	[sflag:s0] =	ssyncadd.s32 @!p0 $0xFFFFDC00  }
0x164: {  	_ =	swait.ge [sflag:s24], $0x2000  }
0x165: {  	[sflag:s24] =	ssyncset.done $0x0  }
0x166: {  	s0 =	simm.s32 $0x0;
	[sflag:s24] =	ssyncadd.s32 $0xFFFFE000  }
0x167: {  	v9 =	vld [tilespmem:s0+$0x2500];
	_ =	sdelay $0x1  }
0x168: {  	s30 =	simm.s32 $0x2940  }
0x169: {  	v10 =	vld [tilespmem:s30+$0xFFFFFFC0];
	_ =	sdelay $0x1  }
0x16a: {  	v11 =	vperm.xlane v9, v1;
	_ =	sdelay $0x1  }
0x16b: {  	v11 =	vpack.i.f32.bf16 v11, v11  }
0x16c: {  	v10 =	vmul.bf16 v10, v11  }
0x16d: {  	s31 =	simm.s32 $0x6D80  }
0x16e: {  	[tilespmem:s31+$0xFFFFFFC0] =	vst v10  }
0x16f: {  	v10 =	vld [tilespmem:s30+$0xFFFFFFD0];
	_ =	sdelay $0x1  }
0x170: {  	v11 =	vperm.xlane v9, v2;
	_ =	sdelay $0x1  }
0x171: {  	v11 =	vpack.i.f32.bf16 v11, v11  }
0x172: {  	v10 =	vmul.bf16 v10, v11;
	_ =	sdelay $0x1  }
0x173: {  	[tilespmem:s31+$0xFFFFFFD0] =	vst v10  }
0x174: {  	v10 =	vld [tilespmem:s30+$0xFFFFFFE0];
	_ =	sdelay $0x1  }
0x175: {  	v11 =	vperm.xlane v9, v3;
	_ =	sdelay $0x1  }
0x176: {  	v11 =	vpack.i.f32.bf16 v11, v11  }
0x177: {  	v10 =	vmul.bf16 v10, v11;
	_ =	sdelay $0x1  }
0x178: {  	[tilespmem:s31+$0xFFFFFFE0] =	vst v10  }
0x179: {  	v10 =	vld [tilespmem:s30+$0xFFFFFFF0];
	_ =	sdelay $0x1  }
0x17a: {  	v11 =	vperm.xlane v9, v4;
	_ =	sdelay $0x1  }
0x17b: {  	v11 =	vpack.i.f32.bf16 v11, v11  }
0x17c: {  	v10 =	vmul.bf16 v10, v11;
	_ =	sdelay $0x1  }
0x17d: {  	[tilespmem:s31+$0xFFFFFFF0] =	vst v10  }
0x17e: {  	v10 =	vld [tilespmem:s30+$0x0];
	_ =	sdelay $0x1  }
0x17f: {  	v11 =	vperm.xlane v9, v5;
	_ =	sdelay $0x1  }
0x180: {  	v11 =	vpack.i.f32.bf16 v11, v11  }
0x181: {  	v10 =	vmul.bf16 v10, v11;
	_ =	sdelay $0x1  }
0x182: {  	[tilespmem:s31+$0x0] =	vst v10  }
0x183: {  	v10 =	vld [tilespmem:s30+$0x10];
	_ =	sdelay $0x1  }
0x184: {  	v11 =	vperm.xlane v9, v6;
	_ =	sdelay $0x1  }
0x185: {  	v11 =	vpack.i.f32.bf16 v11, v11  }
0x186: {  	v10 =	vmul.bf16 v10, v11;
	_ =	sdelay $0x1  }
0x187: {  	[tilespmem:s31+$0x10] =	vst v10  }
0x188: {  	v10 =	vld [tilespmem:s30+$0x20];
	_ =	sdelay $0x1  }
0x189: {  	v11 =	vperm.xlane v9, v7;
	_ =	sdelay $0x1  }
0x18a: {  	v11 =	vpack.i.f32.bf16 v11, v11  }
0x18b: {  	v10 =	vmul.bf16 v10, v11;
	_ =	sdelay $0x1  }
0x18c: {  	[tilespmem:s31+$0x20] =	vst v10  }
0x18d: {  	v10 =	vld [tilespmem:s30+$0x30];
	_ =	sdelay $0x1  }
0x18e: {  	v11 =	vperm.xlane v9, v8;
	_ =	sdelay $0x1  }
0x18f: {  	v11 =	vpack.i.f32.bf16 v11, v11  }
0x190: {  	v9 =	vpack.i.f32.bf16 v9, v9;
	v10 =	vmul.bf16 v10, v11  }
0x191: {  	[tilespmem:s31+$0x40] =	vst v9  }
0x192: {  	s3 =	simm.s32 $0x10;
	s0 =	simm.s32 $0x80;
	[tilespmem:s31+$0x30] =	vst v10  }
.LBB2_10:
0x193: {  	p0 =	sne.s32 s0, $0xFC0;
	v9 =	vld [tilespmem:s3+$0x2500];
	_ =	sdelay $0x1  }
0x194: {  	s30 =	sadd.s32 $0x80, s30  }
0x195: {  	v10 =	vld [tilespmem:s30+$0xFFFFFFC0];
	_ =	sdelay $0x1  }
0x196: {  	v11 =	vperm.xlane v9, v1;
	v12 =	vpack.i.f32.bf16 v9, v9;
	_ =	sdelay $0x1  }
0x197: {  	v11 =	vpack.i.f32.bf16 v11, v11  }
0x198: {  	v10 =	vmul.bf16 v10, v11  }
0x199: {  	s31 =	sadd.s32 $0x90, s31  }
0x19a: {  	[tilespmem:s31+$0xFFFFFFC0] =	vst v10  }
0x19b: {  	v10 =	vld [tilespmem:s30+$0xFFFFFFD0];
	_ =	sdelay $0x1  }
0x19c: {  	v11 =	vperm.xlane v9, v2;
	_ =	sdelay $0x1  }
0x19d: {  	v11 =	vpack.i.f32.bf16 v11, v11  }
0x19e: {  	v10 =	vmul.bf16 v10, v11;
	_ =	sdelay $0x1  }
0x19f: {  	[tilespmem:s31+$0xFFFFFFD0] =	vst v10  }
0x1a0: {  	v10 =	vld [tilespmem:s30+$0xFFFFFFE0];
	_ =	sdelay $0x1  }
0x1a1: {  	v11 =	vperm.xlane v9, v3;
	_ =	sdelay $0x1  }
0x1a2: {  	v11 =	vpack.i.f32.bf16 v11, v11  }
0x1a3: {  	v10 =	vmul.bf16 v10, v11;
	_ =	sdelay $0x1  }
0x1a4: {  	[tilespmem:s31+$0xFFFFFFE0] =	vst v10  }
0x1a5: {  	v10 =	vld [tilespmem:s30+$0xFFFFFFF0];
	_ =	sdelay $0x1  }
0x1a6: {  	v11 =	vperm.xlane v9, v4;
	_ =	sdelay $0x1  }
0x1a7: {  	v11 =	vpack.i.f32.bf16 v11, v11  }
0x1a8: {  	v10 =	vmul.bf16 v10, v11;
	_ =	sdelay $0x1  }
0x1a9: {  	[tilespmem:s31+$0xFFFFFFF0] =	vst v10  }
0x1aa: {  	v10 =	vld [tilespmem:s30+$0x0];
	_ =	sdelay $0x1  }
0x1ab: {  	v11 =	vperm.xlane v9, v5;
	_ =	sdelay $0x1  }
0x1ac: {  	v11 =	vpack.i.f32.bf16 v11, v11  }
0x1ad: {  	v10 =	vmul.bf16 v10, v11;
	_ =	sdelay $0x1  }
0x1ae: {  	[tilespmem:s31+$0x0] =	vst v10  }
0x1af: {  	v10 =	vld [tilespmem:s30+$0x10];
	_ =	sdelay $0x1  }
0x1b0: {  	v11 =	vperm.xlane v9, v6;
	_ =	sdelay $0x1  }
0x1b1: {  	v11 =	vpack.i.f32.bf16 v11, v11  }
0x1b2: {  	v10 =	vmul.bf16 v10, v11;
	_ =	sdelay $0x1  }
0x1b3: {  	[tilespmem:s31+$0x10] =	vst v10  }
0x1b4: {  	v10 =	vld [tilespmem:s30+$0x20];
	_ =	sdelay $0x1  }
0x1b5: {  	v11 =	vperm.xlane v9, v7;
	_ =	sdelay $0x1  }
0x1b6: {  	v11 =	vpack.i.f32.bf16 v11, v11  }
0x1b7: {  	v10 =	vmul.bf16 v10, v11;
	_ =	sdelay $0x1  }
0x1b8: {  	[tilespmem:s31+$0x20] =	vst v10  }
0x1b9: {  	v10 =	vld [tilespmem:s30+$0x30];
	[tilespmem:s31+$0x40] =	vst v12;
	_ =	sdelay $0x1  }
0x1ba: {  	v9 =	vperm.xlane v9, v8  }
.Ltmp8:
0x1bb: {  	(pc) =	sbr.rel @p0 .LBB2_10-.Ltmp8, $3  }
0x1bc: {  	v9 =	vpack.i.f32.bf16 v9, v9  }
0x1bd: {  	v9 =	vmul.bf16 v10, v9;
	_ =	sdelay $0x1  }
0x1be: {  	s3 =	sshra.s32 s0, $0x2;
	s0 =	sadd.s32 $0x40, s0;
	[tilespmem:s31+$0x30] =	vst v9  }
0x1bf: {  	v9 =	vld [tilespmem:s3+$0x2500];
	_ =	sdelay $0x1  }
0x1c0: {  	s0 =	sadd.s32 $0x80, s30  }
0x1c1: {  	v10 =	vld [tilespmem:s0+$0xFFFFFFC0];
	_ =	sdelay $0x1  }
0x1c2: {  	v11 =	vperm.xlane v9, v1;
	_ =	sdelay $0x1  }
0x1c3: {  	v11 =	vpack.i.f32.bf16 v11, v11  }
0x1c4: {  	v10 =	vmul.bf16 v10, v11  }
0x1c5: {  	s31 =	sadd.s32 $0x90, s31  }
0x1c6: {  	[tilespmem:s31+$0xFFFFFFC0] =	vst v10  }
0x1c7: {  	v10 =	vld [tilespmem:s0+$0xFFFFFFD0];
	_ =	sdelay $0x1  }
0x1c8: {  	v11 =	vperm.xlane v9, v2;
	_ =	sdelay $0x1  }
0x1c9: {  	v11 =	vpack.i.f32.bf16 v11, v11  }
0x1ca: {  	v10 =	vmul.bf16 v10, v11;
	_ =	sdelay $0x1  }
0x1cb: {  	[tilespmem:s31+$0xFFFFFFD0] =	vst v10  }
0x1cc: {  	v10 =	vld [tilespmem:s0+$0xFFFFFFE0];
	_ =	sdelay $0x1  }
0x1cd: {  	v11 =	vperm.xlane v9, v3;
	_ =	sdelay $0x1  }
0x1ce: {  	v11 =	vpack.i.f32.bf16 v11, v11  }
0x1cf: {  	v10 =	vmul.bf16 v10, v11;
	_ =	sdelay $0x1  }
0x1d0: {  	[tilespmem:s31+$0xFFFFFFE0] =	vst v10  }
0x1d1: {  	v10 =	vld [tilespmem:s0+$0xFFFFFFF0];
	_ =	sdelay $0x1  }
0x1d2: {  	v11 =	vperm.xlane v9, v4;
	_ =	sdelay $0x1  }
0x1d3: {  	v11 =	vpack.i.f32.bf16 v11, v11  }
0x1d4: {  	v10 =	vmul.bf16 v10, v11;
	_ =	sdelay $0x1  }
0x1d5: {  	[tilespmem:s31+$0xFFFFFFF0] =	vst v10  }
0x1d6: {  	v10 =	vld [tilespmem:s0+$0x0];
	_ =	sdelay $0x1  }
0x1d7: {  	v11 =	vperm.xlane v9, v5;
	_ =	sdelay $0x1  }
0x1d8: {  	v11 =	vpack.i.f32.bf16 v11, v11  }
0x1d9: {  	v10 =	vmul.bf16 v10, v11;
	_ =	sdelay $0x1  }
0x1da: {  	[tilespmem:s31+$0x0] =	vst v10  }
0x1db: {  	v10 =	vld [tilespmem:s0+$0x10];
	_ =	sdelay $0x1  }
0x1dc: {  	v11 =	vperm.xlane v9, v6;
	_ =	sdelay $0x1  }
0x1dd: {  	v11 =	vpack.i.f32.bf16 v11, v11  }
0x1de: {  	v10 =	vmul.bf16 v10, v11;
	_ =	sdelay $0x1  }
0x1df: {  	[tilespmem:s31+$0x10] =	vst v10  }
0x1e0: {  	v10 =	vld [tilespmem:s0+$0x20];
	_ =	sdelay $0x1  }
0x1e1: {  	v11 =	vperm.xlane v9, v7;
	_ =	sdelay $0x1  }
0x1e2: {  	v11 =	vpack.i.f32.bf16 v11, v11  }
0x1e3: {  	v10 =	vmul.bf16 v10, v11;
	_ =	sdelay $0x1  }
0x1e4: {  	[tilespmem:s31+$0x20] =	vst v10  }
0x1e5: {  	v10 =	vld [tilespmem:s0+$0x30];
	_ =	sdelay $0x1  }
0x1e6: {  	v11 =	vperm.xlane v9, v8;
	_ =	sdelay $0x1  }
0x1e7: {  	v11 =	vpack.i.f32.bf16 v11, v11  }
0x1e8: {  	v9 =	vpack.i.f32.bf16 v9, v9;
	v10 =	vmul.bf16 v10, v11  }
0x1e9: {  	[tilespmem:s31+$0x40] =	vst v9  }
0x1ea: {  	[tilespmem:s31+$0x30] =	vst v10  }
0x1eb: {  	v9 =	vld [tilespmem:$0x24C0]  }
0x1ec: {  	v10 =	vld [tilespmem:$0x24D0]  }
0x1ed: {  	v11 =	vld [tilespmem:$0x24E0]  }
0x1ee: {  	v12 =	vld [tilespmem:$0x24F0];
	_ =	sdelay $0x1  }
.Ltmp9:
0x1ef: {  	[tilespmem:$0x9140] =	vst v9;
	(pc) =	sbr.rel .LBB2_12-.Ltmp9, $4  }
0x1f0: {  	[tilespmem:$0x9150] =	vst v10  }
0x1f1: {  	[tilespmem:$0x9160] =	vst v11  }
0x1f2: {  	[tilespmem:$0x9170] =	vst v12  }
0x1f3: {  	[spmem:s2] =	stream.indirect.scatter.add.bf16 [tilespmem:s26], [sflag:$0x4], $0x90, s25, s20, $0xb8;
	[tilespmem:$0x1F110] =	vst v63  }
.LBB2_14:
0x1f4: {  	_ =	sfence.sel $0x180000  }
0x1f5: {  	[bflag:$0x0] =	sbarrier.arrive $0xFFFF  }
0x1f6: {  	_ =	strace $0x9000004D  }
0x1f7: {  	s0 =	stileid.u32;
	[bflag:$0x2] =	sbarrier.arrive $0xFFFF  }
0x1f8: {  	p0 =	sne.s32 s0, $0x0;
	s0 =	rddreg [dreg:$0x3]  }
0x1f9: {  	s0 =	sadd.s32 @!p0 $0x100000, s0  }
0x1fa: {  	[sflag:s0] =	ssyncadd.tile.s32 @!p0 $0x1;
	_ =	shalt  }
.Lfunc_end2:
_tile_overlayer_lowered:
.L_overlay_start_2:
0x1fb: {  	(tag) =	ssettag $0x2  }
0x1fc: {  	s0 =	rddreg [dreg:$0x0];
	s2 =	stileid.u32  }
0x1fd: {  	s1 =	rddreg [dreg:$0x1];
	p0 =	sne.s32 s2, $0x0  }
0x1fe: {  	s3 =	rddreg [dreg:$0x2];
	[bflag:$0x3] =	sbarrier.arrive $0xFFFF;
	s2 =	simm.s32 @!p0 $0x1C05  }
0x1ff: {  	[timem:s3], [sflag:s2] =	dma.local @!p0 [hbm:s0], s1  }
0x200: {  	s0 =	simm.s32 @!p0 $0x5  }
0x201: {  	_ =	swait.ge @!p0 [sflag:s0], s1  }
0x202: {  	s1 =	ssub.s32 @!p0 $0x0, s1;
	[sflag:s0] =	ssyncset.done @!p0 $0x0  }
0x203: {  	[sflag:s0] =	ssyncadd.s32 @!p0 s1  }
0x204: {  	[bflag:$0x3] =	sbarrier.arrive $0xFFFF  }
0x205: {  	_ =	shalt  }

// kernel: sparse-core-data-format-call.cloned.1.call-start
scs
called_computation_lowered:
.L_overlay_start_0:
0x0: {  	s1 =	sld [smem:$0x3FD9]  }
0x1: {  	s2 =	sld [smem:$0x3FFE];
	_ =	sdelay $0x1  }
0x2: {  	s3 =	srdreg.scid  }
0x3: {  	s0 =	sand.u32 $0x1, s3  }
0x4: {  	s17 =	sshll.u32 s0, $0xA;
	s1 =	sadd.s32 s2, s1  }
0x5: {  	s1 =	sadd.s32 s1, s17  }
0x6: {  	[smem:$0x3FB5] =	sst s1  }
0x7: {  	_ = 	snop  }
0x8: {  	(tm) =	ssettm $0x1  }
0x9: {  	s18 =	sld [smem:$0x3FFB];
	_ =	sdelay $0x3  }
0xa: {  	_ =	strace s18  }
0xb: {  	s1 =	sld [smem:$0x3FFC];
	_ =	sdelay $0x3  }
0xc: {  	_ =	strace s1  }
0xd: {  	s1 =	sld [smem:$0x3FFD];
	_ =	sdelay $0x3  }
0xe: {  	_ =	strace s1  }
0xf: {  	_ =	strace $0x8FFFFFFF  }
0x10: {  	s19 =	sld [smem:$0x3FDB];
	_ =	sdelay $0x1  }
0x11: {  	s20 =	simm.s32 $_scs_section_size  }
0x12: {  	s4 =	simm.s32 $_size__tile_overlayer_lowered;
	s5 =	simm.s32 $_tile_overlayer_lowered  }
0x13: {  	s23 =	simm.s32 $0x1BFF;
	s22 =	sshll.u32 s5, $0x1;
	s1 =	sadd.s32 s20, s19  }
0x14: {  	s6 =	simm.s32 $0x0;
	s21 =	sshll.u32 s4, $0x1;
	s4 =	sadd.s32 s22, s1  }
0x15: {  	[timem:s6], [sflag:s23] =	dma.local [hbm:s4], s21  }
0x16: {  	_ =	swait.ge [sflag:s23], s21  }
0x17: {  	s2 =	ssub.s32 $0x0, s21;
	[sflag:s23] =	ssyncset.done $0x0  }
0x18: {  	[sflag:s23] =	ssyncadd.s32 s2;
	_ =	sdelay $0x1  }
0x19: {  	s24 =	simm.s32 $0x1B8B  }
0x1a: {  	_ =	swait.ge [sflag:s24], $0x1  }
0x1b: {  	[sflag:s24] =	ssyncset.done $0x0  }
0x1c: {  	s26 =	simm.s32 $0x1B8E;
	s25 =	sld [smem:$0x3FFE];
	[sflag:s24] =	ssyncadd.s32 $0xFFFFFFFF  }
0x1d: {  	s27 =	simm.s32 $execute0_lowered;
	[smem:$0x3FD2] =	sst s26  }
0x1e: {  	s4 =	sshll.u32 s27, $0x1;
	_ =	strace $0x80000046;
	[dreg:$0x1] =	wrdreg $0xFFFFFFFF  }
0x1f: {  	s28 =	simm.s32 $_size_execute0_lowered;
	s1 =	sadd.s32 s1, s4;
	[dreg:$0x0] =	wrdreg $0x0  }
0x20: {  	s4 =	sshll.u32 s28, $0x1;
	[dreg:$0x2] =	wrdreg s1  }
0x21: {  	[dreg:$0x3] =	wrdreg s4  }
0x22: {  	[dreg:$0x4] =	wrdreg $0xC0  }
0x23: {  	_ =	task [dreg:s6], $0x5FFFF  }
0x24: {  	[dreg:$0x1] =	wrdreg $0xFFFFFFFF  }
0x25: {  	[dreg:$0x0] =	wrdreg $0x60  }
0x26: {  	[dreg:$0x2] =	wrdreg s25  }
0x27: {  	[dreg:$0x3] =	wrdreg $0x9  }
0x28: {  	_ =	task.clear_ibuf [dreg:s6], $0x4FFFF;
	_ =	strace $0x90000046  }
0x29: {  	s29 =	simm.s32 $0x9;
	_ =	strace $0x80000048  }
0x2a: {  	_ =	swait.ge [sflag:s29], $0x1  }
0x2b: {  	[sflag:s29] =	ssyncadd.s32 $0xFFFFFFFF  }
0x2c: {  	_ =	strace $0x90000048  }
0x2d: {  	_ =	sfence  }
0x2e: {  	s30 =	sld [smem:$0x0];
	_ =	sdelay $0x2  }
0x2f: {  	s31 =	sshll.u32 s3, $0xD;
	s3 =	sshrl.u32 s3, $0x2  }
0x30: {  	s2 =	sand.u32 $0x4000, s31;
	s1 =	sadd.s32 s3, s30  }
0x31: {  	s0 =	sor.u32 s2, s0;
	s1 =	sshll.u32 s1, $0x11  }
0x32: {  	s0 =	sor.u32 s1, s0  }
0x33: {  	s0 =	sadd.s32 $0x8F2B, s0  }
0x34: {  	[sflag:s0] =	ssyncadd.remote.s32 $0x1  }
0x35: {  	_ =	sfence.sel $0xFFFF  }
0x36: {  	[dreg:$0x0] =	wrdreg $0xFFFFFFFF;
	(pc) =	sbr.abs _section_cstart, $3  }
0x37: {  	[dreg:$0x1] =	wrdreg $0xFFFFFFFF  }
0x38: {  	_ =	task.clear_ibuf [dreg:s6], $0x2FFFF;
	_ =	strace $0x9FFFFFFF  }
0x39: {  	(tm) =	ssettm $0x7FFFFFFF  }
tec
execute0_lowered:
.L_overlay_start_1:
0x0: {  	(tag) =	ssettag $0x1  }
0x1: {  	s0 =	srdreg.scid  }
0x2: {  	s1 =	sshll.u32 s0, $0x4  }
0x3: {  	s4 =	rddreg [dreg:$0x0];
	s0 =	stileid.u32;
	s1 =	sand.u32 $0x10, s1  }
0x4: {  	s7 =	simm.s32 $0x1;
	s8 =	simm.s32 $0x2;
	s1 =	sor.u32 s0, s1  }
0x5: {  	s9 =	simm.s32 $0x0;
	s12 =	simm.s32 $0x0;
	s2 =	sshll.u32 s1, $0x4  }
0x6: {  	s11 =	simm.s32 $0x0;
	s3 =	sadd.s32 $0x2E00, s4;
	s6 =	ssub.s32 $0x4E20, s2  }
.Ltmp0:
0x7: {  	s4 =	sadd.s32 $0x273E00, s4;
	s5 =	sand.u32 $0x1F0, s6;
	(pc) =	sbr.rel .LBB1_1-.Ltmp0, $4  }
0x8: {  	s1 =	rddreg [dreg:$0x1];
	_ =	strace $0x80000047;
	p0 =	sne.s32 s5, $0x0  }
0x9: {  	s6 =	sshrl.u32 s6, $0x9;
	s5 =	simm.s32 $0x1;
	s7 =	simm.s32 @!p0 $0x0  }
0xa: {  	s10 =	smov.u32 s2;
	[sflag:s5] =	ssyncpa.u1 $0x0;
	s6 =	sadd.s32 s7, s6  }
0xb: {  	[sflag:s8] =	ssyncpa.u1 $0x0;
	s8 =	simm.s32 $0x0;
	s7 =	sadd.s32 $0x1, s6  }
.LBB1_7:
0xc: {  	s14 =	sadd.s32 $0x200, s10  }
0xd: {  	p1 =	sgt.s32 s14, $0x4E1F  }
0xe: {  	s14 =	smov.u32 @p1 s2;
	p1 =	sne.s32 s11, s7  }
.Ltmp1:
0xf: {  	p0 =	slt.u32 s11, $0x2;
	(pc) =	sbr.rel @!p1 .LBB1_8-.Ltmp1, $4  }
0x10: {  	s13 =	simm.s32 @!p0 $0x2  }
0x11: {  	s15 =	sadd.s32 $0x1, s11;
	_ =	swait.ge @!p0 [sflag:s13], $0x4000  }
0x12: {  	s12 =	smov.u32 s10;
	s9 =	sadd.s32 $0x8000, s9;
	[sflag:s13] =	ssyncset.done @!p0 $0x0  }
0x13: {  	s11 =	smov.u32 s15;
	s10 =	smov.u32 s14;
	[sflag:s13] =	ssyncadd.s32 @!p0 $0xFFFFC000  }
.LBB1_1:
0x14: {  	p0 =	sge.u32 s11, s6  }
0x15: {  	s13 =	sxor.u32 @!p0 $0xFFFFFFFF, s11  }
0x16: {  	s31 =	sadd.s32 $0xFFFFFFFF, s11;
	s14 =	sshll.u32 @!p0 s10, $0x7;
	s13 =	sshll.u32 @!p0 s13, $0xE  }
0x17: {  	s15 =	simm.s32 @!p0 $0x0;
	s14 =	sadd.s32 @!p0 s3, s14;
	s13 =	sand.u32 @!p0 $0x4000, s13  }
0x18: {  	[tilespmem:s13], [sflag:$0x1] =	stream.linear.gather @!p0 [hbm4b:s14+s15], $0x4000, $0x38;
	[tilespmem:$0x10000] =	vst v63  }
0x19: {  	p0 =	sge.u32 s31, s6  }
.Ltmp2:
0x1a: {  	_ = 	snop;
	(pc) =	sbr.rel @p0 .LBB1_7-.Ltmp2, $1  }
0x1b: {  	_ =	sdelay $0x3  }
0x1c: {  	s13 =	sshrl.u32 s9, $0x1;
	_ =	swait.ge [sflag:s5], $0x4000  }
0x1d: {  	s15 =	sshll.u32 s11, $0xE;
	s16 =	simm.s32 $0x0;
	s14 =	sand.u32 $0x4000, s13  }
0x1e: {  	[sflag:s5] =	ssyncset.done $0x0;
	s15 =	sand.u32 $0x4000, s15;
	s13 =	sor.u32 $0x200, s14  }
0x1f: {  	s14 =	sor.u32 $0x8080, s14;
	[sflag:s5] =	ssyncadd.s32 $0xFFFFC000;
	s15 =	sor.u32 $0x8000, s15  }
.LBB1_3:
0x20: {  	v0 =	vld [tilespmem:s13+$0xFFFFFE70]  }
0x21: {  	v1 =	vld [tilespmem:s13+$0x70]  }
0x22: {  	v2 =	vld [tilespmem:s13+$0x0]  }
0x23: {  	v3 =	vld [tilespmem:s13+$0xFFFFFE10]  }
0x24: {  	v4 =	vld [tilespmem:s13+$0x10]  }
0x25: {  	v5 =	vld [tilespmem:s13+$0xFFFFFE20]  }
0x26: {  	v7 =	vld [tilespmem:s13+$0x20]  }
0x27: {  	v11 =	vld [tilespmem:s13+$0x30];
	v6 =	vunpack.i.l.s16.s32 v0;
	v8 =	vunpack.i.u.s16.s32 v0;
	v9 =	vunpack.i.u.s16.s32 v1  }
0x28: {  	v10 =	vunpack.i.l.s16.s32 v1;
	v0 =	vunpack.i.u.s16.s32 v2;
	v1 =	vunpack.i.l.s16.s32 v2;
	v2 =	vld [tilespmem:s13+$0xFFFFFE30]  }
0x29: {  	v8 =	vpack.i.b32.b16 v9, v8;
	v9 =	vunpack.i.u.s16.s32 v3;
	v3 =	vunpack.i.l.s16.s32 v3  }
0x2a: {  	v12 =	vld [tilespmem:s13+$0xFFFFFE40];
	v6 =	vpack.i.b32.b16 v10, v6;
	[tilespmem:s14+$0x70] =	vst v8;
	v8 =	vunpack.i.u.s16.s32 v4;
	v4 =	vunpack.i.l.s16.s32 v4  }
0x2b: {  	v13 =	vld [tilespmem:s13+$0x40];
	v10 =	vunpack.i.u.s16.s32 v5;
	v5 =	vunpack.i.l.s16.s32 v5;
	[tilespmem:s14+$0xFFFFFFF0] =	vst v6;
	v3 =	vpack.i.b32.b16 v4, v3  }
0x2c: {  	v6 =	vunpack.i.l.s16.s32 v7;
	v4 =	vld [tilespmem:s13+$0xFFFFFE50];
	[tilespmem:s14+$0xFFFFFF90] =	vst v3;
	v3 =	vpack.i.b32.b16 v8, v9;
	v8 =	vunpack.i.u.s16.s32 v7  }
0x2d: {  	v7 =	vunpack.i.l.s16.s32 v11;
	[tilespmem:s14+$0x10] =	vst v3;
	v3 =	vpack.i.b32.b16 v6, v5;
	v9 =	vunpack.i.u.s16.s32 v2;
	v6 =	vld [tilespmem:s13+$0x50]  }
0x2e: {  	v5 =	vunpack.i.l.s16.s32 v2;
	v2 =	vld [tilespmem:s13+$0xFFFFFE60];
	[tilespmem:s14+$0xFFFFFFA0] =	vst v3;
	v3 =	vpack.i.b32.b16 v8, v10;
	v10 =	vunpack.i.u.s16.s32 v11  }
0x2f: {  	s19 =	simm.s32 $0x0;
	v11 =	vpack.i.b32.b16 v7, v5;
	v7 =	vunpack.i.u.s16.s32 v12;
	v8 =	vunpack.i.l.s16.s32 v12;
	[tilespmem:s14+$0x20] =	vst v3;
	v3 =	vld [tilespmem:s13+$0x60]  }
0x30: {  	s20 =	sadd.s32 $0x80, s13;
	s18 =	smov.u32 s14;
	s17 =	smov.u32 s14;
	v5 =	vld [tilespmem:s13+$0xFFFFFE00];
	[tilespmem:s14+$0xFFFFFFB0] =	vst v11;
	v10 =	vpack.i.b32.b16 v10, v9;
	v9 =	vunpack.i.u.s16.s32 v13;
	v11 =	vunpack.i.l.s16.s32 v13  }
.LBB1_4:
0x31: {  	v12 =	vld [tilespmem:s20+$0xFFFFFE70];
	[tilespmem:s18+$0x30] =	vst v10;
	v8 =	vpack.i.b32.b16 v11, v8;
	v10 =	vunpack.i.u.s16.s32 v4;
	v4 =	vunpack.i.l.s16.s32 v4  }
0x32: {  	s19 =	sadd.s32 $0x2, s19;
	v7 =	vpack.i.b32.b16 v9, v7;
	v11 =	vld [tilespmem:s20+$0x70];
	[tilespmem:s18+$0xFFFFFFC0] =	vst v8;
	v8 =	vunpack.i.u.s16.s32 v6;
	v6 =	vunpack.i.l.s16.s32 v6  }
0x33: {  	p0 =	slt.u32 s19, $0x6;
	v9 =	vld [tilespmem:s20+$0x0];
	[tilespmem:s18+$0x40] =	vst v7;
	v4 =	vpack.i.b32.b16 v6, v4;
	v6 =	vunpack.i.u.s16.s32 v2;
	v2 =	vunpack.i.l.s16.s32 v2  }
0x34: {  	v7 =	vld [tilespmem:s20+$0xFFFFFE10];
	[tilespmem:s18+$0xFFFFFFD0] =	vst v4;
	v4 =	vpack.i.b32.b16 v8, v10;
	v8 =	vunpack.i.u.s16.s32 v3;
	v3 =	vunpack.i.l.s16.s32 v3  }
0x35: {  	v10 =	vld [tilespmem:s20+$0x10];
	v13 =	vunpack.i.u.s16.s32 v5;
	v5 =	vunpack.i.l.s16.s32 v5;
	[tilespmem:s18+$0x50] =	vst v4;
	v2 =	vpack.i.b32.b16 v3, v2  }
0x36: {  	v3 =	vld [tilespmem:s20+$0xFFFFFE20];
	v4 =	vunpack.i.l.s16.s32 v12;
	v1 =	vpack.i.b32.b16 v1, v5;
	v5 =	vpack.i.b32.b16 v0, v13;
	[tilespmem:s18+$0xFFFFFFE0] =	vst v2  }
0x37: {  	v12 =	vunpack.i.u.s16.s32 v12;
	v2 =	vld [tilespmem:s20+$0x20];
	v13 =	vunpack.i.u.s16.s32 v11;
	v11 =	vunpack.i.l.s16.s32 v11;
	[tilespmem:s18+$0xFFFFFF80] =	vst v1  }
0x38: {  	s18 =	sadd.s32 $0x100, s18;
	v0 =	vunpack.i.u.s16.s32 v9;
	v1 =	vunpack.i.l.s16.s32 v9;
	v9 =	vld [tilespmem:s20+$0xFFFFFE30];
	v12 =	vpack.i.b32.b16 v13, v12;
	[tilespmem:s17+$0x0] =	vst v5  }
0x39: {  	v6 =	vpack.i.b32.b16 v8, v6;
	v5 =	vunpack.i.u.s16.s32 v7;
	v7 =	vunpack.i.l.s16.s32 v7;
	v13 =	vld [tilespmem:s20+$0x30];
	[tilespmem:s18+$0x70] =	vst v12  }
0x3a: {  	v4 =	vpack.i.b32.b16 v11, v4;
	v8 =	vunpack.i.u.s16.s32 v10;
	v10 =	vunpack.i.l.s16.s32 v10;
	v12 =	vld [tilespmem:s20+$0xFFFFFE40];
	[tilespmem:s17+$0x60] =	vst v6;
	s17 =	smov.u32 s18  }
0x3b: {  	v6 =	vpack.i.b32.b16 v10, v7;
	v7 =	vunpack.i.u.s16.s32 v3;
	v3 =	vunpack.i.l.s16.s32 v3;
	v11 =	vld [tilespmem:s20+$0x40];
	[tilespmem:s18+$0xFFFFFFF0] =	vst v4  }
.Ltmp3:
0x3c: {  	v5 =	vpack.i.b32.b16 v8, v5;
	[tilespmem:s18+$0xFFFFFF90] =	vst v6;
	v8 =	vunpack.i.u.s16.s32 v2;
	v2 =	vunpack.i.l.s16.s32 v2;
	v4 =	vld [tilespmem:s20+$0xFFFFFE50];
	(pc) =	sbr.rel @p0 .LBB1_4-.Ltmp3, $4  }
0x3d: {  	[tilespmem:s18+$0x10] =	vst v5;
	v2 =	vpack.i.b32.b16 v2, v3;
	v10 =	vunpack.i.u.s16.s32 v9;
	v3 =	vunpack.i.l.s16.s32 v9;
	v6 =	vld [tilespmem:s20+$0x50]  }
0x3e: {  	v5 =	vpack.i.b32.b16 v8, v7;
	[tilespmem:s18+$0xFFFFFFA0] =	vst v2;
	v9 =	vunpack.i.u.s16.s32 v13;
	v7 =	vunpack.i.l.s16.s32 v13;
	v2 =	vld [tilespmem:s20+$0xFFFFFE60]  }
0x3f: {  	[tilespmem:s18+$0x20] =	vst v5;
	v13 =	vpack.i.b32.b16 v7, v3;
	v7 =	vunpack.i.u.s16.s32 v12;
	v8 =	vunpack.i.l.s16.s32 v12;
	v3 =	vld [tilespmem:s20+$0x60]  }
0x40: {  	v10 =	vpack.i.b32.b16 v9, v10;
	v5 =	vld [tilespmem:s20+$0xFFFFFE00];
	[tilespmem:s18+$0xFFFFFFB0] =	vst v13;
	v9 =	vunpack.i.u.s16.s32 v11;
	v11 =	vunpack.i.l.s16.s32 v11;
	s20 =	sadd.s32 $0x80, s20  }
0x41: {  	[tilespmem:s18+$0x30] =	vst v10;
	v8 =	vpack.i.b32.b16 v11, v8  }
0x42: {  	v51 =	vunpack.i.l.s16.s32 v4;
	v7 =	vpack.i.b32.b16 v9, v7;
	[tilespmem:s18+$0xFFFFFFC0] =	vst v8;
	v52 =	vunpack.i.l.s16.s32 v6  }
0x43: {  	v53 =	vunpack.i.u.s16.s32 v4;
	s16 =	sadd.s32 $0x1, s16;
	v54 =	vunpack.i.u.s16.s32 v6;
	[tilespmem:s18+$0x40] =	vst v7;
	v55 =	vpack.i.b32.b16 v52, v51  }
0x44: {  	p0 =	sne.s32 s16, $0x10;
	v56 =	vunpack.i.l.s16.s32 v2;
	v4 =	vpack.i.b32.b16 v54, v53;
	[tilespmem:s18+$0xFFFFFFD0] =	vst v55;
	v57 =	vunpack.i.l.s16.s32 v3  }
.Ltmp4:
0x45: {  	[tilespmem:s18+$0x50] =	vst v4;
	v58 =	vunpack.i.l.s16.s32 v5;
	v59 =	vpack.i.b32.b16 v57, v56;
	(pc) =	sbr.rel @p0 .LBB1_3-.Ltmp4, $4  }
0x46: {  	v61 =	vunpack.i.u.s16.s32 v2;
	v62 =	vunpack.i.u.s16.s32 v3;
	v1 =	vpack.i.b32.b16 v1, v58;
	[tilespmem:s18+$0xFFFFFFE0] =	vst v59  }
0x47: {  	v60 =	vunpack.i.u.s16.s32 v5;
	v63 =	vpack.i.b32.b16 v62, v61;
	[tilespmem:s18+$0xFFFFFF80] =	vst v1  }
0x48: {  	v0 =	vpack.i.b32.b16 v0, v60;
	[tilespmem:s17+$0x60] =	vst v63  }
0x49: {  	s13 =	sadd.s32 $0x400, s13;
	s14 =	sadd.s32 $0x400, s14;
	[tilespmem:s17+$0x0] =	vst v0  }
.Ltmp5:
0x4a: {  	(pc) =	sbr.rel .LBB1_7-.Ltmp5, $4  }
0x4b: {  	_ = 	snop  }
0x4c: {  	s12 =	sshll.u32 s12, $0x7  }
0x4d: {  	s12 =	sadd.s32 s4, s12  }
0x4e: {  	[hbm4b:s12+s8] =	stream.linear.scatter [tilespmem:s15], [sflag:$0x2], $0x4000, $0x38;
	[tilespmem:$0x10000] =	vst v63  }
.LBB1_8:
0x4f: {  	_ =	sfence.sel $0x180000  }
0x50: {  	s2 =	simm.s32 $0x1;
	[bflag:$0x0] =	sbarrier.arrive $0xFFFF  }
0x51: {  	s31 =	simm.s32 $0x2;
	[sflag:s2] =	ssyncpa.u1 $0x1  }
0x52: {  	[sflag:s31] =	ssyncpa.u1 $0x1  }
0x53: {  	p0 =	sne.s32 s0, $0x0;
	_ =	strace $0x90000047  }
0x54: {  	s0 =	sadd.s32 @!p0 $0x100000, s1;
	[bflag:$0x2] =	sbarrier.arrive $0xFFFF  }
0x55: {  	[sflag:s0] =	ssyncadd.tile.s32 @!p0 $0x1;
	_ =	shalt  }
.Lfunc_end1:
_tile_overlayer_lowered:
.L_overlay_start_2:
0x56: {  	(tag) =	ssettag $0x2  }
0x57: {  	s0 =	rddreg [dreg:$0x0];
	s2 =	stileid.u32  }
0x58: {  	s1 =	rddreg [dreg:$0x1];
	p0 =	sne.s32 s2, $0x0  }
0x59: {  	s3 =	rddreg [dreg:$0x2];
	[bflag:$0x3] =	sbarrier.arrive $0xFFFF;
	s2 =	simm.s32 @!p0 $0x1C01  }
0x5a: {  	[timem:s3], [sflag:s2] =	dma.local @!p0 [hbm:s0], s1  }
0x5b: {  	s0 =	simm.s32 @!p0 $0x1  }
0x5c: {  	_ =	swait.ge @!p0 [sflag:s0], s1  }
0x5d: {  	s1 =	ssub.s32 @!p0 $0x0, s1;
	[sflag:s0] =	ssyncset.done @!p0 $0x0  }
0x5e: {  	[sflag:s0] =	ssyncadd.s32 @!p0 s1  }
0x5f: {  	[bflag:$0x3] =	sbarrier.arrive $0xFFFF  }
0x60: {  	_ =	shalt  }

</sc_bundles>
